<compile_context>
chip_gen: v7x
topology: tpu7x:2x2x1
jax: 0.10.2.dev20260603
libtpu: 0.0.44.dev20260713+nightly
codegen_flags: <defaults>
</compile_context>

<pallas_src>
import functools

import jax
import jax.numpy as jnp
from jax import lax
from jax.experimental import pallas as pl
from jax.experimental.pallas import tpu as pltpu
from jax.experimental.pallas import tpu_sc as plsc

HH = 8
KP = 4
DK = 32
NBB = 4
QN = 1024
KHH = 64
KWW = 64
DM = 256
QC = 64
NCHUNK = QN // QC
RPC = QC * KP * 4


def _mm_bias_tileorder(x, w_t, b, *, block_m=1024, interpret=False):
    m, kd = x.shape
    n = w_t.shape[1]
    nt = n // 128

    def body(x_ref, w_ref, b_ref, o_ref):
        y = (jnp.dot(x_ref[...], w_ref[...], preferred_element_type=jnp.float32)
             + b_ref[...])
        for t in range(nt):
            o_ref[:, t] = y[:, t * 128:(t + 1) * 128].reshape(
                block_m // 8, 8, 128)

    return pl.pallas_call(
        body,
        grid=(m // block_m,),
        in_specs=[
            pl.BlockSpec((block_m, kd), lambda i: (i, 0)),
            pl.BlockSpec((kd, n), lambda i: (0, 0)),
            pl.BlockSpec((1, n), lambda i: (0, 0)),
        ],
        out_specs=pl.BlockSpec((block_m // 8, nt, 8, 128),
                               lambda i: (i, 0, 0, 0)),
        out_shape=jax.ShapeDtypeStruct((m // 8, nt, 8, 128), jnp.float32),
        interpret=interpret,
    )(x, w_t, b.reshape(1, n))


def _mm_bias_from_tileorder(x4, w_t, b, *, block_m=1024, interpret=False):
    m = x4.shape[0] * 8
    n = w_t.shape[1]

    def body(x_ref, w_ref, b_ref, o_ref):
        x0 = x_ref[:, 0].reshape(block_m, 128)
        x1 = x_ref[:, 1].reshape(block_m, 128)
        o_ref[...] = (
            jnp.dot(x0, w_ref[0:128, :], preferred_element_type=jnp.float32)
            + jnp.dot(x1, w_ref[128:256, :], preferred_element_type=jnp.float32)
            + b_ref[...]
        )

    return pl.pallas_call(
        body,
        grid=(m // block_m,),
        in_specs=[
            pl.BlockSpec((block_m // 8, 2, 8, 128), lambda i: (i, 0, 0, 0)),
            pl.BlockSpec((256, n), lambda i: (0, 0)),
            pl.BlockSpec((1, n), lambda i: (0, 0)),
        ],
        out_specs=pl.BlockSpec((block_m, n), lambda i: (i, 0)),
        out_shape=jax.ShapeDtypeStruct((m, n), jnp.float32),
        interpret=interpret,
    )(x4, w_t, b.reshape(1, n))


def _floor_f32(x):
    t = x.astype(jnp.int32)
    ones = jnp.full((16,), 1, jnp.int32)
    zeros = jnp.full((16,), 0, jnp.int32)
    t = t - jnp.where(t.astype(jnp.float32) > x, ones, zeros)
    return t


def _sc_gather(table, refx, refy, consts, *, interpret=False):
    mesh = plsc.VectorSubcoreMesh(core_axis_name="c", subcore_axis_name="s",
                                  num_cores=2, num_subcores=16)

    @functools.partial(
        pl.kernel,
        out_type=jax.ShapeDtypeStruct((NBB * QN // 8, 2, 8, 128), jnp.float32),
        mesh=mesh,
        scratch_types=[
            pltpu.VMEM((QN,), jnp.float32),
            pltpu.VMEM((QN,), jnp.float32),
            pltpu.VMEM((KP, 3, 16), jnp.float32),
            pltpu.VMEM((RPC,), jnp.int32),
            pltpu.VMEM((RPC,), jnp.int32),
            pltpu.VMEM((RPC,), jnp.float32),
            pltpu.VMEM((RPC,), jnp.float32),
            pltpu.VMEM((RPC, DK), jnp.float32),
            pltpu.VMEM((RPC, DK), jnp.float32),
            pltpu.VMEM((QC // 8, 8, DK), jnp.float32),
            pltpu.VMEM((QC // 8, 8, DK), jnp.float32),
            pltpu.SemaphoreType.DMA,
            pltpu.SemaphoreType.DMA,
            pltpu.SemaphoreType.DMA,
            pltpu.SemaphoreType.DMA,
        ],
        compiler_params=pltpu.CompilerParams(use_tc_tiling_on_sc=False,
                                             needs_layout_passes=False),
        interpret=interpret,
    )
    def sc_kernel(table_hbm, refx_hbm, refy_hbm, consts_hbm, feat_hbm,
                  refx_v, refy_v, consts_v, idx_buf0, idx_buf1, w_buf0, w_buf1,
                  rows_v0, rows_v1, out_v0, out_v1, sem0, sem1, osem0, osem1):
        wid = lax.axis_index("c") * 16 + lax.axis_index("s")
        n = wid // HH
        h = wid % HH
        qh = 0
        rb = (n * HH + h) % NBB
        base_v = jnp.full(
            (16,), n * (KHH * KWW * HH) + (h // 4) * 32 + h % 4, jnp.int32)

        pltpu.sync_copy(refx_hbm.at[rb], refx_v)
        pltpu.sync_copy(refy_hbm.at[rb], refy_v)
        pltpu.sync_copy(consts_hbm.at[h], consts_v)

        zeros16 = jnp.zeros((16,), jnp.float32)

        def gen(c, idx_buf, w_buf):
            q0 = c * QC

            def group_body(g, carry2):
                vx = refx_v[pl.ds(q0 + g * 16, 16)]
                vy = refy_v[pl.ds(q0 + g * 16, 16)]
                for k in range(KP):
                    ox = consts_v[k, 0, :]
                    oy = consts_v[k, 1, :]
                    av = consts_v[k, 2, :]
                    px = vx * float(KWW) + ox
                    py = vy * float(KHH) + oy
                    x0 = _floor_f32(px)
                    y0 = _floor_f32(py)
                    fx = px - x0.astype(jnp.float32)
                    fya = (py - y0.astype(jnp.float32)) * av
                    gya = av - fya
                    x1 = x0 + 1
                    y1 = y0 + 1
                    vx0 = (x0 >= 0) & (x0 <= KWW - 1)
                    vx1 = (x1 >= 0) & (x1 <= KWW - 1)
                    vy0 = (y0 >= 0) & (y0 <= KHH - 1)
                    vy1 = (y1 >= 0) & (y1 <= KHH - 1)
                    xc0 = jnp.clip(x0, 0, KWW - 1)
                    xc1 = jnp.clip(x1, 0, KWW - 1)
                    yc0 = jnp.clip(y0, 0, KHH - 1)
                    yc1 = jnp.clip(y1, 0, KHH - 1)
                    rx0 = ((xc0 >> 3) << 6) + ((xc0 & 7) << 2) + base_v
                    rx1 = ((xc1 >> 3) << 6) + ((xc1 & 7) << 2) + base_v
                    ry0 = yc0 * (KWW * HH)
                    ry1 = yc1 * (KWW * HH)
                    gx = 1.0 - fx
                    for ci, (idx, w, vld) in enumerate((
                            (ry0 + rx0, gx * gya, vy0 & vx0),
                            (ry1 + rx0, gx * fya, vy1 & vx0),
                            (ry0 + rx1, fx * gya, vy0 & vx1),
                            (ry1 + rx1, fx * fya, vy1 & vx1))):
                        off = (k * 4 + ci) * QC + g * 16
                        idx_buf[pl.ds(off, 16)] = idx
                        w_buf[pl.ds(off, 16)] = jnp.where(vld, w, zeros16)
                return carry2

            lax.fori_loop(0, QC // 16, group_body, 0)

        def fire(idx_buf, rows_v, sem):
            copies = []
            for j in range(RPC // 128):
                copies.append(pltpu.async_copy(
                    table_hbm.at[idx_buf.at[pl.ds(j * 128, 128)]],
                    rows_v.at[pl.ds(j * 128, 128)], sem))
            return copies

        def drain(idx_buf, rows_v, sem):
            for j in range(RPC // 128):
                pltpu.make_async_copy(
                    table_hbm.at[idx_buf.at[pl.ds(j * 128, 128)]],
                    rows_v.at[pl.ds(j * 128, 128)], sem).wait()

        def feat_dst(c):
            return feat_hbm.at[pl.ds(n * (QN // 8) + c * (QC // 8), QC // 8),
                               h // 4, slice(None), pl.ds((h % 4) * DK, DK)]

        def accum(lc, c, w_buf, rows_v, out_v, osem):

            @pl.when(lc >= 2)
            def _():
                pltpu.make_async_copy(out_v, feat_dst(c), osem).wait()

            @plsc.parallel_loop(0, QC, 1, unroll=2)
            def q_body(q):
                accs = [zeros16, zeros16, zeros16, zeros16]
                for kc in range(KP * 4):
                    r = kc * QC + q
                    wv = plsc.load_gather(w_buf, [jnp.full((16,), r, jnp.int32)])
                    accs[2 * (kc & 1)] = (
                        accs[2 * (kc & 1)] + wv * rows_v[r, pl.ds(0, 16)])
                    accs[2 * (kc & 1) + 1] = (
                        accs[2 * (kc & 1) + 1] + wv * rows_v[r, pl.ds(16, 16)])
                out_v[q >> 3, q & 7, pl.ds(0, 16)] = accs[0] + accs[2]
                out_v[q >> 3, q & 7, pl.ds(16, 16)] = accs[1] + accs[3]

            pltpu.async_copy(out_v, feat_dst(c), osem)

        nch_l = QN // QC
        cb0 = qh * nch_l
        gen(cb0, idx_buf0, w_buf0)
        fire(idx_buf0, rows_v0, sem0)

        def pair_body(p, carry):
            c0 = cb0 + 2 * p
            gen(c0 + 1, idx_buf1, w_buf1)
            fire(idx_buf1, rows_v1, sem1)
            drain(idx_buf0, rows_v0, sem0)
            accum(2 * p, c0, w_buf0, rows_v0, out_v0, osem0)

            @pl.when(p < nch_l // 2 - 1)
            def _():
                gen(c0 + 2, idx_buf0, w_buf0)
                fire(idx_buf0, rows_v0, sem0)

            drain(idx_buf1, rows_v1, sem1)
            accum(2 * p + 1, c0 + 1, w_buf1, rows_v1, out_v1, osem1)
            return carry

        lax.fori_loop(0, nch_l // 2, pair_body, 0)
        pltpu.make_async_copy(out_v0, feat_dst(cb0 + nch_l - 2), osem0).wait()
        pltpu.make_async_copy(out_v1, feat_dst(cb0 + nch_l - 1), osem1).wait()

    return sc_kernel(table, refx, refy, consts)


def kernel(query, keys, ref_point, src_query, q_w, q_b, b_w, b_b, k_w, k_b,
           off_w, off_b, A_w, A_b, wm_w, wm_b):
    nb, qh, qw, dm = query.shape
    scales, _, kh, kw, _ = keys.shape

    off = off_b.reshape(HH, scales, KP, 2)[:, 0]
    aw = jax.nn.softmax(A_b.reshape(HH, scales * KP), -1)
    ox = off[..., 0] * (kw / (kw - 1)) - 0.5
    oy = off[..., 1] * (kh / (kh - 1)) - 0.5
    consts = jnp.stack([ox, oy, aw], axis=2)
    consts = jnp.broadcast_to(consts[..., None], (HH, KP, 3, 16))
    consts = (consts + jnp.zeros((HH, KP, 3, 16))).astype(jnp.float32)

    refx = ref_point[..., 0].reshape(nb, qh * qw)
    refy = ref_point[..., 1].reshape(nb, qh * qw)

    krows = keys[0].reshape(nb * kh * kw, dm)
    t = _mm_bias_tileorder(krows, k_w.T, k_b)
    feat4 = _sc_gather(t.reshape(nb * kh * kw * HH, DK),
                       refx, refy, consts)

    out = _mm_bias_from_tileorder(feat4, wm_w.T, wm_b)
    return out.reshape(nb, qh, qw, dm)

# --- scband reference (transcript-rebuilt; emitter-appended) ---
"""Pipeline reference for scband-shift-head-attention-54735063220788 (READ-ONLY COPY).

The authoritative reference and input builder live on the scoring server;
editing this copy changes nothing except your own understanding.
"""

import jax, jax.numpy as jnp
import numpy as np

H_HEADS = 8
K_PTS = 4
SCALES = 1
D_MODEL = 256
D_K = D_MODEL // H_HEADS


def _xavier(key, out_f, in_f):
    bound = float(np.sqrt(6.0 / (in_f + out_f)))
    return jax.random.uniform(key, (out_f, in_f), jnp.float32, -bound, bound)


def _bias(key, out_f, in_f):
    bound = float(1.0 / np.sqrt(in_f))
    return jax.random.uniform(key, (out_f,), jnp.float32, -bound, bound)


def grid_sample(inp, grid):
    # inp: [N, C, H, W]; grid: [N, Hg, Wg, 2] in [-1, 1]
    # bilinear, padding_mode='zeros', align_corners=False (torch default)
    N, C, H, W = inp.shape
    x = ((grid[..., 0] + 1.0) * W - 1.0) / 2.0
    y = ((grid[..., 1] + 1.0) * H - 1.0) / 2.0
    x0 = jnp.floor(x); y0 = jnp.floor(y)
    x1 = x0 + 1.0; y1 = y0 + 1.0
    wa = (x1 - x) * (y1 - y)
    wb = (x1 - x) * (y - y0)
    wc = (x - x0) * (y1 - y)
    wd = (x - x0) * (y - y0)
    inp_nhwc = jnp.transpose(inp, (0, 2, 3, 1))
    bidx = jnp.arange(N)[:, None, None]
    def sample(iy, ix):
        valid = ((ix >= 0) & (ix <= W - 1) & (iy >= 0) & (iy <= H - 1)).astype(inp.dtype)
        ixc = jnp.clip(ix, 0, W - 1).astype(jnp.int32)
        iyc = jnp.clip(iy, 0, H - 1).astype(jnp.int32)
        v = inp_nhwc[bidx, iyc, ixc]  # [N, Hg, Wg, C]
        return v * valid[..., None]
    out = (sample(y0, x0) * wa[..., None] + sample(y1, x0) * wb[..., None]
           + sample(y0, x1) * wc[..., None] + sample(y1, x1) * wd[..., None])
    return jnp.transpose(out, (0, 3, 1, 2))


def setup_inputs(seed: int = 0) -> dict:
    key = jax.random.key(seed)
    ks = jax.random.split(key, 16)
    nb, qh, qw = 4, 32, 32
    kh, kw = 64, 64
    query = jax.random.normal(ks[0], (nb, qh, qw, D_MODEL), jnp.float32)
    keys = jax.random.normal(ks[1], (SCALES, nb, kh, kw, D_MODEL), jnp.float32)
    ref_point = jax.random.uniform(ks[2], (nb, qh, qw, 2), jnp.float32)
    src_query = jax.random.normal(ks[3], (nb, qh, qw, D_MODEL), jnp.float32)
    q_w = _xavier(ks[4], D_MODEL, D_MODEL); q_b = _bias(ks[5], D_MODEL, D_MODEL)
    b_w = _xavier(ks[6], D_MODEL, D_MODEL); b_b = _bias(ks[7], D_MODEL, D_MODEL)
    k_w = _xavier(ks[8], D_MODEL, D_MODEL); k_b = _bias(ks[9], D_MODEL, D_MODEL)
    wm_w = _xavier(ks[10], D_MODEL, D_MODEL); wm_b = _bias(ks[11], D_MODEL, D_MODEL)
    off_dims = 2 * H_HEADS * K_PTS * SCALES
    A_dims = H_HEADS * K_PTS * SCALES
    off_w = jnp.zeros((off_dims, D_MODEL), jnp.float32)
    A_w = jnp.zeros((A_dims, D_MODEL), jnp.float32)
    off_b = _bias(ks[12], off_dims, D_MODEL)
    b4 = off_b.reshape(H_HEADS, SCALES, K_PTS, 2)
    xy = [(-K_PTS, -K_PTS), (-K_PTS, 0), (-K_PTS, K_PTS), (0, -K_PTS),
          (0, K_PTS), (K_PTS, -K_PTS), (K_PTS, 0), (K_PTS, K_PTS)]
    for head, (x, y) in enumerate(xy):
        b4 = b4.at[head, :, 0, :].set(float(x))
        b4 = b4.at[head, :, 1, :].set(float(y))
    off_b = b4.reshape(-1)
    A_b = jnp.full((A_dims,), 1.0 / (SCALES * K_PTS), jnp.float32)
    return {"query": query, "keys": keys, "ref_point": ref_point, "src_query": src_query,
            "q_w": q_w, "q_b": q_b, "b_w": b_w, "b_b": b_b, "k_w": k_w, "k_b": k_b,
            "off_w": off_w, "off_b": off_b, "A_w": A_w, "A_b": A_b,
            "wm_w": wm_w, "wm_b": wm_b}


def reference(query, keys, ref_point, src_query, q_w, q_b, b_w, b_b, k_w, k_b,
              off_w, off_b, A_w, A_b, wm_w, wm_b):
    nb, qh, qw, _ = query.shape
    _q = query @ q_w.T + q_b  # computed but unused (faithful to original)
    sq = src_query @ b_w.T + b_b
    offset = sq @ off_w.T + off_b
    A = sq @ A_w.T + A_b
    A = A.reshape(nb, qh, qw, H_HEADS, -1)
    A = jax.nn.softmax(A, axis=-1)
    offset = offset.reshape(nb, qh, qw, H_HEADS, SCALES, K_PTS, 2)
    offset = jnp.transpose(offset, (0, 3, 4, 5, 1, 2, 6)).reshape(nb * H_HEADS, SCALES, K_PTS, qh, qw, 2)
    A = jnp.transpose(A, (0, 3, 1, 2, 4)).reshape(nb * H_HEADS, qh * qw, -1)
    scale_features = []
    for l in range(SCALES):
        feat_map = keys[l]
        _, fh, fw, _ = feat_map.shape
        rr = jnp.stack([ref_point[..., 0] * (fw - 1), ref_point[..., 1] * (fh - 1)], axis=-1)
        rr = jax.lax.stop_gradient(rr)  # restore_scale uses .detach()
        rr = jnp.tile(rr, (H_HEADS, 1, 1, 1))  # torch .repeat(h,1,1,1) semantics
        sf = (feat_map @ k_w.T + k_b).reshape(nb, fh, fw, H_HEADS, D_K)
        sf = jnp.transpose(sf, (0, 3, 4, 1, 2)).reshape(-1, D_K, fh, fw)
        kf = []
        for kk in range(K_PTS):
            points = rr + offset[:, l, kk]
            vx = 2.0 * points[..., 0] / max(fw - 1, 1) - 1.0
            vy = 2.0 * points[..., 1] / max(fh - 1, 1) - 1.0
            vg = jnp.stack([vx, vy], axis=3)
            kf.append(grid_sample(sf, vg))
        scale_features.append(jnp.stack(kf, axis=1))
    sfs = jnp.stack(scale_features, axis=1)  # [nb*h, scales, k, d_k, qh, qw]
    sfs = jnp.transpose(sfs, (0, 4, 5, 3, 1, 2)).reshape(nb * H_HEADS, qh * qw, D_K, -1)
    feat = jnp.einsum('nlds,nls->nld', sfs, A)
    feat = feat.reshape(nb, H_HEADS, qh, qw, D_K)
    feat = jnp.transpose(feat, (0, 2, 3, 1, 4)).reshape(nb, qh, qw, D_K * H_HEADS)
    feat = feat @ wm_w.T + wm_b
    return feat

if __name__ == "__main__":
    import jax
    _d = setup_inputs()
    print(jax.jit(kernel)(*tuple(_d.values())))

</pallas_src>

<mosaic_0001>
#map = affine_map<(d0, d1) -> (0, 0)>
#map1 = affine_map<(d0, d1) -> (0, 0, 0, 0)>
module attributes {stable_mosaic.version = 14 : i64} {
  func.func @sc_kernel(%arg0: i32, %arg1: i32, %arg2: memref<131072x32xf32, #tpu.memory_space<hbm>>, %arg3: memref<4x1024xf32, #tpu.memory_space<hbm>>, %arg4: memref<4x1024xf32, #tpu.memory_space<hbm>>, %arg5: memref<8x4x3x16xf32, #tpu.memory_space<hbm>>, %arg6: memref<512x2x8x128xf32, #tpu.memory_space<hbm>>, %arg7: memref<1024xf32, #tpu.memory_space<vmem>>, %arg8: memref<1024xf32, #tpu.memory_space<vmem>>, %arg9: memref<4x3x16xf32, #tpu.memory_space<vmem>>, %arg10: memref<1024xi32, #tpu.memory_space<vmem>>, %arg11: memref<1024xi32, #tpu.memory_space<vmem>>, %arg12: memref<1024xf32, #tpu.memory_space<vmem>>, %arg13: memref<1024xf32, #tpu.memory_space<vmem>>, %arg14: memref<1024x32xf32, #tpu.memory_space<vmem>>, %arg15: memref<1024x32xf32, #tpu.memory_space<vmem>>, %arg16: memref<8x8x32xf32, #tpu.memory_space<vmem>>, %arg17: memref<8x8x32xf32, #tpu.memory_space<vmem>>, %arg18: memref<!tpu.dma_semaphore, #tpu.memory_space<semaphore_mem>>, %arg19: memref<!tpu.dma_semaphore, #tpu.memory_space<semaphore_mem>>, %arg20: memref<!tpu.dma_semaphore, #tpu.memory_space<semaphore_mem>>, %arg21: memref<!tpu.dma_semaphore, #tpu.memory_space<semaphore_mem>>) attributes {dimension_semantics = [#tpu.dimension_semantics<core_parallel>, #tpu.dimension_semantics<subcore_parallel>], iteration_bounds = array<i64: 2, 16>, scalar_prefetch = 0 : i64, scratch_operands = 15 : i64, tpu.core_type = #tpu.core_type<sc_vector_subcore>, window_params = [{transform_indices = #map}, {transform_indices = #map}, {transform_indices = #map}, {transform_indices = #map1}, {transform_indices = #map1}]} {
    %mul3A = arith.constant 16 : i32
    %mul3A_0 = arith.muli %arg0, %mul3A : i32
    %add3A = arith.addi %mul3A_0, %arg1 : i32
    %jit3A = arith.constant 8 : i32
    %div3A = arith.divsi %add3A, %jit3A : i32
    %sign3A = arith.constant 0 : i32
    %sign3A_1 = arith.cmpi sgt, %add3A, %sign3A : i32
    %sign3A_2 = arith.extui %sign3A_1 : i1 to i32
    %sign3A_3 = arith.constant 0 : i32
    %sign3A_4 = arith.cmpi slt, %add3A, %sign3A_3 : i32
    %sign3A_5 = arith.extui %sign3A_4 : i1 to i32
    %sign3A_6 = arith.subi %sign3A_2, %sign3A_5 : i32
    %sign3A_7 = arith.constant 0 : i32
    %sign3A_8 = arith.cmpi sgt, %jit3A, %sign3A_7 : i32
    %sign3A_9 = arith.extui %sign3A_8 : i1 to i32
    %sign3A_10 = arith.constant 0 : i32
    %sign3A_11 = arith.cmpi slt, %jit3A, %sign3A_10 : i32
    %sign3A_12 = arith.extui %sign3A_11 : i1 to i32
    %sign3A_13 = arith.subi %sign3A_9, %sign3A_12 : i32
    %ne3A = arith.cmpi ne, %sign3A_6, %sign3A_13 : i32
    %rem3A = arith.remsi %add3A, %jit3A : i32
    %ne3A_14 = arith.constant 0 : i32
    %ne3A_15 = arith.cmpi ne, %rem3A, %ne3A_14 : i32
    %and3A = arith.andi %ne3A, %ne3A_15 : i1
    %sub3A = arith.constant 1 : i32
    %sub3A_16 = arith.subi %div3A, %sub3A : i32
    %select_n3A = arith.select %and3A, %sub3A_16, %div3A : i32
    %jit3A_17 = arith.constant 8 : i32
    %eq3A = arith.constant 0 : i32
    %eq3A_18 = arith.cmpi eq, %jit3A_17, %eq3A : i32
    %jit3A_19 = arith.constant 1 : i32
    %select_n3A_20 = arith.select %eq3A_18, %jit3A_19, %jit3A_17 : i32
    %rem3A_21 = arith.remsi %add3A, %select_n3A_20 : i32
    %ne3A_22 = arith.constant 0 : i32
    %ne3A_23 = arith.cmpi ne, %rem3A_21, %ne3A_22 : i32
    %lt3A = arith.constant 0 : i32
    %lt3A_24 = arith.cmpi slt, %rem3A_21, %lt3A : i32
    %lt3A_25 = arith.constant 0 : i32
    %lt3A_26 = arith.cmpi slt, %select_n3A_20, %lt3A_25 : i32
    %ne3A_27 = arith.xori %lt3A_24, %lt3A_26 : i1
    %and3A_28 = arith.andi %ne3A_27, %ne3A_23 : i1
    %add3A_29 = arith.addi %rem3A_21, %select_n3A_20 : i32
    %select_n3A_30 = arith.select %and3A_28, %add3A_29, %rem3A_21 : i32
    %mul3A_31 = arith.constant 8 : i32
    %mul3A_32 = arith.muli %select_n3A, %mul3A_31 : i32
    %add3A_33 = arith.addi %mul3A_32, %select_n3A_30 : i32
    %jit3A_34 = arith.constant 4 : i32
    %eq3A_35 = arith.constant 0 : i32
    %eq3A_36 = arith.cmpi eq, %jit3A_34, %eq3A_35 : i32
    %jit3A_37 = arith.constant 1 : i32
    %select_n3A_38 = arith.select %eq3A_36, %jit3A_37, %jit3A_34 : i32
    %rem3A_39 = arith.remsi %add3A_33, %select_n3A_38 : i32
    %ne3A_40 = arith.constant 0 : i32
    %ne3A_41 = arith.cmpi ne, %rem3A_39, %ne3A_40 : i32
    %lt3A_42 = arith.constant 0 : i32
    %lt3A_43 = arith.cmpi slt, %rem3A_39, %lt3A_42 : i32
    %lt3A_44 = arith.constant 0 : i32
    %lt3A_45 = arith.cmpi slt, %select_n3A_38, %lt3A_44 : i32
    %ne3A_46 = arith.xori %lt3A_43, %lt3A_45 : i1
    %and3A_47 = arith.andi %ne3A_46, %ne3A_41 : i1
    %add3A_48 = arith.addi %rem3A_39, %select_n3A_38 : i32
    %select_n3A_49 = arith.select %and3A_47, %add3A_48, %rem3A_39 : i32
    %mul3A_50 = arith.constant 32768 : i32
    %mul3A_51 = arith.muli %select_n3A, %mul3A_50 : i32
    %jit3A_52 = arith.constant 4 : i32
    %div3A_53 = arith.divsi %select_n3A_30, %jit3A_52 : i32
    %sign3A_54 = arith.constant 0 : i32
    %sign3A_55 = arith.cmpi sgt, %select_n3A_30, %sign3A_54 : i32
    %sign3A_56 = arith.extui %sign3A_55 : i1 to i32
    %sign3A_57 = arith.constant 0 : i32
    %sign3A_58 = arith.cmpi slt, %select_n3A_30, %sign3A_57 : i32
    %sign3A_59 = arith.extui %sign3A_58 : i1 to i32
    %sign3A_60 = arith.subi %sign3A_56, %sign3A_59 : i32
    %sign3A_61 = arith.constant 0 : i32
    %sign3A_62 = arith.cmpi sgt, %jit3A_52, %sign3A_61 : i32
    %sign3A_63 = arith.extui %sign3A_62 : i1 to i32
    %sign3A_64 = arith.constant 0 : i32
    %sign3A_65 = arith.cmpi slt, %jit3A_52, %sign3A_64 : i32
    %sign3A_66 = arith.extui %sign3A_65 : i1 to i32
    %sign3A_67 = arith.subi %sign3A_63, %sign3A_66 : i32
    %ne3A_68 = arith.cmpi ne, %sign3A_60, %sign3A_67 : i32
    %rem3A_69 = arith.remsi %select_n3A_30, %jit3A_52 : i32
    %ne3A_70 = arith.constant 0 : i32
    %ne3A_71 = arith.cmpi ne, %rem3A_69, %ne3A_70 : i32
    %and3A_72 = arith.andi %ne3A_68, %ne3A_71 : i1
    %sub3A_73 = arith.constant 1 : i32
    %sub3A_74 = arith.subi %div3A_53, %sub3A_73 : i32
    %select_n3A_75 = arith.select %and3A_72, %sub3A_74, %div3A_53 : i32
    %mul3A_76 = arith.constant 32 : i32
    %mul3A_77 = arith.muli %select_n3A_75, %mul3A_76 : i32
    %add3A_78 = arith.addi %mul3A_51, %mul3A_77 : i32
    %jit3A_79 = arith.constant 4 : i32
    %eq3A_80 = arith.constant 0 : i32
    %eq3A_81 = arith.cmpi eq, %jit3A_79, %eq3A_80 : i32
    %jit3A_82 = arith.constant 1 : i32
    %select_n3A_83 = arith.select %eq3A_81, %jit3A_82, %jit3A_79 : i32
    %rem3A_84 = arith.remsi %select_n3A_30, %select_n3A_83 : i32
    %ne3A_85 = arith.constant 0 : i32
    %ne3A_86 = arith.cmpi ne, %rem3A_84, %ne3A_85 : i32
    %lt3A_87 = arith.constant 0 : i32
    %lt3A_88 = arith.cmpi slt, %rem3A_84, %lt3A_87 : i32
    %lt3A_89 = arith.constant 0 : i32
    %lt3A_90 = arith.cmpi slt, %select_n3A_83, %lt3A_89 : i32
    %ne3A_91 = arith.xori %lt3A_88, %lt3A_90 : i1
    %and3A_92 = arith.andi %ne3A_91, %ne3A_86 : i1
    %add3A_93 = arith.addi %rem3A_84, %select_n3A_83 : i32
    %select_n3A_94 = arith.select %and3A_92, %add3A_93, %rem3A_84 : i32
    %add3A_95 = arith.addi %add3A_78, %select_n3A_94 : i32
    %broadcast_in_dim3A = vector.broadcast %add3A_95 : i32 to vector<16xi32>
    "tpu.region"() ({
      %run_scoped3A = tpu.sem_alloc : memref<!tpu.dma_semaphore, #tpu.memory_space<semaphore_mem>>
      %dma_start3A_275 = arith.constant 0 : i32
      %dma_start3A_276 = tpu.memref_slice %arg3[%select_n3A_49, %dma_start3A_275] : memref<4x1024xf32, #tpu.memory_space<hbm>> -> memref<1x1024xf32, #tpu.memory_space<hbm>>
      %dma_start3A_277 = tpu.memref_squeeze %dma_start3A_276 : memref<1x1024xf32, #tpu.memory_space<hbm>> -> memref<1024xf32, #tpu.memory_space<hbm>>
      %dma_start3A_278 = arith.constant 0 : i32
      %dma_start3A_279 = tpu.memref_slice %arg3[%select_n3A_49, %dma_start3A_278] : memref<4x1024xf32, #tpu.memory_space<hbm>> -> memref<1x1024xf32, #tpu.memory_space<hbm>>
      %dma_start3A_280 = tpu.memref_squeeze %dma_start3A_279 : memref<1x1024xf32, #tpu.memory_space<hbm>> -> memref<1024xf32, #tpu.memory_space<hbm>>
      tpu.enqueue_dma source(%dma_start3A_280 : memref<1024xf32, #tpu.memory_space<hbm>>) target(%arg7 : memref<1024xf32, #tpu.memory_space<vmem>>) target_semaphore(%run_scoped3A : memref<!tpu.dma_semaphore, #tpu.memory_space<semaphore_mem>>)
      %dma_wait3A_281 = arith.constant 0 : i32
      %dma_wait3A_282 = tpu.memref_slice %arg3[%select_n3A_49, %dma_wait3A_281] : memref<4x1024xf32, #tpu.memory_space<hbm>> -> memref<1x1024xf32, #tpu.memory_space<hbm>>
      %dma_wait3A_283 = tpu.memref_squeeze %dma_wait3A_282 : memref<1x1024xf32, #tpu.memory_space<hbm>> -> memref<1024xf32, #tpu.memory_space<hbm>>
      %dma_wait3A_284 = arith.constant 0 : i32
      %dma_wait3A_285 = tpu.memref_slice %arg3[%select_n3A_49, %dma_wait3A_284] : memref<4x1024xf32, #tpu.memory_space<hbm>> -> memref<1x1024xf32, #tpu.memory_space<hbm>>
      %dma_wait3A_286 = tpu.memref_squeeze %dma_wait3A_285 : memref<1x1024xf32, #tpu.memory_space<hbm>> -> memref<1024xf32, #tpu.memory_space<hbm>>
      tpu.wait_dma2 semaphore(%run_scoped3A : memref<!tpu.dma_semaphore, #tpu.memory_space<semaphore_mem>>) src(%dma_wait3A_286 : memref<1024xf32, #tpu.memory_space<hbm>>) dst(%arg7 : memref<1024xf32, #tpu.memory_space<vmem>>)
      tpu.yield
    }) : () -> ()
    "tpu.region"() ({
      %run_scoped3A = tpu.sem_alloc : memref<!tpu.dma_semaphore, #tpu.memory_space<semaphore_mem>>
      %dma_start3A_275 = arith.constant 0 : i32
      %dma_start3A_276 = tpu.memref_slice %arg4[%select_n3A_49, %dma_start3A_275] : memref<4x1024xf32, #tpu.memory_space<hbm>> -> memref<1x1024xf32, #tpu.memory_space<hbm>>
      %dma_start3A_277 = tpu.memref_squeeze %dma_start3A_276 : memref<1x1024xf32, #tpu.memory_space<hbm>> -> memref<1024xf32, #tpu.memory_space<hbm>>
      %dma_start3A_278 = arith.constant 0 : i32
      %dma_start3A_279 = tpu.memref_slice %arg4[%select_n3A_49, %dma_start3A_278] : memref<4x1024xf32, #tpu.memory_space<hbm>> -> memref<1x1024xf32, #tpu.memory_space<hbm>>
      %dma_start3A_280 = tpu.memref_squeeze %dma_start3A_279 : memref<1x1024xf32, #tpu.memory_space<hbm>> -> memref<1024xf32, #tpu.memory_space<hbm>>
      tpu.enqueue_dma source(%dma_start3A_280 : memref<1024xf32, #tpu.memory_space<hbm>>) target(%arg8 : memref<1024xf32, #tpu.memory_space<vmem>>) target_semaphore(%run_scoped3A : memref<!tpu.dma_semaphore, #tpu.memory_space<semaphore_mem>>)
      %dma_wait3A_281 = arith.constant 0 : i32
      %dma_wait3A_282 = tpu.memref_slice %arg4[%select_n3A_49, %dma_wait3A_281] : memref<4x1024xf32, #tpu.memory_space<hbm>> -> memref<1x1024xf32, #tpu.memory_space<hbm>>
      %dma_wait3A_283 = tpu.memref_squeeze %dma_wait3A_282 : memref<1x1024xf32, #tpu.memory_space<hbm>> -> memref<1024xf32, #tpu.memory_space<hbm>>
      %dma_wait3A_284 = arith.constant 0 : i32
      %dma_wait3A_285 = tpu.memref_slice %arg4[%select_n3A_49, %dma_wait3A_284] : memref<4x1024xf32, #tpu.memory_space<hbm>> -> memref<1x1024xf32, #tpu.memory_space<hbm>>
      %dma_wait3A_286 = tpu.memref_squeeze %dma_wait3A_285 : memref<1x1024xf32, #tpu.memory_space<hbm>> -> memref<1024xf32, #tpu.memory_space<hbm>>
      tpu.wait_dma2 semaphore(%run_scoped3A : memref<!tpu.dma_semaphore, #tpu.memory_space<semaphore_mem>>) src(%dma_wait3A_286 : memref<1024xf32, #tpu.memory_space<hbm>>) dst(%arg8 : memref<1024xf32, #tpu.memory_space<vmem>>)
      tpu.yield
    }) : () -> ()
    "tpu.region"() ({
      %run_scoped3A = tpu.sem_alloc : memref<!tpu.dma_semaphore, #tpu.memory_space<semaphore_mem>>
      %dma_start3A_275 = arith.constant 0 : i32
      %dma_start3A_276 = arith.constant 0 : i32
      %dma_start3A_277 = arith.constant 0 : i32
      %dma_start3A_278 = tpu.memref_slice %arg5[%select_n3A_30, %dma_start3A_275, %dma_start3A_276, %dma_start3A_277] : memref<8x4x3x16xf32, #tpu.memory_space<hbm>> -> memref<1x4x3x16xf32, #tpu.memory_space<hbm>>
      %dma_start3A_279 = tpu.memref_squeeze %dma_start3A_278 : memref<1x4x3x16xf32, #tpu.memory_space<hbm>> -> memref<4x3x16xf32, #tpu.memory_space<hbm>>
      %dma_start3A_280 = arith.constant 0 : i32
      %dma_start3A_281 = arith.constant 0 : i32
      %dma_start3A_282 = arith.constant 0 : i32
      %dma_start3A_283 = tpu.memref_slice %arg5[%select_n3A_30, %dma_start3A_280, %dma_start3A_281, %dma_start3A_282] : memref<8x4x3x16xf32, #tpu.memory_space<hbm>> -> memref<1x4x3x16xf32, #tpu.memory_space<hbm>>
      %dma_start3A_284 = tpu.memref_squeeze %dma_start3A_283 : memref<1x4x3x16xf32, #tpu.memory_space<hbm>> -> memref<4x3x16xf32, #tpu.memory_space<hbm>>
      tpu.enqueue_dma source(%dma_start3A_284 : memref<4x3x16xf32, #tpu.memory_space<hbm>>) target(%arg9 : memref<4x3x16xf32, #tpu.memory_space<vmem>>) target_semaphore(%run_scoped3A : memref<!tpu.dma_semaphore, #tpu.memory_space<semaphore_mem>>)
      %dma_wait3A_285 = arith.constant 0 : i32
      %dma_wait3A_286 = arith.constant 0 : i32
      %dma_wait3A_287 = arith.constant 0 : i32
      %dma_wait3A_288 = tpu.memref_slice %arg5[%select_n3A_30, %dma_wait3A_285, %dma_wait3A_286, %dma_wait3A_287] : memref<8x4x3x16xf32, #tpu.memory_space<hbm>> -> memref<1x4x3x16xf32, #tpu.memory_space<hbm>>
      %dma_wait3A_289 = tpu.memref_squeeze %dma_wait3A_288 : memref<1x4x3x16xf32, #tpu.memory_space<hbm>> -> memref<4x3x16xf32, #tpu.memory_space<hbm>>
      %dma_wait3A_290 = arith.constant 0 : i32
      %dma_wait3A_291 = arith.constant 0 : i32
      %dma_wait3A_292 = arith.constant 0 : i32
      %dma_wait3A_293 = tpu.memref_slice %arg5[%select_n3A_30, %dma_wait3A_290, %dma_wait3A_291, %dma_wait3A_292] : memref<8x4x3x16xf32, #tpu.memory_space<hbm>> -> memref<1x4x3x16xf32, #tpu.memory_space<hbm>>
      %dma_wait3A_294 = tpu.memref_squeeze %dma_wait3A_293 : memref<1x4x3x16xf32, #tpu.memory_space<hbm>> -> memref<4x3x16xf32, #tpu.memory_space<hbm>>
      tpu.wait_dma2 semaphore(%run_scoped3A : memref<!tpu.dma_semaphore, #tpu.memory_space<semaphore_mem>>) src(%dma_wait3A_294 : memref<4x3x16xf32, #tpu.memory_space<hbm>>) dst(%arg9 : memref<4x3x16xf32, #tpu.memory_space<vmem>>)
      tpu.yield
    }) : () -> ()
    %broadcast_in_dim3A_96 = arith.constant 0.000000e+00 : f32
    %broadcast_in_dim3A_97 = vector.broadcast %broadcast_in_dim3A_96 : f32 to vector<16xf32>
    %scan3A = arith.constant 0 : i32
    %scan3A_98 = arith.constant 0 : i32
    %scan3A_99 = arith.constant 4 : i32
    %scan3A_100 = arith.addi %scan3A_98, %scan3A_99 : i32
    %scan3A_101 = arith.constant 1 : i32
    scf.for %scan3A_275 = %scan3A_98 to %scan3A_100 step %scan3A_101  : i32 {
      %mul3A_276 = arith.constant 16 : i32
      %mul3A_277 = arith.muli %scan3A_275, %mul3A_276 : i32
      %add3A_278 = arith.constant 0 : i32
      %add3A_279 = arith.addi %add3A_278, %mul3A_277 : i32
      %get3A = arith.index_cast %add3A_279 : i32 to index
      %get3A_280 = tpu.vector_load %arg7[%get3A] {strides = array<i32>} : memref<1024xf32, #tpu.memory_space<vmem>>, vector<16xf32>,
      %mul3A_281 = arith.constant 16 : i32
      %mul3A_282 = arith.muli %scan3A_275, %mul3A_281 : i32
      %add3A_283 = arith.constant 0 : i32
      %add3A_284 = arith.addi %add3A_283, %mul3A_282 : i32
      %get3A_285 = arith.index_cast %add3A_284 : i32 to index
      %get3A_286 = tpu.vector_load %arg8[%get3A_285] {strides = array<i32>} : memref<1024xf32, #tpu.memory_space<vmem>>, vector<16xf32>,
      %get3A_287 = arith.constant 0 : i32
      %get3A_288 = arith.constant 0 : i32
      %get3A_289 = arith.index_cast %get3A_287 : i32 to index
      %get3A_290 = arith.index_cast %get3A_288 : i32 to index
      %get3A_291 = arith.constant 0 : index
      %get3A_292 = tpu.vector_load %arg9[%get3A_289, %get3A_290, %get3A_291] {strides = array<i32>} : memref<4x3x16xf32, #tpu.memory_space<vmem>>, vector<16xf32>,
      %get3A_293 = arith.constant 0 : i32
      %get3A_294 = arith.constant 1 : i32
      %get3A_295 = arith.index_cast %get3A_293 : i32 to index
      %get3A_296 = arith.index_cast %get3A_294 : i32 to index
      %get3A_297 = arith.constant 0 : index
      %get3A_298 = tpu.vector_load %arg9[%get3A_295, %get3A_296, %get3A_297] {strides = array<i32>} : memref<4x3x16xf32, #tpu.memory_space<vmem>>, vector<16xf32>,
      %get3A_299 = arith.constant 0 : i32
      %get3A_300 = arith.constant 2 : i32
      %get3A_301 = arith.index_cast %get3A_299 : i32 to index
      %get3A_302 = arith.index_cast %get3A_300 : i32 to index
      %get3A_303 = arith.constant 0 : index
      %get3A_304 = tpu.vector_load %arg9[%get3A_301, %get3A_302, %get3A_303] {strides = array<i32>} : memref<4x3x16xf32, #tpu.memory_space<vmem>>, vector<16xf32>,
      %mul3A_305 = arith.constant 6.400000e+01 : f32
      %mul3A_306 = vector.broadcast %mul3A_305 : f32 to vector<16xf32>
      %mul3A_307 = arith.mulf %get3A_280, %mul3A_306 : vector<16xf32>
      %add3A_308 = arith.addf %mul3A_307, %get3A_292 : vector<16xf32>
      %mul3A_309 = arith.constant 6.400000e+01 : f32
      %mul3A_310 = vector.broadcast %mul3A_309 : f32 to vector<16xf32>
      %mul3A_311 = arith.mulf %get3A_286, %mul3A_310 : vector<16xf32>
      %add3A_312 = arith.addf %mul3A_311, %get3A_298 : vector<16xf32>
      %convert_element_type3A = arith.fptosi %add3A_308 : vector<16xf32> to vector<16xi32>
      %broadcast_in_dim3A_313 = arith.constant 1 : i32
      %broadcast_in_dim3A_314 = vector.broadcast %broadcast_in_dim3A_313 : i32 to vector<16xi32>
      %broadcast_in_dim3A_315 = arith.constant 0 : i32
      %broadcast_in_dim3A_316 = vector.broadcast %broadcast_in_dim3A_315 : i32 to vector<16xi32>
      %convert_element_type3A_317 = arith.sitofp %convert_element_type3A : vector<16xi32> to vector<16xf32>
      %gt3A = arith.cmpf ogt, %convert_element_type3A_317, %add3A_308 : vector<16xf32>
      %select_n3A_318 = arith.select %gt3A, %broadcast_in_dim3A_314, %broadcast_in_dim3A_316 : vector<16xi1>, vector<16xi32>
      %sub3A_319 = arith.subi %convert_element_type3A, %select_n3A_318 : vector<16xi32>
      %convert_element_type3A_320 = arith.fptosi %add3A_312 : vector<16xf32> to vector<16xi32>
      %broadcast_in_dim3A_321 = arith.constant 1 : i32
      %broadcast_in_dim3A_322 = vector.broadcast %broadcast_in_dim3A_321 : i32 to vector<16xi32>
      %broadcast_in_dim3A_323 = arith.constant 0 : i32
      %broadcast_in_dim3A_324 = vector.broadcast %broadcast_in_dim3A_323 : i32 to vector<16xi32>
      %convert_element_type3A_325 = arith.sitofp %convert_element_type3A_320 : vector<16xi32> to vector<16xf32>
      %gt3A_326 = arith.cmpf ogt, %convert_element_type3A_325, %add3A_312 : vector<16xf32>
      %select_n3A_327 = arith.select %gt3A_326, %broadcast_in_dim3A_322, %broadcast_in_dim3A_324 : vector<16xi1>, vector<16xi32>
      %sub3A_328 = arith.subi %convert_element_type3A_320, %select_n3A_327 : vector<16xi32>
      %convert_element_type3A_329 = arith.sitofp %sub3A_319 : vector<16xi32> to vector<16xf32>
      %sub3A_330 = arith.subf %add3A_308, %convert_element_type3A_329 : vector<16xf32>
      %convert_element_type3A_331 = arith.sitofp %sub3A_328 : vector<16xi32> to vector<16xf32>
      %sub3A_332 = arith.subf %add3A_312, %convert_element_type3A_331 : vector<16xf32>
      %mul3A_333 = arith.mulf %sub3A_332, %get3A_304 : vector<16xf32>
      %sub3A_334 = arith.subf %get3A_304, %mul3A_333 : vector<16xf32>
      %add3A_335 = arith.constant 1 : i32
      %add3A_336 = vector.broadcast %add3A_335 : i32 to vector<16xi32>
      %add3A_337 = arith.addi %sub3A_319, %add3A_336 : vector<16xi32>
      %add3A_338 = arith.constant 1 : i32
      %add3A_339 = vector.broadcast %add3A_338 : i32 to vector<16xi32>
      %add3A_340 = arith.addi %sub3A_328, %add3A_339 : vector<16xi32>
      %ge3A = arith.constant 0 : i32
      %ge3A_341 = vector.broadcast %ge3A : i32 to vector<16xi32>
      %ge3A_342 = arith.cmpi sge, %sub3A_319, %ge3A_341 : vector<16xi32>
      %le3A = arith.constant 63 : i32
      %le3A_343 = vector.broadcast %le3A : i32 to vector<16xi32>
      %le3A_344 = arith.cmpi sle, %sub3A_319, %le3A_343 : vector<16xi32>
      %and3A_345 = arith.andi %ge3A_342, %le3A_344 : vector<16xi1>
      %ge3A_346 = arith.constant 0 : i32
      %ge3A_347 = vector.broadcast %ge3A_346 : i32 to vector<16xi32>
      %ge3A_348 = arith.cmpi sge, %add3A_337, %ge3A_347 : vector<16xi32>
      %le3A_349 = arith.constant 63 : i32
      %le3A_350 = vector.broadcast %le3A_349 : i32 to vector<16xi32>
      %le3A_351 = arith.cmpi sle, %add3A_337, %le3A_350 : vector<16xi32>
      %and3A_352 = arith.andi %ge3A_348, %le3A_351 : vector<16xi1>
      %ge3A_353 = arith.constant 0 : i32
      %ge3A_354 = vector.broadcast %ge3A_353 : i32 to vector<16xi32>
      %ge3A_355 = arith.cmpi sge, %sub3A_328, %ge3A_354 : vector<16xi32>
      %le3A_356 = arith.constant 63 : i32
      %le3A_357 = vector.broadcast %le3A_356 : i32 to vector<16xi32>
      %le3A_358 = arith.cmpi sle, %sub3A_328, %le3A_357 : vector<16xi32>
      %and3A_359 = arith.andi %ge3A_355, %le3A_358 : vector<16xi1>
      %ge3A_360 = arith.constant 0 : i32
      %ge3A_361 = vector.broadcast %ge3A_360 : i32 to vector<16xi32>
      %ge3A_362 = arith.cmpi sge, %add3A_340, %ge3A_361 : vector<16xi32>
      %le3A_363 = arith.constant 63 : i32
      %le3A_364 = vector.broadcast %le3A_363 : i32 to vector<16xi32>
      %le3A_365 = arith.cmpi sle, %add3A_340, %le3A_364 : vector<16xi32>
      %and3A_366 = arith.andi %ge3A_362, %le3A_365 : vector<16xi1>
      %jit3A_367 = arith.constant 0 : i32
      %jit3A_368 = arith.constant 63 : i32
      %max3A = vector.broadcast %jit3A_367 : i32 to vector<16xi32>
      %max3A_369 = arith.maxsi %max3A, %sub3A_319 : vector<16xi32>
      %min3A = vector.broadcast %jit3A_368 : i32 to vector<16xi32>
      %min3A_370 = arith.minsi %min3A, %max3A_369 : vector<16xi32>
      %jit3A_371 = arith.constant 0 : i32
      %jit3A_372 = arith.constant 63 : i32
      %max3A_373 = vector.broadcast %jit3A_371 : i32 to vector<16xi32>
      %max3A_374 = arith.maxsi %max3A_373, %add3A_337 : vector<16xi32>
      %min3A_375 = vector.broadcast %jit3A_372 : i32 to vector<16xi32>
      %min3A_376 = arith.minsi %min3A_375, %max3A_374 : vector<16xi32>
      %jit3A_377 = arith.constant 0 : i32
      %jit3A_378 = arith.constant 63 : i32
      %max3A_379 = vector.broadcast %jit3A_377 : i32 to vector<16xi32>
      %max3A_380 = arith.maxsi %max3A_379, %sub3A_328 : vector<16xi32>
      %min3A_381 = vector.broadcast %jit3A_378 : i32 to vector<16xi32>
      %min3A_382 = arith.minsi %min3A_381, %max3A_380 : vector<16xi32>
      %jit3A_383 = arith.constant 0 : i32
      %jit3A_384 = arith.constant 63 : i32
      %max3A_385 = vector.broadcast %jit3A_383 : i32 to vector<16xi32>
      %max3A_386 = arith.maxsi %max3A_385, %add3A_340 : vector<16xi32>
      %min3A_387 = vector.broadcast %jit3A_384 : i32 to vector<16xi32>
      %min3A_388 = arith.minsi %min3A_387, %max3A_386 : vector<16xi32>
      %shift_right_arithmetic3A = arith.constant 3 : i32
      %shift_right_arithmetic3A_389 = vector.broadcast %shift_right_arithmetic3A : i32 to vector<16xi32>
      %shift_right_arithmetic3A_390 = arith.shrsi %min3A_370, %shift_right_arithmetic3A_389 : vector<16xi32>
      %shift_left3A = arith.constant 6 : i32
      %shift_left3A_391 = vector.broadcast %shift_left3A : i32 to vector<16xi32>
      %shift_left3A_392 = arith.shli %shift_right_arithmetic3A_390, %shift_left3A_391 : vector<16xi32>
      %and3A_393 = arith.constant 7 : i32
      %and3A_394 = vector.broadcast %and3A_393 : i32 to vector<16xi32>
      %and3A_395 = arith.andi %min3A_370, %and3A_394 : vector<16xi32>
      %shift_left3A_396 = arith.constant 2 : i32
      %shift_left3A_397 = vector.broadcast %shift_left3A_396 : i32 to vector<16xi32>
      %shift_left3A_398 = arith.shli %and3A_395, %shift_left3A_397 : vector<16xi32>
      %add3A_399 = arith.addi %shift_left3A_392, %shift_left3A_398 : vector<16xi32>
      %add3A_400 = arith.addi %add3A_399, %broadcast_in_dim3A : vector<16xi32>
      %shift_right_arithmetic3A_401 = arith.constant 3 : i32
      %shift_right_arithmetic3A_402 = vector.broadcast %shift_right_arithmetic3A_401 : i32 to vector<16xi32>
      %shift_right_arithmetic3A_403 = arith.shrsi %min3A_376, %shift_right_arithmetic3A_402 : vector<16xi32>
      %shift_left3A_404 = arith.constant 6 : i32
      %shift_left3A_405 = vector.broadcast %shift_left3A_404 : i32 to vector<16xi32>
      %shift_left3A_406 = arith.shli %shift_right_arithmetic3A_403, %shift_left3A_405 : vector<16xi32>
      %and3A_407 = arith.constant 7 : i32
      %and3A_408 = vector.broadcast %and3A_407 : i32 to vector<16xi32>
      %and3A_409 = arith.andi %min3A_376, %and3A_408 : vector<16xi32>
      %shift_left3A_410 = arith.constant 2 : i32
      %shift_left3A_411 = vector.broadcast %shift_left3A_410 : i32 to vector<16xi32>
      %shift_left3A_412 = arith.shli %and3A_409, %shift_left3A_411 : vector<16xi32>
      %add3A_413 = arith.addi %shift_left3A_406, %shift_left3A_412 : vector<16xi32>
      %add3A_414 = arith.addi %add3A_413, %broadcast_in_dim3A : vector<16xi32>
      %mul3A_415 = arith.constant 512 : i32
      %mul3A_416 = vector.broadcast %mul3A_415 : i32 to vector<16xi32>
      %mul3A_417 = arith.muli %min3A_382, %mul3A_416 : vector<16xi32>
      %mul3A_418 = arith.constant 512 : i32
      %mul3A_419 = vector.broadcast %mul3A_418 : i32 to vector<16xi32>
      %mul3A_420 = arith.muli %min3A_388, %mul3A_419 : vector<16xi32>
      %sub3A_421 = arith.constant 1.000000e+00 : f32
      %sub3A_422 = vector.broadcast %sub3A_421 : f32 to vector<16xf32>
      %sub3A_423 = arith.subf %sub3A_422, %sub3A_330 : vector<16xf32>
      %add3A_424 = arith.addi %mul3A_417, %add3A_400 : vector<16xi32>
      %mul3A_425 = arith.mulf %sub3A_423, %sub3A_334 : vector<16xf32>
      %and3A_426 = arith.andi %and3A_359, %and3A_345 : vector<16xi1>
      %add3A_427 = arith.addi %mul3A_420, %add3A_400 : vector<16xi32>
      %mul3A_428 = arith.mulf %sub3A_423, %mul3A_333 : vector<16xf32>
      %and3A_429 = arith.andi %and3A_366, %and3A_345 : vector<16xi1>
      %add3A_430 = arith.addi %mul3A_417, %add3A_414 : vector<16xi32>
      %mul3A_431 = arith.mulf %sub3A_330, %sub3A_334 : vector<16xf32>
      %and3A_432 = arith.andi %and3A_359, %and3A_352 : vector<16xi1>
      %add3A_433 = arith.addi %mul3A_420, %add3A_414 : vector<16xi32>
      %mul3A_434 = arith.mulf %sub3A_330, %mul3A_333 : vector<16xf32>
      %and3A_435 = arith.andi %and3A_366, %and3A_352 : vector<16xi1>
      %mul3A_436 = arith.constant 16 : i32
      %mul3A_437 = arith.muli %scan3A_275, %mul3A_436 : i32
      %add3A_438 = arith.constant 0 : i32
      %add3A_439 = arith.addi %add3A_438, %mul3A_437 : i32
      %swap3A = arith.index_cast %add3A_439 : i32 to index
      %swap3A_440 = tpu.vector_load %arg10[%swap3A] {strides = array<i32>} : memref<1024xi32, #tpu.memory_space<vmem>>, vector<16xi32>,
      tpu.vector_store %arg10[%swap3A], %add3A_424 {strides = array<i32>} : memref<1024xi32, #tpu.memory_space<vmem>>, vector<16xi32>,
      %select_n3A_441 = arith.select %and3A_426, %mul3A_425, %broadcast_in_dim3A_97 : vector<16xi1>, vector<16xf32>
      %swap3A_442 = arith.index_cast %add3A_439 : i32 to index
      %swap3A_443 = tpu.vector_load %arg12[%swap3A_442] {strides = array<i32>} : memref<1024xf32, #tpu.memory_space<vmem>>, vector<16xf32>,
      tpu.vector_store %arg12[%swap3A_442], %select_n3A_441 {strides = array<i32>} : memref<1024xf32, #tpu.memory_space<vmem>>, vector<16xf32>,
      %mul3A_444 = arith.constant 16 : i32
      %mul3A_445 = arith.muli %scan3A_275, %mul3A_444 : i32
      %add3A_446 = arith.constant 64 : i32
      %add3A_447 = arith.addi %add3A_446, %mul3A_445 : i32
      %swap3A_448 = arith.index_cast %add3A_447 : i32 to index
      %swap3A_449 = tpu.vector_load %arg10[%swap3A_448] {strides = array<i32>} : memref<1024xi32, #tpu.memory_space<vmem>>, vector<16xi32>,
      tpu.vector_store %arg10[%swap3A_448], %add3A_427 {strides = array<i32>} : memref<1024xi32, #tpu.memory_space<vmem>>, vector<16xi32>,
      %select_n3A_450 = arith.select %and3A_429, %mul3A_428, %broadcast_in_dim3A_97 : vector<16xi1>, vector<16xf32>
      %swap3A_451 = arith.index_cast %add3A_447 : i32 to index
      %swap3A_452 = tpu.vector_load %arg12[%swap3A_451] {strides = array<i32>} : memref<1024xf32, #tpu.memory_space<vmem>>, vector<16xf32>,
      tpu.vector_store %arg12[%swap3A_451], %select_n3A_450 {strides = array<i32>} : memref<1024xf32, #tpu.memory_space<vmem>>, vector<16xf32>,
      %mul3A_453 = arith.constant 16 : i32
      %mul3A_454 = arith.muli %scan3A_275, %mul3A_453 : i32
      %add3A_455 = arith.constant 128 : i32
      %add3A_456 = arith.addi %add3A_455, %mul3A_454 : i32
      %swap3A_457 = arith.index_cast %add3A_456 : i32 to index
      %swap3A_458 = tpu.vector_load %arg10[%swap3A_457] {strides = array<i32>} : memref<1024xi32, #tpu.memory_space<vmem>>, vector<16xi32>,
      tpu.vector_store %arg10[%swap3A_457], %add3A_430 {strides = array<i32>} : memref<1024xi32, #tpu.memory_space<vmem>>, vector<16xi32>,
      %select_n3A_459 = arith.select %and3A_432, %mul3A_431, %broadcast_in_dim3A_97 : vector<16xi1>, vector<16xf32>
      %swap3A_460 = arith.index_cast %add3A_456 : i32 to index
      %swap3A_461 = tpu.vector_load %arg12[%swap3A_460] {strides = array<i32>} : memref<1024xf32, #tpu.memory_space<vmem>>, vector<16xf32>,
      tpu.vector_store %arg12[%swap3A_460], %select_n3A_459 {strides = array<i32>} : memref<1024xf32, #tpu.memory_space<vmem>>, vector<16xf32>,
      %mul3A_462 = arith.constant 16 : i32
      %mul3A_463 = arith.muli %scan3A_275, %mul3A_462 : i32
      %add3A_464 = arith.constant 192 : i32
      %add3A_465 = arith.addi %add3A_464, %mul3A_463 : i32
      %swap3A_466 = arith.index_cast %add3A_465 : i32 to index
      %swap3A_467 = tpu.vector_load %arg10[%swap3A_466] {strides = array<i32>} : memref<1024xi32, #tpu.memory_space<vmem>>, vector<16xi32>,
      tpu.vector_store %arg10[%swap3A_466], %add3A_433 {strides = array<i32>} : memref<1024xi32, #tpu.memory_space<vmem>>, vector<16xi32>,
      %select_n3A_468 = arith.select %and3A_435, %mul3A_434, %broadcast_in_dim3A_97 : vector<16xi1>, vector<16xf32>
      %swap3A_469 = arith.index_cast %add3A_465 : i32 to index
      %swap3A_470 = tpu.vector_load %arg12[%swap3A_469] {strides = array<i32>} : memref<1024xf32, #tpu.memory_space<vmem>>, vector<16xf32>,
      tpu.vector_store %arg12[%swap3A_469], %select_n3A_468 {strides = array<i32>} : memref<1024xf32, #tpu.memory_space<vmem>>, vector<16xf32>,
      %get3A_471 = arith.constant 1 : i32
      %get3A_472 = arith.constant 0 : i32
      %get3A_473 = arith.index_cast %get3A_471 : i32 to index
      %get3A_474 = arith.index_cast %get3A_472 : i32 to index
      %get3A_475 = arith.constant 0 : index
      %get3A_476 = tpu.vector_load %arg9[%get3A_473, %get3A_474, %get3A_475] {strides = array<i32>} : memref<4x3x16xf32, #tpu.memory_space<vmem>>, vector<16xf32>,
      %get3A_477 = arith.constant 1 : i32
      %get3A_478 = arith.constant 1 : i32
      %get3A_479 = arith.index_cast %get3A_477 : i32 to index
      %get3A_480 = arith.index_cast %get3A_478 : i32 to index
      %get3A_481 = arith.constant 0 : index
      %get3A_482 = tpu.vector_load %arg9[%get3A_479, %get3A_480, %get3A_481] {strides = array<i32>} : memref<4x3x16xf32, #tpu.memory_space<vmem>>, vector<16xf32>,
      %get3A_483 = arith.constant 1 : i32
      %get3A_484 = arith.constant 2 : i32
      %get3A_485 = arith.index_cast %get3A_483 : i32 to index
      %get3A_486 = arith.index_cast %get3A_484 : i32 to index
      %get3A_487 = arith.constant 0 : index
      %get3A_488 = tpu.vector_load %arg9[%get3A_485, %get3A_486, %get3A_487] {strides = array<i32>} : memref<4x3x16xf32, #tpu.memory_space<vmem>>, vector<16xf32>,
      %mul3A_489 = arith.constant 6.400000e+01 : f32
      %mul3A_490 = vector.broadcast %mul3A_489 : f32 to vector<16xf32>
      %mul3A_491 = arith.mulf %get3A_280, %mul3A_490 : vector<16xf32>
      %add3A_492 = arith.addf %mul3A_491, %get3A_476 : vector<16xf32>
      %mul3A_493 = arith.constant 6.400000e+01 : f32
      %mul3A_494 = vector.broadcast %mul3A_493 : f32 to vector<16xf32>
      %mul3A_495 = arith.mulf %get3A_286, %mul3A_494 : vector<16xf32>
      %add3A_496 = arith.addf %mul3A_495, %get3A_482 : vector<16xf32>
      %convert_element_type3A_497 = arith.fptosi %add3A_492 : vector<16xf32> to vector<16xi32>
      %broadcast_in_dim3A_498 = arith.constant 1 : i32
      %broadcast_in_dim3A_499 = vector.broadcast %broadcast_in_dim3A_498 : i32 to vector<16xi32>
      %broadcast_in_dim3A_500 = arith.constant 0 : i32
      %broadcast_in_dim3A_501 = vector.broadcast %broadcast_in_dim3A_500 : i32 to vector<16xi32>
      %convert_element_type3A_502 = arith.sitofp %convert_element_type3A_497 : vector<16xi32> to vector<16xf32>
      %gt3A_503 = arith.cmpf ogt, %convert_element_type3A_502, %add3A_492 : vector<16xf32>
      %select_n3A_504 = arith.select %gt3A_503, %broadcast_in_dim3A_499, %broadcast_in_dim3A_501 : vector<16xi1>, vector<16xi32>
      %sub3A_505 = arith.subi %convert_element_type3A_497, %select_n3A_504 : vector<16xi32>
      %convert_element_type3A_506 = arith.fptosi %add3A_496 : vector<16xf32> to vector<16xi32>
      %broadcast_in_dim3A_507 = arith.constant 1 : i32
      %broadcast_in_dim3A_508 = vector.broadcast %broadcast_in_dim3A_507 : i32 to vector<16xi32>
      %broadcast_in_dim3A_509 = arith.constant 0 : i32
      %broadcast_in_dim3A_510 = vector.broadcast %broadcast_in_dim3A_509 : i32 to vector<16xi32>
      %convert_element_type3A_511 = arith.sitofp %convert_element_type3A_506 : vector<16xi32> to vector<16xf32>
      %gt3A_512 = arith.cmpf ogt, %convert_element_type3A_511, %add3A_496 : vector<16xf32>
      %select_n3A_513 = arith.select %gt3A_512, %broadcast_in_dim3A_508, %broadcast_in_dim3A_510 : vector<16xi1>, vector<16xi32>
      %sub3A_514 = arith.subi %convert_element_type3A_506, %select_n3A_513 : vector<16xi32>
      %convert_element_type3A_515 = arith.sitofp %sub3A_505 : vector<16xi32> to vector<16xf32>
      %sub3A_516 = arith.subf %add3A_492, %convert_element_type3A_515 : vector<16xf32>
      %convert_element_type3A_517 = arith.sitofp %sub3A_514 : vector<16xi32> to vector<16xf32>
      %sub3A_518 = arith.subf %add3A_496, %convert_element_type3A_517 : vector<16xf32>
      %mul3A_519 = arith.mulf %sub3A_518, %get3A_488 : vector<16xf32>
      %sub3A_520 = arith.subf %get3A_488, %mul3A_519 : vector<16xf32>
      %add3A_521 = arith.constant 1 : i32
      %add3A_522 = vector.broadcast %add3A_521 : i32 to vector<16xi32>
      %add3A_523 = arith.addi %sub3A_505, %add3A_522 : vector<16xi32>
      %add3A_524 = arith.constant 1 : i32
      %add3A_525 = vector.broadcast %add3A_524 : i32 to vector<16xi32>
      %add3A_526 = arith.addi %sub3A_514, %add3A_525 : vector<16xi32>
      %ge3A_527 = arith.constant 0 : i32
      %ge3A_528 = vector.broadcast %ge3A_527 : i32 to vector<16xi32>
      %ge3A_529 = arith.cmpi sge, %sub3A_505, %ge3A_528 : vector<16xi32>
      %le3A_530 = arith.constant 63 : i32
      %le3A_531 = vector.broadcast %le3A_530 : i32 to vector<16xi32>
      %le3A_532 = arith.cmpi sle, %sub3A_505, %le3A_531 : vector<16xi32>
      %and3A_533 = arith.andi %ge3A_529, %le3A_532 : vector<16xi1>
      %ge3A_534 = arith.constant 0 : i32
      %ge3A_535 = vector.broadcast %ge3A_534 : i32 to vector<16xi32>
      %ge3A_536 = arith.cmpi sge, %add3A_523, %ge3A_535 : vector<16xi32>
      %le3A_537 = arith.constant 63 : i32
      %le3A_538 = vector.broadcast %le3A_537 : i32 to vector<16xi32>
      %le3A_539 = arith.cmpi sle, %add3A_523, %le3A_538 : vector<16xi32>
      %and3A_540 = arith.andi %ge3A_536, %le3A_539 : vector<16xi1>
      %ge3A_541 = arith.constant 0 : i32
      %ge3A_542 = vector.broadcast %ge3A_541 : i32 to vector<16xi32>
      %ge3A_543 = arith.cmpi sge, %sub3A_514, %ge3A_542 : vector<16xi32>
      %le3A_544 = arith.constant 63 : i32
      %le3A_545 = vector.broadcast %le3A_544 : i32 to vector<16xi32>
      %le3A_546 = arith.cmpi sle, %sub3A_514, %le3A_545 : vector<16xi32>
      %and3A_547 = arith.andi %ge3A_543, %le3A_546 : vector<16xi1>
      %ge3A_548 = arith.constant 0 : i32
      %ge3A_549 = vector.broadcast %ge3A_548 : i32 to vector<16xi32>
      %ge3A_550 = arith.cmpi sge, %add3A_526, %ge3A_549 : vector<16xi32>
      %le3A_551 = arith.constant 63 : i32
      %le3A_552 = vector.broadcast %le3A_551 : i32 to vector<16xi32>
      %le3A_553 = arith.cmpi sle, %add3A_526, %le3A_552 : vector<16xi32>
      %and3A_554 = arith.andi %ge3A_550, %le3A_553 : vector<16xi1>
      %jit3A_555 = arith.constant 0 : i32
      %jit3A_556 = arith.constant 63 : i32
      %max3A_557 = vector.broadcast %jit3A_555 : i32 to vector<16xi32>
      %max3A_558 = arith.maxsi %max3A_557, %sub3A_505 : vector<16xi32>
      %min3A_559 = vector.broadcast %jit3A_556 : i32 to vector<16xi32>
      %min3A_560 = arith.minsi %min3A_559, %max3A_558 : vector<16xi32>
      %jit3A_561 = arith.constant 0 : i32
      %jit3A_562 = arith.constant 63 : i32
      %max3A_563 = vector.broadcast %jit3A_561 : i32 to vector<16xi32>
      %max3A_564 = arith.maxsi %max3A_563, %add3A_523 : vector<16xi32>
      %min3A_565 = vector.broadcast %jit3A_562 : i32 to vector<16xi32>
      %min3A_566 = arith.minsi %min3A_565, %max3A_564 : vector<16xi32>
      %jit3A_567 = arith.constant 0 : i32
      %jit3A_568 = arith.constant 63 : i32
      %max3A_569 = vector.broadcast %jit3A_567 : i32 to vector<16xi32>
      %max3A_570 = arith.maxsi %max3A_569, %sub3A_514 : vector<16xi32>
      %min3A_571 = vector.broadcast %jit3A_568 : i32 to vector<16xi32>
      %min3A_572 = arith.minsi %min3A_571, %max3A_570 : vector<16xi32>
      %jit3A_573 = arith.constant 0 : i32
      %jit3A_574 = arith.constant 63 : i32
      %max3A_575 = vector.broadcast %jit3A_573 : i32 to vector<16xi32>
      %max3A_576 = arith.maxsi %max3A_575, %add3A_526 : vector<16xi32>
      %min3A_577 = vector.broadcast %jit3A_574 : i32 to vector<16xi32>
      %min3A_578 = arith.minsi %min3A_577, %max3A_576 : vector<16xi32>
      %shift_right_arithmetic3A_579 = arith.constant 3 : i32
      %shift_right_arithmetic3A_580 = vector.broadcast %shift_right_arithmetic3A_579 : i32 to vector<16xi32>
      %shift_right_arithmetic3A_581 = arith.shrsi %min3A_560, %shift_right_arithmetic3A_580 : vector<16xi32>
      %shift_left3A_582 = arith.constant 6 : i32
      %shift_left3A_583 = vector.broadcast %shift_left3A_582 : i32 to vector<16xi32>
      %shift_left3A_584 = arith.shli %shift_right_arithmetic3A_581, %shift_left3A_583 : vector<16xi32>
      %and3A_585 = arith.constant 7 : i32
      %and3A_586 = vector.broadcast %and3A_585 : i32 to vector<16xi32>
      %and3A_587 = arith.andi %min3A_560, %and3A_586 : vector<16xi32>
      %shift_left3A_588 = arith.constant 2 : i32
      %shift_left3A_589 = vector.broadcast %shift_left3A_588 : i32 to vector<16xi32>
      %shift_left3A_590 = arith.shli %and3A_587, %shift_left3A_589 : vector<16xi32>
      %add3A_591 = arith.addi %shift_left3A_584, %shift_left3A_590 : vector<16xi32>
      %add3A_592 = arith.addi %add3A_591, %broadcast_in_dim3A : vector<16xi32>
      %shift_right_arithmetic3A_593 = arith.constant 3 : i32
      %shift_right_arithmetic3A_594 = vector.broadcast %shift_right_arithmetic3A_593 : i32 to vector<16xi32>
      %shift_right_arithmetic3A_595 = arith.shrsi %min3A_566, %shift_right_arithmetic3A_594 : vector<16xi32>
      %shift_left3A_596 = arith.constant 6 : i32
      %shift_left3A_597 = vector.broadcast %shift_left3A_596 : i32 to vector<16xi32>
      %shift_left3A_598 = arith.shli %shift_right_arithmetic3A_595, %shift_left3A_597 : vector<16xi32>
      %and3A_599 = arith.constant 7 : i32
      %and3A_600 = vector.broadcast %and3A_599 : i32 to vector<16xi32>
      %and3A_601 = arith.andi %min3A_566, %and3A_600 : vector<16xi32>
      %shift_left3A_602 = arith.constant 2 : i32
      %shift_left3A_603 = vector.broadcast %shift_left3A_602 : i32 to vector<16xi32>
      %shift_left3A_604 = arith.shli %and3A_601, %shift_left3A_603 : vector<16xi32>
      %add3A_605 = arith.addi %shift_left3A_598, %shift_left3A_604 : vector<16xi32>
      %add3A_606 = arith.addi %add3A_605, %broadcast_in_dim3A : vector<16xi32>
      %mul3A_607 = arith.constant 512 : i32
      %mul3A_608 = vector.broadcast %mul3A_607 : i32 to vector<16xi32>
      %mul3A_609 = arith.muli %min3A_572, %mul3A_608 : vector<16xi32>
      %mul3A_610 = arith.constant 512 : i32
      %mul3A_611 = vector.broadcast %mul3A_610 : i32 to vector<16xi32>
      %mul3A_612 = arith.muli %min3A_578, %mul3A_611 : vector<16xi32>
      %sub3A_613 = arith.constant 1.000000e+00 : f32
      %sub3A_614 = vector.broadcast %sub3A_613 : f32 to vector<16xf32>
      %sub3A_615 = arith.subf %sub3A_614, %sub3A_516 : vector<16xf32>
      %add3A_616 = arith.addi %mul3A_609, %add3A_592 : vector<16xi32>
      %mul3A_617 = arith.mulf %sub3A_615, %sub3A_520 : vector<16xf32>
      %and3A_618 = arith.andi %and3A_547, %and3A_533 : vector<16xi1>
      %add3A_619 = arith.addi %mul3A_612, %add3A_592 : vector<16xi32>
      %mul3A_620 = arith.mulf %sub3A_615, %mul3A_519 : vector<16xf32>
      %and3A_621 = arith.andi %and3A_554, %and3A_533 : vector<16xi1>
      %add3A_622 = arith.addi %mul3A_609, %add3A_606 : vector<16xi32>
      %mul3A_623 = arith.mulf %sub3A_516, %sub3A_520 : vector<16xf32>
      %and3A_624 = arith.andi %and3A_547, %and3A_540 : vector<16xi1>
      %add3A_625 = arith.addi %mul3A_612, %add3A_606 : vector<16xi32>
      %mul3A_626 = arith.mulf %sub3A_516, %mul3A_519 : vector<16xf32>
      %and3A_627 = arith.andi %and3A_554, %and3A_540 : vector<16xi1>
      %mul3A_628 = arith.constant 16 : i32
      %mul3A_629 = arith.muli %scan3A_275, %mul3A_628 : i32
      %add3A_630 = arith.constant 256 : i32
      %add3A_631 = arith.addi %add3A_630, %mul3A_629 : i32
      %swap3A_632 = arith.index_cast %add3A_631 : i32 to index
      %swap3A_633 = tpu.vector_load %arg10[%swap3A_632] {strides = array<i32>} : memref<1024xi32, #tpu.memory_space<vmem>>, vector<16xi32>,
      tpu.vector_store %arg10[%swap3A_632], %add3A_616 {strides = array<i32>} : memref<1024xi32, #tpu.memory_space<vmem>>, vector<16xi32>,
      %select_n3A_634 = arith.select %and3A_618, %mul3A_617, %broadcast_in_dim3A_97 : vector<16xi1>, vector<16xf32>
      %swap3A_635 = arith.index_cast %add3A_631 : i32 to index
      %swap3A_636 = tpu.vector_load %arg12[%swap3A_635] {strides = array<i32>} : memref<1024xf32, #tpu.memory_space<vmem>>, vector<16xf32>,
      tpu.vector_store %arg12[%swap3A_635], %select_n3A_634 {strides = array<i32>} : memref<1024xf32, #tpu.memory_space<vmem>>, vector<16xf32>,
      %mul3A_637 = arith.constant 16 : i32
      %mul3A_638 = arith.muli %scan3A_275, %mul3A_637 : i32
      %add3A_639 = arith.constant 320 : i32
      %add3A_640 = arith.addi %add3A_639, %mul3A_638 : i32
      %swap3A_641 = arith.index_cast %add3A_640 : i32 to index
      %swap3A_642 = tpu.vector_load %arg10[%swap3A_641] {strides = array<i32>} : memref<1024xi32, #tpu.memory_space<vmem>>, vector<16xi32>,
      tpu.vector_store %arg10[%swap3A_641], %add3A_619 {strides = array<i32>} : memref<1024xi32, #tpu.memory_space<vmem>>, vector<16xi32>,
      %select_n3A_643 = arith.select %and3A_621, %mul3A_620, %broadcast_in_dim3A_97 : vector<16xi1>, vector<16xf32>
      %swap3A_644 = arith.index_cast %add3A_640 : i32 to index
      %swap3A_645 = tpu.vector_load %arg12[%swap3A_644] {strides = array<i32>} : memref<1024xf32, #tpu.memory_space<vmem>>, vector<16xf32>,
      tpu.vector_store %arg12[%swap3A_644], %select_n3A_643 {strides = array<i32>} : memref<1024xf32, #tpu.memory_space<vmem>>, vector<16xf32>,
      %mul3A_646 = arith.constant 16 : i32
      %mul3A_647 = arith.muli %scan3A_275, %mul3A_646 : i32
      %add3A_648 = arith.constant 384 : i32
      %add3A_649 = arith.addi %add3A_648, %mul3A_647 : i32
      %swap3A_650 = arith.index_cast %add3A_649 : i32 to index
      %swap3A_651 = tpu.vector_load %arg10[%swap3A_650] {strides = array<i32>} : memref<1024xi32, #tpu.memory_space<vmem>>, vector<16xi32>,
      tpu.vector_store %arg10[%swap3A_650], %add3A_622 {strides = array<i32>} : memref<1024xi32, #tpu.memory_space<vmem>>, vector<16xi32>,
      %select_n3A_652 = arith.select %and3A_624, %mul3A_623, %broadcast_in_dim3A_97 : vector<16xi1>, vector<16xf32>
      %swap3A_653 = arith.index_cast %add3A_649 : i32 to index
      %swap3A_654 = tpu.vector_load %arg12[%swap3A_653] {strides = array<i32>} : memref<1024xf32, #tpu.memory_space<vmem>>, vector<16xf32>,
      tpu.vector_store %arg12[%swap3A_653], %select_n3A_652 {strides = array<i32>} : memref<1024xf32, #tpu.memory_space<vmem>>, vector<16xf32>,
      %mul3A_655 = arith.constant 16 : i32
      %mul3A_656 = arith.muli %scan3A_275, %mul3A_655 : i32
      %add3A_657 = arith.constant 448 : i32
      %add3A_658 = arith.addi %add3A_657, %mul3A_656 : i32
      %swap3A_659 = arith.index_cast %add3A_658 : i32 to index
      %swap3A_660 = tpu.vector_load %arg10[%swap3A_659] {strides = array<i32>} : memref<1024xi32, #tpu.memory_space<vmem>>, vector<16xi32>,
      tpu.vector_store %arg10[%swap3A_659], %add3A_625 {strides = array<i32>} : memref<1024xi32, #tpu.memory_space<vmem>>, vector<16xi32>,
      %select_n3A_661 = arith.select %and3A_627, %mul3A_626, %broadcast_in_dim3A_97 : vector<16xi1>, vector<16xf32>
      %swap3A_662 = arith.index_cast %add3A_658 : i32 to index
      %swap3A_663 = tpu.vector_load %arg12[%swap3A_662] {strides = array<i32>} : memref<1024xf32, #tpu.memory_space<vmem>>, vector<16xf32>,
      tpu.vector_store %arg12[%swap3A_662], %select_n3A_661 {strides = array<i32>} : memref<1024xf32, #tpu.memory_space<vmem>>, vector<16xf32>,
      %get3A_664 = arith.constant 2 : i32
      %get3A_665 = arith.constant 0 : i32
      %get3A_666 = arith.index_cast %get3A_664 : i32 to index
      %get3A_667 = arith.index_cast %get3A_665 : i32 to index
      %get3A_668 = arith.constant 0 : index
      %get3A_669 = tpu.vector_load %arg9[%get3A_666, %get3A_667, %get3A_668] {strides = array<i32>} : memref<4x3x16xf32, #tpu.memory_space<vmem>>, vector<16xf32>,
      %get3A_670 = arith.constant 2 : i32
      %get3A_671 = arith.constant 1 : i32
      %get3A_672 = arith.index_cast %get3A_670 : i32 to index
      %get3A_673 = arith.index_cast %get3A_671 : i32 to index
      %get3A_674 = arith.constant 0 : index
      %get3A_675 = tpu.vector_load %arg9[%get3A_672, %get3A_673, %get3A_674] {strides = array<i32>} : memref<4x3x16xf32, #tpu.memory_space<vmem>>, vector<16xf32>,
      %get3A_676 = arith.constant 2 : i32
      %get3A_677 = arith.constant 2 : i32
      %get3A_678 = arith.index_cast %get3A_676 : i32 to index
      %get3A_679 = arith.index_cast %get3A_677 : i32 to index
      %get3A_680 = arith.constant 0 : index
      %get3A_681 = tpu.vector_load %arg9[%get3A_678, %get3A_679, %get3A_680] {strides = array<i32>} : memref<4x3x16xf32, #tpu.memory_space<vmem>>, vector<16xf32>,
      %mul3A_682 = arith.constant 6.400000e+01 : f32
      %mul3A_683 = vector.broadcast %mul3A_682 : f32 to vector<16xf32>
      %mul3A_684 = arith.mulf %get3A_280, %mul3A_683 : vector<16xf32>
      %add3A_685 = arith.addf %mul3A_684, %get3A_669 : vector<16xf32>
      %mul3A_686 = arith.constant 6.400000e+01 : f32
      %mul3A_687 = vector.broadcast %mul3A_686 : f32 to vector<16xf32>
      %mul3A_688 = arith.mulf %get3A_286, %mul3A_687 : vector<16xf32>
      %add3A_689 = arith.addf %mul3A_688, %get3A_675 : vector<16xf32>
      %convert_element_type3A_690 = arith.fptosi %add3A_685 : vector<16xf32> to vector<16xi32>
      %broadcast_in_dim3A_691 = arith.constant 1 : i32
      %broadcast_in_dim3A_692 = vector.broadcast %broadcast_in_dim3A_691 : i32 to vector<16xi32>
      %broadcast_in_dim3A_693 = arith.constant 0 : i32
      %broadcast_in_dim3A_694 = vector.broadcast %broadcast_in_dim3A_693 : i32 to vector<16xi32>
      %convert_element_type3A_695 = arith.sitofp %convert_element_type3A_690 : vector<16xi32> to vector<16xf32>
      %gt3A_696 = arith.cmpf ogt, %convert_element_type3A_695, %add3A_685 : vector<16xf32>
      %select_n3A_697 = arith.select %gt3A_696, %broadcast_in_dim3A_692, %broadcast_in_dim3A_694 : vector<16xi1>, vector<16xi32>
      %sub3A_698 = arith.subi %convert_element_type3A_690, %select_n3A_697 : vector<16xi32>
      %convert_element_type3A_699 = arith.fptosi %add3A_689 : vector<16xf32> to vector<16xi32>
      %broadcast_in_dim3A_700 = arith.constant 1 : i32
      %broadcast_in_dim3A_701 = vector.broadcast %broadcast_in_dim3A_700 : i32 to vector<16xi32>
      %broadcast_in_dim3A_702 = arith.constant 0 : i32
      %broadcast_in_dim3A_703 = vector.broadcast %broadcast_in_dim3A_702 : i32 to vector<16xi32>
      %convert_element_type3A_704 = arith.sitofp %convert_element_type3A_699 : vector<16xi32> to vector<16xf32>
      %gt3A_705 = arith.cmpf ogt, %convert_element_type3A_704, %add3A_689 : vector<16xf32>
      %select_n3A_706 = arith.select %gt3A_705, %broadcast_in_dim3A_701, %broadcast_in_dim3A_703 : vector<16xi1>, vector<16xi32>
      %sub3A_707 = arith.subi %convert_element_type3A_699, %select_n3A_706 : vector<16xi32>
      %convert_element_type3A_708 = arith.sitofp %sub3A_698 : vector<16xi32> to vector<16xf32>
      %sub3A_709 = arith.subf %add3A_685, %convert_element_type3A_708 : vector<16xf32>
      %convert_element_type3A_710 = arith.sitofp %sub3A_707 : vector<16xi32> to vector<16xf32>
      %sub3A_711 = arith.subf %add3A_689, %convert_element_type3A_710 : vector<16xf32>
      %mul3A_712 = arith.mulf %sub3A_711, %get3A_681 : vector<16xf32>
      %sub3A_713 = arith.subf %get3A_681, %mul3A_712 : vector<16xf32>
      %add3A_714 = arith.constant 1 : i32
      %add3A_715 = vector.broadcast %add3A_714 : i32 to vector<16xi32>
      %add3A_716 = arith.addi %sub3A_698, %add3A_715 : vector<16xi32>
      %add3A_717 = arith.constant 1 : i32
      %add3A_718 = vector.broadcast %add3A_717 : i32 to vector<16xi32>
      %add3A_719 = arith.addi %sub3A_707, %add3A_718 : vector<16xi32>
      %ge3A_720 = arith.constant 0 : i32
      %ge3A_721 = vector.broadcast %ge3A_720 : i32 to vector<16xi32>
      %ge3A_722 = arith.cmpi sge, %sub3A_698, %ge3A_721 : vector<16xi32>
      %le3A_723 = arith.constant 63 : i32
      %le3A_724 = vector.broadcast %le3A_723 : i32 to vector<16xi32>
      %le3A_725 = arith.cmpi sle, %sub3A_698, %le3A_724 : vector<16xi32>
      %and3A_726 = arith.andi %ge3A_722, %le3A_725 : vector<16xi1>
      %ge3A_727 = arith.constant 0 : i32
      %ge3A_728 = vector.broadcast %ge3A_727 : i32 to vector<16xi32>
      %ge3A_729 = arith.cmpi sge, %add3A_716, %ge3A_728 : vector<16xi32>
      %le3A_730 = arith.constant 63 : i32
      %le3A_731 = vector.broadcast %le3A_730 : i32 to vector<16xi32>
      %le3A_732 = arith.cmpi sle, %add3A_716, %le3A_731 : vector<16xi32>
      %and3A_733 = arith.andi %ge3A_729, %le3A_732 : vector<16xi1>
      %ge3A_734 = arith.constant 0 : i32
      %ge3A_735 = vector.broadcast %ge3A_734 : i32 to vector<16xi32>
      %ge3A_736 = arith.cmpi sge, %sub3A_707, %ge3A_735 : vector<16xi32>
      %le3A_737 = arith.constant 63 : i32
      %le3A_738 = vector.broadcast %le3A_737 : i32 to vector<16xi32>
      %le3A_739 = arith.cmpi sle, %sub3A_707, %le3A_738 : vector<16xi32>
      %and3A_740 = arith.andi %ge3A_736, %le3A_739 : vector<16xi1>
      %ge3A_741 = arith.constant 0 : i32
      %ge3A_742 = vector.broadcast %ge3A_741 : i32 to vector<16xi32>
      %ge3A_743 = arith.cmpi sge, %add3A_719, %ge3A_742 : vector<16xi32>
      %le3A_744 = arith.constant 63 : i32
      %le3A_745 = vector.broadcast %le3A_744 : i32 to vector<16xi32>
      %le3A_746 = arith.cmpi sle, %add3A_719, %le3A_745 : vector<16xi32>
      %and3A_747 = arith.andi %ge3A_743, %le3A_746 : vector<16xi1>
      %jit3A_748 = arith.constant 0 : i32
      %jit3A_749 = arith.constant 63 : i32
      %max3A_750 = vector.broadcast %jit3A_748 : i32 to vector<16xi32>
      %max3A_751 = arith.maxsi %max3A_750, %sub3A_698 : vector<16xi32>
      %min3A_752 = vector.broadcast %jit3A_749 : i32 to vector<16xi32>
      %min3A_753 = arith.minsi %min3A_752, %max3A_751 : vector<16xi32>
      %jit3A_754 = arith.constant 0 : i32
      %jit3A_755 = arith.constant 63 : i32
      %max3A_756 = vector.broadcast %jit3A_754 : i32 to vector<16xi32>
      %max3A_757 = arith.maxsi %max3A_756, %add3A_716 : vector<16xi32>
      %min3A_758 = vector.broadcast %jit3A_755 : i32 to vector<16xi32>
      %min3A_759 = arith.minsi %min3A_758, %max3A_757 : vector<16xi32>
      %jit3A_760 = arith.constant 0 : i32
      %jit3A_761 = arith.constant 63 : i32
      %max3A_762 = vector.broadcast %jit3A_760 : i32 to vector<16xi32>
      %max3A_763 = arith.maxsi %max3A_762, %sub3A_707 : vector<16xi32>
      %min3A_764 = vector.broadcast %jit3A_761 : i32 to vector<16xi32>
      %min3A_765 = arith.minsi %min3A_764, %max3A_763 : vector<16xi32>
      %jit3A_766 = arith.constant 0 : i32
      %jit3A_767 = arith.constant 63 : i32
      %max3A_768 = vector.broadcast %jit3A_766 : i32 to vector<16xi32>
      %max3A_769 = arith.maxsi %max3A_768, %add3A_719 : vector<16xi32>
      %min3A_770 = vector.broadcast %jit3A_767 : i32 to vector<16xi32>
      %min3A_771 = arith.minsi %min3A_770, %max3A_769 : vector<16xi32>
      %shift_right_arithmetic3A_772 = arith.constant 3 : i32
      %shift_right_arithmetic3A_773 = vector.broadcast %shift_right_arithmetic3A_772 : i32 to vector<16xi32>
      %shift_right_arithmetic3A_774 = arith.shrsi %min3A_753, %shift_right_arithmetic3A_773 : vector<16xi32>
      %shift_left3A_775 = arith.constant 6 : i32
      %shift_left3A_776 = vector.broadcast %shift_left3A_775 : i32 to vector<16xi32>
      %shift_left3A_777 = arith.shli %shift_right_arithmetic3A_774, %shift_left3A_776 : vector<16xi32>
      %and3A_778 = arith.constant 7 : i32
      %and3A_779 = vector.broadcast %and3A_778 : i32 to vector<16xi32>
      %and3A_780 = arith.andi %min3A_753, %and3A_779 : vector<16xi32>
      %shift_left3A_781 = arith.constant 2 : i32
      %shift_left3A_782 = vector.broadcast %shift_left3A_781 : i32 to vector<16xi32>
      %shift_left3A_783 = arith.shli %and3A_780, %shift_left3A_782 : vector<16xi32>
      %add3A_784 = arith.addi %shift_left3A_777, %shift_left3A_783 : vector<16xi32>
      %add3A_785 = arith.addi %add3A_784, %broadcast_in_dim3A : vector<16xi32>
      %shift_right_arithmetic3A_786 = arith.constant 3 : i32
      %shift_right_arithmetic3A_787 = vector.broadcast %shift_right_arithmetic3A_786 : i32 to vector<16xi32>
      %shift_right_arithmetic3A_788 = arith.shrsi %min3A_759, %shift_right_arithmetic3A_787 : vector<16xi32>
      %shift_left3A_789 = arith.constant 6 : i32
      %shift_left3A_790 = vector.broadcast %shift_left3A_789 : i32 to vector<16xi32>
      %shift_left3A_791 = arith.shli %shift_right_arithmetic3A_788, %shift_left3A_790 : vector<16xi32>
      %and3A_792 = arith.constant 7 : i32
      %and3A_793 = vector.broadcast %and3A_792 : i32 to vector<16xi32>
      %and3A_794 = arith.andi %min3A_759, %and3A_793 : vector<16xi32>
      %shift_left3A_795 = arith.constant 2 : i32
      %shift_left3A_796 = vector.broadcast %shift_left3A_795 : i32 to vector<16xi32>
      %shift_left3A_797 = arith.shli %and3A_794, %shift_left3A_796 : vector<16xi32>
      %add3A_798 = arith.addi %shift_left3A_791, %shift_left3A_797 : vector<16xi32>
      %add3A_799 = arith.addi %add3A_798, %broadcast_in_dim3A : vector<16xi32>
      %mul3A_800 = arith.constant 512 : i32
      %mul3A_801 = vector.broadcast %mul3A_800 : i32 to vector<16xi32>
      %mul3A_802 = arith.muli %min3A_765, %mul3A_801 : vector<16xi32>
      %mul3A_803 = arith.constant 512 : i32
      %mul3A_804 = vector.broadcast %mul3A_803 : i32 to vector<16xi32>
      %mul3A_805 = arith.muli %min3A_771, %mul3A_804 : vector<16xi32>
      %sub3A_806 = arith.constant 1.000000e+00 : f32
      %sub3A_807 = vector.broadcast %sub3A_806 : f32 to vector<16xf32>
      %sub3A_808 = arith.subf %sub3A_807, %sub3A_709 : vector<16xf32>
      %add3A_809 = arith.addi %mul3A_802, %add3A_785 : vector<16xi32>
      %mul3A_810 = arith.mulf %sub3A_808, %sub3A_713 : vector<16xf32>
      %and3A_811 = arith.andi %and3A_740, %and3A_726 : vector<16xi1>
      %add3A_812 = arith.addi %mul3A_805, %add3A_785 : vector<16xi32>
      %mul3A_813 = arith.mulf %sub3A_808, %mul3A_712 : vector<16xf32>
      %and3A_814 = arith.andi %and3A_747, %and3A_726 : vector<16xi1>
      %add3A_815 = arith.addi %mul3A_802, %add3A_799 : vector<16xi32>
      %mul3A_816 = arith.mulf %sub3A_709, %sub3A_713 : vector<16xf32>
      %and3A_817 = arith.andi %and3A_740, %and3A_733 : vector<16xi1>
      %add3A_818 = arith.addi %mul3A_805, %add3A_799 : vector<16xi32>
      %mul3A_819 = arith.mulf %sub3A_709, %mul3A_712 : vector<16xf32>
      %and3A_820 = arith.andi %and3A_747, %and3A_733 : vector<16xi1>
      %mul3A_821 = arith.constant 16 : i32
      %mul3A_822 = arith.muli %scan3A_275, %mul3A_821 : i32
      %add3A_823 = arith.constant 512 : i32
      %add3A_824 = arith.addi %add3A_823, %mul3A_822 : i32
      %swap3A_825 = arith.index_cast %add3A_824 : i32 to index
      %swap3A_826 = tpu.vector_load %arg10[%swap3A_825] {strides = array<i32>} : memref<1024xi32, #tpu.memory_space<vmem>>, vector<16xi32>,
      tpu.vector_store %arg10[%swap3A_825], %add3A_809 {strides = array<i32>} : memref<1024xi32, #tpu.memory_space<vmem>>, vector<16xi32>,
      %select_n3A_827 = arith.select %and3A_811, %mul3A_810, %broadcast_in_dim3A_97 : vector<16xi1>, vector<16xf32>
      %swap3A_828 = arith.index_cast %add3A_824 : i32 to index
      %swap3A_829 = tpu.vector_load %arg12[%swap3A_828] {strides = array<i32>} : memref<1024xf32, #tpu.memory_space<vmem>>, vector<16xf32>,
      tpu.vector_store %arg12[%swap3A_828], %select_n3A_827 {strides = array<i32>} : memref<1024xf32, #tpu.memory_space<vmem>>, vector<16xf32>,
      %mul3A_830 = arith.constant 16 : i32
      %mul3A_831 = arith.muli %scan3A_275, %mul3A_830 : i32
      %add3A_832 = arith.constant 576 : i32
      %add3A_833 = arith.addi %add3A_832, %mul3A_831 : i32
      %swap3A_834 = arith.index_cast %add3A_833 : i32 to index
      %swap3A_835 = tpu.vector_load %arg10[%swap3A_834] {strides = array<i32>} : memref<1024xi32, #tpu.memory_space<vmem>>, vector<16xi32>,
      tpu.vector_store %arg10[%swap3A_834], %add3A_812 {strides = array<i32>} : memref<1024xi32, #tpu.memory_space<vmem>>, vector<16xi32>,
      %select_n3A_836 = arith.select %and3A_814, %mul3A_813, %broadcast_in_dim3A_97 : vector<16xi1>, vector<16xf32>
      %swap3A_837 = arith.index_cast %add3A_833 : i32 to index
      %swap3A_838 = tpu.vector_load %arg12[%swap3A_837] {strides = array<i32>} : memref<1024xf32, #tpu.memory_space<vmem>>, vector<16xf32>,
      tpu.vector_store %arg12[%swap3A_837], %select_n3A_836 {strides = array<i32>} : memref<1024xf32, #tpu.memory_space<vmem>>, vector<16xf32>,
      %mul3A_839 = arith.constant 16 : i32
      %mul3A_840 = arith.muli %scan3A_275, %mul3A_839 : i32
      %add3A_841 = arith.constant 640 : i32
      %add3A_842 = arith.addi %add3A_841, %mul3A_840 : i32
      %swap3A_843 = arith.index_cast %add3A_842 : i32 to index
      %swap3A_844 = tpu.vector_load %arg10[%swap3A_843] {strides = array<i32>} : memref<1024xi32, #tpu.memory_space<vmem>>, vector<16xi32>,
      tpu.vector_store %arg10[%swap3A_843], %add3A_815 {strides = array<i32>} : memref<1024xi32, #tpu.memory_space<vmem>>, vector<16xi32>,
      %select_n3A_845 = arith.select %and3A_817, %mul3A_816, %broadcast_in_dim3A_97 : vector<16xi1>, vector<16xf32>
      %swap3A_846 = arith.index_cast %add3A_842 : i32 to index
      %swap3A_847 = tpu.vector_load %arg12[%swap3A_846] {strides = array<i32>} : memref<1024xf32, #tpu.memory_space<vmem>>, vector<16xf32>,
      tpu.vector_store %arg12[%swap3A_846], %select_n3A_845 {strides = array<i32>} : memref<1024xf32, #tpu.memory_space<vmem>>, vector<16xf32>,
      %mul3A_848 = arith.constant 16 : i32
      %mul3A_849 = arith.muli %scan3A_275, %mul3A_848 : i32
      %add3A_850 = arith.constant 704 : i32
      %add3A_851 = arith.addi %add3A_850, %mul3A_849 : i32
      %swap3A_852 = arith.index_cast %add3A_851 : i32 to index
      %swap3A_853 = tpu.vector_load %arg10[%swap3A_852] {strides = array<i32>} : memref<1024xi32, #tpu.memory_space<vmem>>, vector<16xi32>,
      tpu.vector_store %arg10[%swap3A_852], %add3A_818 {strides = array<i32>} : memref<1024xi32, #tpu.memory_space<vmem>>, vector<16xi32>,
      %select_n3A_854 = arith.select %and3A_820, %mul3A_819, %broadcast_in_dim3A_97 : vector<16xi1>, vector<16xf32>
      %swap3A_855 = arith.index_cast %add3A_851 : i32 to index
      %swap3A_856 = tpu.vector_load %arg12[%swap3A_855] {strides = array<i32>} : memref<1024xf32, #tpu.memory_space<vmem>>, vector<16xf32>,
      tpu.vector_store %arg12[%swap3A_855], %select_n3A_854 {strides = array<i32>} : memref<1024xf32, #tpu.memory_space<vmem>>, vector<16xf32>,
      %get3A_857 = arith.constant 3 : i32
      %get3A_858 = arith.constant 0 : i32
      %get3A_859 = arith.index_cast %get3A_857 : i32 to index
      %get3A_860 = arith.index_cast %get3A_858 : i32 to index
      %get3A_861 = arith.constant 0 : index
      %get3A_862 = tpu.vector_load %arg9[%get3A_859, %get3A_860, %get3A_861] {strides = array<i32>} : memref<4x3x16xf32, #tpu.memory_space<vmem>>, vector<16xf32>,
      %get3A_863 = arith.constant 3 : i32
      %get3A_864 = arith.constant 1 : i32
      %get3A_865 = arith.index_cast %get3A_863 : i32 to index
      %get3A_866 = arith.index_cast %get3A_864 : i32 to index
      %get3A_867 = arith.constant 0 : index
      %get3A_868 = tpu.vector_load %arg9[%get3A_865, %get3A_866, %get3A_867] {strides = array<i32>} : memref<4x3x16xf32, #tpu.memory_space<vmem>>, vector<16xf32>,
      %get3A_869 = arith.constant 3 : i32
      %get3A_870 = arith.constant 2 : i32
      %get3A_871 = arith.index_cast %get3A_869 : i32 to index
      %get3A_872 = arith.index_cast %get3A_870 : i32 to index
      %get3A_873 = arith.constant 0 : index
      %get3A_874 = tpu.vector_load %arg9[%get3A_871, %get3A_872, %get3A_873] {strides = array<i32>} : memref<4x3x16xf32, #tpu.memory_space<vmem>>, vector<16xf32>,
      %mul3A_875 = arith.constant 6.400000e+01 : f32
      %mul3A_876 = vector.broadcast %mul3A_875 : f32 to vector<16xf32>
      %mul3A_877 = arith.mulf %get3A_280, %mul3A_876 : vector<16xf32>
      %add3A_878 = arith.addf %mul3A_877, %get3A_862 : vector<16xf32>
      %mul3A_879 = arith.constant 6.400000e+01 : f32
      %mul3A_880 = vector.broadcast %mul3A_879 : f32 to vector<16xf32>
      %mul3A_881 = arith.mulf %get3A_286, %mul3A_880 : vector<16xf32>
      %add3A_882 = arith.addf %mul3A_881, %get3A_868 : vector<16xf32>
      %convert_element_type3A_883 = arith.fptosi %add3A_878 : vector<16xf32> to vector<16xi32>
      %broadcast_in_dim3A_884 = arith.constant 1 : i32
      %broadcast_in_dim3A_885 = vector.broadcast %broadcast_in_dim3A_884 : i32 to vector<16xi32>
      %broadcast_in_dim3A_886 = arith.constant 0 : i32
      %broadcast_in_dim3A_887 = vector.broadcast %broadcast_in_dim3A_886 : i32 to vector<16xi32>
      %convert_element_type3A_888 = arith.sitofp %convert_element_type3A_883 : vector<16xi32> to vector<16xf32>
      %gt3A_889 = arith.cmpf ogt, %convert_element_type3A_888, %add3A_878 : vector<16xf32>
      %select_n3A_890 = arith.select %gt3A_889, %broadcast_in_dim3A_885, %broadcast_in_dim3A_887 : vector<16xi1>, vector<16xi32>
      %sub3A_891 = arith.subi %convert_element_type3A_883, %select_n3A_890 : vector<16xi32>
      %convert_element_type3A_892 = arith.fptosi %add3A_882 : vector<16xf32> to vector<16xi32>
      %broadcast_in_dim3A_893 = arith.constant 1 : i32
      %broadcast_in_dim3A_894 = vector.broadcast %broadcast_in_dim3A_893 : i32 to vector<16xi32>
      %broadcast_in_dim3A_895 = arith.constant 0 : i32
      %broadcast_in_dim3A_896 = vector.broadcast %broadcast_in_dim3A_895 : i32 to vector<16xi32>
      %convert_element_type3A_897 = arith.sitofp %convert_element_type3A_892 : vector<16xi32> to vector<16xf32>
      %gt3A_898 = arith.cmpf ogt, %convert_element_type3A_897, %add3A_882 : vector<16xf32>
      %select_n3A_899 = arith.select %gt3A_898, %broadcast_in_dim3A_894, %broadcast_in_dim3A_896 : vector<16xi1>, vector<16xi32>
      %sub3A_900 = arith.subi %convert_element_type3A_892, %select_n3A_899 : vector<16xi32>
      %convert_element_type3A_901 = arith.sitofp %sub3A_891 : vector<16xi32> to vector<16xf32>
      %sub3A_902 = arith.subf %add3A_878, %convert_element_type3A_901 : vector<16xf32>
      %convert_element_type3A_903 = arith.sitofp %sub3A_900 : vector<16xi32> to vector<16xf32>
      %sub3A_904 = arith.subf %add3A_882, %convert_element_type3A_903 : vector<16xf32>
      %mul3A_905 = arith.mulf %sub3A_904, %get3A_874 : vector<16xf32>
      %sub3A_906 = arith.subf %get3A_874, %mul3A_905 : vector<16xf32>
      %add3A_907 = arith.constant 1 : i32
      %add3A_908 = vector.broadcast %add3A_907 : i32 to vector<16xi32>
      %add3A_909 = arith.addi %sub3A_891, %add3A_908 : vector<16xi32>
      %add3A_910 = arith.constant 1 : i32
      %add3A_911 = vector.broadcast %add3A_910 : i32 to vector<16xi32>
      %add3A_912 = arith.addi %sub3A_900, %add3A_911 : vector<16xi32>
      %ge3A_913 = arith.constant 0 : i32
      %ge3A_914 = vector.broadcast %ge3A_913 : i32 to vector<16xi32>
      %ge3A_915 = arith.cmpi sge, %sub3A_891, %ge3A_914 : vector<16xi32>
      %le3A_916 = arith.constant 63 : i32
      %le3A_917 = vector.broadcast %le3A_916 : i32 to vector<16xi32>
      %le3A_918 = arith.cmpi sle, %sub3A_891, %le3A_917 : vector<16xi32>
      %and3A_919 = arith.andi %ge3A_915, %le3A_918 : vector<16xi1>
      %ge3A_920 = arith.constant 0 : i32
      %ge3A_921 = vector.broadcast %ge3A_920 : i32 to vector<16xi32>
      %ge3A_922 = arith.cmpi sge, %add3A_909, %ge3A_921 : vector<16xi32>
      %le3A_923 = arith.constant 63 : i32
      %le3A_924 = vector.broadcast %le3A_923 : i32 to vector<16xi32>
      %le3A_925 = arith.cmpi sle, %add3A_909, %le3A_924 : vector<16xi32>
      %and3A_926 = arith.andi %ge3A_922, %le3A_925 : vector<16xi1>
      %ge3A_927 = arith.constant 0 : i32
      %ge3A_928 = vector.broadcast %ge3A_927 : i32 to vector<16xi32>
      %ge3A_929 = arith.cmpi sge, %sub3A_900, %ge3A_928 : vector<16xi32>
      %le3A_930 = arith.constant 63 : i32
      %le3A_931 = vector.broadcast %le3A_930 : i32 to vector<16xi32>
      %le3A_932 = arith.cmpi sle, %sub3A_900, %le3A_931 : vector<16xi32>
      %and3A_933 = arith.andi %ge3A_929, %le3A_932 : vector<16xi1>
      %ge3A_934 = arith.constant 0 : i32
      %ge3A_935 = vector.broadcast %ge3A_934 : i32 to vector<16xi32>
      %ge3A_936 = arith.cmpi sge, %add3A_912, %ge3A_935 : vector<16xi32>
      %le3A_937 = arith.constant 63 : i32
      %le3A_938 = vector.broadcast %le3A_937 : i32 to vector<16xi32>
      %le3A_939 = arith.cmpi sle, %add3A_912, %le3A_938 : vector<16xi32>
      %and3A_940 = arith.andi %ge3A_936, %le3A_939 : vector<16xi1>
      %jit3A_941 = arith.constant 0 : i32
      %jit3A_942 = arith.constant 63 : i32
      %max3A_943 = vector.broadcast %jit3A_941 : i32 to vector<16xi32>
      %max3A_944 = arith.maxsi %max3A_943, %sub3A_891 : vector<16xi32>
      %min3A_945 = vector.broadcast %jit3A_942 : i32 to vector<16xi32>
      %min3A_946 = arith.minsi %min3A_945, %max3A_944 : vector<16xi32>
      %jit3A_947 = arith.constant 0 : i32
      %jit3A_948 = arith.constant 63 : i32
      %max3A_949 = vector.broadcast %jit3A_947 : i32 to vector<16xi32>
      %max3A_950 = arith.maxsi %max3A_949, %add3A_909 : vector<16xi32>
      %min3A_951 = vector.broadcast %jit3A_948 : i32 to vector<16xi32>
      %min3A_952 = arith.minsi %min3A_951, %max3A_950 : vector<16xi32>
      %jit3A_953 = arith.constant 0 : i32
      %jit3A_954 = arith.constant 63 : i32
      %max3A_955 = vector.broadcast %jit3A_953 : i32 to vector<16xi32>
      %max3A_956 = arith.maxsi %max3A_955, %sub3A_900 : vector<16xi32>
      %min3A_957 = vector.broadcast %jit3A_954 : i32 to vector<16xi32>
      %min3A_958 = arith.minsi %min3A_957, %max3A_956 : vector<16xi32>
      %jit3A_959 = arith.constant 0 : i32
      %jit3A_960 = arith.constant 63 : i32
      %max3A_961 = vector.broadcast %jit3A_959 : i32 to vector<16xi32>
      %max3A_962 = arith.maxsi %max3A_961, %add3A_912 : vector<16xi32>
      %min3A_963 = vector.broadcast %jit3A_960 : i32 to vector<16xi32>
      %min3A_964 = arith.minsi %min3A_963, %max3A_962 : vector<16xi32>
      %shift_right_arithmetic3A_965 = arith.constant 3 : i32
      %shift_right_arithmetic3A_966 = vector.broadcast %shift_right_arithmetic3A_965 : i32 to vector<16xi32>
      %shift_right_arithmetic3A_967 = arith.shrsi %min3A_946, %shift_right_arithmetic3A_966 : vector<16xi32>
      %shift_left3A_968 = arith.constant 6 : i32
      %shift_left3A_969 = vector.broadcast %shift_left3A_968 : i32 to vector<16xi32>
      %shift_left3A_970 = arith.shli %shift_right_arithmetic3A_967, %shift_left3A_969 : vector<16xi32>
      %and3A_971 = arith.constant 7 : i32
      %and3A_972 = vector.broadcast %and3A_971 : i32 to vector<16xi32>
      %and3A_973 = arith.andi %min3A_946, %and3A_972 : vector<16xi32>
      %shift_left3A_974 = arith.constant 2 : i32
      %shift_left3A_975 = vector.broadcast %shift_left3A_974 : i32 to vector<16xi32>
      %shift_left3A_976 = arith.shli %and3A_973, %shift_left3A_975 : vector<16xi32>
      %add3A_977 = arith.addi %shift_left3A_970, %shift_left3A_976 : vector<16xi32>
      %add3A_978 = arith.addi %add3A_977, %broadcast_in_dim3A : vector<16xi32>
      %shift_right_arithmetic3A_979 = arith.constant 3 : i32
      %shift_right_arithmetic3A_980 = vector.broadcast %shift_right_arithmetic3A_979 : i32 to vector<16xi32>
      %shift_right_arithmetic3A_981 = arith.shrsi %min3A_952, %shift_right_arithmetic3A_980 : vector<16xi32>
      %shift_left3A_982 = arith.constant 6 : i32
      %shift_left3A_983 = vector.broadcast %shift_left3A_982 : i32 to vector<16xi32>
      %shift_left3A_984 = arith.shli %shift_right_arithmetic3A_981, %shift_left3A_983 : vector<16xi32>
      %and3A_985 = arith.constant 7 : i32
      %and3A_986 = vector.broadcast %and3A_985 : i32 to vector<16xi32>
      %and3A_987 = arith.andi %min3A_952, %and3A_986 : vector<16xi32>
      %shift_left3A_988 = arith.constant 2 : i32
      %shift_left3A_989 = vector.broadcast %shift_left3A_988 : i32 to vector<16xi32>
      %shift_left3A_990 = arith.shli %and3A_987, %shift_left3A_989 : vector<16xi32>
      %add3A_991 = arith.addi %shift_left3A_984, %shift_left3A_990 : vector<16xi32>
      %add3A_992 = arith.addi %add3A_991, %broadcast_in_dim3A : vector<16xi32>
      %mul3A_993 = arith.constant 512 : i32
      %mul3A_994 = vector.broadcast %mul3A_993 : i32 to vector<16xi32>
      %mul3A_995 = arith.muli %min3A_958, %mul3A_994 : vector<16xi32>
      %mul3A_996 = arith.constant 512 : i32
      %mul3A_997 = vector.broadcast %mul3A_996 : i32 to vector<16xi32>
      %mul3A_998 = arith.muli %min3A_964, %mul3A_997 : vector<16xi32>
      %sub3A_999 = arith.constant 1.000000e+00 : f32
      %sub3A_1000 = vector.broadcast %sub3A_999 : f32 to vector<16xf32>
      %sub3A_1001 = arith.subf %sub3A_1000, %sub3A_902 : vector<16xf32>
      %add3A_1002 = arith.addi %mul3A_995, %add3A_978 : vector<16xi32>
      %mul3A_1003 = arith.mulf %sub3A_1001, %sub3A_906 : vector<16xf32>
      %and3A_1004 = arith.andi %and3A_933, %and3A_919 : vector<16xi1>
      %add3A_1005 = arith.addi %mul3A_998, %add3A_978 : vector<16xi32>
      %mul3A_1006 = arith.mulf %sub3A_1001, %mul3A_905 : vector<16xf32>
      %and3A_1007 = arith.andi %and3A_940, %and3A_919 : vector<16xi1>
      %add3A_1008 = arith.addi %mul3A_995, %add3A_992 : vector<16xi32>
      %mul3A_1009 = arith.mulf %sub3A_902, %sub3A_906 : vector<16xf32>
      %and3A_1010 = arith.andi %and3A_933, %and3A_926 : vector<16xi1>
      %add3A_1011 = arith.addi %mul3A_998, %add3A_992 : vector<16xi32>
      %mul3A_1012 = arith.mulf %sub3A_902, %mul3A_905 : vector<16xf32>
      %and3A_1013 = arith.andi %and3A_940, %and3A_926 : vector<16xi1>
      %mul3A_1014 = arith.constant 16 : i32
      %mul3A_1015 = arith.muli %scan3A_275, %mul3A_1014 : i32
      %add3A_1016 = arith.constant 768 : i32
      %add3A_1017 = arith.addi %add3A_1016, %mul3A_1015 : i32
      %swap3A_1018 = arith.index_cast %add3A_1017 : i32 to index
      %swap3A_1019 = tpu.vector_load %arg10[%swap3A_1018] {strides = array<i32>} : memref<1024xi32, #tpu.memory_space<vmem>>, vector<16xi32>,
      tpu.vector_store %arg10[%swap3A_1018], %add3A_1002 {strides = array<i32>} : memref<1024xi32, #tpu.memory_space<vmem>>, vector<16xi32>,
      %select_n3A_1020 = arith.select %and3A_1004, %mul3A_1003, %broadcast_in_dim3A_97 : vector<16xi1>, vector<16xf32>
      %swap3A_1021 = arith.index_cast %add3A_1017 : i32 to index
      %swap3A_1022 = tpu.vector_load %arg12[%swap3A_1021] {strides = array<i32>} : memref<1024xf32, #tpu.memory_space<vmem>>, vector<16xf32>,
      tpu.vector_store %arg12[%swap3A_1021], %select_n3A_1020 {strides = array<i32>} : memref<1024xf32, #tpu.memory_space<vmem>>, vector<16xf32>,
      %mul3A_1023 = arith.constant 16 : i32
      %mul3A_1024 = arith.muli %scan3A_275, %mul3A_1023 : i32
      %add3A_1025 = arith.constant 832 : i32
      %add3A_1026 = arith.addi %add3A_1025, %mul3A_1024 : i32
      %swap3A_1027 = arith.index_cast %add3A_1026 : i32 to index
      %swap3A_1028 = tpu.vector_load %arg10[%swap3A_1027] {strides = array<i32>} : memref<1024xi32, #tpu.memory_space<vmem>>, vector<16xi32>,
      tpu.vector_store %arg10[%swap3A_1027], %add3A_1005 {strides = array<i32>} : memref<1024xi32, #tpu.memory_space<vmem>>, vector<16xi32>,
      %select_n3A_1029 = arith.select %and3A_1007, %mul3A_1006, %broadcast_in_dim3A_97 : vector<16xi1>, vector<16xf32>
      %swap3A_1030 = arith.index_cast %add3A_1026 : i32 to index
      %swap3A_1031 = tpu.vector_load %arg12[%swap3A_1030] {strides = array<i32>} : memref<1024xf32, #tpu.memory_space<vmem>>, vector<16xf32>,
      tpu.vector_store %arg12[%swap3A_1030], %select_n3A_1029 {strides = array<i32>} : memref<1024xf32, #tpu.memory_space<vmem>>, vector<16xf32>,
      %mul3A_1032 = arith.constant 16 : i32
      %mul3A_1033 = arith.muli %scan3A_275, %mul3A_1032 : i32
      %add3A_1034 = arith.constant 896 : i32
      %add3A_1035 = arith.addi %add3A_1034, %mul3A_1033 : i32
      %swap3A_1036 = arith.index_cast %add3A_1035 : i32 to index
      %swap3A_1037 = tpu.vector_load %arg10[%swap3A_1036] {strides = array<i32>} : memref<1024xi32, #tpu.memory_space<vmem>>, vector<16xi32>,
      tpu.vector_store %arg10[%swap3A_1036], %add3A_1008 {strides = array<i32>} : memref<1024xi32, #tpu.memory_space<vmem>>, vector<16xi32>,
      %select_n3A_1038 = arith.select %and3A_1010, %mul3A_1009, %broadcast_in_dim3A_97 : vector<16xi1>, vector<16xf32>
      %swap3A_1039 = arith.index_cast %add3A_1035 : i32 to index
      %swap3A_1040 = tpu.vector_load %arg12[%swap3A_1039] {strides = array<i32>} : memref<1024xf32, #tpu.memory_space<vmem>>, vector<16xf32>,
      tpu.vector_store %arg12[%swap3A_1039], %select_n3A_1038 {strides = array<i32>} : memref<1024xf32, #tpu.memory_space<vmem>>, vector<16xf32>,
      %mul3A_1041 = arith.constant 16 : i32
      %mul3A_1042 = arith.muli %scan3A_275, %mul3A_1041 : i32
      %add3A_1043 = arith.constant 960 : i32
      %add3A_1044 = arith.addi %add3A_1043, %mul3A_1042 : i32
      %swap3A_1045 = arith.index_cast %add3A_1044 : i32 to index
      %swap3A_1046 = tpu.vector_load %arg10[%swap3A_1045] {strides = array<i32>} : memref<1024xi32, #tpu.memory_space<vmem>>, vector<16xi32>,
      tpu.vector_store %arg10[%swap3A_1045], %add3A_1011 {strides = array<i32>} : memref<1024xi32, #tpu.memory_space<vmem>>, vector<16xi32>,
      %select_n3A_1047 = arith.select %and3A_1013, %mul3A_1012, %broadcast_in_dim3A_97 : vector<16xi1>, vector<16xf32>
      %swap3A_1048 = arith.index_cast %add3A_1044 : i32 to index
      %swap3A_1049 = tpu.vector_load %arg12[%swap3A_1048] {strides = array<i32>} : memref<1024xf32, #tpu.memory_space<vmem>>, vector<16xf32>,
      tpu.vector_store %arg12[%swap3A_1048], %select_n3A_1047 {strides = array<i32>} : memref<1024xf32, #tpu.memory_space<vmem>>, vector<16xf32>,
    }
    %scan3A_102 = arith.constant 4 : i32
    %dma_start3A = arith.constant 0 : i32
    %dma_start3A_103 = arith.constant 0 : i32
    %dma_start3A_104 = tpu.memref_slice %arg14[%dma_start3A, %dma_start3A_103] : memref<1024x32xf32, #tpu.memory_space<vmem>> -> memref<128x32xf32, #tpu.memory_space<vmem>>
    %dma_start3A_105 = arith.constant 0 : i32
    %dma_start3A_106 = tpu.memref_slice %arg10[%dma_start3A_105] : memref<1024xi32, #tpu.memory_space<vmem>> -> memref<128xi32, #tpu.memory_space<vmem>>
    %dma_start3A_107 = arith.constant 0 : i32
    %dma_start3A_108 = arith.constant 0 : i32
    %dma_start3A_109 = tpu.memref_slice %arg2[%dma_start3A_107, %dma_start3A_108] : memref<131072x32xf32, #tpu.memory_space<hbm>> -> memref<131072x32xf32, #tpu.memory_space<hbm>>
    tpu.enqueue_indirect_dma source(%dma_start3A_109 : memref<131072x32xf32, #tpu.memory_space<hbm>>) target(%dma_start3A_104 : memref<128x32xf32, #tpu.memory_space<vmem>>) offsets(%dma_start3A_106 : memref<128xi32, #tpu.memory_space<vmem>>) semaphore(%arg18 : memref<!tpu.dma_semaphore, #tpu.memory_space<semaphore_mem>>)
    %dma_start3A_110 = arith.constant 128 : i32
    %dma_start3A_111 = arith.constant 0 : i32
    %dma_start3A_112 = tpu.memref_slice %arg14[%dma_start3A_110, %dma_start3A_111] : memref<1024x32xf32, #tpu.memory_space<vmem>> -> memref<128x32xf32, #tpu.memory_space<vmem>>
    %dma_start3A_113 = arith.constant 128 : i32
    %dma_start3A_114 = tpu.memref_slice %arg10[%dma_start3A_113] : memref<1024xi32, #tpu.memory_space<vmem>> -> memref<128xi32, #tpu.memory_space<vmem>>
    %dma_start3A_115 = arith.constant 0 : i32
    %dma_start3A_116 = arith.constant 0 : i32
    %dma_start3A_117 = tpu.memref_slice %arg2[%dma_start3A_115, %dma_start3A_116] : memref<131072x32xf32, #tpu.memory_space<hbm>> -> memref<131072x32xf32, #tpu.memory_space<hbm>>
    tpu.enqueue_indirect_dma source(%dma_start3A_117 : memref<131072x32xf32, #tpu.memory_space<hbm>>) target(%dma_start3A_112 : memref<128x32xf32, #tpu.memory_space<vmem>>) offsets(%dma_start3A_114 : memref<128xi32, #tpu.memory_space<vmem>>) semaphore(%arg18 : memref<!tpu.dma_semaphore, #tpu.memory_space<semaphore_mem>>)
    %dma_start3A_118 = arith.constant 256 : i32
    %dma_start3A_119 = arith.constant 0 : i32
    %dma_start3A_120 = tpu.memref_slice %arg14[%dma_start3A_118, %dma_start3A_119] : memref<1024x32xf32, #tpu.memory_space<vmem>> -> memref<128x32xf32, #tpu.memory_space<vmem>>
    %dma_start3A_121 = arith.constant 256 : i32
    %dma_start3A_122 = tpu.memref_slice %arg10[%dma_start3A_121] : memref<1024xi32, #tpu.memory_space<vmem>> -> memref<128xi32, #tpu.memory_space<vmem>>
    %dma_start3A_123 = arith.constant 0 : i32
    %dma_start3A_124 = arith.constant 0 : i32
    %dma_start3A_125 = tpu.memref_slice %arg2[%dma_start3A_123, %dma_start3A_124] : memref<131072x32xf32, #tpu.memory_space<hbm>> -> memref<131072x32xf32, #tpu.memory_space<hbm>>
    tpu.enqueue_indirect_dma source(%dma_start3A_125 : memref<131072x32xf32, #tpu.memory_space<hbm>>) target(%dma_start3A_120 : memref<128x32xf32, #tpu.memory_space<vmem>>) offsets(%dma_start3A_122 : memref<128xi32, #tpu.memory_space<vmem>>) semaphore(%arg18 : memref<!tpu.dma_semaphore, #tpu.memory_space<semaphore_mem>>)
    %dma_start3A_126 = arith.constant 384 : i32
    %dma_start3A_127 = arith.constant 0 : i32
    %dma_start3A_128 = tpu.memref_slice %arg14[%dma_start3A_126, %dma_start3A_127] : memref<1024x32xf32, #tpu.memory_space<vmem>> -> memref<128x32xf32, #tpu.memory_space<vmem>>
    %dma_start3A_129 = arith.constant 384 : i32
    %dma_start3A_130 = tpu.memref_slice %arg10[%dma_start3A_129] : memref<1024xi32, #tpu.memory_space<vmem>> -> memref<128xi32, #tpu.memory_space<vmem>>
    %dma_start3A_131 = arith.constant 0 : i32
    %dma_start3A_132 = arith.constant 0 : i32
    %dma_start3A_133 = tpu.memref_slice %arg2[%dma_start3A_131, %dma_start3A_132] : memref<131072x32xf32, #tpu.memory_space<hbm>> -> memref<131072x32xf32, #tpu.memory_space<hbm>>
    tpu.enqueue_indirect_dma source(%dma_start3A_133 : memref<131072x32xf32, #tpu.memory_space<hbm>>) target(%dma_start3A_128 : memref<128x32xf32, #tpu.memory_space<vmem>>) offsets(%dma_start3A_130 : memref<128xi32, #tpu.memory_space<vmem>>) semaphore(%arg18 : memref<!tpu.dma_semaphore, #tpu.memory_space<semaphore_mem>>)
    %dma_start3A_134 = arith.constant 512 : i32
    %dma_start3A_135 = arith.constant 0 : i32
    %dma_start3A_136 = tpu.memref_slice %arg14[%dma_start3A_134, %dma_start3A_135] : memref<1024x32xf32, #tpu.memory_space<vmem>> -> memref<128x32xf32, #tpu.memory_space<vmem>>
    %dma_start3A_137 = arith.constant 512 : i32
    %dma_start3A_138 = tpu.memref_slice %arg10[%dma_start3A_137] : memref<1024xi32, #tpu.memory_space<vmem>> -> memref<128xi32, #tpu.memory_space<vmem>>
    %dma_start3A_139 = arith.constant 0 : i32
    %dma_start3A_140 = arith.constant 0 : i32
    %dma_start3A_141 = tpu.memref_slice %arg2[%dma_start3A_139, %dma_start3A_140] : memref<131072x32xf32, #tpu.memory_space<hbm>> -> memref<131072x32xf32, #tpu.memory_space<hbm>>
    tpu.enqueue_indirect_dma source(%dma_start3A_141 : memref<131072x32xf32, #tpu.memory_space<hbm>>) target(%dma_start3A_136 : memref<128x32xf32, #tpu.memory_space<vmem>>) offsets(%dma_start3A_138 : memref<128xi32, #tpu.memory_space<vmem>>) semaphore(%arg18 : memref<!tpu.dma_semaphore, #tpu.memory_space<semaphore_mem>>)
    %dma_start3A_142 = arith.constant 640 : i32
    %dma_start3A_143 = arith.constant 0 : i32
    %dma_start3A_144 = tpu.memref_slice %arg14[%dma_start3A_142, %dma_start3A_143] : memref<1024x32xf32, #tpu.memory_space<vmem>> -> memref<128x32xf32, #tpu.memory_space<vmem>>
    %dma_start3A_145 = arith.constant 640 : i32
    %dma_start3A_146 = tpu.memref_slice %arg10[%dma_start3A_145] : memref<1024xi32, #tpu.memory_space<vmem>> -> memref<128xi32, #tpu.memory_space<vmem>>
    %dma_start3A_147 = arith.constant 0 : i32
    %dma_start3A_148 = arith.constant 0 : i32
    %dma_start3A_149 = tpu.memref_slice %arg2[%dma_start3A_147, %dma_start3A_148] : memref<131072x32xf32, #tpu.memory_space<hbm>> -> memref<131072x32xf32, #tpu.memory_space<hbm>>
    tpu.enqueue_indirect_dma source(%dma_start3A_149 : memref<131072x32xf32, #tpu.memory_space<hbm>>) target(%dma_start3A_144 : memref<128x32xf32, #tpu.memory_space<vmem>>) offsets(%dma_start3A_146 : memref<128xi32, #tpu.memory_space<vmem>>) semaphore(%arg18 : memref<!tpu.dma_semaphore, #tpu.memory_space<semaphore_mem>>)
    %dma_start3A_150 = arith.constant 768 : i32
    %dma_start3A_151 = arith.constant 0 : i32
    %dma_start3A_152 = tpu.memref_slice %arg14[%dma_start3A_150, %dma_start3A_151] : memref<1024x32xf32, #tpu.memory_space<vmem>> -> memref<128x32xf32, #tpu.memory_space<vmem>>
    %dma_start3A_153 = arith.constant 768 : i32
    %dma_start3A_154 = tpu.memref_slice %arg10[%dma_start3A_153] : memref<1024xi32, #tpu.memory_space<vmem>> -> memref<128xi32, #tpu.memory_space<vmem>>
    %dma_start3A_155 = arith.constant 0 : i32
    %dma_start3A_156 = arith.constant 0 : i32
    %dma_start3A_157 = tpu.memref_slice %arg2[%dma_start3A_155, %dma_start3A_156] : memref<131072x32xf32, #tpu.memory_space<hbm>> -> memref<131072x32xf32, #tpu.memory_space<hbm>>
    tpu.enqueue_indirect_dma source(%dma_start3A_157 : memref<131072x32xf32, #tpu.memory_space<hbm>>) target(%dma_start3A_152 : memref<128x32xf32, #tpu.memory_space<vmem>>) offsets(%dma_start3A_154 : memref<128xi32, #tpu.memory_space<vmem>>) semaphore(%arg18 : memref<!tpu.dma_semaphore, #tpu.memory_space<semaphore_mem>>)
    %dma_start3A_158 = arith.constant 896 : i32
    %dma_start3A_159 = arith.constant 0 : i32
    %dma_start3A_160 = tpu.memref_slice %arg14[%dma_start3A_158, %dma_start3A_159] : memref<1024x32xf32, #tpu.memory_space<vmem>> -> memref<128x32xf32, #tpu.memory_space<vmem>>
    %dma_start3A_161 = arith.constant 896 : i32
    %dma_start3A_162 = tpu.memref_slice %arg10[%dma_start3A_161] : memref<1024xi32, #tpu.memory_space<vmem>> -> memref<128xi32, #tpu.memory_space<vmem>>
    %dma_start3A_163 = arith.constant 0 : i32
    %dma_start3A_164 = arith.constant 0 : i32
    %dma_start3A_165 = tpu.memref_slice %arg2[%dma_start3A_163, %dma_start3A_164] : memref<131072x32xf32, #tpu.memory_space<hbm>> -> memref<131072x32xf32, #tpu.memory_space<hbm>>
    tpu.enqueue_indirect_dma source(%dma_start3A_165 : memref<131072x32xf32, #tpu.memory_space<hbm>>) target(%dma_start3A_160 : memref<128x32xf32, #tpu.memory_space<vmem>>) offsets(%dma_start3A_162 : memref<128xi32, #tpu.memory_space<vmem>>) semaphore(%arg18 : memref<!tpu.dma_semaphore, #tpu.memory_space<semaphore_mem>>)
    %scan3A_166 = arith.constant 0 : i32
    %scan3A_167 = arith.constant 0 : i32
    %scan3A_168 = arith.constant 8 : i32
    %scan3A_169 = arith.addi %scan3A_167, %scan3A_168 : i32
    %scan3A_170 = arith.constant 1 : i32
    scf.for %scan3A_275 = %scan3A_167 to %scan3A_169 step %scan3A_170  : i32 {
      %mul3A_276 = arith.constant 2 : i32
      %mul3A_277 = arith.muli %mul3A_276, %scan3A_275 : i32
      %add3A_278 = arith.constant 0 : i32
      %add3A_279 = arith.addi %add3A_278, %mul3A_277 : i32
      %add3A_280 = arith.constant 1 : i32
      %add3A_281 = arith.addi %add3A_279, %add3A_280 : i32
      %mul3A_282 = arith.constant 64 : i32
      %mul3A_283 = arith.muli %add3A_281, %mul3A_282 : i32
      %scan3A_284 = arith.constant 0 : i32
      %scan3A_285 = arith.constant 0 : i32
      %scan3A_286 = arith.constant 4 : i32
      %scan3A_287 = arith.addi %scan3A_285, %scan3A_286 : i32
      %scan3A_288 = arith.constant 1 : i32
      scf.for %scan3A_613 = %scan3A_285 to %scan3A_287 step %scan3A_288  : i32 {
        %mul3A_614 = arith.constant 16 : i32
        %mul3A_615 = arith.muli %scan3A_613, %mul3A_614 : i32
        %add3A_616 = arith.addi %mul3A_283, %mul3A_615 : i32
        %get3A = arith.index_cast %add3A_616 : i32 to index
        %get3A_617 = tpu.vector_load %arg7[%get3A] {strides = array<i32>} : memref<1024xf32, #tpu.memory_space<vmem>>, vector<16xf32>,
        %mul3A_618 = arith.constant 16 : i32
        %mul3A_619 = arith.muli %scan3A_613, %mul3A_618 : i32
        %add3A_620 = arith.addi %mul3A_283, %mul3A_619 : i32
        %get3A_621 = arith.index_cast %add3A_620 : i32 to index
        %get3A_622 = tpu.vector_load %arg8[%get3A_621] {strides = array<i32>} : memref<1024xf32, #tpu.memory_space<vmem>>, vector<16xf32>,
        %get3A_623 = arith.constant 0 : i32
        %get3A_624 = arith.constant 0 : i32
        %get3A_625 = arith.index_cast %get3A_623 : i32 to index
        %get3A_626 = arith.index_cast %get3A_624 : i32 to index
        %get3A_627 = arith.constant 0 : index
        %get3A_628 = tpu.vector_load %arg9[%get3A_625, %get3A_626, %get3A_627] {strides = array<i32>} : memref<4x3x16xf32, #tpu.memory_space<vmem>>, vector<16xf32>,
        %get3A_629 = arith.constant 0 : i32
        %get3A_630 = arith.constant 1 : i32
        %get3A_631 = arith.index_cast %get3A_629 : i32 to index
        %get3A_632 = arith.index_cast %get3A_630 : i32 to index
        %get3A_633 = arith.constant 0 : index
        %get3A_634 = tpu.vector_load %arg9[%get3A_631, %get3A_632, %get3A_633] {strides = array<i32>} : memref<4x3x16xf32, #tpu.memory_space<vmem>>, vector<16xf32>,
        %get3A_635 = arith.constant 0 : i32
        %get3A_636 = arith.constant 2 : i32
        %get3A_637 = arith.index_cast %get3A_635 : i32 to index
        %get3A_638 = arith.index_cast %get3A_636 : i32 to index
        %get3A_639 = arith.constant 0 : index
        %get3A_640 = tpu.vector_load %arg9[%get3A_637, %get3A_638, %get3A_639] {strides = array<i32>} : memref<4x3x16xf32, #tpu.memory_space<vmem>>, vector<16xf32>,
        %mul3A_641 = arith.constant 6.400000e+01 : f32
        %mul3A_642 = vector.broadcast %mul3A_641 : f32 to vector<16xf32>
        %mul3A_643 = arith.mulf %get3A_617, %mul3A_642 : vector<16xf32>
        %add3A_644 = arith.addf %mul3A_643, %get3A_628 : vector<16xf32>
        %mul3A_645 = arith.constant 6.400000e+01 : f32
        %mul3A_646 = vector.broadcast %mul3A_645 : f32 to vector<16xf32>
        %mul3A_647 = arith.mulf %get3A_622, %mul3A_646 : vector<16xf32>
        %add3A_648 = arith.addf %mul3A_647, %get3A_634 : vector<16xf32>
        %convert_element_type3A_649 = arith.fptosi %add3A_644 : vector<16xf32> to vector<16xi32>
        %broadcast_in_dim3A_650 = arith.constant 1 : i32
        %broadcast_in_dim3A_651 = vector.broadcast %broadcast_in_dim3A_650 : i32 to vector<16xi32>
        %broadcast_in_dim3A_652 = arith.constant 0 : i32
        %broadcast_in_dim3A_653 = vector.broadcast %broadcast_in_dim3A_652 : i32 to vector<16xi32>
        %convert_element_type3A_654 = arith.sitofp %convert_element_type3A_649 : vector<16xi32> to vector<16xf32>
        %gt3A = arith.cmpf ogt, %convert_element_type3A_654, %add3A_644 : vector<16xf32>
        %select_n3A_655 = arith.select %gt3A, %broadcast_in_dim3A_651, %broadcast_in_dim3A_653 : vector<16xi1>, vector<16xi32>
        %sub3A_656 = arith.subi %convert_element_type3A_649, %select_n3A_655 : vector<16xi32>
        %convert_element_type3A_657 = arith.fptosi %add3A_648 : vector<16xf32> to vector<16xi32>
        %broadcast_in_dim3A_658 = arith.constant 1 : i32
        %broadcast_in_dim3A_659 = vector.broadcast %broadcast_in_dim3A_658 : i32 to vector<16xi32>
        %broadcast_in_dim3A_660 = arith.constant 0 : i32
        %broadcast_in_dim3A_661 = vector.broadcast %broadcast_in_dim3A_660 : i32 to vector<16xi32>
        %convert_element_type3A_662 = arith.sitofp %convert_element_type3A_657 : vector<16xi32> to vector<16xf32>
        %gt3A_663 = arith.cmpf ogt, %convert_element_type3A_662, %add3A_648 : vector<16xf32>
        %select_n3A_664 = arith.select %gt3A_663, %broadcast_in_dim3A_659, %broadcast_in_dim3A_661 : vector<16xi1>, vector<16xi32>
        %sub3A_665 = arith.subi %convert_element_type3A_657, %select_n3A_664 : vector<16xi32>
        %convert_element_type3A_666 = arith.sitofp %sub3A_656 : vector<16xi32> to vector<16xf32>
        %sub3A_667 = arith.subf %add3A_644, %convert_element_type3A_666 : vector<16xf32>
        %convert_element_type3A_668 = arith.sitofp %sub3A_665 : vector<16xi32> to vector<16xf32>
        %sub3A_669 = arith.subf %add3A_648, %convert_element_type3A_668 : vector<16xf32>
        %mul3A_670 = arith.mulf %sub3A_669, %get3A_640 : vector<16xf32>
        %sub3A_671 = arith.subf %get3A_640, %mul3A_670 : vector<16xf32>
        %add3A_672 = arith.constant 1 : i32
        %add3A_673 = vector.broadcast %add3A_672 : i32 to vector<16xi32>
        %add3A_674 = arith.addi %sub3A_656, %add3A_673 : vector<16xi32>
        %add3A_675 = arith.constant 1 : i32
        %add3A_676 = vector.broadcast %add3A_675 : i32 to vector<16xi32>
        %add3A_677 = arith.addi %sub3A_665, %add3A_676 : vector<16xi32>
        %ge3A_678 = arith.constant 0 : i32
        %ge3A_679 = vector.broadcast %ge3A_678 : i32 to vector<16xi32>
        %ge3A_680 = arith.cmpi sge, %sub3A_656, %ge3A_679 : vector<16xi32>
        %le3A = arith.constant 63 : i32
        %le3A_681 = vector.broadcast %le3A : i32 to vector<16xi32>
        %le3A_682 = arith.cmpi sle, %sub3A_656, %le3A_681 : vector<16xi32>
        %and3A_683 = arith.andi %ge3A_680, %le3A_682 : vector<16xi1>
        %ge3A_684 = arith.constant 0 : i32
        %ge3A_685 = vector.broadcast %ge3A_684 : i32 to vector<16xi32>
        %ge3A_686 = arith.cmpi sge, %add3A_674, %ge3A_685 : vector<16xi32>
        %le3A_687 = arith.constant 63 : i32
        %le3A_688 = vector.broadcast %le3A_687 : i32 to vector<16xi32>
        %le3A_689 = arith.cmpi sle, %add3A_674, %le3A_688 : vector<16xi32>
        %and3A_690 = arith.andi %ge3A_686, %le3A_689 : vector<16xi1>
        %ge3A_691 = arith.constant 0 : i32
        %ge3A_692 = vector.broadcast %ge3A_691 : i32 to vector<16xi32>
        %ge3A_693 = arith.cmpi sge, %sub3A_665, %ge3A_692 : vector<16xi32>
        %le3A_694 = arith.constant 63 : i32
        %le3A_695 = vector.broadcast %le3A_694 : i32 to vector<16xi32>
        %le3A_696 = arith.cmpi sle, %sub3A_665, %le3A_695 : vector<16xi32>
        %and3A_697 = arith.andi %ge3A_693, %le3A_696 : vector<16xi1>
        %ge3A_698 = arith.constant 0 : i32
        %ge3A_699 = vector.broadcast %ge3A_698 : i32 to vector<16xi32>
        %ge3A_700 = arith.cmpi sge, %add3A_677, %ge3A_699 : vector<16xi32>
        %le3A_701 = arith.constant 63 : i32
        %le3A_702 = vector.broadcast %le3A_701 : i32 to vector<16xi32>
        %le3A_703 = arith.cmpi sle, %add3A_677, %le3A_702 : vector<16xi32>
        %and3A_704 = arith.andi %ge3A_700, %le3A_703 : vector<16xi1>
        %jit3A_705 = arith.constant 0 : i32
        %jit3A_706 = arith.constant 63 : i32
        %max3A = vector.broadcast %jit3A_705 : i32 to vector<16xi32>
        %max3A_707 = arith.maxsi %max3A, %sub3A_656 : vector<16xi32>
        %min3A = vector.broadcast %jit3A_706 : i32 to vector<16xi32>
        %min3A_708 = arith.minsi %min3A, %max3A_707 : vector<16xi32>
        %jit3A_709 = arith.constant 0 : i32
        %jit3A_710 = arith.constant 63 : i32
        %max3A_711 = vector.broadcast %jit3A_709 : i32 to vector<16xi32>
        %max3A_712 = arith.maxsi %max3A_711, %add3A_674 : vector<16xi32>
        %min3A_713 = vector.broadcast %jit3A_710 : i32 to vector<16xi32>
        %min3A_714 = arith.minsi %min3A_713, %max3A_712 : vector<16xi32>
        %jit3A_715 = arith.constant 0 : i32
        %jit3A_716 = arith.constant 63 : i32
        %max3A_717 = vector.broadcast %jit3A_715 : i32 to vector<16xi32>
        %max3A_718 = arith.maxsi %max3A_717, %sub3A_665 : vector<16xi32>
        %min3A_719 = vector.broadcast %jit3A_716 : i32 to vector<16xi32>
        %min3A_720 = arith.minsi %min3A_719, %max3A_718 : vector<16xi32>
        %jit3A_721 = arith.constant 0 : i32
        %jit3A_722 = arith.constant 63 : i32
        %max3A_723 = vector.broadcast %jit3A_721 : i32 to vector<16xi32>
        %max3A_724 = arith.maxsi %max3A_723, %add3A_677 : vector<16xi32>
        %min3A_725 = vector.broadcast %jit3A_722 : i32 to vector<16xi32>
        %min3A_726 = arith.minsi %min3A_725, %max3A_724 : vector<16xi32>
        %shift_right_arithmetic3A = arith.constant 3 : i32
        %shift_right_arithmetic3A_727 = vector.broadcast %shift_right_arithmetic3A : i32 to vector<16xi32>
        %shift_right_arithmetic3A_728 = arith.shrsi %min3A_708, %shift_right_arithmetic3A_727 : vector<16xi32>
        %shift_left3A = arith.constant 6 : i32
        %shift_left3A_729 = vector.broadcast %shift_left3A : i32 to vector<16xi32>
        %shift_left3A_730 = arith.shli %shift_right_arithmetic3A_728, %shift_left3A_729 : vector<16xi32>
        %and3A_731 = arith.constant 7 : i32
        %and3A_732 = vector.broadcast %and3A_731 : i32 to vector<16xi32>
        %and3A_733 = arith.andi %min3A_708, %and3A_732 : vector<16xi32>
        %shift_left3A_734 = arith.constant 2 : i32
        %shift_left3A_735 = vector.broadcast %shift_left3A_734 : i32 to vector<16xi32>
        %shift_left3A_736 = arith.shli %and3A_733, %shift_left3A_735 : vector<16xi32>
        %add3A_737 = arith.addi %shift_left3A_730, %shift_left3A_736 : vector<16xi32>
        %add3A_738 = arith.addi %add3A_737, %broadcast_in_dim3A : vector<16xi32>
        %shift_right_arithmetic3A_739 = arith.constant 3 : i32
        %shift_right_arithmetic3A_740 = vector.broadcast %shift_right_arithmetic3A_739 : i32 to vector<16xi32>
        %shift_right_arithmetic3A_741 = arith.shrsi %min3A_714, %shift_right_arithmetic3A_740 : vector<16xi32>
        %shift_left3A_742 = arith.constant 6 : i32
        %shift_left3A_743 = vector.broadcast %shift_left3A_742 : i32 to vector<16xi32>
        %shift_left3A_744 = arith.shli %shift_right_arithmetic3A_741, %shift_left3A_743 : vector<16xi32>
        %and3A_745 = arith.constant 7 : i32
        %and3A_746 = vector.broadcast %and3A_745 : i32 to vector<16xi32>
        %and3A_747 = arith.andi %min3A_714, %and3A_746 : vector<16xi32>
        %shift_left3A_748 = arith.constant 2 : i32
        %shift_left3A_749 = vector.broadcast %shift_left3A_748 : i32 to vector<16xi32>
        %shift_left3A_750 = arith.shli %and3A_747, %shift_left3A_749 : vector<16xi32>
        %add3A_751 = arith.addi %shift_left3A_744, %shift_left3A_750 : vector<16xi32>
        %add3A_752 = arith.addi %add3A_751, %broadcast_in_dim3A : vector<16xi32>
        %mul3A_753 = arith.constant 512 : i32
        %mul3A_754 = vector.broadcast %mul3A_753 : i32 to vector<16xi32>
        %mul3A_755 = arith.muli %min3A_720, %mul3A_754 : vector<16xi32>
        %mul3A_756 = arith.constant 512 : i32
        %mul3A_757 = vector.broadcast %mul3A_756 : i32 to vector<16xi32>
        %mul3A_758 = arith.muli %min3A_726, %mul3A_757 : vector<16xi32>
        %sub3A_759 = arith.constant 1.000000e+00 : f32
        %sub3A_760 = vector.broadcast %sub3A_759 : f32 to vector<16xf32>
        %sub3A_761 = arith.subf %sub3A_760, %sub3A_667 : vector<16xf32>
        %add3A_762 = arith.addi %mul3A_755, %add3A_738 : vector<16xi32>
        %mul3A_763 = arith.mulf %sub3A_761, %sub3A_671 : vector<16xf32>
        %and3A_764 = arith.andi %and3A_697, %and3A_683 : vector<16xi1>
        %add3A_765 = arith.addi %mul3A_758, %add3A_738 : vector<16xi32>
        %mul3A_766 = arith.mulf %sub3A_761, %mul3A_670 : vector<16xf32>
        %and3A_767 = arith.andi %and3A_704, %and3A_683 : vector<16xi1>
        %add3A_768 = arith.addi %mul3A_755, %add3A_752 : vector<16xi32>
        %mul3A_769 = arith.mulf %sub3A_667, %sub3A_671 : vector<16xf32>
        %and3A_770 = arith.andi %and3A_697, %and3A_690 : vector<16xi1>
        %add3A_771 = arith.addi %mul3A_758, %add3A_752 : vector<16xi32>
        %mul3A_772 = arith.mulf %sub3A_667, %mul3A_670 : vector<16xf32>
        %and3A_773 = arith.andi %and3A_704, %and3A_690 : vector<16xi1>
        %mul3A_774 = arith.constant 16 : i32
        %mul3A_775 = arith.muli %scan3A_613, %mul3A_774 : i32
        %add3A_776 = arith.constant 0 : i32
        %add3A_777 = arith.addi %add3A_776, %mul3A_775 : i32
        %swap3A = arith.index_cast %add3A_777 : i32 to index
        %swap3A_778 = tpu.vector_load %arg11[%swap3A] {strides = array<i32>} : memref<1024xi32, #tpu.memory_space<vmem>>, vector<16xi32>,
        tpu.vector_store %arg11[%swap3A], %add3A_762 {strides = array<i32>} : memref<1024xi32, #tpu.memory_space<vmem>>, vector<16xi32>,
        %select_n3A_779 = arith.select %and3A_764, %mul3A_763, %broadcast_in_dim3A_97 : vector<16xi1>, vector<16xf32>
        %swap3A_780 = arith.index_cast %add3A_777 : i32 to index
        %swap3A_781 = tpu.vector_load %arg13[%swap3A_780] {strides = array<i32>} : memref<1024xf32, #tpu.memory_space<vmem>>, vector<16xf32>,
        tpu.vector_store %arg13[%swap3A_780], %select_n3A_779 {strides = array<i32>} : memref<1024xf32, #tpu.memory_space<vmem>>, vector<16xf32>,
        %mul3A_782 = arith.constant 16 : i32
        %mul3A_783 = arith.muli %scan3A_613, %mul3A_782 : i32
        %add3A_784 = arith.constant 64 : i32
        %add3A_785 = arith.addi %add3A_784, %mul3A_783 : i32
        %swap3A_786 = arith.index_cast %add3A_785 : i32 to index
        %swap3A_787 = tpu.vector_load %arg11[%swap3A_786] {strides = array<i32>} : memref<1024xi32, #tpu.memory_space<vmem>>, vector<16xi32>,
        tpu.vector_store %arg11[%swap3A_786], %add3A_765 {strides = array<i32>} : memref<1024xi32, #tpu.memory_space<vmem>>, vector<16xi32>,
        %select_n3A_788 = arith.select %and3A_767, %mul3A_766, %broadcast_in_dim3A_97 : vector<16xi1>, vector<16xf32>
        %swap3A_789 = arith.index_cast %add3A_785 : i32 to index
        %swap3A_790 = tpu.vector_load %arg13[%swap3A_789] {strides = array<i32>} : memref<1024xf32, #tpu.memory_space<vmem>>, vector<16xf32>,
        tpu.vector_store %arg13[%swap3A_789], %select_n3A_788 {strides = array<i32>} : memref<1024xf32, #tpu.memory_space<vmem>>, vector<16xf32>,
        %mul3A_791 = arith.constant 16 : i32
        %mul3A_792 = arith.muli %scan3A_613, %mul3A_791 : i32
        %add3A_793 = arith.constant 128 : i32
        %add3A_794 = arith.addi %add3A_793, %mul3A_792 : i32
        %swap3A_795 = arith.index_cast %add3A_794 : i32 to index
        %swap3A_796 = tpu.vector_load %arg11[%swap3A_795] {strides = array<i32>} : memref<1024xi32, #tpu.memory_space<vmem>>, vector<16xi32>,
        tpu.vector_store %arg11[%swap3A_795], %add3A_768 {strides = array<i32>} : memref<1024xi32, #tpu.memory_space<vmem>>, vector<16xi32>,
        %select_n3A_797 = arith.select %and3A_770, %mul3A_769, %broadcast_in_dim3A_97 : vector<16xi1>, vector<16xf32>
        %swap3A_798 = arith.index_cast %add3A_794 : i32 to index
        %swap3A_799 = tpu.vector_load %arg13[%swap3A_798] {strides = array<i32>} : memref<1024xf32, #tpu.memory_space<vmem>>, vector<16xf32>,
        tpu.vector_store %arg13[%swap3A_798], %select_n3A_797 {strides = array<i32>} : memref<1024xf32, #tpu.memory_space<vmem>>, vector<16xf32>,
        %mul3A_800 = arith.constant 16 : i32
        %mul3A_801 = arith.muli %scan3A_613, %mul3A_800 : i32
        %add3A_802 = arith.constant 192 : i32
        %add3A_803 = arith.addi %add3A_802, %mul3A_801 : i32
        %swap3A_804 = arith.index_cast %add3A_803 : i32 to index
        %swap3A_805 = tpu.vector_load %arg11[%swap3A_804] {strides = array<i32>} : memref<1024xi32, #tpu.memory_space<vmem>>, vector<16xi32>,
        tpu.vector_store %arg11[%swap3A_804], %add3A_771 {strides = array<i32>} : memref<1024xi32, #tpu.memory_space<vmem>>, vector<16xi32>,
        %select_n3A_806 = arith.select %and3A_773, %mul3A_772, %broadcast_in_dim3A_97 : vector<16xi1>, vector<16xf32>
        %swap3A_807 = arith.index_cast %add3A_803 : i32 to index
        %swap3A_808 = tpu.vector_load %arg13[%swap3A_807] {strides = array<i32>} : memref<1024xf32, #tpu.memory_space<vmem>>, vector<16xf32>,
        tpu.vector_store %arg13[%swap3A_807], %select_n3A_806 {strides = array<i32>} : memref<1024xf32, #tpu.memory_space<vmem>>, vector<16xf32>,
        %get3A_809 = arith.constant 1 : i32
        %get3A_810 = arith.constant 0 : i32
        %get3A_811 = arith.index_cast %get3A_809 : i32 to index
        %get3A_812 = arith.index_cast %get3A_810 : i32 to index
        %get3A_813 = arith.constant 0 : index
        %get3A_814 = tpu.vector_load %arg9[%get3A_811, %get3A_812, %get3A_813] {strides = array<i32>} : memref<4x3x16xf32, #tpu.memory_space<vmem>>, vector<16xf32>,
        %get3A_815 = arith.constant 1 : i32
        %get3A_816 = arith.constant 1 : i32
        %get3A_817 = arith.index_cast %get3A_815 : i32 to index
        %get3A_818 = arith.index_cast %get3A_816 : i32 to index
        %get3A_819 = arith.constant 0 : index
        %get3A_820 = tpu.vector_load %arg9[%get3A_817, %get3A_818, %get3A_819] {strides = array<i32>} : memref<4x3x16xf32, #tpu.memory_space<vmem>>, vector<16xf32>,
        %get3A_821 = arith.constant 1 : i32
        %get3A_822 = arith.constant 2 : i32
        %get3A_823 = arith.index_cast %get3A_821 : i32 to index
        %get3A_824 = arith.index_cast %get3A_822 : i32 to index
        %get3A_825 = arith.constant 0 : index
        %get3A_826 = tpu.vector_load %arg9[%get3A_823, %get3A_824, %get3A_825] {strides = array<i32>} : memref<4x3x16xf32, #tpu.memory_space<vmem>>, vector<16xf32>,
        %mul3A_827 = arith.constant 6.400000e+01 : f32
        %mul3A_828 = vector.broadcast %mul3A_827 : f32 to vector<16xf32>
        %mul3A_829 = arith.mulf %get3A_617, %mul3A_828 : vector<16xf32>
        %add3A_830 = arith.addf %mul3A_829, %get3A_814 : vector<16xf32>
        %mul3A_831 = arith.constant 6.400000e+01 : f32
        %mul3A_832 = vector.broadcast %mul3A_831 : f32 to vector<16xf32>
        %mul3A_833 = arith.mulf %get3A_622, %mul3A_832 : vector<16xf32>
        %add3A_834 = arith.addf %mul3A_833, %get3A_820 : vector<16xf32>
        %convert_element_type3A_835 = arith.fptosi %add3A_830 : vector<16xf32> to vector<16xi32>
        %broadcast_in_dim3A_836 = arith.constant 1 : i32
        %broadcast_in_dim3A_837 = vector.broadcast %broadcast_in_dim3A_836 : i32 to vector<16xi32>
        %broadcast_in_dim3A_838 = arith.constant 0 : i32
        %broadcast_in_dim3A_839 = vector.broadcast %broadcast_in_dim3A_838 : i32 to vector<16xi32>
        %convert_element_type3A_840 = arith.sitofp %convert_element_type3A_835 : vector<16xi32> to vector<16xf32>
        %gt3A_841 = arith.cmpf ogt, %convert_element_type3A_840, %add3A_830 : vector<16xf32>
        %select_n3A_842 = arith.select %gt3A_841, %broadcast_in_dim3A_837, %broadcast_in_dim3A_839 : vector<16xi1>, vector<16xi32>
        %sub3A_843 = arith.subi %convert_element_type3A_835, %select_n3A_842 : vector<16xi32>
        %convert_element_type3A_844 = arith.fptosi %add3A_834 : vector<16xf32> to vector<16xi32>
        %broadcast_in_dim3A_845 = arith.constant 1 : i32
        %broadcast_in_dim3A_846 = vector.broadcast %broadcast_in_dim3A_845 : i32 to vector<16xi32>
        %broadcast_in_dim3A_847 = arith.constant 0 : i32
        %broadcast_in_dim3A_848 = vector.broadcast %broadcast_in_dim3A_847 : i32 to vector<16xi32>
        %convert_element_type3A_849 = arith.sitofp %convert_element_type3A_844 : vector<16xi32> to vector<16xf32>
        %gt3A_850 = arith.cmpf ogt, %convert_element_type3A_849, %add3A_834 : vector<16xf32>
        %select_n3A_851 = arith.select %gt3A_850, %broadcast_in_dim3A_846, %broadcast_in_dim3A_848 : vector<16xi1>, vector<16xi32>
        %sub3A_852 = arith.subi %convert_element_type3A_844, %select_n3A_851 : vector<16xi32>
        %convert_element_type3A_853 = arith.sitofp %sub3A_843 : vector<16xi32> to vector<16xf32>
        %sub3A_854 = arith.subf %add3A_830, %convert_element_type3A_853 : vector<16xf32>
        %convert_element_type3A_855 = arith.sitofp %sub3A_852 : vector<16xi32> to vector<16xf32>
        %sub3A_856 = arith.subf %add3A_834, %convert_element_type3A_855 : vector<16xf32>
        %mul3A_857 = arith.mulf %sub3A_856, %get3A_826 : vector<16xf32>
        %sub3A_858 = arith.subf %get3A_826, %mul3A_857 : vector<16xf32>
        %add3A_859 = arith.constant 1 : i32
        %add3A_860 = vector.broadcast %add3A_859 : i32 to vector<16xi32>
        %add3A_861 = arith.addi %sub3A_843, %add3A_860 : vector<16xi32>
        %add3A_862 = arith.constant 1 : i32
        %add3A_863 = vector.broadcast %add3A_862 : i32 to vector<16xi32>
        %add3A_864 = arith.addi %sub3A_852, %add3A_863 : vector<16xi32>
        %ge3A_865 = arith.constant 0 : i32
        %ge3A_866 = vector.broadcast %ge3A_865 : i32 to vector<16xi32>
        %ge3A_867 = arith.cmpi sge, %sub3A_843, %ge3A_866 : vector<16xi32>
        %le3A_868 = arith.constant 63 : i32
        %le3A_869 = vector.broadcast %le3A_868 : i32 to vector<16xi32>
        %le3A_870 = arith.cmpi sle, %sub3A_843, %le3A_869 : vector<16xi32>
        %and3A_871 = arith.andi %ge3A_867, %le3A_870 : vector<16xi1>
        %ge3A_872 = arith.constant 0 : i32
        %ge3A_873 = vector.broadcast %ge3A_872 : i32 to vector<16xi32>
        %ge3A_874 = arith.cmpi sge, %add3A_861, %ge3A_873 : vector<16xi32>
        %le3A_875 = arith.constant 63 : i32
        %le3A_876 = vector.broadcast %le3A_875 : i32 to vector<16xi32>
        %le3A_877 = arith.cmpi sle, %add3A_861, %le3A_876 : vector<16xi32>
        %and3A_878 = arith.andi %ge3A_874, %le3A_877 : vector<16xi1>
        %ge3A_879 = arith.constant 0 : i32
        %ge3A_880 = vector.broadcast %ge3A_879 : i32 to vector<16xi32>
        %ge3A_881 = arith.cmpi sge, %sub3A_852, %ge3A_880 : vector<16xi32>
        %le3A_882 = arith.constant 63 : i32
        %le3A_883 = vector.broadcast %le3A_882 : i32 to vector<16xi32>
        %le3A_884 = arith.cmpi sle, %sub3A_852, %le3A_883 : vector<16xi32>
        %and3A_885 = arith.andi %ge3A_881, %le3A_884 : vector<16xi1>
        %ge3A_886 = arith.constant 0 : i32
        %ge3A_887 = vector.broadcast %ge3A_886 : i32 to vector<16xi32>
        %ge3A_888 = arith.cmpi sge, %add3A_864, %ge3A_887 : vector<16xi32>
        %le3A_889 = arith.constant 63 : i32
        %le3A_890 = vector.broadcast %le3A_889 : i32 to vector<16xi32>
        %le3A_891 = arith.cmpi sle, %add3A_864, %le3A_890 : vector<16xi32>
        %and3A_892 = arith.andi %ge3A_888, %le3A_891 : vector<16xi1>
        %jit3A_893 = arith.constant 0 : i32
        %jit3A_894 = arith.constant 63 : i32
        %max3A_895 = vector.broadcast %jit3A_893 : i32 to vector<16xi32>
        %max3A_896 = arith.maxsi %max3A_895, %sub3A_843 : vector<16xi32>
        %min3A_897 = vector.broadcast %jit3A_894 : i32 to vector<16xi32>
        %min3A_898 = arith.minsi %min3A_897, %max3A_896 : vector<16xi32>
        %jit3A_899 = arith.constant 0 : i32
        %jit3A_900 = arith.constant 63 : i32
        %max3A_901 = vector.broadcast %jit3A_899 : i32 to vector<16xi32>
        %max3A_902 = arith.maxsi %max3A_901, %add3A_861 : vector<16xi32>
        %min3A_903 = vector.broadcast %jit3A_900 : i32 to vector<16xi32>
        %min3A_904 = arith.minsi %min3A_903, %max3A_902 : vector<16xi32>
        %jit3A_905 = arith.constant 0 : i32
        %jit3A_906 = arith.constant 63 : i32
        %max3A_907 = vector.broadcast %jit3A_905 : i32 to vector<16xi32>
        %max3A_908 = arith.maxsi %max3A_907, %sub3A_852 : vector<16xi32>
        %min3A_909 = vector.broadcast %jit3A_906 : i32 to vector<16xi32>
        %min3A_910 = arith.minsi %min3A_909, %max3A_908 : vector<16xi32>
        %jit3A_911 = arith.constant 0 : i32
        %jit3A_912 = arith.constant 63 : i32
        %max3A_913 = vector.broadcast %jit3A_911 : i32 to vector<16xi32>
        %max3A_914 = arith.maxsi %max3A_913, %add3A_864 : vector<16xi32>
        %min3A_915 = vector.broadcast %jit3A_912 : i32 to vector<16xi32>
        %min3A_916 = arith.minsi %min3A_915, %max3A_914 : vector<16xi32>
        %shift_right_arithmetic3A_917 = arith.constant 3 : i32
        %shift_right_arithmetic3A_918 = vector.broadcast %shift_right_arithmetic3A_917 : i32 to vector<16xi32>
        %shift_right_arithmetic3A_919 = arith.shrsi %min3A_898, %shift_right_arithmetic3A_918 : vector<16xi32>
        %shift_left3A_920 = arith.constant 6 : i32
        %shift_left3A_921 = vector.broadcast %shift_left3A_920 : i32 to vector<16xi32>
        %shift_left3A_922 = arith.shli %shift_right_arithmetic3A_919, %shift_left3A_921 : vector<16xi32>
        %and3A_923 = arith.constant 7 : i32
        %and3A_924 = vector.broadcast %and3A_923 : i32 to vector<16xi32>
        %and3A_925 = arith.andi %min3A_898, %and3A_924 : vector<16xi32>
        %shift_left3A_926 = arith.constant 2 : i32
        %shift_left3A_927 = vector.broadcast %shift_left3A_926 : i32 to vector<16xi32>
        %shift_left3A_928 = arith.shli %and3A_925, %shift_left3A_927 : vector<16xi32>
        %add3A_929 = arith.addi %shift_left3A_922, %shift_left3A_928 : vector<16xi32>
        %add3A_930 = arith.addi %add3A_929, %broadcast_in_dim3A : vector<16xi32>
        %shift_right_arithmetic3A_931 = arith.constant 3 : i32
        %shift_right_arithmetic3A_932 = vector.broadcast %shift_right_arithmetic3A_931 : i32 to vector<16xi32>
        %shift_right_arithmetic3A_933 = arith.shrsi %min3A_904, %shift_right_arithmetic3A_932 : vector<16xi32>
        %shift_left3A_934 = arith.constant 6 : i32
        %shift_left3A_935 = vector.broadcast %shift_left3A_934 : i32 to vector<16xi32>
        %shift_left3A_936 = arith.shli %shift_right_arithmetic3A_933, %shift_left3A_935 : vector<16xi32>
        %and3A_937 = arith.constant 7 : i32
        %and3A_938 = vector.broadcast %and3A_937 : i32 to vector<16xi32>
        %and3A_939 = arith.andi %min3A_904, %and3A_938 : vector<16xi32>
        %shift_left3A_940 = arith.constant 2 : i32
        %shift_left3A_941 = vector.broadcast %shift_left3A_940 : i32 to vector<16xi32>
        %shift_left3A_942 = arith.shli %and3A_939, %shift_left3A_941 : vector<16xi32>
        %add3A_943 = arith.addi %shift_left3A_936, %shift_left3A_942 : vector<16xi32>
        %add3A_944 = arith.addi %add3A_943, %broadcast_in_dim3A : vector<16xi32>
        %mul3A_945 = arith.constant 512 : i32
        %mul3A_946 = vector.broadcast %mul3A_945 : i32 to vector<16xi32>
        %mul3A_947 = arith.muli %min3A_910, %mul3A_946 : vector<16xi32>
        %mul3A_948 = arith.constant 512 : i32
        %mul3A_949 = vector.broadcast %mul3A_948 : i32 to vector<16xi32>
        %mul3A_950 = arith.muli %min3A_916, %mul3A_949 : vector<16xi32>
        %sub3A_951 = arith.constant 1.000000e+00 : f32
        %sub3A_952 = vector.broadcast %sub3A_951 : f32 to vector<16xf32>
        %sub3A_953 = arith.subf %sub3A_952, %sub3A_854 : vector<16xf32>
        %add3A_954 = arith.addi %mul3A_947, %add3A_930 : vector<16xi32>
        %mul3A_955 = arith.mulf %sub3A_953, %sub3A_858 : vector<16xf32>
        %and3A_956 = arith.andi %and3A_885, %and3A_871 : vector<16xi1>
        %add3A_957 = arith.addi %mul3A_950, %add3A_930 : vector<16xi32>
        %mul3A_958 = arith.mulf %sub3A_953, %mul3A_857 : vector<16xf32>
        %and3A_959 = arith.andi %and3A_892, %and3A_871 : vector<16xi1>
        %add3A_960 = arith.addi %mul3A_947, %add3A_944 : vector<16xi32>
        %mul3A_961 = arith.mulf %sub3A_854, %sub3A_858 : vector<16xf32>
        %and3A_962 = arith.andi %and3A_885, %and3A_878 : vector<16xi1>
        %add3A_963 = arith.addi %mul3A_950, %add3A_944 : vector<16xi32>
        %mul3A_964 = arith.mulf %sub3A_854, %mul3A_857 : vector<16xf32>
        %and3A_965 = arith.andi %and3A_892, %and3A_878 : vector<16xi1>
        %mul3A_966 = arith.constant 16 : i32
        %mul3A_967 = arith.muli %scan3A_613, %mul3A_966 : i32
        %add3A_968 = arith.constant 256 : i32
        %add3A_969 = arith.addi %add3A_968, %mul3A_967 : i32
        %swap3A_970 = arith.index_cast %add3A_969 : i32 to index
        %swap3A_971 = tpu.vector_load %arg11[%swap3A_970] {strides = array<i32>} : memref<1024xi32, #tpu.memory_space<vmem>>, vector<16xi32>,
        tpu.vector_store %arg11[%swap3A_970], %add3A_954 {strides = array<i32>} : memref<1024xi32, #tpu.memory_space<vmem>>, vector<16xi32>,
        %select_n3A_972 = arith.select %and3A_956, %mul3A_955, %broadcast_in_dim3A_97 : vector<16xi1>, vector<16xf32>
        %swap3A_973 = arith.index_cast %add3A_969 : i32 to index
        %swap3A_974 = tpu.vector_load %arg13[%swap3A_973] {strides = array<i32>} : memref<1024xf32, #tpu.memory_space<vmem>>, vector<16xf32>,
        tpu.vector_store %arg13[%swap3A_973], %select_n3A_972 {strides = array<i32>} : memref<1024xf32, #tpu.memory_space<vmem>>, vector<16xf32>,
        %mul3A_975 = arith.constant 16 : i32
        %mul3A_976 = arith.muli %scan3A_613, %mul3A_975 : i32
        %add3A_977 = arith.constant 320 : i32
        %add3A_978 = arith.addi %add3A_977, %mul3A_976 : i32
        %swap3A_979 = arith.index_cast %add3A_978 : i32 to index
        %swap3A_980 = tpu.vector_load %arg11[%swap3A_979] {strides = array<i32>} : memref<1024xi32, #tpu.memory_space<vmem>>, vector<16xi32>,
        tpu.vector_store %arg11[%swap3A_979], %add3A_957 {strides = array<i32>} : memref<1024xi32, #tpu.memory_space<vmem>>, vector<16xi32>,
        %select_n3A_981 = arith.select %and3A_959, %mul3A_958, %broadcast_in_dim3A_97 : vector<16xi1>, vector<16xf32>
        %swap3A_982 = arith.index_cast %add3A_978 : i32 to index
        %swap3A_983 = tpu.vector_load %arg13[%swap3A_982] {strides = array<i32>} : memref<1024xf32, #tpu.memory_space<vmem>>, vector<16xf32>,
        tpu.vector_store %arg13[%swap3A_982], %select_n3A_981 {strides = array<i32>} : memref<1024xf32, #tpu.memory_space<vmem>>, vector<16xf32>,
        %mul3A_984 = arith.constant 16 : i32
        %mul3A_985 = arith.muli %scan3A_613, %mul3A_984 : i32
        %add3A_986 = arith.constant 384 : i32
        %add3A_987 = arith.addi %add3A_986, %mul3A_985 : i32
        %swap3A_988 = arith.index_cast %add3A_987 : i32 to index
        %swap3A_989 = tpu.vector_load %arg11[%swap3A_988] {strides = array<i32>} : memref<1024xi32, #tpu.memory_space<vmem>>, vector<16xi32>,
        tpu.vector_store %arg11[%swap3A_988], %add3A_960 {strides = array<i32>} : memref<1024xi32, #tpu.memory_space<vmem>>, vector<16xi32>,
        %select_n3A_990 = arith.select %and3A_962, %mul3A_961, %broadcast_in_dim3A_97 : vector<16xi1>, vector<16xf32>
        %swap3A_991 = arith.index_cast %add3A_987 : i32 to index
        %swap3A_992 = tpu.vector_load %arg13[%swap3A_991] {strides = array<i32>} : memref<1024xf32, #tpu.memory_space<vmem>>, vector<16xf32>,
        tpu.vector_store %arg13[%swap3A_991], %select_n3A_990 {strides = array<i32>} : memref<1024xf32, #tpu.memory_space<vmem>>, vector<16xf32>,
        %mul3A_993 = arith.constant 16 : i32
        %mul3A_994 = arith.muli %scan3A_613, %mul3A_993 : i32
        %add3A_995 = arith.constant 448 : i32
        %add3A_996 = arith.addi %add3A_995, %mul3A_994 : i32
        %swap3A_997 = arith.index_cast %add3A_996 : i32 to index
        %swap3A_998 = tpu.vector_load %arg11[%swap3A_997] {strides = array<i32>} : memref<1024xi32, #tpu.memory_space<vmem>>, vector<16xi32>,
        tpu.vector_store %arg11[%swap3A_997], %add3A_963 {strides = array<i32>} : memref<1024xi32, #tpu.memory_space<vmem>>, vector<16xi32>,
        %select_n3A_999 = arith.select %and3A_965, %mul3A_964, %broadcast_in_dim3A_97 : vector<16xi1>, vector<16xf32>
        %swap3A_1000 = arith.index_cast %add3A_996 : i32 to index
        %swap3A_1001 = tpu.vector_load %arg13[%swap3A_1000] {strides = array<i32>} : memref<1024xf32, #tpu.memory_space<vmem>>, vector<16xf32>,
        tpu.vector_store %arg13[%swap3A_1000], %select_n3A_999 {strides = array<i32>} : memref<1024xf32, #tpu.memory_space<vmem>>, vector<16xf32>,
        %get3A_1002 = arith.constant 2 : i32
        %get3A_1003 = arith.constant 0 : i32
        %get3A_1004 = arith.index_cast %get3A_1002 : i32 to index
        %get3A_1005 = arith.index_cast %get3A_1003 : i32 to index
        %get3A_1006 = arith.constant 0 : index
        %get3A_1007 = tpu.vector_load %arg9[%get3A_1004, %get3A_1005, %get3A_1006] {strides = array<i32>} : memref<4x3x16xf32, #tpu.memory_space<vmem>>, vector<16xf32>,
        %get3A_1008 = arith.constant 2 : i32
        %get3A_1009 = arith.constant 1 : i32
        %get3A_1010 = arith.index_cast %get3A_1008 : i32 to index
        %get3A_1011 = arith.index_cast %get3A_1009 : i32 to index
        %get3A_1012 = arith.constant 0 : index
        %get3A_1013 = tpu.vector_load %arg9[%get3A_1010, %get3A_1011, %get3A_1012] {strides = array<i32>} : memref<4x3x16xf32, #tpu.memory_space<vmem>>, vector<16xf32>,
        %get3A_1014 = arith.constant 2 : i32
        %get3A_1015 = arith.constant 2 : i32
        %get3A_1016 = arith.index_cast %get3A_1014 : i32 to index
        %get3A_1017 = arith.index_cast %get3A_1015 : i32 to index
        %get3A_1018 = arith.constant 0 : index
        %get3A_1019 = tpu.vector_load %arg9[%get3A_1016, %get3A_1017, %get3A_1018] {strides = array<i32>} : memref<4x3x16xf32, #tpu.memory_space<vmem>>, vector<16xf32>,
        %mul3A_1020 = arith.constant 6.400000e+01 : f32
        %mul3A_1021 = vector.broadcast %mul3A_1020 : f32 to vector<16xf32>
        %mul3A_1022 = arith.mulf %get3A_617, %mul3A_1021 : vector<16xf32>
        %add3A_1023 = arith.addf %mul3A_1022, %get3A_1007 : vector<16xf32>
        %mul3A_1024 = arith.constant 6.400000e+01 : f32
        %mul3A_1025 = vector.broadcast %mul3A_1024 : f32 to vector<16xf32>
        %mul3A_1026 = arith.mulf %get3A_622, %mul3A_1025 : vector<16xf32>
        %add3A_1027 = arith.addf %mul3A_1026, %get3A_1013 : vector<16xf32>
        %convert_element_type3A_1028 = arith.fptosi %add3A_1023 : vector<16xf32> to vector<16xi32>
        %broadcast_in_dim3A_1029 = arith.constant 1 : i32
        %broadcast_in_dim3A_1030 = vector.broadcast %broadcast_in_dim3A_1029 : i32 to vector<16xi32>
        %broadcast_in_dim3A_1031 = arith.constant 0 : i32
        %broadcast_in_dim3A_1032 = vector.broadcast %broadcast_in_dim3A_1031 : i32 to vector<16xi32>
        %convert_element_type3A_1033 = arith.sitofp %convert_element_type3A_1028 : vector<16xi32> to vector<16xf32>
        %gt3A_1034 = arith.cmpf ogt, %convert_element_type3A_1033, %add3A_1023 : vector<16xf32>
        %select_n3A_1035 = arith.select %gt3A_1034, %broadcast_in_dim3A_1030, %broadcast_in_dim3A_1032 : vector<16xi1>, vector<16xi32>
        %sub3A_1036 = arith.subi %convert_element_type3A_1028, %select_n3A_1035 : vector<16xi32>
        %convert_element_type3A_1037 = arith.fptosi %add3A_1027 : vector<16xf32> to vector<16xi32>
        %broadcast_in_dim3A_1038 = arith.constant 1 : i32
        %broadcast_in_dim3A_1039 = vector.broadcast %broadcast_in_dim3A_1038 : i32 to vector<16xi32>
        %broadcast_in_dim3A_1040 = arith.constant 0 : i32
        %broadcast_in_dim3A_1041 = vector.broadcast %broadcast_in_dim3A_1040 : i32 to vector<16xi32>
        %convert_element_type3A_1042 = arith.sitofp %convert_element_type3A_1037 : vector<16xi32> to vector<16xf32>
        %gt3A_1043 = arith.cmpf ogt, %convert_element_type3A_1042, %add3A_1027 : vector<16xf32>
        %select_n3A_1044 = arith.select %gt3A_1043, %broadcast_in_dim3A_1039, %broadcast_in_dim3A_1041 : vector<16xi1>, vector<16xi32>
        %sub3A_1045 = arith.subi %convert_element_type3A_1037, %select_n3A_1044 : vector<16xi32>
        %convert_element_type3A_1046 = arith.sitofp %sub3A_1036 : vector<16xi32> to vector<16xf32>
        %sub3A_1047 = arith.subf %add3A_1023, %convert_element_type3A_1046 : vector<16xf32>
        %convert_element_type3A_1048 = arith.sitofp %sub3A_1045 : vector<16xi32> to vector<16xf32>
        %sub3A_1049 = arith.subf %add3A_1027, %convert_element_type3A_1048 : vector<16xf32>
        %mul3A_1050 = arith.mulf %sub3A_1049, %get3A_1019 : vector<16xf32>
        %sub3A_1051 = arith.subf %get3A_1019, %mul3A_1050 : vector<16xf32>
        %add3A_1052 = arith.constant 1 : i32
        %add3A_1053 = vector.broadcast %add3A_1052 : i32 to vector<16xi32>
        %add3A_1054 = arith.addi %sub3A_1036, %add3A_1053 : vector<16xi32>
        %add3A_1055 = arith.constant 1 : i32
        %add3A_1056 = vector.broadcast %add3A_1055 : i32 to vector<16xi32>
        %add3A_1057 = arith.addi %sub3A_1045, %add3A_1056 : vector<16xi32>
        %ge3A_1058 = arith.constant 0 : i32
        %ge3A_1059 = vector.broadcast %ge3A_1058 : i32 to vector<16xi32>
        %ge3A_1060 = arith.cmpi sge, %sub3A_1036, %ge3A_1059 : vector<16xi32>
        %le3A_1061 = arith.constant 63 : i32
        %le3A_1062 = vector.broadcast %le3A_1061 : i32 to vector<16xi32>
        %le3A_1063 = arith.cmpi sle, %sub3A_1036, %le3A_1062 : vector<16xi32>
        %and3A_1064 = arith.andi %ge3A_1060, %le3A_1063 : vector<16xi1>
        %ge3A_1065 = arith.constant 0 : i32
        %ge3A_1066 = vector.broadcast %ge3A_1065 : i32 to vector<16xi32>
        %ge3A_1067 = arith.cmpi sge, %add3A_1054, %ge3A_1066 : vector<16xi32>
        %le3A_1068 = arith.constant 63 : i32
        %le3A_1069 = vector.broadcast %le3A_1068 : i32 to vector<16xi32>
        %le3A_1070 = arith.cmpi sle, %add3A_1054, %le3A_1069 : vector<16xi32>
        %and3A_1071 = arith.andi %ge3A_1067, %le3A_1070 : vector<16xi1>
        %ge3A_1072 = arith.constant 0 : i32
        %ge3A_1073 = vector.broadcast %ge3A_1072 : i32 to vector<16xi32>
        %ge3A_1074 = arith.cmpi sge, %sub3A_1045, %ge3A_1073 : vector<16xi32>
        %le3A_1075 = arith.constant 63 : i32
        %le3A_1076 = vector.broadcast %le3A_1075 : i32 to vector<16xi32>
        %le3A_1077 = arith.cmpi sle, %sub3A_1045, %le3A_1076 : vector<16xi32>
        %and3A_1078 = arith.andi %ge3A_1074, %le3A_1077 : vector<16xi1>
        %ge3A_1079 = arith.constant 0 : i32
        %ge3A_1080 = vector.broadcast %ge3A_1079 : i32 to vector<16xi32>
        %ge3A_1081 = arith.cmpi sge, %add3A_1057, %ge3A_1080 : vector<16xi32>
        %le3A_1082 = arith.constant 63 : i32
        %le3A_1083 = vector.broadcast %le3A_1082 : i32 to vector<16xi32>
        %le3A_1084 = arith.cmpi sle, %add3A_1057, %le3A_1083 : vector<16xi32>
        %and3A_1085 = arith.andi %ge3A_1081, %le3A_1084 : vector<16xi1>
        %jit3A_1086 = arith.constant 0 : i32
        %jit3A_1087 = arith.constant 63 : i32
        %max3A_1088 = vector.broadcast %jit3A_1086 : i32 to vector<16xi32>
        %max3A_1089 = arith.maxsi %max3A_1088, %sub3A_1036 : vector<16xi32>
        %min3A_1090 = vector.broadcast %jit3A_1087 : i32 to vector<16xi32>
        %min3A_1091 = arith.minsi %min3A_1090, %max3A_1089 : vector<16xi32>
        %jit3A_1092 = arith.constant 0 : i32
        %jit3A_1093 = arith.constant 63 : i32
        %max3A_1094 = vector.broadcast %jit3A_1092 : i32 to vector<16xi32>
        %max3A_1095 = arith.maxsi %max3A_1094, %add3A_1054 : vector<16xi32>
        %min3A_1096 = vector.broadcast %jit3A_1093 : i32 to vector<16xi32>
        %min3A_1097 = arith.minsi %min3A_1096, %max3A_1095 : vector<16xi32>
        %jit3A_1098 = arith.constant 0 : i32
        %jit3A_1099 = arith.constant 63 : i32
        %max3A_1100 = vector.broadcast %jit3A_1098 : i32 to vector<16xi32>
        %max3A_1101 = arith.maxsi %max3A_1100, %sub3A_1045 : vector<16xi32>
        %min3A_1102 = vector.broadcast %jit3A_1099 : i32 to vector<16xi32>
        %min3A_1103 = arith.minsi %min3A_1102, %max3A_1101 : vector<16xi32>
        %jit3A_1104 = arith.constant 0 : i32
        %jit3A_1105 = arith.constant 63 : i32
        %max3A_1106 = vector.broadcast %jit3A_1104 : i32 to vector<16xi32>
        %max3A_1107 = arith.maxsi %max3A_1106, %add3A_1057 : vector<16xi32>
        %min3A_1108 = vector.broadcast %jit3A_1105 : i32 to vector<16xi32>
        %min3A_1109 = arith.minsi %min3A_1108, %max3A_1107 : vector<16xi32>
        %shift_right_arithmetic3A_1110 = arith.constant 3 : i32
        %shift_right_arithmetic3A_1111 = vector.broadcast %shift_right_arithmetic3A_1110 : i32 to vector<16xi32>
        %shift_right_arithmetic3A_1112 = arith.shrsi %min3A_1091, %shift_right_arithmetic3A_1111 : vector<16xi32>
        %shift_left3A_1113 = arith.constant 6 : i32
        %shift_left3A_1114 = vector.broadcast %shift_left3A_1113 : i32 to vector<16xi32>
        %shift_left3A_1115 = arith.shli %shift_right_arithmetic3A_1112, %shift_left3A_1114 : vector<16xi32>
        %and3A_1116 = arith.constant 7 : i32
        %and3A_1117 = vector.broadcast %and3A_1116 : i32 to vector<16xi32>
        %and3A_1118 = arith.andi %min3A_1091, %and3A_1117 : vector<16xi32>
        %shift_left3A_1119 = arith.constant 2 : i32
        %shift_left3A_1120 = vector.broadcast %shift_left3A_1119 : i32 to vector<16xi32>
        %shift_left3A_1121 = arith.shli %and3A_1118, %shift_left3A_1120 : vector<16xi32>
        %add3A_1122 = arith.addi %shift_left3A_1115, %shift_left3A_1121 : vector<16xi32>
        %add3A_1123 = arith.addi %add3A_1122, %broadcast_in_dim3A : vector<16xi32>
        %shift_right_arithmetic3A_1124 = arith.constant 3 : i32
        %shift_right_arithmetic3A_1125 = vector.broadcast %shift_right_arithmetic3A_1124 : i32 to vector<16xi32>
        %shift_right_arithmetic3A_1126 = arith.shrsi %min3A_1097, %shift_right_arithmetic3A_1125 : vector<16xi32>
        %shift_left3A_1127 = arith.constant 6 : i32
        %shift_left3A_1128 = vector.broadcast %shift_left3A_1127 : i32 to vector<16xi32>
        %shift_left3A_1129 = arith.shli %shift_right_arithmetic3A_1126, %shift_left3A_1128 : vector<16xi32>
        %and3A_1130 = arith.constant 7 : i32
        %and3A_1131 = vector.broadcast %and3A_1130 : i32 to vector<16xi32>
        %and3A_1132 = arith.andi %min3A_1097, %and3A_1131 : vector<16xi32>
        %shift_left3A_1133 = arith.constant 2 : i32
        %shift_left3A_1134 = vector.broadcast %shift_left3A_1133 : i32 to vector<16xi32>
        %shift_left3A_1135 = arith.shli %and3A_1132, %shift_left3A_1134 : vector<16xi32>
        %add3A_1136 = arith.addi %shift_left3A_1129, %shift_left3A_1135 : vector<16xi32>
        %add3A_1137 = arith.addi %add3A_1136, %broadcast_in_dim3A : vector<16xi32>
        %mul3A_1138 = arith.constant 512 : i32
        %mul3A_1139 = vector.broadcast %mul3A_1138 : i32 to vector<16xi32>
        %mul3A_1140 = arith.muli %min3A_1103, %mul3A_1139 : vector<16xi32>
        %mul3A_1141 = arith.constant 512 : i32
        %mul3A_1142 = vector.broadcast %mul3A_1141 : i32 to vector<16xi32>
        %mul3A_1143 = arith.muli %min3A_1109, %mul3A_1142 : vector<16xi32>
        %sub3A_1144 = arith.constant 1.000000e+00 : f32
        %sub3A_1145 = vector.broadcast %sub3A_1144 : f32 to vector<16xf32>
        %sub3A_1146 = arith.subf %sub3A_1145, %sub3A_1047 : vector<16xf32>
        %add3A_1147 = arith.addi %mul3A_1140, %add3A_1123 : vector<16xi32>
        %mul3A_1148 = arith.mulf %sub3A_1146, %sub3A_1051 : vector<16xf32>
        %and3A_1149 = arith.andi %and3A_1078, %and3A_1064 : vector<16xi1>
        %add3A_1150 = arith.addi %mul3A_1143, %add3A_1123 : vector<16xi32>
        %mul3A_1151 = arith.mulf %sub3A_1146, %mul3A_1050 : vector<16xf32>
        %and3A_1152 = arith.andi %and3A_1085, %and3A_1064 : vector<16xi1>
        %add3A_1153 = arith.addi %mul3A_1140, %add3A_1137 : vector<16xi32>
        %mul3A_1154 = arith.mulf %sub3A_1047, %sub3A_1051 : vector<16xf32>
        %and3A_1155 = arith.andi %and3A_1078, %and3A_1071 : vector<16xi1>
        %add3A_1156 = arith.addi %mul3A_1143, %add3A_1137 : vector<16xi32>
        %mul3A_1157 = arith.mulf %sub3A_1047, %mul3A_1050 : vector<16xf32>
        %and3A_1158 = arith.andi %and3A_1085, %and3A_1071 : vector<16xi1>
        %mul3A_1159 = arith.constant 16 : i32
        %mul3A_1160 = arith.muli %scan3A_613, %mul3A_1159 : i32
        %add3A_1161 = arith.constant 512 : i32
        %add3A_1162 = arith.addi %add3A_1161, %mul3A_1160 : i32
        %swap3A_1163 = arith.index_cast %add3A_1162 : i32 to index
        %swap3A_1164 = tpu.vector_load %arg11[%swap3A_1163] {strides = array<i32>} : memref<1024xi32, #tpu.memory_space<vmem>>, vector<16xi32>,
        tpu.vector_store %arg11[%swap3A_1163], %add3A_1147 {strides = array<i32>} : memref<1024xi32, #tpu.memory_space<vmem>>, vector<16xi32>,
        %select_n3A_1165 = arith.select %and3A_1149, %mul3A_1148, %broadcast_in_dim3A_97 : vector<16xi1>, vector<16xf32>
        %swap3A_1166 = arith.index_cast %add3A_1162 : i32 to index
        %swap3A_1167 = tpu.vector_load %arg13[%swap3A_1166] {strides = array<i32>} : memref<1024xf32, #tpu.memory_space<vmem>>, vector<16xf32>,
        tpu.vector_store %arg13[%swap3A_1166], %select_n3A_1165 {strides = array<i32>} : memref<1024xf32, #tpu.memory_space<vmem>>, vector<16xf32>,
        %mul3A_1168 = arith.constant 16 : i32
        %mul3A_1169 = arith.muli %scan3A_613, %mul3A_1168 : i32
        %add3A_1170 = arith.constant 576 : i32
        %add3A_1171 = arith.addi %add3A_1170, %mul3A_1169 : i32
        %swap3A_1172 = arith.index_cast %add3A_1171 : i32 to index
        %swap3A_1173 = tpu.vector_load %arg11[%swap3A_1172] {strides = array<i32>} : memref<1024xi32, #tpu.memory_space<vmem>>, vector<16xi32>,
        tpu.vector_store %arg11[%swap3A_1172], %add3A_1150 {strides = array<i32>} : memref<1024xi32, #tpu.memory_space<vmem>>, vector<16xi32>,
        %select_n3A_1174 = arith.select %and3A_1152, %mul3A_1151, %broadcast_in_dim3A_97 : vector<16xi1>, vector<16xf32>
        %swap3A_1175 = arith.index_cast %add3A_1171 : i32 to index
        %swap3A_1176 = tpu.vector_load %arg13[%swap3A_1175] {strides = array<i32>} : memref<1024xf32, #tpu.memory_space<vmem>>, vector<16xf32>,
        tpu.vector_store %arg13[%swap3A_1175], %select_n3A_1174 {strides = array<i32>} : memref<1024xf32, #tpu.memory_space<vmem>>, vector<16xf32>,
        %mul3A_1177 = arith.constant 16 : i32
        %mul3A_1178 = arith.muli %scan3A_613, %mul3A_1177 : i32
        %add3A_1179 = arith.constant 640 : i32
        %add3A_1180 = arith.addi %add3A_1179, %mul3A_1178 : i32
        %swap3A_1181 = arith.index_cast %add3A_1180 : i32 to index
        %swap3A_1182 = tpu.vector_load %arg11[%swap3A_1181] {strides = array<i32>} : memref<1024xi32, #tpu.memory_space<vmem>>, vector<16xi32>,
        tpu.vector_store %arg11[%swap3A_1181], %add3A_1153 {strides = array<i32>} : memref<1024xi32, #tpu.memory_space<vmem>>, vector<16xi32>,
        %select_n3A_1183 = arith.select %and3A_1155, %mul3A_1154, %broadcast_in_dim3A_97 : vector<16xi1>, vector<16xf32>
        %swap3A_1184 = arith.index_cast %add3A_1180 : i32 to index
        %swap3A_1185 = tpu.vector_load %arg13[%swap3A_1184] {strides = array<i32>} : memref<1024xf32, #tpu.memory_space<vmem>>, vector<16xf32>,
        tpu.vector_store %arg13[%swap3A_1184], %select_n3A_1183 {strides = array<i32>} : memref<1024xf32, #tpu.memory_space<vmem>>, vector<16xf32>,
        %mul3A_1186 = arith.constant 16 : i32
        %mul3A_1187 = arith.muli %scan3A_613, %mul3A_1186 : i32
        %add3A_1188 = arith.constant 704 : i32
        %add3A_1189 = arith.addi %add3A_1188, %mul3A_1187 : i32
        %swap3A_1190 = arith.index_cast %add3A_1189 : i32 to index
        %swap3A_1191 = tpu.vector_load %arg11[%swap3A_1190] {strides = array<i32>} : memref<1024xi32, #tpu.memory_space<vmem>>, vector<16xi32>,
        tpu.vector_store %arg11[%swap3A_1190], %add3A_1156 {strides = array<i32>} : memref<1024xi32, #tpu.memory_space<vmem>>, vector<16xi32>,
        %select_n3A_1192 = arith.select %and3A_1158, %mul3A_1157, %broadcast_in_dim3A_97 : vector<16xi1>, vector<16xf32>
        %swap3A_1193 = arith.index_cast %add3A_1189 : i32 to index
        %swap3A_1194 = tpu.vector_load %arg13[%swap3A_1193] {strides = array<i32>} : memref<1024xf32, #tpu.memory_space<vmem>>, vector<16xf32>,
        tpu.vector_store %arg13[%swap3A_1193], %select_n3A_1192 {strides = array<i32>} : memref<1024xf32, #tpu.memory_space<vmem>>, vector<16xf32>,
        %get3A_1195 = arith.constant 3 : i32
        %get3A_1196 = arith.constant 0 : i32
        %get3A_1197 = arith.index_cast %get3A_1195 : i32 to index
        %get3A_1198 = arith.index_cast %get3A_1196 : i32 to index
        %get3A_1199 = arith.constant 0 : index
        %get3A_1200 = tpu.vector_load %arg9[%get3A_1197, %get3A_1198, %get3A_1199] {strides = array<i32>} : memref<4x3x16xf32, #tpu.memory_space<vmem>>, vector<16xf32>,
        %get3A_1201 = arith.constant 3 : i32
        %get3A_1202 = arith.constant 1 : i32
        %get3A_1203 = arith.index_cast %get3A_1201 : i32 to index
        %get3A_1204 = arith.index_cast %get3A_1202 : i32 to index
        %get3A_1205 = arith.constant 0 : index
        %get3A_1206 = tpu.vector_load %arg9[%get3A_1203, %get3A_1204, %get3A_1205] {strides = array<i32>} : memref<4x3x16xf32, #tpu.memory_space<vmem>>, vector<16xf32>,
        %get3A_1207 = arith.constant 3 : i32
        %get3A_1208 = arith.constant 2 : i32
        %get3A_1209 = arith.index_cast %get3A_1207 : i32 to index
        %get3A_1210 = arith.index_cast %get3A_1208 : i32 to index
        %get3A_1211 = arith.constant 0 : index
        %get3A_1212 = tpu.vector_load %arg9[%get3A_1209, %get3A_1210, %get3A_1211] {strides = array<i32>} : memref<4x3x16xf32, #tpu.memory_space<vmem>>, vector<16xf32>,
        %mul3A_1213 = arith.constant 6.400000e+01 : f32
        %mul3A_1214 = vector.broadcast %mul3A_1213 : f32 to vector<16xf32>
        %mul3A_1215 = arith.mulf %get3A_617, %mul3A_1214 : vector<16xf32>
        %add3A_1216 = arith.addf %mul3A_1215, %get3A_1200 : vector<16xf32>
        %mul3A_1217 = arith.constant 6.400000e+01 : f32
        %mul3A_1218 = vector.broadcast %mul3A_1217 : f32 to vector<16xf32>
        %mul3A_1219 = arith.mulf %get3A_622, %mul3A_1218 : vector<16xf32>
        %add3A_1220 = arith.addf %mul3A_1219, %get3A_1206 : vector<16xf32>
        %convert_element_type3A_1221 = arith.fptosi %add3A_1216 : vector<16xf32> to vector<16xi32>
        %broadcast_in_dim3A_1222 = arith.constant 1 : i32
        %broadcast_in_dim3A_1223 = vector.broadcast %broadcast_in_dim3A_1222 : i32 to vector<16xi32>
        %broadcast_in_dim3A_1224 = arith.constant 0 : i32
        %broadcast_in_dim3A_1225 = vector.broadcast %broadcast_in_dim3A_1224 : i32 to vector<16xi32>
        %convert_element_type3A_1226 = arith.sitofp %convert_element_type3A_1221 : vector<16xi32> to vector<16xf32>
        %gt3A_1227 = arith.cmpf ogt, %convert_element_type3A_1226, %add3A_1216 : vector<16xf32>
        %select_n3A_1228 = arith.select %gt3A_1227, %broadcast_in_dim3A_1223, %broadcast_in_dim3A_1225 : vector<16xi1>, vector<16xi32>
        %sub3A_1229 = arith.subi %convert_element_type3A_1221, %select_n3A_1228 : vector<16xi32>
        %convert_element_type3A_1230 = arith.fptosi %add3A_1220 : vector<16xf32> to vector<16xi32>
        %broadcast_in_dim3A_1231 = arith.constant 1 : i32
        %broadcast_in_dim3A_1232 = vector.broadcast %broadcast_in_dim3A_1231 : i32 to vector<16xi32>
        %broadcast_in_dim3A_1233 = arith.constant 0 : i32
        %broadcast_in_dim3A_1234 = vector.broadcast %broadcast_in_dim3A_1233 : i32 to vector<16xi32>
        %convert_element_type3A_1235 = arith.sitofp %convert_element_type3A_1230 : vector<16xi32> to vector<16xf32>
        %gt3A_1236 = arith.cmpf ogt, %convert_element_type3A_1235, %add3A_1220 : vector<16xf32>
        %select_n3A_1237 = arith.select %gt3A_1236, %broadcast_in_dim3A_1232, %broadcast_in_dim3A_1234 : vector<16xi1>, vector<16xi32>
        %sub3A_1238 = arith.subi %convert_element_type3A_1230, %select_n3A_1237 : vector<16xi32>
        %convert_element_type3A_1239 = arith.sitofp %sub3A_1229 : vector<16xi32> to vector<16xf32>
        %sub3A_1240 = arith.subf %add3A_1216, %convert_element_type3A_1239 : vector<16xf32>
        %convert_element_type3A_1241 = arith.sitofp %sub3A_1238 : vector<16xi32> to vector<16xf32>
        %sub3A_1242 = arith.subf %add3A_1220, %convert_element_type3A_1241 : vector<16xf32>
        %mul3A_1243 = arith.mulf %sub3A_1242, %get3A_1212 : vector<16xf32>
        %sub3A_1244 = arith.subf %get3A_1212, %mul3A_1243 : vector<16xf32>
        %add3A_1245 = arith.constant 1 : i32
        %add3A_1246 = vector.broadcast %add3A_1245 : i32 to vector<16xi32>
        %add3A_1247 = arith.addi %sub3A_1229, %add3A_1246 : vector<16xi32>
        %add3A_1248 = arith.constant 1 : i32
        %add3A_1249 = vector.broadcast %add3A_1248 : i32 to vector<16xi32>
        %add3A_1250 = arith.addi %sub3A_1238, %add3A_1249 : vector<16xi32>
        %ge3A_1251 = arith.constant 0 : i32
        %ge3A_1252 = vector.broadcast %ge3A_1251 : i32 to vector<16xi32>
        %ge3A_1253 = arith.cmpi sge, %sub3A_1229, %ge3A_1252 : vector<16xi32>
        %le3A_1254 = arith.constant 63 : i32
        %le3A_1255 = vector.broadcast %le3A_1254 : i32 to vector<16xi32>
        %le3A_1256 = arith.cmpi sle, %sub3A_1229, %le3A_1255 : vector<16xi32>
        %and3A_1257 = arith.andi %ge3A_1253, %le3A_1256 : vector<16xi1>
        %ge3A_1258 = arith.constant 0 : i32
        %ge3A_1259 = vector.broadcast %ge3A_1258 : i32 to vector<16xi32>
        %ge3A_1260 = arith.cmpi sge, %add3A_1247, %ge3A_1259 : vector<16xi32>
        %le3A_1261 = arith.constant 63 : i32
        %le3A_1262 = vector.broadcast %le3A_1261 : i32 to vector<16xi32>
        %le3A_1263 = arith.cmpi sle, %add3A_1247, %le3A_1262 : vector<16xi32>
        %and3A_1264 = arith.andi %ge3A_1260, %le3A_1263 : vector<16xi1>
        %ge3A_1265 = arith.constant 0 : i32
        %ge3A_1266 = vector.broadcast %ge3A_1265 : i32 to vector<16xi32>
        %ge3A_1267 = arith.cmpi sge, %sub3A_1238, %ge3A_1266 : vector<16xi32>
        %le3A_1268 = arith.constant 63 : i32
        %le3A_1269 = vector.broadcast %le3A_1268 : i32 to vector<16xi32>
        %le3A_1270 = arith.cmpi sle, %sub3A_1238, %le3A_1269 : vector<16xi32>
        %and3A_1271 = arith.andi %ge3A_1267, %le3A_1270 : vector<16xi1>
        %ge3A_1272 = arith.constant 0 : i32
        %ge3A_1273 = vector.broadcast %ge3A_1272 : i32 to vector<16xi32>
        %ge3A_1274 = arith.cmpi sge, %add3A_1250, %ge3A_1273 : vector<16xi32>
        %le3A_1275 = arith.constant 63 : i32
        %le3A_1276 = vector.broadcast %le3A_1275 : i32 to vector<16xi32>
        %le3A_1277 = arith.cmpi sle, %add3A_1250, %le3A_1276 : vector<16xi32>
        %and3A_1278 = arith.andi %ge3A_1274, %le3A_1277 : vector<16xi1>
        %jit3A_1279 = arith.constant 0 : i32
        %jit3A_1280 = arith.constant 63 : i32
        %max3A_1281 = vector.broadcast %jit3A_1279 : i32 to vector<16xi32>
        %max3A_1282 = arith.maxsi %max3A_1281, %sub3A_1229 : vector<16xi32>
        %min3A_1283 = vector.broadcast %jit3A_1280 : i32 to vector<16xi32>
        %min3A_1284 = arith.minsi %min3A_1283, %max3A_1282 : vector<16xi32>
        %jit3A_1285 = arith.constant 0 : i32
        %jit3A_1286 = arith.constant 63 : i32
        %max3A_1287 = vector.broadcast %jit3A_1285 : i32 to vector<16xi32>
        %max3A_1288 = arith.maxsi %max3A_1287, %add3A_1247 : vector<16xi32>
        %min3A_1289 = vector.broadcast %jit3A_1286 : i32 to vector<16xi32>
        %min3A_1290 = arith.minsi %min3A_1289, %max3A_1288 : vector<16xi32>
        %jit3A_1291 = arith.constant 0 : i32
        %jit3A_1292 = arith.constant 63 : i32
        %max3A_1293 = vector.broadcast %jit3A_1291 : i32 to vector<16xi32>
        %max3A_1294 = arith.maxsi %max3A_1293, %sub3A_1238 : vector<16xi32>
        %min3A_1295 = vector.broadcast %jit3A_1292 : i32 to vector<16xi32>
        %min3A_1296 = arith.minsi %min3A_1295, %max3A_1294 : vector<16xi32>
        %jit3A_1297 = arith.constant 0 : i32
        %jit3A_1298 = arith.constant 63 : i32
        %max3A_1299 = vector.broadcast %jit3A_1297 : i32 to vector<16xi32>
        %max3A_1300 = arith.maxsi %max3A_1299, %add3A_1250 : vector<16xi32>
        %min3A_1301 = vector.broadcast %jit3A_1298 : i32 to vector<16xi32>
        %min3A_1302 = arith.minsi %min3A_1301, %max3A_1300 : vector<16xi32>
        %shift_right_arithmetic3A_1303 = arith.constant 3 : i32
        %shift_right_arithmetic3A_1304 = vector.broadcast %shift_right_arithmetic3A_1303 : i32 to vector<16xi32>
        %shift_right_arithmetic3A_1305 = arith.shrsi %min3A_1284, %shift_right_arithmetic3A_1304 : vector<16xi32>
        %shift_left3A_1306 = arith.constant 6 : i32
        %shift_left3A_1307 = vector.broadcast %shift_left3A_1306 : i32 to vector<16xi32>
        %shift_left3A_1308 = arith.shli %shift_right_arithmetic3A_1305, %shift_left3A_1307 : vector<16xi32>
        %and3A_1309 = arith.constant 7 : i32
        %and3A_1310 = vector.broadcast %and3A_1309 : i32 to vector<16xi32>
        %and3A_1311 = arith.andi %min3A_1284, %and3A_1310 : vector<16xi32>
        %shift_left3A_1312 = arith.constant 2 : i32
        %shift_left3A_1313 = vector.broadcast %shift_left3A_1312 : i32 to vector<16xi32>
        %shift_left3A_1314 = arith.shli %and3A_1311, %shift_left3A_1313 : vector<16xi32>
        %add3A_1315 = arith.addi %shift_left3A_1308, %shift_left3A_1314 : vector<16xi32>
        %add3A_1316 = arith.addi %add3A_1315, %broadcast_in_dim3A : vector<16xi32>
        %shift_right_arithmetic3A_1317 = arith.constant 3 : i32
        %shift_right_arithmetic3A_1318 = vector.broadcast %shift_right_arithmetic3A_1317 : i32 to vector<16xi32>
        %shift_right_arithmetic3A_1319 = arith.shrsi %min3A_1290, %shift_right_arithmetic3A_1318 : vector<16xi32>
        %shift_left3A_1320 = arith.constant 6 : i32
        %shift_left3A_1321 = vector.broadcast %shift_left3A_1320 : i32 to vector<16xi32>
        %shift_left3A_1322 = arith.shli %shift_right_arithmetic3A_1319, %shift_left3A_1321 : vector<16xi32>
        %and3A_1323 = arith.constant 7 : i32
        %and3A_1324 = vector.broadcast %and3A_1323 : i32 to vector<16xi32>
        %and3A_1325 = arith.andi %min3A_1290, %and3A_1324 : vector<16xi32>
        %shift_left3A_1326 = arith.constant 2 : i32
        %shift_left3A_1327 = vector.broadcast %shift_left3A_1326 : i32 to vector<16xi32>
        %shift_left3A_1328 = arith.shli %and3A_1325, %shift_left3A_1327 : vector<16xi32>
        %add3A_1329 = arith.addi %shift_left3A_1322, %shift_left3A_1328 : vector<16xi32>
        %add3A_1330 = arith.addi %add3A_1329, %broadcast_in_dim3A : vector<16xi32>
        %mul3A_1331 = arith.constant 512 : i32
        %mul3A_1332 = vector.broadcast %mul3A_1331 : i32 to vector<16xi32>
        %mul3A_1333 = arith.muli %min3A_1296, %mul3A_1332 : vector<16xi32>
        %mul3A_1334 = arith.constant 512 : i32
        %mul3A_1335 = vector.broadcast %mul3A_1334 : i32 to vector<16xi32>
        %mul3A_1336 = arith.muli %min3A_1302, %mul3A_1335 : vector<16xi32>
        %sub3A_1337 = arith.constant 1.000000e+00 : f32
        %sub3A_1338 = vector.broadcast %sub3A_1337 : f32 to vector<16xf32>
        %sub3A_1339 = arith.subf %sub3A_1338, %sub3A_1240 : vector<16xf32>
        %add3A_1340 = arith.addi %mul3A_1333, %add3A_1316 : vector<16xi32>
        %mul3A_1341 = arith.mulf %sub3A_1339, %sub3A_1244 : vector<16xf32>
        %and3A_1342 = arith.andi %and3A_1271, %and3A_1257 : vector<16xi1>
        %add3A_1343 = arith.addi %mul3A_1336, %add3A_1316 : vector<16xi32>
        %mul3A_1344 = arith.mulf %sub3A_1339, %mul3A_1243 : vector<16xf32>
        %and3A_1345 = arith.andi %and3A_1278, %and3A_1257 : vector<16xi1>
        %add3A_1346 = arith.addi %mul3A_1333, %add3A_1330 : vector<16xi32>
        %mul3A_1347 = arith.mulf %sub3A_1240, %sub3A_1244 : vector<16xf32>
        %and3A_1348 = arith.andi %and3A_1271, %and3A_1264 : vector<16xi1>
        %add3A_1349 = arith.addi %mul3A_1336, %add3A_1330 : vector<16xi32>
        %mul3A_1350 = arith.mulf %sub3A_1240, %mul3A_1243 : vector<16xf32>
        %and3A_1351 = arith.andi %and3A_1278, %and3A_1264 : vector<16xi1>
        %mul3A_1352 = arith.constant 16 : i32
        %mul3A_1353 = arith.muli %scan3A_613, %mul3A_1352 : i32
        %add3A_1354 = arith.constant 768 : i32
        %add3A_1355 = arith.addi %add3A_1354, %mul3A_1353 : i32
        %swap3A_1356 = arith.index_cast %add3A_1355 : i32 to index
        %swap3A_1357 = tpu.vector_load %arg11[%swap3A_1356] {strides = array<i32>} : memref<1024xi32, #tpu.memory_space<vmem>>, vector<16xi32>,
        tpu.vector_store %arg11[%swap3A_1356], %add3A_1340 {strides = array<i32>} : memref<1024xi32, #tpu.memory_space<vmem>>, vector<16xi32>,
        %select_n3A_1358 = arith.select %and3A_1342, %mul3A_1341, %broadcast_in_dim3A_97 : vector<16xi1>, vector<16xf32>
        %swap3A_1359 = arith.index_cast %add3A_1355 : i32 to index
        %swap3A_1360 = tpu.vector_load %arg13[%swap3A_1359] {strides = array<i32>} : memref<1024xf32, #tpu.memory_space<vmem>>, vector<16xf32>,
        tpu.vector_store %arg13[%swap3A_1359], %select_n3A_1358 {strides = array<i32>} : memref<1024xf32, #tpu.memory_space<vmem>>, vector<16xf32>,
        %mul3A_1361 = arith.constant 16 : i32
        %mul3A_1362 = arith.muli %scan3A_613, %mul3A_1361 : i32
        %add3A_1363 = arith.constant 832 : i32
        %add3A_1364 = arith.addi %add3A_1363, %mul3A_1362 : i32
        %swap3A_1365 = arith.index_cast %add3A_1364 : i32 to index
        %swap3A_1366 = tpu.vector_load %arg11[%swap3A_1365] {strides = array<i32>} : memref<1024xi32, #tpu.memory_space<vmem>>, vector<16xi32>,
        tpu.vector_store %arg11[%swap3A_1365], %add3A_1343 {strides = array<i32>} : memref<1024xi32, #tpu.memory_space<vmem>>, vector<16xi32>,
        %select_n3A_1367 = arith.select %and3A_1345, %mul3A_1344, %broadcast_in_dim3A_97 : vector<16xi1>, vector<16xf32>
        %swap3A_1368 = arith.index_cast %add3A_1364 : i32 to index
        %swap3A_1369 = tpu.vector_load %arg13[%swap3A_1368] {strides = array<i32>} : memref<1024xf32, #tpu.memory_space<vmem>>, vector<16xf32>,
        tpu.vector_store %arg13[%swap3A_1368], %select_n3A_1367 {strides = array<i32>} : memref<1024xf32, #tpu.memory_space<vmem>>, vector<16xf32>,
        %mul3A_1370 = arith.constant 16 : i32
        %mul3A_1371 = arith.muli %scan3A_613, %mul3A_1370 : i32
        %add3A_1372 = arith.constant 896 : i32
        %add3A_1373 = arith.addi %add3A_1372, %mul3A_1371 : i32
        %swap3A_1374 = arith.index_cast %add3A_1373 : i32 to index
        %swap3A_1375 = tpu.vector_load %arg11[%swap3A_1374] {strides = array<i32>} : memref<1024xi32, #tpu.memory_space<vmem>>, vector<16xi32>,
        tpu.vector_store %arg11[%swap3A_1374], %add3A_1346 {strides = array<i32>} : memref<1024xi32, #tpu.memory_space<vmem>>, vector<16xi32>,
        %select_n3A_1376 = arith.select %and3A_1348, %mul3A_1347, %broadcast_in_dim3A_97 : vector<16xi1>, vector<16xf32>
        %swap3A_1377 = arith.index_cast %add3A_1373 : i32 to index
        %swap3A_1378 = tpu.vector_load %arg13[%swap3A_1377] {strides = array<i32>} : memref<1024xf32, #tpu.memory_space<vmem>>, vector<16xf32>,
        tpu.vector_store %arg13[%swap3A_1377], %select_n3A_1376 {strides = array<i32>} : memref<1024xf32, #tpu.memory_space<vmem>>, vector<16xf32>,
        %mul3A_1379 = arith.constant 16 : i32
        %mul3A_1380 = arith.muli %scan3A_613, %mul3A_1379 : i32
        %add3A_1381 = arith.constant 960 : i32
        %add3A_1382 = arith.addi %add3A_1381, %mul3A_1380 : i32
        %swap3A_1383 = arith.index_cast %add3A_1382 : i32 to index
        %swap3A_1384 = tpu.vector_load %arg11[%swap3A_1383] {strides = array<i32>} : memref<1024xi32, #tpu.memory_space<vmem>>, vector<16xi32>,
        tpu.vector_store %arg11[%swap3A_1383], %add3A_1349 {strides = array<i32>} : memref<1024xi32, #tpu.memory_space<vmem>>, vector<16xi32>,
        %select_n3A_1385 = arith.select %and3A_1351, %mul3A_1350, %broadcast_in_dim3A_97 : vector<16xi1>, vector<16xf32>
        %swap3A_1386 = arith.index_cast %add3A_1382 : i32 to index
        %swap3A_1387 = tpu.vector_load %arg13[%swap3A_1386] {strides = array<i32>} : memref<1024xf32, #tpu.memory_space<vmem>>, vector<16xf32>,
        tpu.vector_store %arg13[%swap3A_1386], %select_n3A_1385 {strides = array<i32>} : memref<1024xf32, #tpu.memory_space<vmem>>, vector<16xf32>,
      }
      %scan3A_289 = arith.constant 4 : i32
      %dma_start3A_290 = arith.constant 0 : i32
      %dma_start3A_291 = arith.constant 0 : i32
      %dma_start3A_292 = tpu.memref_slice %arg15[%dma_start3A_290, %dma_start3A_291] : memref<1024x32xf32, #tpu.memory_space<vmem>> -> memref<128x32xf32, #tpu.memory_space<vmem>>
      %dma_start3A_293 = arith.constant 0 : i32
      %dma_start3A_294 = tpu.memref_slice %arg11[%dma_start3A_293] : memref<1024xi32, #tpu.memory_space<vmem>> -> memref<128xi32, #tpu.memory_space<vmem>>
      %dma_start3A_295 = arith.constant 0 : i32
      %dma_start3A_296 = arith.constant 0 : i32
      %dma_start3A_297 = tpu.memref_slice %arg2[%dma_start3A_295, %dma_start3A_296] : memref<131072x32xf32, #tpu.memory_space<hbm>> -> memref<131072x32xf32, #tpu.memory_space<hbm>>
      tpu.enqueue_indirect_dma source(%dma_start3A_297 : memref<131072x32xf32, #tpu.memory_space<hbm>>) target(%dma_start3A_292 : memref<128x32xf32, #tpu.memory_space<vmem>>) offsets(%dma_start3A_294 : memref<128xi32, #tpu.memory_space<vmem>>) semaphore(%arg19 : memref<!tpu.dma_semaphore, #tpu.memory_space<semaphore_mem>>)
      %dma_start3A_298 = arith.constant 128 : i32
      %dma_start3A_299 = arith.constant 0 : i32
      %dma_start3A_300 = tpu.memref_slice %arg15[%dma_start3A_298, %dma_start3A_299] : memref<1024x32xf32, #tpu.memory_space<vmem>> -> memref<128x32xf32, #tpu.memory_space<vmem>>
      %dma_start3A_301 = arith.constant 128 : i32
      %dma_start3A_302 = tpu.memref_slice %arg11[%dma_start3A_301] : memref<1024xi32, #tpu.memory_space<vmem>> -> memref<128xi32, #tpu.memory_space<vmem>>
      %dma_start3A_303 = arith.constant 0 : i32
      %dma_start3A_304 = arith.constant 0 : i32
      %dma_start3A_305 = tpu.memref_slice %arg2[%dma_start3A_303, %dma_start3A_304] : memref<131072x32xf32, #tpu.memory_space<hbm>> -> memref<131072x32xf32, #tpu.memory_space<hbm>>
      tpu.enqueue_indirect_dma source(%dma_start3A_305 : memref<131072x32xf32, #tpu.memory_space<hbm>>) target(%dma_start3A_300 : memref<128x32xf32, #tpu.memory_space<vmem>>) offsets(%dma_start3A_302 : memref<128xi32, #tpu.memory_space<vmem>>) semaphore(%arg19 : memref<!tpu.dma_semaphore, #tpu.memory_space<semaphore_mem>>)
      %dma_start3A_306 = arith.constant 256 : i32
      %dma_start3A_307 = arith.constant 0 : i32
      %dma_start3A_308 = tpu.memref_slice %arg15[%dma_start3A_306, %dma_start3A_307] : memref<1024x32xf32, #tpu.memory_space<vmem>> -> memref<128x32xf32, #tpu.memory_space<vmem>>
      %dma_start3A_309 = arith.constant 256 : i32
      %dma_start3A_310 = tpu.memref_slice %arg11[%dma_start3A_309] : memref<1024xi32, #tpu.memory_space<vmem>> -> memref<128xi32, #tpu.memory_space<vmem>>
      %dma_start3A_311 = arith.constant 0 : i32
      %dma_start3A_312 = arith.constant 0 : i32
      %dma_start3A_313 = tpu.memref_slice %arg2[%dma_start3A_311, %dma_start3A_312] : memref<131072x32xf32, #tpu.memory_space<hbm>> -> memref<131072x32xf32, #tpu.memory_space<hbm>>
      tpu.enqueue_indirect_dma source(%dma_start3A_313 : memref<131072x32xf32, #tpu.memory_space<hbm>>) target(%dma_start3A_308 : memref<128x32xf32, #tpu.memory_space<vmem>>) offsets(%dma_start3A_310 : memref<128xi32, #tpu.memory_space<vmem>>) semaphore(%arg19 : memref<!tpu.dma_semaphore, #tpu.memory_space<semaphore_mem>>)
      %dma_start3A_314 = arith.constant 384 : i32
      %dma_start3A_315 = arith.constant 0 : i32
      %dma_start3A_316 = tpu.memref_slice %arg15[%dma_start3A_314, %dma_start3A_315] : memref<1024x32xf32, #tpu.memory_space<vmem>> -> memref<128x32xf32, #tpu.memory_space<vmem>>
      %dma_start3A_317 = arith.constant 384 : i32
      %dma_start3A_318 = tpu.memref_slice %arg11[%dma_start3A_317] : memref<1024xi32, #tpu.memory_space<vmem>> -> memref<128xi32, #tpu.memory_space<vmem>>
      %dma_start3A_319 = arith.constant 0 : i32
      %dma_start3A_320 = arith.constant 0 : i32
      %dma_start3A_321 = tpu.memref_slice %arg2[%dma_start3A_319, %dma_start3A_320] : memref<131072x32xf32, #tpu.memory_space<hbm>> -> memref<131072x32xf32, #tpu.memory_space<hbm>>
      tpu.enqueue_indirect_dma source(%dma_start3A_321 : memref<131072x32xf32, #tpu.memory_space<hbm>>) target(%dma_start3A_316 : memref<128x32xf32, #tpu.memory_space<vmem>>) offsets(%dma_start3A_318 : memref<128xi32, #tpu.memory_space<vmem>>) semaphore(%arg19 : memref<!tpu.dma_semaphore, #tpu.memory_space<semaphore_mem>>)
      %dma_start3A_322 = arith.constant 512 : i32
      %dma_start3A_323 = arith.constant 0 : i32
      %dma_start3A_324 = tpu.memref_slice %arg15[%dma_start3A_322, %dma_start3A_323] : memref<1024x32xf32, #tpu.memory_space<vmem>> -> memref<128x32xf32, #tpu.memory_space<vmem>>
      %dma_start3A_325 = arith.constant 512 : i32
      %dma_start3A_326 = tpu.memref_slice %arg11[%dma_start3A_325] : memref<1024xi32, #tpu.memory_space<vmem>> -> memref<128xi32, #tpu.memory_space<vmem>>
      %dma_start3A_327 = arith.constant 0 : i32
      %dma_start3A_328 = arith.constant 0 : i32
      %dma_start3A_329 = tpu.memref_slice %arg2[%dma_start3A_327, %dma_start3A_328] : memref<131072x32xf32, #tpu.memory_space<hbm>> -> memref<131072x32xf32, #tpu.memory_space<hbm>>
      tpu.enqueue_indirect_dma source(%dma_start3A_329 : memref<131072x32xf32, #tpu.memory_space<hbm>>) target(%dma_start3A_324 : memref<128x32xf32, #tpu.memory_space<vmem>>) offsets(%dma_start3A_326 : memref<128xi32, #tpu.memory_space<vmem>>) semaphore(%arg19 : memref<!tpu.dma_semaphore, #tpu.memory_space<semaphore_mem>>)
      %dma_start3A_330 = arith.constant 640 : i32
      %dma_start3A_331 = arith.constant 0 : i32
      %dma_start3A_332 = tpu.memref_slice %arg15[%dma_start3A_330, %dma_start3A_331] : memref<1024x32xf32, #tpu.memory_space<vmem>> -> memref<128x32xf32, #tpu.memory_space<vmem>>
      %dma_start3A_333 = arith.constant 640 : i32
      %dma_start3A_334 = tpu.memref_slice %arg11[%dma_start3A_333] : memref<1024xi32, #tpu.memory_space<vmem>> -> memref<128xi32, #tpu.memory_space<vmem>>
      %dma_start3A_335 = arith.constant 0 : i32
      %dma_start3A_336 = arith.constant 0 : i32
      %dma_start3A_337 = tpu.memref_slice %arg2[%dma_start3A_335, %dma_start3A_336] : memref<131072x32xf32, #tpu.memory_space<hbm>> -> memref<131072x32xf32, #tpu.memory_space<hbm>>
      tpu.enqueue_indirect_dma source(%dma_start3A_337 : memref<131072x32xf32, #tpu.memory_space<hbm>>) target(%dma_start3A_332 : memref<128x32xf32, #tpu.memory_space<vmem>>) offsets(%dma_start3A_334 : memref<128xi32, #tpu.memory_space<vmem>>) semaphore(%arg19 : memref<!tpu.dma_semaphore, #tpu.memory_space<semaphore_mem>>)
      %dma_start3A_338 = arith.constant 768 : i32
      %dma_start3A_339 = arith.constant 0 : i32
      %dma_start3A_340 = tpu.memref_slice %arg15[%dma_start3A_338, %dma_start3A_339] : memref<1024x32xf32, #tpu.memory_space<vmem>> -> memref<128x32xf32, #tpu.memory_space<vmem>>
      %dma_start3A_341 = arith.constant 768 : i32
      %dma_start3A_342 = tpu.memref_slice %arg11[%dma_start3A_341] : memref<1024xi32, #tpu.memory_space<vmem>> -> memref<128xi32, #tpu.memory_space<vmem>>
      %dma_start3A_343 = arith.constant 0 : i32
      %dma_start3A_344 = arith.constant 0 : i32
      %dma_start3A_345 = tpu.memref_slice %arg2[%dma_start3A_343, %dma_start3A_344] : memref<131072x32xf32, #tpu.memory_space<hbm>> -> memref<131072x32xf32, #tpu.memory_space<hbm>>
      tpu.enqueue_indirect_dma source(%dma_start3A_345 : memref<131072x32xf32, #tpu.memory_space<hbm>>) target(%dma_start3A_340 : memref<128x32xf32, #tpu.memory_space<vmem>>) offsets(%dma_start3A_342 : memref<128xi32, #tpu.memory_space<vmem>>) semaphore(%arg19 : memref<!tpu.dma_semaphore, #tpu.memory_space<semaphore_mem>>)
      %dma_start3A_346 = arith.constant 896 : i32
      %dma_start3A_347 = arith.constant 0 : i32
      %dma_start3A_348 = tpu.memref_slice %arg15[%dma_start3A_346, %dma_start3A_347] : memref<1024x32xf32, #tpu.memory_space<vmem>> -> memref<128x32xf32, #tpu.memory_space<vmem>>
      %dma_start3A_349 = arith.constant 896 : i32
      %dma_start3A_350 = tpu.memref_slice %arg11[%dma_start3A_349] : memref<1024xi32, #tpu.memory_space<vmem>> -> memref<128xi32, #tpu.memory_space<vmem>>
      %dma_start3A_351 = arith.constant 0 : i32
      %dma_start3A_352 = arith.constant 0 : i32
      %dma_start3A_353 = tpu.memref_slice %arg2[%dma_start3A_351, %dma_start3A_352] : memref<131072x32xf32, #tpu.memory_space<hbm>> -> memref<131072x32xf32, #tpu.memory_space<hbm>>
      tpu.enqueue_indirect_dma source(%dma_start3A_353 : memref<131072x32xf32, #tpu.memory_space<hbm>>) target(%dma_start3A_348 : memref<128x32xf32, #tpu.memory_space<vmem>>) offsets(%dma_start3A_350 : memref<128xi32, #tpu.memory_space<vmem>>) semaphore(%arg19 : memref<!tpu.dma_semaphore, #tpu.memory_space<semaphore_mem>>)
      %dma_wait3A_354 = arith.constant 0 : i32
      %dma_wait3A_355 = arith.constant 0 : i32
      %dma_wait3A_356 = tpu.memref_slice %arg14[%dma_wait3A_354, %dma_wait3A_355] : memref<1024x32xf32, #tpu.memory_space<vmem>> -> memref<128x32xf32, #tpu.memory_space<vmem>>
      %dma_wait3A_357 = arith.constant 0 : i32
      %dma_wait3A_358 = tpu.memref_slice %arg10[%dma_wait3A_357] : memref<1024xi32, #tpu.memory_space<vmem>> -> memref<128xi32, #tpu.memory_space<vmem>>
      %dma_wait3A_359 = arith.constant 0 : i32
      %dma_wait3A_360 = arith.constant 0 : i32
      %dma_wait3A_361 = tpu.memref_slice %arg2[%dma_wait3A_359, %dma_wait3A_360] : memref<131072x32xf32, #tpu.memory_space<hbm>> -> memref<131072x32xf32, #tpu.memory_space<hbm>>
      tpu.wait_indirect_dma semaphore(%arg18 : memref<!tpu.dma_semaphore, #tpu.memory_space<semaphore_mem>>) src(%dma_wait3A_361 : memref<131072x32xf32, #tpu.memory_space<hbm>>) dst(%dma_wait3A_356 : memref<128x32xf32, #tpu.memory_space<vmem>>)
      %dma_wait3A_362 = arith.constant 128 : i32
      %dma_wait3A_363 = arith.constant 0 : i32
      %dma_wait3A_364 = tpu.memref_slice %arg14[%dma_wait3A_362, %dma_wait3A_363] : memref<1024x32xf32, #tpu.memory_space<vmem>> -> memref<128x32xf32, #tpu.memory_space<vmem>>
      %dma_wait3A_365 = arith.constant 128 : i32
      %dma_wait3A_366 = tpu.memref_slice %arg10[%dma_wait3A_365] : memref<1024xi32, #tpu.memory_space<vmem>> -> memref<128xi32, #tpu.memory_space<vmem>>
      %dma_wait3A_367 = arith.constant 0 : i32
      %dma_wait3A_368 = arith.constant 0 : i32
      %dma_wait3A_369 = tpu.memref_slice %arg2[%dma_wait3A_367, %dma_wait3A_368] : memref<131072x32xf32, #tpu.memory_space<hbm>> -> memref<131072x32xf32, #tpu.memory_space<hbm>>
      tpu.wait_indirect_dma semaphore(%arg18 : memref<!tpu.dma_semaphore, #tpu.memory_space<semaphore_mem>>) src(%dma_wait3A_369 : memref<131072x32xf32, #tpu.memory_space<hbm>>) dst(%dma_wait3A_364 : memref<128x32xf32, #tpu.memory_space<vmem>>)
      %dma_wait3A_370 = arith.constant 256 : i32
      %dma_wait3A_371 = arith.constant 0 : i32
      %dma_wait3A_372 = tpu.memref_slice %arg14[%dma_wait3A_370, %dma_wait3A_371] : memref<1024x32xf32, #tpu.memory_space<vmem>> -> memref<128x32xf32, #tpu.memory_space<vmem>>
      %dma_wait3A_373 = arith.constant 256 : i32
      %dma_wait3A_374 = tpu.memref_slice %arg10[%dma_wait3A_373] : memref<1024xi32, #tpu.memory_space<vmem>> -> memref<128xi32, #tpu.memory_space<vmem>>
      %dma_wait3A_375 = arith.constant 0 : i32
      %dma_wait3A_376 = arith.constant 0 : i32
      %dma_wait3A_377 = tpu.memref_slice %arg2[%dma_wait3A_375, %dma_wait3A_376] : memref<131072x32xf32, #tpu.memory_space<hbm>> -> memref<131072x32xf32, #tpu.memory_space<hbm>>
      tpu.wait_indirect_dma semaphore(%arg18 : memref<!tpu.dma_semaphore, #tpu.memory_space<semaphore_mem>>) src(%dma_wait3A_377 : memref<131072x32xf32, #tpu.memory_space<hbm>>) dst(%dma_wait3A_372 : memref<128x32xf32, #tpu.memory_space<vmem>>)
      %dma_wait3A_378 = arith.constant 384 : i32
      %dma_wait3A_379 = arith.constant 0 : i32
      %dma_wait3A_380 = tpu.memref_slice %arg14[%dma_wait3A_378, %dma_wait3A_379] : memref<1024x32xf32, #tpu.memory_space<vmem>> -> memref<128x32xf32, #tpu.memory_space<vmem>>
      %dma_wait3A_381 = arith.constant 384 : i32
      %dma_wait3A_382 = tpu.memref_slice %arg10[%dma_wait3A_381] : memref<1024xi32, #tpu.memory_space<vmem>> -> memref<128xi32, #tpu.memory_space<vmem>>
      %dma_wait3A_383 = arith.constant 0 : i32
      %dma_wait3A_384 = arith.constant 0 : i32
      %dma_wait3A_385 = tpu.memref_slice %arg2[%dma_wait3A_383, %dma_wait3A_384] : memref<131072x32xf32, #tpu.memory_space<hbm>> -> memref<131072x32xf32, #tpu.memory_space<hbm>>
      tpu.wait_indirect_dma semaphore(%arg18 : memref<!tpu.dma_semaphore, #tpu.memory_space<semaphore_mem>>) src(%dma_wait3A_385 : memref<131072x32xf32, #tpu.memory_space<hbm>>) dst(%dma_wait3A_380 : memref<128x32xf32, #tpu.memory_space<vmem>>)
      %dma_wait3A_386 = arith.constant 512 : i32
      %dma_wait3A_387 = arith.constant 0 : i32
      %dma_wait3A_388 = tpu.memref_slice %arg14[%dma_wait3A_386, %dma_wait3A_387] : memref<1024x32xf32, #tpu.memory_space<vmem>> -> memref<128x32xf32, #tpu.memory_space<vmem>>
      %dma_wait3A_389 = arith.constant 512 : i32
      %dma_wait3A_390 = tpu.memref_slice %arg10[%dma_wait3A_389] : memref<1024xi32, #tpu.memory_space<vmem>> -> memref<128xi32, #tpu.memory_space<vmem>>
      %dma_wait3A_391 = arith.constant 0 : i32
      %dma_wait3A_392 = arith.constant 0 : i32
      %dma_wait3A_393 = tpu.memref_slice %arg2[%dma_wait3A_391, %dma_wait3A_392] : memref<131072x32xf32, #tpu.memory_space<hbm>> -> memref<131072x32xf32, #tpu.memory_space<hbm>>
      tpu.wait_indirect_dma semaphore(%arg18 : memref<!tpu.dma_semaphore, #tpu.memory_space<semaphore_mem>>) src(%dma_wait3A_393 : memref<131072x32xf32, #tpu.memory_space<hbm>>) dst(%dma_wait3A_388 : memref<128x32xf32, #tpu.memory_space<vmem>>)
      %dma_wait3A_394 = arith.constant 640 : i32
      %dma_wait3A_395 = arith.constant 0 : i32
      %dma_wait3A_396 = tpu.memref_slice %arg14[%dma_wait3A_394, %dma_wait3A_395] : memref<1024x32xf32, #tpu.memory_space<vmem>> -> memref<128x32xf32, #tpu.memory_space<vmem>>
      %dma_wait3A_397 = arith.constant 640 : i32
      %dma_wait3A_398 = tpu.memref_slice %arg10[%dma_wait3A_397] : memref<1024xi32, #tpu.memory_space<vmem>> -> memref<128xi32, #tpu.memory_space<vmem>>
      %dma_wait3A_399 = arith.constant 0 : i32
      %dma_wait3A_400 = arith.constant 0 : i32
      %dma_wait3A_401 = tpu.memref_slice %arg2[%dma_wait3A_399, %dma_wait3A_400] : memref<131072x32xf32, #tpu.memory_space<hbm>> -> memref<131072x32xf32, #tpu.memory_space<hbm>>
      tpu.wait_indirect_dma semaphore(%arg18 : memref<!tpu.dma_semaphore, #tpu.memory_space<semaphore_mem>>) src(%dma_wait3A_401 : memref<131072x32xf32, #tpu.memory_space<hbm>>) dst(%dma_wait3A_396 : memref<128x32xf32, #tpu.memory_space<vmem>>)
      %dma_wait3A_402 = arith.constant 768 : i32
      %dma_wait3A_403 = arith.constant 0 : i32
      %dma_wait3A_404 = tpu.memref_slice %arg14[%dma_wait3A_402, %dma_wait3A_403] : memref<1024x32xf32, #tpu.memory_space<vmem>> -> memref<128x32xf32, #tpu.memory_space<vmem>>
      %dma_wait3A_405 = arith.constant 768 : i32
      %dma_wait3A_406 = tpu.memref_slice %arg10[%dma_wait3A_405] : memref<1024xi32, #tpu.memory_space<vmem>> -> memref<128xi32, #tpu.memory_space<vmem>>
      %dma_wait3A_407 = arith.constant 0 : i32
      %dma_wait3A_408 = arith.constant 0 : i32
      %dma_wait3A_409 = tpu.memref_slice %arg2[%dma_wait3A_407, %dma_wait3A_408] : memref<131072x32xf32, #tpu.memory_space<hbm>> -> memref<131072x32xf32, #tpu.memory_space<hbm>>
      tpu.wait_indirect_dma semaphore(%arg18 : memref<!tpu.dma_semaphore, #tpu.memory_space<semaphore_mem>>) src(%dma_wait3A_409 : memref<131072x32xf32, #tpu.memory_space<hbm>>) dst(%dma_wait3A_404 : memref<128x32xf32, #tpu.memory_space<vmem>>)
      %dma_wait3A_410 = arith.constant 896 : i32
      %dma_wait3A_411 = arith.constant 0 : i32
      %dma_wait3A_412 = tpu.memref_slice %arg14[%dma_wait3A_410, %dma_wait3A_411] : memref<1024x32xf32, #tpu.memory_space<vmem>> -> memref<128x32xf32, #tpu.memory_space<vmem>>
      %dma_wait3A_413 = arith.constant 896 : i32
      %dma_wait3A_414 = tpu.memref_slice %arg10[%dma_wait3A_413] : memref<1024xi32, #tpu.memory_space<vmem>> -> memref<128xi32, #tpu.memory_space<vmem>>
      %dma_wait3A_415 = arith.constant 0 : i32
      %dma_wait3A_416 = arith.constant 0 : i32
      %dma_wait3A_417 = tpu.memref_slice %arg2[%dma_wait3A_415, %dma_wait3A_416] : memref<131072x32xf32, #tpu.memory_space<hbm>> -> memref<131072x32xf32, #tpu.memory_space<hbm>>
      tpu.wait_indirect_dma semaphore(%arg18 : memref<!tpu.dma_semaphore, #tpu.memory_space<semaphore_mem>>) src(%dma_wait3A_417 : memref<131072x32xf32, #tpu.memory_space<hbm>>) dst(%dma_wait3A_412 : memref<128x32xf32, #tpu.memory_space<vmem>>)
      %mul3A_418 = arith.constant 2 : i32
      %mul3A_419 = arith.muli %mul3A_418, %scan3A_275 : i32
      %ge3A = arith.constant 2 : i32
      %ge3A_420 = arith.cmpi sge, %mul3A_419, %ge3A : i32
      %convert_element_type3A = arith.extui %ge3A_420 : i1 to i32
      %cond3A = arith.constant 0 : i32
      %cond3A_421 = arith.cmpi ne, %convert_element_type3A, %cond3A : i32
      scf.if %cond3A_421 {
        %mul3A_613 = arith.constant 128 : i32
        %mul3A_614 = arith.muli %select_n3A, %mul3A_613 : i32
        %mul3A_615 = arith.constant 8 : i32
        %mul3A_616 = arith.muli %add3A_279, %mul3A_615 : i32
        %add3A_617 = arith.addi %mul3A_614, %mul3A_616 : i32
        %jit3A_618 = arith.constant 4 : i32
        %div3A_619 = arith.divsi %select_n3A_30, %jit3A_618 : i32
        %sign3A_620 = arith.constant 0 : i32
        %sign3A_621 = arith.cmpi sgt, %select_n3A_30, %sign3A_620 : i32
        %sign3A_622 = arith.extui %sign3A_621 : i1 to i32
        %sign3A_623 = arith.constant 0 : i32
        %sign3A_624 = arith.cmpi slt, %select_n3A_30, %sign3A_623 : i32
        %sign3A_625 = arith.extui %sign3A_624 : i1 to i32
        %sign3A_626 = arith.subi %sign3A_622, %sign3A_625 : i32
        %sign3A_627 = arith.constant 0 : i32
        %sign3A_628 = arith.cmpi sgt, %jit3A_618, %sign3A_627 : i32
        %sign3A_629 = arith.extui %sign3A_628 : i1 to i32
        %sign3A_630 = arith.constant 0 : i32
        %sign3A_631 = arith.cmpi slt, %jit3A_618, %sign3A_630 : i32
        %sign3A_632 = arith.extui %sign3A_631 : i1 to i32
        %sign3A_633 = arith.subi %sign3A_629, %sign3A_632 : i32
        %ne3A_634 = arith.cmpi ne, %sign3A_626, %sign3A_633 : i32
        %rem3A_635 = arith.remsi %select_n3A_30, %jit3A_618 : i32
        %ne3A_636 = arith.constant 0 : i32
        %ne3A_637 = arith.cmpi ne, %rem3A_635, %ne3A_636 : i32
        %and3A_638 = arith.andi %ne3A_634, %ne3A_637 : i1
        %sub3A_639 = arith.constant 1 : i32
        %sub3A_640 = arith.subi %div3A_619, %sub3A_639 : i32
        %select_n3A_641 = arith.select %and3A_638, %sub3A_640, %div3A_619 : i32
        %jit3A_642 = arith.constant 4 : i32
        %eq3A_643 = arith.constant 0 : i32
        %eq3A_644 = arith.cmpi eq, %jit3A_642, %eq3A_643 : i32
        %jit3A_645 = arith.constant 1 : i32
        %select_n3A_646 = arith.select %eq3A_644, %jit3A_645, %jit3A_642 : i32
        %rem3A_647 = arith.remsi %select_n3A_30, %select_n3A_646 : i32
        %ne3A_648 = arith.constant 0 : i32
        %ne3A_649 = arith.cmpi ne, %rem3A_647, %ne3A_648 : i32
        %lt3A_650 = arith.constant 0 : i32
        %lt3A_651 = arith.cmpi slt, %rem3A_647, %lt3A_650 : i32
        %lt3A_652 = arith.constant 0 : i32
        %lt3A_653 = arith.cmpi slt, %select_n3A_646, %lt3A_652 : i32
        %ne3A_654 = arith.xori %lt3A_651, %lt3A_653 : i1
        %and3A_655 = arith.andi %ne3A_654, %ne3A_649 : i1
        %add3A_656 = arith.addi %rem3A_647, %select_n3A_646 : i32
        %select_n3A_657 = arith.select %and3A_655, %add3A_656, %rem3A_647 : i32
        %mul3A_658 = arith.constant 32 : i32
        %mul3A_659 = arith.muli %select_n3A_657, %mul3A_658 : i32
        %dma_wait3A_660 = arith.constant 0 : i32
        %dma_wait3A_661 = tpu.memref_slice %arg6[%add3A_617, %select_n3A_641, %dma_wait3A_660, %mul3A_659] : memref<512x2x8x128xf32, #tpu.memory_space<hbm>> -> memref<8x1x8x32xf32, #tpu.memory_space<hbm>>
        %dma_wait3A_662 = tpu.memref_squeeze %dma_wait3A_661 : memref<8x1x8x32xf32, #tpu.memory_space<hbm>> -> memref<8x8x32xf32, #tpu.memory_space<hbm>>
        %dma_wait3A_663 = arith.constant 0 : i32
        %dma_wait3A_664 = tpu.memref_slice %arg6[%add3A_617, %select_n3A_641, %dma_wait3A_663, %mul3A_659] : memref<512x2x8x128xf32, #tpu.memory_space<hbm>> -> memref<8x1x8x32xf32, #tpu.memory_space<hbm>>
        %dma_wait3A_665 = tpu.memref_squeeze %dma_wait3A_664 : memref<8x1x8x32xf32, #tpu.memory_space<hbm>> -> memref<8x8x32xf32, #tpu.memory_space<hbm>>
        tpu.wait_dma2 semaphore(%arg20 : memref<!tpu.dma_semaphore, #tpu.memory_space<semaphore_mem>>) src(%arg16 : memref<8x8x32xf32, #tpu.memory_space<vmem>>) dst(%dma_wait3A_665 : memref<8x8x32xf32, #tpu.memory_space<hbm>>)
      } else {
      }
      %parallel_loop3A = arith.constant 0 : i32
      %parallel_loop3A_422 = arith.constant 64 : i32
      %parallel_loop3A_423 = arith.constant 1 : i32
      scf.for %parallel_loop3A_613 = %parallel_loop3A to %parallel_loop3A_422 step %parallel_loop3A_423  : i32 {
        %parallel_loop3A_614 = arith.constant 0 : i32
        %parallel_loop3A_615 = arith.addi %parallel_loop3A_614, %parallel_loop3A_613 : i32
        %parallel_loop3A_616 = vector.broadcast %parallel_loop3A_615 : i32 to vector<16xi32>
        %parallel_loop3A_617 = tpu.vector_load_idx %arg12[%parallel_loop3A_616] : memref<1024xf32, #tpu.memory_space<vmem>>[vector<16xi32>], vector<16xf32>,
        %parallel_loop3A_618 = arith.index_cast %parallel_loop3A_615 : i32 to index
        %parallel_loop3A_619 = arith.constant 0 : index
        %parallel_loop3A_620 = tpu.vector_load %arg14[%parallel_loop3A_618, %parallel_loop3A_619] {strides = array<i32>} : memref<1024x32xf32, #tpu.memory_space<vmem>>, vector<16xf32>,
        %parallel_loop3A_621 = arith.mulf %parallel_loop3A_617, %parallel_loop3A_620 : vector<16xf32>
        %parallel_loop3A_622 = arith.addf %broadcast_in_dim3A_97, %parallel_loop3A_621 : vector<16xf32>
        %parallel_loop3A_623 = arith.index_cast %parallel_loop3A_615 : i32 to index
        %parallel_loop3A_624 = arith.constant 16 : index
        %parallel_loop3A_625 = tpu.vector_load %arg14[%parallel_loop3A_623, %parallel_loop3A_624] {strides = array<i32>} : memref<1024x32xf32, #tpu.memory_space<vmem>>, vector<16xf32>,
        %parallel_loop3A_626 = arith.mulf %parallel_loop3A_617, %parallel_loop3A_625 : vector<16xf32>
        %parallel_loop3A_627 = arith.addf %broadcast_in_dim3A_97, %parallel_loop3A_626 : vector<16xf32>
        %parallel_loop3A_628 = arith.constant 64 : i32
        %parallel_loop3A_629 = arith.addi %parallel_loop3A_628, %parallel_loop3A_613 : i32
        %parallel_loop3A_630 = vector.broadcast %parallel_loop3A_629 : i32 to vector<16xi32>
        %parallel_loop3A_631 = tpu.vector_load_idx %arg12[%parallel_loop3A_630] : memref<1024xf32, #tpu.memory_space<vmem>>[vector<16xi32>], vector<16xf32>,
        %parallel_loop3A_632 = arith.index_cast %parallel_loop3A_629 : i32 to index
        %parallel_loop3A_633 = arith.constant 0 : index
        %parallel_loop3A_634 = tpu.vector_load %arg14[%parallel_loop3A_632, %parallel_loop3A_633] {strides = array<i32>} : memref<1024x32xf32, #tpu.memory_space<vmem>>, vector<16xf32>,
        %parallel_loop3A_635 = arith.mulf %parallel_loop3A_631, %parallel_loop3A_634 : vector<16xf32>
        %parallel_loop3A_636 = arith.addf %broadcast_in_dim3A_97, %parallel_loop3A_635 : vector<16xf32>
        %parallel_loop3A_637 = arith.index_cast %parallel_loop3A_629 : i32 to index
        %parallel_loop3A_638 = arith.constant 16 : index
        %parallel_loop3A_639 = tpu.vector_load %arg14[%parallel_loop3A_637, %parallel_loop3A_638] {strides = array<i32>} : memref<1024x32xf32, #tpu.memory_space<vmem>>, vector<16xf32>,
        %parallel_loop3A_640 = arith.mulf %parallel_loop3A_631, %parallel_loop3A_639 : vector<16xf32>
        %parallel_loop3A_641 = arith.addf %broadcast_in_dim3A_97, %parallel_loop3A_640 : vector<16xf32>
        %parallel_loop3A_642 = arith.constant 128 : i32
        %parallel_loop3A_643 = arith.addi %parallel_loop3A_642, %parallel_loop3A_613 : i32
        %parallel_loop3A_644 = vector.broadcast %parallel_loop3A_643 : i32 to vector<16xi32>
        %parallel_loop3A_645 = tpu.vector_load_idx %arg12[%parallel_loop3A_644] : memref<1024xf32, #tpu.memory_space<vmem>>[vector<16xi32>], vector<16xf32>,
        %parallel_loop3A_646 = arith.index_cast %parallel_loop3A_643 : i32 to index
        %parallel_loop3A_647 = arith.constant 0 : index
        %parallel_loop3A_648 = tpu.vector_load %arg14[%parallel_loop3A_646, %parallel_loop3A_647] {strides = array<i32>} : memref<1024x32xf32, #tpu.memory_space<vmem>>, vector<16xf32>,
        %parallel_loop3A_649 = arith.mulf %parallel_loop3A_645, %parallel_loop3A_648 : vector<16xf32>
        %parallel_loop3A_650 = arith.addf %parallel_loop3A_622, %parallel_loop3A_649 : vector<16xf32>
        %parallel_loop3A_651 = arith.index_cast %parallel_loop3A_643 : i32 to index
        %parallel_loop3A_652 = arith.constant 16 : index
        %parallel_loop3A_653 = tpu.vector_load %arg14[%parallel_loop3A_651, %parallel_loop3A_652] {strides = array<i32>} : memref<1024x32xf32, #tpu.memory_space<vmem>>, vector<16xf32>,
        %parallel_loop3A_654 = arith.mulf %parallel_loop3A_645, %parallel_loop3A_653 : vector<16xf32>
        %parallel_loop3A_655 = arith.addf %parallel_loop3A_627, %parallel_loop3A_654 : vector<16xf32>
        %parallel_loop3A_656 = arith.constant 192 : i32
        %parallel_loop3A_657 = arith.addi %parallel_loop3A_656, %parallel_loop3A_613 : i32
        %parallel_loop3A_658 = vector.broadcast %parallel_loop3A_657 : i32 to vector<16xi32>
        %parallel_loop3A_659 = tpu.vector_load_idx %arg12[%parallel_loop3A_658] : memref<1024xf32, #tpu.memory_space<vmem>>[vector<16xi32>], vector<16xf32>,
        %parallel_loop3A_660 = arith.index_cast %parallel_loop3A_657 : i32 to index
        %parallel_loop3A_661 = arith.constant 0 : index
        %parallel_loop3A_662 = tpu.vector_load %arg14[%parallel_loop3A_660, %parallel_loop3A_661] {strides = array<i32>} : memref<1024x32xf32, #tpu.memory_space<vmem>>, vector<16xf32>,
        %parallel_loop3A_663 = arith.mulf %parallel_loop3A_659, %parallel_loop3A_662 : vector<16xf32>
        %parallel_loop3A_664 = arith.addf %parallel_loop3A_636, %parallel_loop3A_663 : vector<16xf32>
        %parallel_loop3A_665 = arith.index_cast %parallel_loop3A_657 : i32 to index
        %parallel_loop3A_666 = arith.constant 16 : index
        %parallel_loop3A_667 = tpu.vector_load %arg14[%parallel_loop3A_665, %parallel_loop3A_666] {strides = array<i32>} : memref<1024x32xf32, #tpu.memory_space<vmem>>, vector<16xf32>,
        %parallel_loop3A_668 = arith.mulf %parallel_loop3A_659, %parallel_loop3A_667 : vector<16xf32>
        %parallel_loop3A_669 = arith.addf %parallel_loop3A_641, %parallel_loop3A_668 : vector<16xf32>
        %parallel_loop3A_670 = arith.constant 256 : i32
        %parallel_loop3A_671 = arith.addi %parallel_loop3A_670, %parallel_loop3A_613 : i32
        %parallel_loop3A_672 = vector.broadcast %parallel_loop3A_671 : i32 to vector<16xi32>
        %parallel_loop3A_673 = tpu.vector_load_idx %arg12[%parallel_loop3A_672] : memref<1024xf32, #tpu.memory_space<vmem>>[vector<16xi32>], vector<16xf32>,
        %parallel_loop3A_674 = arith.index_cast %parallel_loop3A_671 : i32 to index
        %parallel_loop3A_675 = arith.constant 0 : index
        %parallel_loop3A_676 = tpu.vector_load %arg14[%parallel_loop3A_674, %parallel_loop3A_675] {strides = array<i32>} : memref<1024x32xf32, #tpu.memory_space<vmem>>, vector<16xf32>,
        %parallel_loop3A_677 = arith.mulf %parallel_loop3A_673, %parallel_loop3A_676 : vector<16xf32>
        %parallel_loop3A_678 = arith.addf %parallel_loop3A_650, %parallel_loop3A_677 : vector<16xf32>
        %parallel_loop3A_679 = arith.index_cast %parallel_loop3A_671 : i32 to index
        %parallel_loop3A_680 = arith.constant 16 : index
        %parallel_loop3A_681 = tpu.vector_load %arg14[%parallel_loop3A_679, %parallel_loop3A_680] {strides = array<i32>} : memref<1024x32xf32, #tpu.memory_space<vmem>>, vector<16xf32>,
        %parallel_loop3A_682 = arith.mulf %parallel_loop3A_673, %parallel_loop3A_681 : vector<16xf32>
        %parallel_loop3A_683 = arith.addf %parallel_loop3A_655, %parallel_loop3A_682 : vector<16xf32>
        %parallel_loop3A_684 = arith.constant 320 : i32
        %parallel_loop3A_685 = arith.addi %parallel_loop3A_684, %parallel_loop3A_613 : i32
        %parallel_loop3A_686 = vector.broadcast %parallel_loop3A_685 : i32 to vector<16xi32>
        %parallel_loop3A_687 = tpu.vector_load_idx %arg12[%parallel_loop3A_686] : memref<1024xf32, #tpu.memory_space<vmem>>[vector<16xi32>], vector<16xf32>,
        %parallel_loop3A_688 = arith.index_cast %parallel_loop3A_685 : i32 to index
        %parallel_loop3A_689 = arith.constant 0 : index
        %parallel_loop3A_690 = tpu.vector_load %arg14[%parallel_loop3A_688, %parallel_loop3A_689] {strides = array<i32>} : memref<1024x32xf32, #tpu.memory_space<vmem>>, vector<16xf32>,
        %parallel_loop3A_691 = arith.mulf %parallel_loop3A_687, %parallel_loop3A_690 : vector<16xf32>
        %parallel_loop3A_692 = arith.addf %parallel_loop3A_664, %parallel_loop3A_691 : vector<16xf32>
        %parallel_loop3A_693 = arith.index_cast %parallel_loop3A_685 : i32 to index
        %parallel_loop3A_694 = arith.constant 16 : index
        %parallel_loop3A_695 = tpu.vector_load %arg14[%parallel_loop3A_693, %parallel_loop3A_694] {strides = array<i32>} : memref<1024x32xf32, #tpu.memory_space<vmem>>, vector<16xf32>,
        %parallel_loop3A_696 = arith.mulf %parallel_loop3A_687, %parallel_loop3A_695 : vector<16xf32>
        %parallel_loop3A_697 = arith.addf %parallel_loop3A_669, %parallel_loop3A_696 : vector<16xf32>
        %parallel_loop3A_698 = arith.constant 384 : i32
        %parallel_loop3A_699 = arith.addi %parallel_loop3A_698, %parallel_loop3A_613 : i32
        %parallel_loop3A_700 = vector.broadcast %parallel_loop3A_699 : i32 to vector<16xi32>
        %parallel_loop3A_701 = tpu.vector_load_idx %arg12[%parallel_loop3A_700] : memref<1024xf32, #tpu.memory_space<vmem>>[vector<16xi32>], vector<16xf32>,
        %parallel_loop3A_702 = arith.index_cast %parallel_loop3A_699 : i32 to index
        %parallel_loop3A_703 = arith.constant 0 : index
        %parallel_loop3A_704 = tpu.vector_load %arg14[%parallel_loop3A_702, %parallel_loop3A_703] {strides = array<i32>} : memref<1024x32xf32, #tpu.memory_space<vmem>>, vector<16xf32>,
        %parallel_loop3A_705 = arith.mulf %parallel_loop3A_701, %parallel_loop3A_704 : vector<16xf32>
        %parallel_loop3A_706 = arith.addf %parallel_loop3A_678, %parallel_loop3A_705 : vector<16xf32>
        %parallel_loop3A_707 = arith.index_cast %parallel_loop3A_699 : i32 to index
        %parallel_loop3A_708 = arith.constant 16 : index
        %parallel_loop3A_709 = tpu.vector_load %arg14[%parallel_loop3A_707, %parallel_loop3A_708] {strides = array<i32>} : memref<1024x32xf32, #tpu.memory_space<vmem>>, vector<16xf32>,
        %parallel_loop3A_710 = arith.mulf %parallel_loop3A_701, %parallel_loop3A_709 : vector<16xf32>
        %parallel_loop3A_711 = arith.addf %parallel_loop3A_683, %parallel_loop3A_710 : vector<16xf32>
        %parallel_loop3A_712 = arith.constant 448 : i32
        %parallel_loop3A_713 = arith.addi %parallel_loop3A_712, %parallel_loop3A_613 : i32
        %parallel_loop3A_714 = vector.broadcast %parallel_loop3A_713 : i32 to vector<16xi32>
        %parallel_loop3A_715 = tpu.vector_load_idx %arg12[%parallel_loop3A_714] : memref<1024xf32, #tpu.memory_space<vmem>>[vector<16xi32>], vector<16xf32>,
        %parallel_loop3A_716 = arith.index_cast %parallel_loop3A_713 : i32 to index
        %parallel_loop3A_717 = arith.constant 0 : index
        %parallel_loop3A_718 = tpu.vector_load %arg14[%parallel_loop3A_716, %parallel_loop3A_717] {strides = array<i32>} : memref<1024x32xf32, #tpu.memory_space<vmem>>, vector<16xf32>,
        %parallel_loop3A_719 = arith.mulf %parallel_loop3A_715, %parallel_loop3A_718 : vector<16xf32>
        %parallel_loop3A_720 = arith.addf %parallel_loop3A_692, %parallel_loop3A_719 : vector<16xf32>
        %parallel_loop3A_721 = arith.index_cast %parallel_loop3A_713 : i32 to index
        %parallel_loop3A_722 = arith.constant 16 : index
        %parallel_loop3A_723 = tpu.vector_load %arg14[%parallel_loop3A_721, %parallel_loop3A_722] {strides = array<i32>} : memref<1024x32xf32, #tpu.memory_space<vmem>>, vector<16xf32>,
        %parallel_loop3A_724 = arith.mulf %parallel_loop3A_715, %parallel_loop3A_723 : vector<16xf32>
        %parallel_loop3A_725 = arith.addf %parallel_loop3A_697, %parallel_loop3A_724 : vector<16xf32>
        %parallel_loop3A_726 = arith.constant 512 : i32
        %parallel_loop3A_727 = arith.addi %parallel_loop3A_726, %parallel_loop3A_613 : i32
        %parallel_loop3A_728 = vector.broadcast %parallel_loop3A_727 : i32 to vector<16xi32>
        %parallel_loop3A_729 = tpu.vector_load_idx %arg12[%parallel_loop3A_728] : memref<1024xf32, #tpu.memory_space<vmem>>[vector<16xi32>], vector<16xf32>,
        %parallel_loop3A_730 = arith.index_cast %parallel_loop3A_727 : i32 to index
        %parallel_loop3A_731 = arith.constant 0 : index
        %parallel_loop3A_732 = tpu.vector_load %arg14[%parallel_loop3A_730, %parallel_loop3A_731] {strides = array<i32>} : memref<1024x32xf32, #tpu.memory_space<vmem>>, vector<16xf32>,
        %parallel_loop3A_733 = arith.mulf %parallel_loop3A_729, %parallel_loop3A_732 : vector<16xf32>
        %parallel_loop3A_734 = arith.addf %parallel_loop3A_706, %parallel_loop3A_733 : vector<16xf32>
        %parallel_loop3A_735 = arith.index_cast %parallel_loop3A_727 : i32 to index
        %parallel_loop3A_736 = arith.constant 16 : index
        %parallel_loop3A_737 = tpu.vector_load %arg14[%parallel_loop3A_735, %parallel_loop3A_736] {strides = array<i32>} : memref<1024x32xf32, #tpu.memory_space<vmem>>, vector<16xf32>,
        %parallel_loop3A_738 = arith.mulf %parallel_loop3A_729, %parallel_loop3A_737 : vector<16xf32>
        %parallel_loop3A_739 = arith.addf %parallel_loop3A_711, %parallel_loop3A_738 : vector<16xf32>
        %parallel_loop3A_740 = arith.constant 576 : i32
        %parallel_loop3A_741 = arith.addi %parallel_loop3A_740, %parallel_loop3A_613 : i32
        %parallel_loop3A_742 = vector.broadcast %parallel_loop3A_741 : i32 to vector<16xi32>
        %parallel_loop3A_743 = tpu.vector_load_idx %arg12[%parallel_loop3A_742] : memref<1024xf32, #tpu.memory_space<vmem>>[vector<16xi32>], vector<16xf32>,
        %parallel_loop3A_744 = arith.index_cast %parallel_loop3A_741 : i32 to index
        %parallel_loop3A_745 = arith.constant 0 : index
        %parallel_loop3A_746 = tpu.vector_load %arg14[%parallel_loop3A_744, %parallel_loop3A_745] {strides = array<i32>} : memref<1024x32xf32, #tpu.memory_space<vmem>>, vector<16xf32>,
        %parallel_loop3A_747 = arith.mulf %parallel_loop3A_743, %parallel_loop3A_746 : vector<16xf32>
        %parallel_loop3A_748 = arith.addf %parallel_loop3A_720, %parallel_loop3A_747 : vector<16xf32>
        %parallel_loop3A_749 = arith.index_cast %parallel_loop3A_741 : i32 to index
        %parallel_loop3A_750 = arith.constant 16 : index
        %parallel_loop3A_751 = tpu.vector_load %arg14[%parallel_loop3A_749, %parallel_loop3A_750] {strides = array<i32>} : memref<1024x32xf32, #tpu.memory_space<vmem>>, vector<16xf32>,
        %parallel_loop3A_752 = arith.mulf %parallel_loop3A_743, %parallel_loop3A_751 : vector<16xf32>
        %parallel_loop3A_753 = arith.addf %parallel_loop3A_725, %parallel_loop3A_752 : vector<16xf32>
        %parallel_loop3A_754 = arith.constant 640 : i32
        %parallel_loop3A_755 = arith.addi %parallel_loop3A_754, %parallel_loop3A_613 : i32
        %parallel_loop3A_756 = vector.broadcast %parallel_loop3A_755 : i32 to vector<16xi32>
        %parallel_loop3A_757 = tpu.vector_load_idx %arg12[%parallel_loop3A_756] : memref<1024xf32, #tpu.memory_space<vmem>>[vector<16xi32>], vector<16xf32>,
        %parallel_loop3A_758 = arith.index_cast %parallel_loop3A_755 : i32 to index
        %parallel_loop3A_759 = arith.constant 0 : index
        %parallel_loop3A_760 = tpu.vector_load %arg14[%parallel_loop3A_758, %parallel_loop3A_759] {strides = array<i32>} : memref<1024x32xf32, #tpu.memory_space<vmem>>, vector<16xf32>,
        %parallel_loop3A_761 = arith.mulf %parallel_loop3A_757, %parallel_loop3A_760 : vector<16xf32>
        %parallel_loop3A_762 = arith.addf %parallel_loop3A_734, %parallel_loop3A_761 : vector<16xf32>
        %parallel_loop3A_763 = arith.index_cast %parallel_loop3A_755 : i32 to index
        %parallel_loop3A_764 = arith.constant 16 : index
        %parallel_loop3A_765 = tpu.vector_load %arg14[%parallel_loop3A_763, %parallel_loop3A_764] {strides = array<i32>} : memref<1024x32xf32, #tpu.memory_space<vmem>>, vector<16xf32>,
        %parallel_loop3A_766 = arith.mulf %parallel_loop3A_757, %parallel_loop3A_765 : vector<16xf32>
        %parallel_loop3A_767 = arith.addf %parallel_loop3A_739, %parallel_loop3A_766 : vector<16xf32>
        %parallel_loop3A_768 = arith.constant 704 : i32
        %parallel_loop3A_769 = arith.addi %parallel_loop3A_768, %parallel_loop3A_613 : i32
        %parallel_loop3A_770 = vector.broadcast %parallel_loop3A_769 : i32 to vector<16xi32>
        %parallel_loop3A_771 = tpu.vector_load_idx %arg12[%parallel_loop3A_770] : memref<1024xf32, #tpu.memory_space<vmem>>[vector<16xi32>], vector<16xf32>,
        %parallel_loop3A_772 = arith.index_cast %parallel_loop3A_769 : i32 to index
        %parallel_loop3A_773 = arith.constant 0 : index
        %parallel_loop3A_774 = tpu.vector_load %arg14[%parallel_loop3A_772, %parallel_loop3A_773] {strides = array<i32>} : memref<1024x32xf32, #tpu.memory_space<vmem>>, vector<16xf32>,
        %parallel_loop3A_775 = arith.mulf %parallel_loop3A_771, %parallel_loop3A_774 : vector<16xf32>
        %parallel_loop3A_776 = arith.addf %parallel_loop3A_748, %parallel_loop3A_775 : vector<16xf32>
        %parallel_loop3A_777 = arith.index_cast %parallel_loop3A_769 : i32 to index
        %parallel_loop3A_778 = arith.constant 16 : index
        %parallel_loop3A_779 = tpu.vector_load %arg14[%parallel_loop3A_777, %parallel_loop3A_778] {strides = array<i32>} : memref<1024x32xf32, #tpu.memory_space<vmem>>, vector<16xf32>,
        %parallel_loop3A_780 = arith.mulf %parallel_loop3A_771, %parallel_loop3A_779 : vector<16xf32>
        %parallel_loop3A_781 = arith.addf %parallel_loop3A_753, %parallel_loop3A_780 : vector<16xf32>
        %parallel_loop3A_782 = arith.constant 768 : i32
        %parallel_loop3A_783 = arith.addi %parallel_loop3A_782, %parallel_loop3A_613 : i32
        %parallel_loop3A_784 = vector.broadcast %parallel_loop3A_783 : i32 to vector<16xi32>
        %parallel_loop3A_785 = tpu.vector_load_idx %arg12[%parallel_loop3A_784] : memref<1024xf32, #tpu.memory_space<vmem>>[vector<16xi32>], vector<16xf32>,
        %parallel_loop3A_786 = arith.index_cast %parallel_loop3A_783 : i32 to index
        %parallel_loop3A_787 = arith.constant 0 : index
        %parallel_loop3A_788 = tpu.vector_load %arg14[%parallel_loop3A_786, %parallel_loop3A_787] {strides = array<i32>} : memref<1024x32xf32, #tpu.memory_space<vmem>>, vector<16xf32>,
        %parallel_loop3A_789 = arith.mulf %parallel_loop3A_785, %parallel_loop3A_788 : vector<16xf32>
        %parallel_loop3A_790 = arith.addf %parallel_loop3A_762, %parallel_loop3A_789 : vector<16xf32>
        %parallel_loop3A_791 = arith.index_cast %parallel_loop3A_783 : i32 to index
        %parallel_loop3A_792 = arith.constant 16 : index
        %parallel_loop3A_793 = tpu.vector_load %arg14[%parallel_loop3A_791, %parallel_loop3A_792] {strides = array<i32>} : memref<1024x32xf32, #tpu.memory_space<vmem>>, vector<16xf32>,
        %parallel_loop3A_794 = arith.mulf %parallel_loop3A_785, %parallel_loop3A_793 : vector<16xf32>
        %parallel_loop3A_795 = arith.addf %parallel_loop3A_767, %parallel_loop3A_794 : vector<16xf32>
        %parallel_loop3A_796 = arith.constant 832 : i32
        %parallel_loop3A_797 = arith.addi %parallel_loop3A_796, %parallel_loop3A_613 : i32
        %parallel_loop3A_798 = vector.broadcast %parallel_loop3A_797 : i32 to vector<16xi32>
        %parallel_loop3A_799 = tpu.vector_load_idx %arg12[%parallel_loop3A_798] : memref<1024xf32, #tpu.memory_space<vmem>>[vector<16xi32>], vector<16xf32>,
        %parallel_loop3A_800 = arith.index_cast %parallel_loop3A_797 : i32 to index
        %parallel_loop3A_801 = arith.constant 0 : index
        %parallel_loop3A_802 = tpu.vector_load %arg14[%parallel_loop3A_800, %parallel_loop3A_801] {strides = array<i32>} : memref<1024x32xf32, #tpu.memory_space<vmem>>, vector<16xf32>,
        %parallel_loop3A_803 = arith.mulf %parallel_loop3A_799, %parallel_loop3A_802 : vector<16xf32>
        %parallel_loop3A_804 = arith.addf %parallel_loop3A_776, %parallel_loop3A_803 : vector<16xf32>
        %parallel_loop3A_805 = arith.index_cast %parallel_loop3A_797 : i32 to index
        %parallel_loop3A_806 = arith.constant 16 : index
        %parallel_loop3A_807 = tpu.vector_load %arg14[%parallel_loop3A_805, %parallel_loop3A_806] {strides = array<i32>} : memref<1024x32xf32, #tpu.memory_space<vmem>>, vector<16xf32>,
        %parallel_loop3A_808 = arith.mulf %parallel_loop3A_799, %parallel_loop3A_807 : vector<16xf32>
        %parallel_loop3A_809 = arith.addf %parallel_loop3A_781, %parallel_loop3A_808 : vector<16xf32>
        %parallel_loop3A_810 = arith.constant 896 : i32
        %parallel_loop3A_811 = arith.addi %parallel_loop3A_810, %parallel_loop3A_613 : i32
        %parallel_loop3A_812 = vector.broadcast %parallel_loop3A_811 : i32 to vector<16xi32>
        %parallel_loop3A_813 = tpu.vector_load_idx %arg12[%parallel_loop3A_812] : memref<1024xf32, #tpu.memory_space<vmem>>[vector<16xi32>], vector<16xf32>,
        %parallel_loop3A_814 = arith.index_cast %parallel_loop3A_811 : i32 to index
        %parallel_loop3A_815 = arith.constant 0 : index
        %parallel_loop3A_816 = tpu.vector_load %arg14[%parallel_loop3A_814, %parallel_loop3A_815] {strides = array<i32>} : memref<1024x32xf32, #tpu.memory_space<vmem>>, vector<16xf32>,
        %parallel_loop3A_817 = arith.mulf %parallel_loop3A_813, %parallel_loop3A_816 : vector<16xf32>
        %parallel_loop3A_818 = arith.addf %parallel_loop3A_790, %parallel_loop3A_817 : vector<16xf32>
        %parallel_loop3A_819 = arith.index_cast %parallel_loop3A_811 : i32 to index
        %parallel_loop3A_820 = arith.constant 16 : index
        %parallel_loop3A_821 = tpu.vector_load %arg14[%parallel_loop3A_819, %parallel_loop3A_820] {strides = array<i32>} : memref<1024x32xf32, #tpu.memory_space<vmem>>, vector<16xf32>,
        %parallel_loop3A_822 = arith.mulf %parallel_loop3A_813, %parallel_loop3A_821 : vector<16xf32>
        %parallel_loop3A_823 = arith.addf %parallel_loop3A_795, %parallel_loop3A_822 : vector<16xf32>
        %parallel_loop3A_824 = arith.constant 960 : i32
        %parallel_loop3A_825 = arith.addi %parallel_loop3A_824, %parallel_loop3A_613 : i32
        %parallel_loop3A_826 = vector.broadcast %parallel_loop3A_825 : i32 to vector<16xi32>
        %parallel_loop3A_827 = tpu.vector_load_idx %arg12[%parallel_loop3A_826] : memref<1024xf32, #tpu.memory_space<vmem>>[vector<16xi32>], vector<16xf32>,
        %parallel_loop3A_828 = arith.index_cast %parallel_loop3A_825 : i32 to index
        %parallel_loop3A_829 = arith.constant 0 : index
        %parallel_loop3A_830 = tpu.vector_load %arg14[%parallel_loop3A_828, %parallel_loop3A_829] {strides = array<i32>} : memref<1024x32xf32, #tpu.memory_space<vmem>>, vector<16xf32>,
        %parallel_loop3A_831 = arith.mulf %parallel_loop3A_827, %parallel_loop3A_830 : vector<16xf32>
        %parallel_loop3A_832 = arith.addf %parallel_loop3A_804, %parallel_loop3A_831 : vector<16xf32>
        %parallel_loop3A_833 = arith.index_cast %parallel_loop3A_825 : i32 to index
        %parallel_loop3A_834 = arith.constant 16 : index
        %parallel_loop3A_835 = tpu.vector_load %arg14[%parallel_loop3A_833, %parallel_loop3A_834] {strides = array<i32>} : memref<1024x32xf32, #tpu.memory_space<vmem>>, vector<16xf32>,
        %parallel_loop3A_836 = arith.mulf %parallel_loop3A_827, %parallel_loop3A_835 : vector<16xf32>
        %parallel_loop3A_837 = arith.addf %parallel_loop3A_809, %parallel_loop3A_836 : vector<16xf32>
        %parallel_loop3A_838 = arith.addf %parallel_loop3A_818, %parallel_loop3A_832 : vector<16xf32>
        %parallel_loop3A_839 = arith.constant 3 : i32
        %parallel_loop3A_840 = arith.shrsi %parallel_loop3A_613, %parallel_loop3A_839 : i32
        %parallel_loop3A_841 = arith.constant 7 : i32
        %parallel_loop3A_842 = arith.andi %parallel_loop3A_613, %parallel_loop3A_841 : i32
        %parallel_loop3A_843 = arith.index_cast %parallel_loop3A_840 : i32 to index
        %parallel_loop3A_844 = arith.index_cast %parallel_loop3A_842 : i32 to index
        %parallel_loop3A_845 = arith.constant 0 : index
        %parallel_loop3A_846 = tpu.vector_load %arg16[%parallel_loop3A_843, %parallel_loop3A_844, %parallel_loop3A_845] {strides = array<i32>} : memref<8x8x32xf32, #tpu.memory_space<vmem>>, vector<16xf32>,
        tpu.vector_store %arg16[%parallel_loop3A_843, %parallel_loop3A_844, %parallel_loop3A_845], %parallel_loop3A_838 {strides = array<i32>} : memref<8x8x32xf32, #tpu.memory_space<vmem>>, vector<16xf32>,
        %parallel_loop3A_847 = arith.addf %parallel_loop3A_823, %parallel_loop3A_837 : vector<16xf32>
        %parallel_loop3A_848 = arith.constant 3 : i32
        %parallel_loop3A_849 = arith.shrsi %parallel_loop3A_613, %parallel_loop3A_848 : i32
        %parallel_loop3A_850 = arith.constant 7 : i32
        %parallel_loop3A_851 = arith.andi %parallel_loop3A_613, %parallel_loop3A_850 : i32
        %parallel_loop3A_852 = arith.index_cast %parallel_loop3A_849 : i32 to index
        %parallel_loop3A_853 = arith.index_cast %parallel_loop3A_851 : i32 to index
        %parallel_loop3A_854 = arith.constant 16 : index
        %parallel_loop3A_855 = tpu.vector_load %arg16[%parallel_loop3A_852, %parallel_loop3A_853, %parallel_loop3A_854] {strides = array<i32>} : memref<8x8x32xf32, #tpu.memory_space<vmem>>, vector<16xf32>,
        tpu.vector_store %arg16[%parallel_loop3A_852, %parallel_loop3A_853, %parallel_loop3A_854], %parallel_loop3A_847 {strides = array<i32>} : memref<8x8x32xf32, #tpu.memory_space<vmem>>, vector<16xf32>,
      } {sc.loop_unroll_factor = 2 : i64, sc.parallel_access}
      %mul3A_424 = arith.constant 128 : i32
      %mul3A_425 = arith.muli %select_n3A, %mul3A_424 : i32
      %mul3A_426 = arith.constant 8 : i32
      %mul3A_427 = arith.muli %add3A_279, %mul3A_426 : i32
      %add3A_428 = arith.addi %mul3A_425, %mul3A_427 : i32
      %jit3A_429 = arith.constant 4 : i32
      %div3A_430 = arith.divsi %select_n3A_30, %jit3A_429 : i32
      %sign3A_431 = arith.constant 0 : i32
      %sign3A_432 = arith.cmpi sgt, %select_n3A_30, %sign3A_431 : i32
      %sign3A_433 = arith.extui %sign3A_432 : i1 to i32
      %sign3A_434 = arith.constant 0 : i32
      %sign3A_435 = arith.cmpi slt, %select_n3A_30, %sign3A_434 : i32
      %sign3A_436 = arith.extui %sign3A_435 : i1 to i32
      %sign3A_437 = arith.subi %sign3A_433, %sign3A_436 : i32
      %sign3A_438 = arith.constant 0 : i32
      %sign3A_439 = arith.cmpi sgt, %jit3A_429, %sign3A_438 : i32
      %sign3A_440 = arith.extui %sign3A_439 : i1 to i32
      %sign3A_441 = arith.constant 0 : i32
      %sign3A_442 = arith.cmpi slt, %jit3A_429, %sign3A_441 : i32
      %sign3A_443 = arith.extui %sign3A_442 : i1 to i32
      %sign3A_444 = arith.subi %sign3A_440, %sign3A_443 : i32
      %ne3A_445 = arith.cmpi ne, %sign3A_437, %sign3A_444 : i32
      %rem3A_446 = arith.remsi %select_n3A_30, %jit3A_429 : i32
      %ne3A_447 = arith.constant 0 : i32
      %ne3A_448 = arith.cmpi ne, %rem3A_446, %ne3A_447 : i32
      %and3A_449 = arith.andi %ne3A_445, %ne3A_448 : i1
      %sub3A_450 = arith.constant 1 : i32
      %sub3A_451 = arith.subi %div3A_430, %sub3A_450 : i32
      %select_n3A_452 = arith.select %and3A_449, %sub3A_451, %div3A_430 : i32
      %jit3A_453 = arith.constant 4 : i32
      %eq3A_454 = arith.constant 0 : i32
      %eq3A_455 = arith.cmpi eq, %jit3A_453, %eq3A_454 : i32
      %jit3A_456 = arith.constant 1 : i32
      %select_n3A_457 = arith.select %eq3A_455, %jit3A_456, %jit3A_453 : i32
      %rem3A_458 = arith.remsi %select_n3A_30, %select_n3A_457 : i32
      %ne3A_459 = arith.constant 0 : i32
      %ne3A_460 = arith.cmpi ne, %rem3A_458, %ne3A_459 : i32
      %lt3A_461 = arith.constant 0 : i32
      %lt3A_462 = arith.cmpi slt, %rem3A_458, %lt3A_461 : i32
      %lt3A_463 = arith.constant 0 : i32
      %lt3A_464 = arith.cmpi slt, %select_n3A_457, %lt3A_463 : i32
      %ne3A_465 = arith.xori %lt3A_462, %lt3A_464 : i1
      %and3A_466 = arith.andi %ne3A_465, %ne3A_460 : i1
      %add3A_467 = arith.addi %rem3A_458, %select_n3A_457 : i32
      %select_n3A_468 = arith.select %and3A_466, %add3A_467, %rem3A_458 : i32
      %mul3A_469 = arith.constant 32 : i32
      %mul3A_470 = arith.muli %select_n3A_468, %mul3A_469 : i32
      %dma_start3A_471 = arith.constant 0 : i32
      %dma_start3A_472 = tpu.memref_slice %arg6[%add3A_428, %select_n3A_452, %dma_start3A_471, %mul3A_470] : memref<512x2x8x128xf32, #tpu.memory_space<hbm>> -> memref<8x1x8x32xf32, #tpu.memory_space<hbm>>
      %dma_start3A_473 = tpu.memref_squeeze %dma_start3A_472 : memref<8x1x8x32xf32, #tpu.memory_space<hbm>> -> memref<8x8x32xf32, #tpu.memory_space<hbm>>
      %dma_start3A_474 = arith.constant 0 : i32
      %dma_start3A_475 = tpu.memref_slice %arg6[%add3A_428, %select_n3A_452, %dma_start3A_474, %mul3A_470] : memref<512x2x8x128xf32, #tpu.memory_space<hbm>> -> memref<8x1x8x32xf32, #tpu.memory_space<hbm>>
      %dma_start3A_476 = tpu.memref_squeeze %dma_start3A_475 : memref<8x1x8x32xf32, #tpu.memory_space<hbm>> -> memref<8x8x32xf32, #tpu.memory_space<hbm>>
      tpu.enqueue_dma source(%arg16 : memref<8x8x32xf32, #tpu.memory_space<vmem>>) target(%dma_start3A_476 : memref<8x8x32xf32, #tpu.memory_space<hbm>>) target_semaphore(%arg20 : memref<!tpu.dma_semaphore, #tpu.memory_space<semaphore_mem>>)
      %lt3A_477 = arith.constant 7 : i32
      %lt3A_478 = arith.cmpi slt, %scan3A_275, %lt3A_477 : i32
      %convert_element_type3A_479 = arith.extui %lt3A_478 : i1 to i32
      %cond3A_480 = arith.constant 0 : i32
      %cond3A_481 = arith.cmpi ne, %convert_element_type3A_479, %cond3A_480 : i32
      scf.if %cond3A_481 {
        %add3A_613 = arith.constant 2 : i32
        %add3A_614 = arith.addi %add3A_279, %add3A_613 : i32
        %mul3A_615 = arith.constant 64 : i32
        %mul3A_616 = arith.muli %add3A_614, %mul3A_615 : i32
        %scan3A_617 = arith.constant 0 : i32
        %scan3A_618 = arith.constant 0 : i32
        %scan3A_619 = arith.constant 4 : i32
        %scan3A_620 = arith.addi %scan3A_618, %scan3A_619 : i32
        %scan3A_621 = arith.constant 1 : i32
        scf.for %scan3A_687 = %scan3A_618 to %scan3A_620 step %scan3A_621  : i32 {
          %mul3A_688 = arith.constant 16 : i32
          %mul3A_689 = arith.muli %scan3A_687, %mul3A_688 : i32
          %add3A_690 = arith.addi %mul3A_616, %mul3A_689 : i32
          %get3A = arith.index_cast %add3A_690 : i32 to index
          %get3A_691 = tpu.vector_load %arg7[%get3A] {strides = array<i32>} : memref<1024xf32, #tpu.memory_space<vmem>>, vector<16xf32>,
          %mul3A_692 = arith.constant 16 : i32
          %mul3A_693 = arith.muli %scan3A_687, %mul3A_692 : i32
          %add3A_694 = arith.addi %mul3A_616, %mul3A_693 : i32
          %get3A_695 = arith.index_cast %add3A_694 : i32 to index
          %get3A_696 = tpu.vector_load %arg8[%get3A_695] {strides = array<i32>} : memref<1024xf32, #tpu.memory_space<vmem>>, vector<16xf32>,
          %get3A_697 = arith.constant 0 : i32
          %get3A_698 = arith.constant 0 : i32
          %get3A_699 = arith.index_cast %get3A_697 : i32 to index
          %get3A_700 = arith.index_cast %get3A_698 : i32 to index
          %get3A_701 = arith.constant 0 : index
          %get3A_702 = tpu.vector_load %arg9[%get3A_699, %get3A_700, %get3A_701] {strides = array<i32>} : memref<4x3x16xf32, #tpu.memory_space<vmem>>, vector<16xf32>,
          %get3A_703 = arith.constant 0 : i32
          %get3A_704 = arith.constant 1 : i32
          %get3A_705 = arith.index_cast %get3A_703 : i32 to index
          %get3A_706 = arith.index_cast %get3A_704 : i32 to index
          %get3A_707 = arith.constant 0 : index
          %get3A_708 = tpu.vector_load %arg9[%get3A_705, %get3A_706, %get3A_707] {strides = array<i32>} : memref<4x3x16xf32, #tpu.memory_space<vmem>>, vector<16xf32>,
          %get3A_709 = arith.constant 0 : i32
          %get3A_710 = arith.constant 2 : i32
          %get3A_711 = arith.index_cast %get3A_709 : i32 to index
          %get3A_712 = arith.index_cast %get3A_710 : i32 to index
          %get3A_713 = arith.constant 0 : index
          %get3A_714 = tpu.vector_load %arg9[%get3A_711, %get3A_712, %get3A_713] {strides = array<i32>} : memref<4x3x16xf32, #tpu.memory_space<vmem>>, vector<16xf32>,
          %mul3A_715 = arith.constant 6.400000e+01 : f32
          %mul3A_716 = vector.broadcast %mul3A_715 : f32 to vector<16xf32>
          %mul3A_717 = arith.mulf %get3A_691, %mul3A_716 : vector<16xf32>
          %add3A_718 = arith.addf %mul3A_717, %get3A_702 : vector<16xf32>
          %mul3A_719 = arith.constant 6.400000e+01 : f32
          %mul3A_720 = vector.broadcast %mul3A_719 : f32 to vector<16xf32>
          %mul3A_721 = arith.mulf %get3A_696, %mul3A_720 : vector<16xf32>
          %add3A_722 = arith.addf %mul3A_721, %get3A_708 : vector<16xf32>
          %convert_element_type3A_723 = arith.fptosi %add3A_718 : vector<16xf32> to vector<16xi32>
          %broadcast_in_dim3A_724 = arith.constant 1 : i32
          %broadcast_in_dim3A_725 = vector.broadcast %broadcast_in_dim3A_724 : i32 to vector<16xi32>
          %broadcast_in_dim3A_726 = arith.constant 0 : i32
          %broadcast_in_dim3A_727 = vector.broadcast %broadcast_in_dim3A_726 : i32 to vector<16xi32>
          %convert_element_type3A_728 = arith.sitofp %convert_element_type3A_723 : vector<16xi32> to vector<16xf32>
          %gt3A = arith.cmpf ogt, %convert_element_type3A_728, %add3A_718 : vector<16xf32>
          %select_n3A_729 = arith.select %gt3A, %broadcast_in_dim3A_725, %broadcast_in_dim3A_727 : vector<16xi1>, vector<16xi32>
          %sub3A_730 = arith.subi %convert_element_type3A_723, %select_n3A_729 : vector<16xi32>
          %convert_element_type3A_731 = arith.fptosi %add3A_722 : vector<16xf32> to vector<16xi32>
          %broadcast_in_dim3A_732 = arith.constant 1 : i32
          %broadcast_in_dim3A_733 = vector.broadcast %broadcast_in_dim3A_732 : i32 to vector<16xi32>
          %broadcast_in_dim3A_734 = arith.constant 0 : i32
          %broadcast_in_dim3A_735 = vector.broadcast %broadcast_in_dim3A_734 : i32 to vector<16xi32>
          %convert_element_type3A_736 = arith.sitofp %convert_element_type3A_731 : vector<16xi32> to vector<16xf32>
          %gt3A_737 = arith.cmpf ogt, %convert_element_type3A_736, %add3A_722 : vector<16xf32>
          %select_n3A_738 = arith.select %gt3A_737, %broadcast_in_dim3A_733, %broadcast_in_dim3A_735 : vector<16xi1>, vector<16xi32>
          %sub3A_739 = arith.subi %convert_element_type3A_731, %select_n3A_738 : vector<16xi32>
          %convert_element_type3A_740 = arith.sitofp %sub3A_730 : vector<16xi32> to vector<16xf32>
          %sub3A_741 = arith.subf %add3A_718, %convert_element_type3A_740 : vector<16xf32>
          %convert_element_type3A_742 = arith.sitofp %sub3A_739 : vector<16xi32> to vector<16xf32>
          %sub3A_743 = arith.subf %add3A_722, %convert_element_type3A_742 : vector<16xf32>
          %mul3A_744 = arith.mulf %sub3A_743, %get3A_714 : vector<16xf32>
          %sub3A_745 = arith.subf %get3A_714, %mul3A_744 : vector<16xf32>
          %add3A_746 = arith.constant 1 : i32
          %add3A_747 = vector.broadcast %add3A_746 : i32 to vector<16xi32>
          %add3A_748 = arith.addi %sub3A_730, %add3A_747 : vector<16xi32>
          %add3A_749 = arith.constant 1 : i32
          %add3A_750 = vector.broadcast %add3A_749 : i32 to vector<16xi32>
          %add3A_751 = arith.addi %sub3A_739, %add3A_750 : vector<16xi32>
          %ge3A_752 = arith.constant 0 : i32
          %ge3A_753 = vector.broadcast %ge3A_752 : i32 to vector<16xi32>
          %ge3A_754 = arith.cmpi sge, %sub3A_730, %ge3A_753 : vector<16xi32>
          %le3A = arith.constant 63 : i32
          %le3A_755 = vector.broadcast %le3A : i32 to vector<16xi32>
          %le3A_756 = arith.cmpi sle, %sub3A_730, %le3A_755 : vector<16xi32>
          %and3A_757 = arith.andi %ge3A_754, %le3A_756 : vector<16xi1>
          %ge3A_758 = arith.constant 0 : i32
          %ge3A_759 = vector.broadcast %ge3A_758 : i32 to vector<16xi32>
          %ge3A_760 = arith.cmpi sge, %add3A_748, %ge3A_759 : vector<16xi32>
          %le3A_761 = arith.constant 63 : i32
          %le3A_762 = vector.broadcast %le3A_761 : i32 to vector<16xi32>
          %le3A_763 = arith.cmpi sle, %add3A_748, %le3A_762 : vector<16xi32>
          %and3A_764 = arith.andi %ge3A_760, %le3A_763 : vector<16xi1>
          %ge3A_765 = arith.constant 0 : i32
          %ge3A_766 = vector.broadcast %ge3A_765 : i32 to vector<16xi32>
          %ge3A_767 = arith.cmpi sge, %sub3A_739, %ge3A_766 : vector<16xi32>
          %le3A_768 = arith.constant 63 : i32
          %le3A_769 = vector.broadcast %le3A_768 : i32 to vector<16xi32>
          %le3A_770 = arith.cmpi sle, %sub3A_739, %le3A_769 : vector<16xi32>
          %and3A_771 = arith.andi %ge3A_767, %le3A_770 : vector<16xi1>
          %ge3A_772 = arith.constant 0 : i32
          %ge3A_773 = vector.broadcast %ge3A_772 : i32 to vector<16xi32>
          %ge3A_774 = arith.cmpi sge, %add3A_751, %ge3A_773 : vector<16xi32>
          %le3A_775 = arith.constant 63 : i32
          %le3A_776 = vector.broadcast %le3A_775 : i32 to vector<16xi32>
          %le3A_777 = arith.cmpi sle, %add3A_751, %le3A_776 : vector<16xi32>
          %and3A_778 = arith.andi %ge3A_774, %le3A_777 : vector<16xi1>
          %jit3A_779 = arith.constant 0 : i32
          %jit3A_780 = arith.constant 63 : i32
          %max3A = vector.broadcast %jit3A_779 : i32 to vector<16xi32>
          %max3A_781 = arith.maxsi %max3A, %sub3A_730 : vector<16xi32>
          %min3A = vector.broadcast %jit3A_780 : i32 to vector<16xi32>
          %min3A_782 = arith.minsi %min3A, %max3A_781 : vector<16xi32>
          %jit3A_783 = arith.constant 0 : i32
          %jit3A_784 = arith.constant 63 : i32
          %max3A_785 = vector.broadcast %jit3A_783 : i32 to vector<16xi32>
          %max3A_786 = arith.maxsi %max3A_785, %add3A_748 : vector<16xi32>
          %min3A_787 = vector.broadcast %jit3A_784 : i32 to vector<16xi32>
          %min3A_788 = arith.minsi %min3A_787, %max3A_786 : vector<16xi32>
          %jit3A_789 = arith.constant 0 : i32
          %jit3A_790 = arith.constant 63 : i32
          %max3A_791 = vector.broadcast %jit3A_789 : i32 to vector<16xi32>
          %max3A_792 = arith.maxsi %max3A_791, %sub3A_739 : vector<16xi32>
          %min3A_793 = vector.broadcast %jit3A_790 : i32 to vector<16xi32>
          %min3A_794 = arith.minsi %min3A_793, %max3A_792 : vector<16xi32>
          %jit3A_795 = arith.constant 0 : i32
          %jit3A_796 = arith.constant 63 : i32
          %max3A_797 = vector.broadcast %jit3A_795 : i32 to vector<16xi32>
          %max3A_798 = arith.maxsi %max3A_797, %add3A_751 : vector<16xi32>
          %min3A_799 = vector.broadcast %jit3A_796 : i32 to vector<16xi32>
          %min3A_800 = arith.minsi %min3A_799, %max3A_798 : vector<16xi32>
          %shift_right_arithmetic3A = arith.constant 3 : i32
          %shift_right_arithmetic3A_801 = vector.broadcast %shift_right_arithmetic3A : i32 to vector<16xi32>
          %shift_right_arithmetic3A_802 = arith.shrsi %min3A_782, %shift_right_arithmetic3A_801 : vector<16xi32>
          %shift_left3A = arith.constant 6 : i32
          %shift_left3A_803 = vector.broadcast %shift_left3A : i32 to vector<16xi32>
          %shift_left3A_804 = arith.shli %shift_right_arithmetic3A_802, %shift_left3A_803 : vector<16xi32>
          %and3A_805 = arith.constant 7 : i32
          %and3A_806 = vector.broadcast %and3A_805 : i32 to vector<16xi32>
          %and3A_807 = arith.andi %min3A_782, %and3A_806 : vector<16xi32>
          %shift_left3A_808 = arith.constant 2 : i32
          %shift_left3A_809 = vector.broadcast %shift_left3A_808 : i32 to vector<16xi32>
          %shift_left3A_810 = arith.shli %and3A_807, %shift_left3A_809 : vector<16xi32>
          %add3A_811 = arith.addi %shift_left3A_804, %shift_left3A_810 : vector<16xi32>
          %add3A_812 = arith.addi %add3A_811, %broadcast_in_dim3A : vector<16xi32>
          %shift_right_arithmetic3A_813 = arith.constant 3 : i32
          %shift_right_arithmetic3A_814 = vector.broadcast %shift_right_arithmetic3A_813 : i32 to vector<16xi32>
          %shift_right_arithmetic3A_815 = arith.shrsi %min3A_788, %shift_right_arithmetic3A_814 : vector<16xi32>
          %shift_left3A_816 = arith.constant 6 : i32
          %shift_left3A_817 = vector.broadcast %shift_left3A_816 : i32 to vector<16xi32>
          %shift_left3A_818 = arith.shli %shift_right_arithmetic3A_815, %shift_left3A_817 : vector<16xi32>
          %and3A_819 = arith.constant 7 : i32
          %and3A_820 = vector.broadcast %and3A_819 : i32 to vector<16xi32>
          %and3A_821 = arith.andi %min3A_788, %and3A_820 : vector<16xi32>
          %shift_left3A_822 = arith.constant 2 : i32
          %shift_left3A_823 = vector.broadcast %shift_left3A_822 : i32 to vector<16xi32>
          %shift_left3A_824 = arith.shli %and3A_821, %shift_left3A_823 : vector<16xi32>
          %add3A_825 = arith.addi %shift_left3A_818, %shift_left3A_824 : vector<16xi32>
          %add3A_826 = arith.addi %add3A_825, %broadcast_in_dim3A : vector<16xi32>
          %mul3A_827 = arith.constant 512 : i32
          %mul3A_828 = vector.broadcast %mul3A_827 : i32 to vector<16xi32>
          %mul3A_829 = arith.muli %min3A_794, %mul3A_828 : vector<16xi32>
          %mul3A_830 = arith.constant 512 : i32
          %mul3A_831 = vector.broadcast %mul3A_830 : i32 to vector<16xi32>
          %mul3A_832 = arith.muli %min3A_800, %mul3A_831 : vector<16xi32>
          %sub3A_833 = arith.constant 1.000000e+00 : f32
          %sub3A_834 = vector.broadcast %sub3A_833 : f32 to vector<16xf32>
          %sub3A_835 = arith.subf %sub3A_834, %sub3A_741 : vector<16xf32>
          %add3A_836 = arith.addi %mul3A_829, %add3A_812 : vector<16xi32>
          %mul3A_837 = arith.mulf %sub3A_835, %sub3A_745 : vector<16xf32>
          %and3A_838 = arith.andi %and3A_771, %and3A_757 : vector<16xi1>
          %add3A_839 = arith.addi %mul3A_832, %add3A_812 : vector<16xi32>
          %mul3A_840 = arith.mulf %sub3A_835, %mul3A_744 : vector<16xf32>
          %and3A_841 = arith.andi %and3A_778, %and3A_757 : vector<16xi1>
          %add3A_842 = arith.addi %mul3A_829, %add3A_826 : vector<16xi32>
          %mul3A_843 = arith.mulf %sub3A_741, %sub3A_745 : vector<16xf32>
          %and3A_844 = arith.andi %and3A_771, %and3A_764 : vector<16xi1>
          %add3A_845 = arith.addi %mul3A_832, %add3A_826 : vector<16xi32>
          %mul3A_846 = arith.mulf %sub3A_741, %mul3A_744 : vector<16xf32>
          %and3A_847 = arith.andi %and3A_778, %and3A_764 : vector<16xi1>
          %mul3A_848 = arith.constant 16 : i32
          %mul3A_849 = arith.muli %scan3A_687, %mul3A_848 : i32
          %add3A_850 = arith.constant 0 : i32
          %add3A_851 = arith.addi %add3A_850, %mul3A_849 : i32
          %swap3A = arith.index_cast %add3A_851 : i32 to index
          %swap3A_852 = tpu.vector_load %arg10[%swap3A] {strides = array<i32>} : memref<1024xi32, #tpu.memory_space<vmem>>, vector<16xi32>,
          tpu.vector_store %arg10[%swap3A], %add3A_836 {strides = array<i32>} : memref<1024xi32, #tpu.memory_space<vmem>>, vector<16xi32>,
          %select_n3A_853 = arith.select %and3A_838, %mul3A_837, %broadcast_in_dim3A_97 : vector<16xi1>, vector<16xf32>
          %swap3A_854 = arith.index_cast %add3A_851 : i32 to index
          %swap3A_855 = tpu.vector_load %arg12[%swap3A_854] {strides = array<i32>} : memref<1024xf32, #tpu.memory_space<vmem>>, vector<16xf32>,
          tpu.vector_store %arg12[%swap3A_854], %select_n3A_853 {strides = array<i32>} : memref<1024xf32, #tpu.memory_space<vmem>>, vector<16xf32>,
          %mul3A_856 = arith.constant 16 : i32
          %mul3A_857 = arith.muli %scan3A_687, %mul3A_856 : i32
          %add3A_858 = arith.constant 64 : i32
          %add3A_859 = arith.addi %add3A_858, %mul3A_857 : i32
          %swap3A_860 = arith.index_cast %add3A_859 : i32 to index
          %swap3A_861 = tpu.vector_load %arg10[%swap3A_860] {strides = array<i32>} : memref<1024xi32, #tpu.memory_space<vmem>>, vector<16xi32>,
          tpu.vector_store %arg10[%swap3A_860], %add3A_839 {strides = array<i32>} : memref<1024xi32, #tpu.memory_space<vmem>>, vector<16xi32>,
          %select_n3A_862 = arith.select %and3A_841, %mul3A_840, %broadcast_in_dim3A_97 : vector<16xi1>, vector<16xf32>
          %swap3A_863 = arith.index_cast %add3A_859 : i32 to index
          %swap3A_864 = tpu.vector_load %arg12[%swap3A_863] {strides = array<i32>} : memref<1024xf32, #tpu.memory_space<vmem>>, vector<16xf32>,
          tpu.vector_store %arg12[%swap3A_863], %select_n3A_862 {strides = array<i32>} : memref<1024xf32, #tpu.memory_space<vmem>>, vector<16xf32>,
          %mul3A_865 = arith.constant 16 : i32
          %mul3A_866 = arith.muli %scan3A_687, %mul3A_865 : i32
          %add3A_867 = arith.constant 128 : i32
          %add3A_868 = arith.addi %add3A_867, %mul3A_866 : i32
          %swap3A_869 = arith.index_cast %add3A_868 : i32 to index
          %swap3A_870 = tpu.vector_load %arg10[%swap3A_869] {strides = array<i32>} : memref<1024xi32, #tpu.memory_space<vmem>>, vector<16xi32>,
          tpu.vector_store %arg10[%swap3A_869], %add3A_842 {strides = array<i32>} : memref<1024xi32, #tpu.memory_space<vmem>>, vector<16xi32>,
          %select_n3A_871 = arith.select %and3A_844, %mul3A_843, %broadcast_in_dim3A_97 : vector<16xi1>, vector<16xf32>
          %swap3A_872 = arith.index_cast %add3A_868 : i32 to index
          %swap3A_873 = tpu.vector_load %arg12[%swap3A_872] {strides = array<i32>} : memref<1024xf32, #tpu.memory_space<vmem>>, vector<16xf32>,
          tpu.vector_store %arg12[%swap3A_872], %select_n3A_871 {strides = array<i32>} : memref<1024xf32, #tpu.memory_space<vmem>>, vector<16xf32>,
          %mul3A_874 = arith.constant 16 : i32
          %mul3A_875 = arith.muli %scan3A_687, %mul3A_874 : i32
          %add3A_876 = arith.constant 192 : i32
          %add3A_877 = arith.addi %add3A_876, %mul3A_875 : i32
          %swap3A_878 = arith.index_cast %add3A_877 : i32 to index
          %swap3A_879 = tpu.vector_load %arg10[%swap3A_878] {strides = array<i32>} : memref<1024xi32, #tpu.memory_space<vmem>>, vector<16xi32>,
          tpu.vector_store %arg10[%swap3A_878], %add3A_845 {strides = array<i32>} : memref<1024xi32, #tpu.memory_space<vmem>>, vector<16xi32>,
          %select_n3A_880 = arith.select %and3A_847, %mul3A_846, %broadcast_in_dim3A_97 : vector<16xi1>, vector<16xf32>
          %swap3A_881 = arith.index_cast %add3A_877 : i32 to index
          %swap3A_882 = tpu.vector_load %arg12[%swap3A_881] {strides = array<i32>} : memref<1024xf32, #tpu.memory_space<vmem>>, vector<16xf32>,
          tpu.vector_store %arg12[%swap3A_881], %select_n3A_880 {strides = array<i32>} : memref<1024xf32, #tpu.memory_space<vmem>>, vector<16xf32>,
          %get3A_883 = arith.constant 1 : i32
          %get3A_884 = arith.constant 0 : i32
          %get3A_885 = arith.index_cast %get3A_883 : i32 to index
          %get3A_886 = arith.index_cast %get3A_884 : i32 to index
          %get3A_887 = arith.constant 0 : index
          %get3A_888 = tpu.vector_load %arg9[%get3A_885, %get3A_886, %get3A_887] {strides = array<i32>} : memref<4x3x16xf32, #tpu.memory_space<vmem>>, vector<16xf32>,
          %get3A_889 = arith.constant 1 : i32
          %get3A_890 = arith.constant 1 : i32
          %get3A_891 = arith.index_cast %get3A_889 : i32 to index
          %get3A_892 = arith.index_cast %get3A_890 : i32 to index
          %get3A_893 = arith.constant 0 : index
          %get3A_894 = tpu.vector_load %arg9[%get3A_891, %get3A_892, %get3A_893] {strides = array<i32>} : memref<4x3x16xf32, #tpu.memory_space<vmem>>, vector<16xf32>,
          %get3A_895 = arith.constant 1 : i32
          %get3A_896 = arith.constant 2 : i32
          %get3A_897 = arith.index_cast %get3A_895 : i32 to index
          %get3A_898 = arith.index_cast %get3A_896 : i32 to index
          %get3A_899 = arith.constant 0 : index
          %get3A_900 = tpu.vector_load %arg9[%get3A_897, %get3A_898, %get3A_899] {strides = array<i32>} : memref<4x3x16xf32, #tpu.memory_space<vmem>>, vector<16xf32>,
          %mul3A_901 = arith.constant 6.400000e+01 : f32
          %mul3A_902 = vector.broadcast %mul3A_901 : f32 to vector<16xf32>
          %mul3A_903 = arith.mulf %get3A_691, %mul3A_902 : vector<16xf32>
          %add3A_904 = arith.addf %mul3A_903, %get3A_888 : vector<16xf32>
          %mul3A_905 = arith.constant 6.400000e+01 : f32
          %mul3A_906 = vector.broadcast %mul3A_905 : f32 to vector<16xf32>
          %mul3A_907 = arith.mulf %get3A_696, %mul3A_906 : vector<16xf32>
          %add3A_908 = arith.addf %mul3A_907, %get3A_894 : vector<16xf32>
          %convert_element_type3A_909 = arith.fptosi %add3A_904 : vector<16xf32> to vector<16xi32>
          %broadcast_in_dim3A_910 = arith.constant 1 : i32
          %broadcast_in_dim3A_911 = vector.broadcast %broadcast_in_dim3A_910 : i32 to vector<16xi32>
          %broadcast_in_dim3A_912 = arith.constant 0 : i32
          %broadcast_in_dim3A_913 = vector.broadcast %broadcast_in_dim3A_912 : i32 to vector<16xi32>
          %convert_element_type3A_914 = arith.sitofp %convert_element_type3A_909 : vector<16xi32> to vector<16xf32>
          %gt3A_915 = arith.cmpf ogt, %convert_element_type3A_914, %add3A_904 : vector<16xf32>
          %select_n3A_916 = arith.select %gt3A_915, %broadcast_in_dim3A_911, %broadcast_in_dim3A_913 : vector<16xi1>, vector<16xi32>
          %sub3A_917 = arith.subi %convert_element_type3A_909, %select_n3A_916 : vector<16xi32>
          %convert_element_type3A_918 = arith.fptosi %add3A_908 : vector<16xf32> to vector<16xi32>
          %broadcast_in_dim3A_919 = arith.constant 1 : i32
          %broadcast_in_dim3A_920 = vector.broadcast %broadcast_in_dim3A_919 : i32 to vector<16xi32>
          %broadcast_in_dim3A_921 = arith.constant 0 : i32
          %broadcast_in_dim3A_922 = vector.broadcast %broadcast_in_dim3A_921 : i32 to vector<16xi32>
          %convert_element_type3A_923 = arith.sitofp %convert_element_type3A_918 : vector<16xi32> to vector<16xf32>
          %gt3A_924 = arith.cmpf ogt, %convert_element_type3A_923, %add3A_908 : vector<16xf32>
          %select_n3A_925 = arith.select %gt3A_924, %broadcast_in_dim3A_920, %broadcast_in_dim3A_922 : vector<16xi1>, vector<16xi32>
          %sub3A_926 = arith.subi %convert_element_type3A_918, %select_n3A_925 : vector<16xi32>
          %convert_element_type3A_927 = arith.sitofp %sub3A_917 : vector<16xi32> to vector<16xf32>
          %sub3A_928 = arith.subf %add3A_904, %convert_element_type3A_927 : vector<16xf32>
          %convert_element_type3A_929 = arith.sitofp %sub3A_926 : vector<16xi32> to vector<16xf32>
          %sub3A_930 = arith.subf %add3A_908, %convert_element_type3A_929 : vector<16xf32>
          %mul3A_931 = arith.mulf %sub3A_930, %get3A_900 : vector<16xf32>
          %sub3A_932 = arith.subf %get3A_900, %mul3A_931 : vector<16xf32>
          %add3A_933 = arith.constant 1 : i32
          %add3A_934 = vector.broadcast %add3A_933 : i32 to vector<16xi32>
          %add3A_935 = arith.addi %sub3A_917, %add3A_934 : vector<16xi32>
          %add3A_936 = arith.constant 1 : i32
          %add3A_937 = vector.broadcast %add3A_936 : i32 to vector<16xi32>
          %add3A_938 = arith.addi %sub3A_926, %add3A_937 : vector<16xi32>
          %ge3A_939 = arith.constant 0 : i32
          %ge3A_940 = vector.broadcast %ge3A_939 : i32 to vector<16xi32>
          %ge3A_941 = arith.cmpi sge, %sub3A_917, %ge3A_940 : vector<16xi32>
          %le3A_942 = arith.constant 63 : i32
          %le3A_943 = vector.broadcast %le3A_942 : i32 to vector<16xi32>
          %le3A_944 = arith.cmpi sle, %sub3A_917, %le3A_943 : vector<16xi32>
          %and3A_945 = arith.andi %ge3A_941, %le3A_944 : vector<16xi1>
          %ge3A_946 = arith.constant 0 : i32
          %ge3A_947 = vector.broadcast %ge3A_946 : i32 to vector<16xi32>
          %ge3A_948 = arith.cmpi sge, %add3A_935, %ge3A_947 : vector<16xi32>
          %le3A_949 = arith.constant 63 : i32
          %le3A_950 = vector.broadcast %le3A_949 : i32 to vector<16xi32>
          %le3A_951 = arith.cmpi sle, %add3A_935, %le3A_950 : vector<16xi32>
          %and3A_952 = arith.andi %ge3A_948, %le3A_951 : vector<16xi1>
          %ge3A_953 = arith.constant 0 : i32
          %ge3A_954 = vector.broadcast %ge3A_953 : i32 to vector<16xi32>
          %ge3A_955 = arith.cmpi sge, %sub3A_926, %ge3A_954 : vector<16xi32>
          %le3A_956 = arith.constant 63 : i32
          %le3A_957 = vector.broadcast %le3A_956 : i32 to vector<16xi32>
          %le3A_958 = arith.cmpi sle, %sub3A_926, %le3A_957 : vector<16xi32>
          %and3A_959 = arith.andi %ge3A_955, %le3A_958 : vector<16xi1>
          %ge3A_960 = arith.constant 0 : i32
          %ge3A_961 = vector.broadcast %ge3A_960 : i32 to vector<16xi32>
          %ge3A_962 = arith.cmpi sge, %add3A_938, %ge3A_961 : vector<16xi32>
          %le3A_963 = arith.constant 63 : i32
          %le3A_964 = vector.broadcast %le3A_963 : i32 to vector<16xi32>
          %le3A_965 = arith.cmpi sle, %add3A_938, %le3A_964 : vector<16xi32>
          %and3A_966 = arith.andi %ge3A_962, %le3A_965 : vector<16xi1>
          %jit3A_967 = arith.constant 0 : i32
          %jit3A_968 = arith.constant 63 : i32
          %max3A_969 = vector.broadcast %jit3A_967 : i32 to vector<16xi32>
          %max3A_970 = arith.maxsi %max3A_969, %sub3A_917 : vector<16xi32>
          %min3A_971 = vector.broadcast %jit3A_968 : i32 to vector<16xi32>
          %min3A_972 = arith.minsi %min3A_971, %max3A_970 : vector<16xi32>
          %jit3A_973 = arith.constant 0 : i32
          %jit3A_974 = arith.constant 63 : i32
          %max3A_975 = vector.broadcast %jit3A_973 : i32 to vector<16xi32>
          %max3A_976 = arith.maxsi %max3A_975, %add3A_935 : vector<16xi32>
          %min3A_977 = vector.broadcast %jit3A_974 : i32 to vector<16xi32>
          %min3A_978 = arith.minsi %min3A_977, %max3A_976 : vector<16xi32>
          %jit3A_979 = arith.constant 0 : i32
          %jit3A_980 = arith.constant 63 : i32
          %max3A_981 = vector.broadcast %jit3A_979 : i32 to vector<16xi32>
          %max3A_982 = arith.maxsi %max3A_981, %sub3A_926 : vector<16xi32>
          %min3A_983 = vector.broadcast %jit3A_980 : i32 to vector<16xi32>
          %min3A_984 = arith.minsi %min3A_983, %max3A_982 : vector<16xi32>
          %jit3A_985 = arith.constant 0 : i32
          %jit3A_986 = arith.constant 63 : i32
          %max3A_987 = vector.broadcast %jit3A_985 : i32 to vector<16xi32>
          %max3A_988 = arith.maxsi %max3A_987, %add3A_938 : vector<16xi32>
          %min3A_989 = vector.broadcast %jit3A_986 : i32 to vector<16xi32>
          %min3A_990 = arith.minsi %min3A_989, %max3A_988 : vector<16xi32>
          %shift_right_arithmetic3A_991 = arith.constant 3 : i32
          %shift_right_arithmetic3A_992 = vector.broadcast %shift_right_arithmetic3A_991 : i32 to vector<16xi32>
          %shift_right_arithmetic3A_993 = arith.shrsi %min3A_972, %shift_right_arithmetic3A_992 : vector<16xi32>
          %shift_left3A_994 = arith.constant 6 : i32
          %shift_left3A_995 = vector.broadcast %shift_left3A_994 : i32 to vector<16xi32>
          %shift_left3A_996 = arith.shli %shift_right_arithmetic3A_993, %shift_left3A_995 : vector<16xi32>
          %and3A_997 = arith.constant 7 : i32
          %and3A_998 = vector.broadcast %and3A_997 : i32 to vector<16xi32>
          %and3A_999 = arith.andi %min3A_972, %and3A_998 : vector<16xi32>
          %shift_left3A_1000 = arith.constant 2 : i32
          %shift_left3A_1001 = vector.broadcast %shift_left3A_1000 : i32 to vector<16xi32>
          %shift_left3A_1002 = arith.shli %and3A_999, %shift_left3A_1001 : vector<16xi32>
          %add3A_1003 = arith.addi %shift_left3A_996, %shift_left3A_1002 : vector<16xi32>
          %add3A_1004 = arith.addi %add3A_1003, %broadcast_in_dim3A : vector<16xi32>
          %shift_right_arithmetic3A_1005 = arith.constant 3 : i32
          %shift_right_arithmetic3A_1006 = vector.broadcast %shift_right_arithmetic3A_1005 : i32 to vector<16xi32>
          %shift_right_arithmetic3A_1007 = arith.shrsi %min3A_978, %shift_right_arithmetic3A_1006 : vector<16xi32>
          %shift_left3A_1008 = arith.constant 6 : i32
          %shift_left3A_1009 = vector.broadcast %shift_left3A_1008 : i32 to vector<16xi32>
          %shift_left3A_1010 = arith.shli %shift_right_arithmetic3A_1007, %shift_left3A_1009 : vector<16xi32>
          %and3A_1011 = arith.constant 7 : i32
          %and3A_1012 = vector.broadcast %and3A_1011 : i32 to vector<16xi32>
          %and3A_1013 = arith.andi %min3A_978, %and3A_1012 : vector<16xi32>
          %shift_left3A_1014 = arith.constant 2 : i32
          %shift_left3A_1015 = vector.broadcast %shift_left3A_1014 : i32 to vector<16xi32>
          %shift_left3A_1016 = arith.shli %and3A_1013, %shift_left3A_1015 : vector<16xi32>
          %add3A_1017 = arith.addi %shift_left3A_1010, %shift_left3A_1016 : vector<16xi32>
          %add3A_1018 = arith.addi %add3A_1017, %broadcast_in_dim3A : vector<16xi32>
          %mul3A_1019 = arith.constant 512 : i32
          %mul3A_1020 = vector.broadcast %mul3A_1019 : i32 to vector<16xi32>
          %mul3A_1021 = arith.muli %min3A_984, %mul3A_1020 : vector<16xi32>
          %mul3A_1022 = arith.constant 512 : i32
          %mul3A_1023 = vector.broadcast %mul3A_1022 : i32 to vector<16xi32>
          %mul3A_1024 = arith.muli %min3A_990, %mul3A_1023 : vector<16xi32>
          %sub3A_1025 = arith.constant 1.000000e+00 : f32
          %sub3A_1026 = vector.broadcast %sub3A_1025 : f32 to vector<16xf32>
          %sub3A_1027 = arith.subf %sub3A_1026, %sub3A_928 : vector<16xf32>
          %add3A_1028 = arith.addi %mul3A_1021, %add3A_1004 : vector<16xi32>
          %mul3A_1029 = arith.mulf %sub3A_1027, %sub3A_932 : vector<16xf32>
          %and3A_1030 = arith.andi %and3A_959, %and3A_945 : vector<16xi1>
          %add3A_1031 = arith.addi %mul3A_1024, %add3A_1004 : vector<16xi32>
          %mul3A_1032 = arith.mulf %sub3A_1027, %mul3A_931 : vector<16xf32>
          %and3A_1033 = arith.andi %and3A_966, %and3A_945 : vector<16xi1>
          %add3A_1034 = arith.addi %mul3A_1021, %add3A_1018 : vector<16xi32>
          %mul3A_1035 = arith.mulf %sub3A_928, %sub3A_932 : vector<16xf32>
          %and3A_1036 = arith.andi %and3A_959, %and3A_952 : vector<16xi1>
          %add3A_1037 = arith.addi %mul3A_1024, %add3A_1018 : vector<16xi32>
          %mul3A_1038 = arith.mulf %sub3A_928, %mul3A_931 : vector<16xf32>
          %and3A_1039 = arith.andi %and3A_966, %and3A_952 : vector<16xi1>
          %mul3A_1040 = arith.constant 16 : i32
          %mul3A_1041 = arith.muli %scan3A_687, %mul3A_1040 : i32
          %add3A_1042 = arith.constant 256 : i32
          %add3A_1043 = arith.addi %add3A_1042, %mul3A_1041 : i32
          %swap3A_1044 = arith.index_cast %add3A_1043 : i32 to index
          %swap3A_1045 = tpu.vector_load %arg10[%swap3A_1044] {strides = array<i32>} : memref<1024xi32, #tpu.memory_space<vmem>>, vector<16xi32>,
          tpu.vector_store %arg10[%swap3A_1044], %add3A_1028 {strides = array<i32>} : memref<1024xi32, #tpu.memory_space<vmem>>, vector<16xi32>,
          %select_n3A_1046 = arith.select %and3A_1030, %mul3A_1029, %broadcast_in_dim3A_97 : vector<16xi1>, vector<16xf32>
          %swap3A_1047 = arith.index_cast %add3A_1043 : i32 to index
          %swap3A_1048 = tpu.vector_load %arg12[%swap3A_1047] {strides = array<i32>} : memref<1024xf32, #tpu.memory_space<vmem>>, vector<16xf32>,
          tpu.vector_store %arg12[%swap3A_1047], %select_n3A_1046 {strides = array<i32>} : memref<1024xf32, #tpu.memory_space<vmem>>, vector<16xf32>,
          %mul3A_1049 = arith.constant 16 : i32
          %mul3A_1050 = arith.muli %scan3A_687, %mul3A_1049 : i32
          %add3A_1051 = arith.constant 320 : i32
          %add3A_1052 = arith.addi %add3A_1051, %mul3A_1050 : i32
          %swap3A_1053 = arith.index_cast %add3A_1052 : i32 to index
          %swap3A_1054 = tpu.vector_load %arg10[%swap3A_1053] {strides = array<i32>} : memref<1024xi32, #tpu.memory_space<vmem>>, vector<16xi32>,
          tpu.vector_store %arg10[%swap3A_1053], %add3A_1031 {strides = array<i32>} : memref<1024xi32, #tpu.memory_space<vmem>>, vector<16xi32>,
          %select_n3A_1055 = arith.select %and3A_1033, %mul3A_1032, %broadcast_in_dim3A_97 : vector<16xi1>, vector<16xf32>
          %swap3A_1056 = arith.index_cast %add3A_1052 : i32 to index
          %swap3A_1057 = tpu.vector_load %arg12[%swap3A_1056] {strides = array<i32>} : memref<1024xf32, #tpu.memory_space<vmem>>, vector<16xf32>,
          tpu.vector_store %arg12[%swap3A_1056], %select_n3A_1055 {strides = array<i32>} : memref<1024xf32, #tpu.memory_space<vmem>>, vector<16xf32>,
          %mul3A_1058 = arith.constant 16 : i32
          %mul3A_1059 = arith.muli %scan3A_687, %mul3A_1058 : i32
          %add3A_1060 = arith.constant 384 : i32
          %add3A_1061 = arith.addi %add3A_1060, %mul3A_1059 : i32
          %swap3A_1062 = arith.index_cast %add3A_1061 : i32 to index
          %swap3A_1063 = tpu.vector_load %arg10[%swap3A_1062] {strides = array<i32>} : memref<1024xi32, #tpu.memory_space<vmem>>, vector<16xi32>,
          tpu.vector_store %arg10[%swap3A_1062], %add3A_1034 {strides = array<i32>} : memref<1024xi32, #tpu.memory_space<vmem>>, vector<16xi32>,
          %select_n3A_1064 = arith.select %and3A_1036, %mul3A_1035, %broadcast_in_dim3A_97 : vector<16xi1>, vector<16xf32>
          %swap3A_1065 = arith.index_cast %add3A_1061 : i32 to index
          %swap3A_1066 = tpu.vector_load %arg12[%swap3A_1065] {strides = array<i32>} : memref<1024xf32, #tpu.memory_space<vmem>>, vector<16xf32>,
          tpu.vector_store %arg12[%swap3A_1065], %select_n3A_1064 {strides = array<i32>} : memref<1024xf32, #tpu.memory_space<vmem>>, vector<16xf32>,
          %mul3A_1067 = arith.constant 16 : i32
          %mul3A_1068 = arith.muli %scan3A_687, %mul3A_1067 : i32
          %add3A_1069 = arith.constant 448 : i32
          %add3A_1070 = arith.addi %add3A_1069, %mul3A_1068 : i32
          %swap3A_1071 = arith.index_cast %add3A_1070 : i32 to index
          %swap3A_1072 = tpu.vector_load %arg10[%swap3A_1071] {strides = array<i32>} : memref<1024xi32, #tpu.memory_space<vmem>>, vector<16xi32>,
          tpu.vector_store %arg10[%swap3A_1071], %add3A_1037 {strides = array<i32>} : memref<1024xi32, #tpu.memory_space<vmem>>, vector<16xi32>,
          %select_n3A_1073 = arith.select %and3A_1039, %mul3A_1038, %broadcast_in_dim3A_97 : vector<16xi1>, vector<16xf32>
          %swap3A_1074 = arith.index_cast %add3A_1070 : i32 to index
          %swap3A_1075 = tpu.vector_load %arg12[%swap3A_1074] {strides = array<i32>} : memref<1024xf32, #tpu.memory_space<vmem>>, vector<16xf32>,
          tpu.vector_store %arg12[%swap3A_1074], %select_n3A_1073 {strides = array<i32>} : memref<1024xf32, #tpu.memory_space<vmem>>, vector<16xf32>,
          %get3A_1076 = arith.constant 2 : i32
          %get3A_1077 = arith.constant 0 : i32
          %get3A_1078 = arith.index_cast %get3A_1076 : i32 to index
          %get3A_1079 = arith.index_cast %get3A_1077 : i32 to index
          %get3A_1080 = arith.constant 0 : index
          %get3A_1081 = tpu.vector_load %arg9[%get3A_1078, %get3A_1079, %get3A_1080] {strides = array<i32>} : memref<4x3x16xf32, #tpu.memory_space<vmem>>, vector<16xf32>,
          %get3A_1082 = arith.constant 2 : i32
          %get3A_1083 = arith.constant 1 : i32
          %get3A_1084 = arith.index_cast %get3A_1082 : i32 to index
          %get3A_1085 = arith.index_cast %get3A_1083 : i32 to index
          %get3A_1086 = arith.constant 0 : index
          %get3A_1087 = tpu.vector_load %arg9[%get3A_1084, %get3A_1085, %get3A_1086] {strides = array<i32>} : memref<4x3x16xf32, #tpu.memory_space<vmem>>, vector<16xf32>,
          %get3A_1088 = arith.constant 2 : i32
          %get3A_1089 = arith.constant 2 : i32
          %get3A_1090 = arith.index_cast %get3A_1088 : i32 to index
          %get3A_1091 = arith.index_cast %get3A_1089 : i32 to index
          %get3A_1092 = arith.constant 0 : index
          %get3A_1093 = tpu.vector_load %arg9[%get3A_1090, %get3A_1091, %get3A_1092] {strides = array<i32>} : memref<4x3x16xf32, #tpu.memory_space<vmem>>, vector<16xf32>,
          %mul3A_1094 = arith.constant 6.400000e+01 : f32
          %mul3A_1095 = vector.broadcast %mul3A_1094 : f32 to vector<16xf32>
          %mul3A_1096 = arith.mulf %get3A_691, %mul3A_1095 : vector<16xf32>
          %add3A_1097 = arith.addf %mul3A_1096, %get3A_1081 : vector<16xf32>
          %mul3A_1098 = arith.constant 6.400000e+01 : f32
          %mul3A_1099 = vector.broadcast %mul3A_1098 : f32 to vector<16xf32>
          %mul3A_1100 = arith.mulf %get3A_696, %mul3A_1099 : vector<16xf32>
          %add3A_1101 = arith.addf %mul3A_1100, %get3A_1087 : vector<16xf32>
          %convert_element_type3A_1102 = arith.fptosi %add3A_1097 : vector<16xf32> to vector<16xi32>
          %broadcast_in_dim3A_1103 = arith.constant 1 : i32
          %broadcast_in_dim3A_1104 = vector.broadcast %broadcast_in_dim3A_1103 : i32 to vector<16xi32>
          %broadcast_in_dim3A_1105 = arith.constant 0 : i32
          %broadcast_in_dim3A_1106 = vector.broadcast %broadcast_in_dim3A_1105 : i32 to vector<16xi32>
          %convert_element_type3A_1107 = arith.sitofp %convert_element_type3A_1102 : vector<16xi32> to vector<16xf32>
          %gt3A_1108 = arith.cmpf ogt, %convert_element_type3A_1107, %add3A_1097 : vector<16xf32>
          %select_n3A_1109 = arith.select %gt3A_1108, %broadcast_in_dim3A_1104, %broadcast_in_dim3A_1106 : vector<16xi1>, vector<16xi32>
          %sub3A_1110 = arith.subi %convert_element_type3A_1102, %select_n3A_1109 : vector<16xi32>
          %convert_element_type3A_1111 = arith.fptosi %add3A_1101 : vector<16xf32> to vector<16xi32>
          %broadcast_in_dim3A_1112 = arith.constant 1 : i32
          %broadcast_in_dim3A_1113 = vector.broadcast %broadcast_in_dim3A_1112 : i32 to vector<16xi32>
          %broadcast_in_dim3A_1114 = arith.constant 0 : i32
          %broadcast_in_dim3A_1115 = vector.broadcast %broadcast_in_dim3A_1114 : i32 to vector<16xi32>
          %convert_element_type3A_1116 = arith.sitofp %convert_element_type3A_1111 : vector<16xi32> to vector<16xf32>
          %gt3A_1117 = arith.cmpf ogt, %convert_element_type3A_1116, %add3A_1101 : vector<16xf32>
          %select_n3A_1118 = arith.select %gt3A_1117, %broadcast_in_dim3A_1113, %broadcast_in_dim3A_1115 : vector<16xi1>, vector<16xi32>
          %sub3A_1119 = arith.subi %convert_element_type3A_1111, %select_n3A_1118 : vector<16xi32>
          %convert_element_type3A_1120 = arith.sitofp %sub3A_1110 : vector<16xi32> to vector<16xf32>
          %sub3A_1121 = arith.subf %add3A_1097, %convert_element_type3A_1120 : vector<16xf32>
          %convert_element_type3A_1122 = arith.sitofp %sub3A_1119 : vector<16xi32> to vector<16xf32>
          %sub3A_1123 = arith.subf %add3A_1101, %convert_element_type3A_1122 : vector<16xf32>
          %mul3A_1124 = arith.mulf %sub3A_1123, %get3A_1093 : vector<16xf32>
          %sub3A_1125 = arith.subf %get3A_1093, %mul3A_1124 : vector<16xf32>
          %add3A_1126 = arith.constant 1 : i32
          %add3A_1127 = vector.broadcast %add3A_1126 : i32 to vector<16xi32>
          %add3A_1128 = arith.addi %sub3A_1110, %add3A_1127 : vector<16xi32>
          %add3A_1129 = arith.constant 1 : i32
          %add3A_1130 = vector.broadcast %add3A_1129 : i32 to vector<16xi32>
          %add3A_1131 = arith.addi %sub3A_1119, %add3A_1130 : vector<16xi32>
          %ge3A_1132 = arith.constant 0 : i32
          %ge3A_1133 = vector.broadcast %ge3A_1132 : i32 to vector<16xi32>
          %ge3A_1134 = arith.cmpi sge, %sub3A_1110, %ge3A_1133 : vector<16xi32>
          %le3A_1135 = arith.constant 63 : i32
          %le3A_1136 = vector.broadcast %le3A_1135 : i32 to vector<16xi32>
          %le3A_1137 = arith.cmpi sle, %sub3A_1110, %le3A_1136 : vector<16xi32>
          %and3A_1138 = arith.andi %ge3A_1134, %le3A_1137 : vector<16xi1>
          %ge3A_1139 = arith.constant 0 : i32
          %ge3A_1140 = vector.broadcast %ge3A_1139 : i32 to vector<16xi32>
          %ge3A_1141 = arith.cmpi sge, %add3A_1128, %ge3A_1140 : vector<16xi32>
          %le3A_1142 = arith.constant 63 : i32
          %le3A_1143 = vector.broadcast %le3A_1142 : i32 to vector<16xi32>
          %le3A_1144 = arith.cmpi sle, %add3A_1128, %le3A_1143 : vector<16xi32>
          %and3A_1145 = arith.andi %ge3A_1141, %le3A_1144 : vector<16xi1>
          %ge3A_1146 = arith.constant 0 : i32
          %ge3A_1147 = vector.broadcast %ge3A_1146 : i32 to vector<16xi32>
          %ge3A_1148 = arith.cmpi sge, %sub3A_1119, %ge3A_1147 : vector<16xi32>
          %le3A_1149 = arith.constant 63 : i32
          %le3A_1150 = vector.broadcast %le3A_1149 : i32 to vector<16xi32>
          %le3A_1151 = arith.cmpi sle, %sub3A_1119, %le3A_1150 : vector<16xi32>
          %and3A_1152 = arith.andi %ge3A_1148, %le3A_1151 : vector<16xi1>
          %ge3A_1153 = arith.constant 0 : i32
          %ge3A_1154 = vector.broadcast %ge3A_1153 : i32 to vector<16xi32>
          %ge3A_1155 = arith.cmpi sge, %add3A_1131, %ge3A_1154 : vector<16xi32>
          %le3A_1156 = arith.constant 63 : i32
          %le3A_1157 = vector.broadcast %le3A_1156 : i32 to vector<16xi32>
          %le3A_1158 = arith.cmpi sle, %add3A_1131, %le3A_1157 : vector<16xi32>
          %and3A_1159 = arith.andi %ge3A_1155, %le3A_1158 : vector<16xi1>
          %jit3A_1160 = arith.constant 0 : i32
          %jit3A_1161 = arith.constant 63 : i32
          %max3A_1162 = vector.broadcast %jit3A_1160 : i32 to vector<16xi32>
          %max3A_1163 = arith.maxsi %max3A_1162, %sub3A_1110 : vector<16xi32>
          %min3A_1164 = vector.broadcast %jit3A_1161 : i32 to vector<16xi32>
          %min3A_1165 = arith.minsi %min3A_1164, %max3A_1163 : vector<16xi32>
          %jit3A_1166 = arith.constant 0 : i32
          %jit3A_1167 = arith.constant 63 : i32
          %max3A_1168 = vector.broadcast %jit3A_1166 : i32 to vector<16xi32>
          %max3A_1169 = arith.maxsi %max3A_1168, %add3A_1128 : vector<16xi32>
          %min3A_1170 = vector.broadcast %jit3A_1167 : i32 to vector<16xi32>
          %min3A_1171 = arith.minsi %min3A_1170, %max3A_1169 : vector<16xi32>
          %jit3A_1172 = arith.constant 0 : i32
          %jit3A_1173 = arith.constant 63 : i32
          %max3A_1174 = vector.broadcast %jit3A_1172 : i32 to vector<16xi32>
          %max3A_1175 = arith.maxsi %max3A_1174, %sub3A_1119 : vector<16xi32>
          %min3A_1176 = vector.broadcast %jit3A_1173 : i32 to vector<16xi32>
          %min3A_1177 = arith.minsi %min3A_1176, %max3A_1175 : vector<16xi32>
          %jit3A_1178 = arith.constant 0 : i32
          %jit3A_1179 = arith.constant 63 : i32
          %max3A_1180 = vector.broadcast %jit3A_1178 : i32 to vector<16xi32>
          %max3A_1181 = arith.maxsi %max3A_1180, %add3A_1131 : vector<16xi32>
          %min3A_1182 = vector.broadcast %jit3A_1179 : i32 to vector<16xi32>
          %min3A_1183 = arith.minsi %min3A_1182, %max3A_1181 : vector<16xi32>
          %shift_right_arithmetic3A_1184 = arith.constant 3 : i32
          %shift_right_arithmetic3A_1185 = vector.broadcast %shift_right_arithmetic3A_1184 : i32 to vector<16xi32>
          %shift_right_arithmetic3A_1186 = arith.shrsi %min3A_1165, %shift_right_arithmetic3A_1185 : vector<16xi32>
          %shift_left3A_1187 = arith.constant 6 : i32
          %shift_left3A_1188 = vector.broadcast %shift_left3A_1187 : i32 to vector<16xi32>
          %shift_left3A_1189 = arith.shli %shift_right_arithmetic3A_1186, %shift_left3A_1188 : vector<16xi32>
          %and3A_1190 = arith.constant 7 : i32
          %and3A_1191 = vector.broadcast %and3A_1190 : i32 to vector<16xi32>
          %and3A_1192 = arith.andi %min3A_1165, %and3A_1191 : vector<16xi32>
          %shift_left3A_1193 = arith.constant 2 : i32
          %shift_left3A_1194 = vector.broadcast %shift_left3A_1193 : i32 to vector<16xi32>
          %shift_left3A_1195 = arith.shli %and3A_1192, %shift_left3A_1194 : vector<16xi32>
          %add3A_1196 = arith.addi %shift_left3A_1189, %shift_left3A_1195 : vector<16xi32>
          %add3A_1197 = arith.addi %add3A_1196, %broadcast_in_dim3A : vector<16xi32>
          %shift_right_arithmetic3A_1198 = arith.constant 3 : i32
          %shift_right_arithmetic3A_1199 = vector.broadcast %shift_right_arithmetic3A_1198 : i32 to vector<16xi32>
          %shift_right_arithmetic3A_1200 = arith.shrsi %min3A_1171, %shift_right_arithmetic3A_1199 : vector<16xi32>
          %shift_left3A_1201 = arith.constant 6 : i32
          %shift_left3A_1202 = vector.broadcast %shift_left3A_1201 : i32 to vector<16xi32>
          %shift_left3A_1203 = arith.shli %shift_right_arithmetic3A_1200, %shift_left3A_1202 : vector<16xi32>
          %and3A_1204 = arith.constant 7 : i32
          %and3A_1205 = vector.broadcast %and3A_1204 : i32 to vector<16xi32>
          %and3A_1206 = arith.andi %min3A_1171, %and3A_1205 : vector<16xi32>
          %shift_left3A_1207 = arith.constant 2 : i32
          %shift_left3A_1208 = vector.broadcast %shift_left3A_1207 : i32 to vector<16xi32>
          %shift_left3A_1209 = arith.shli %and3A_1206, %shift_left3A_1208 : vector<16xi32>
          %add3A_1210 = arith.addi %shift_left3A_1203, %shift_left3A_1209 : vector<16xi32>
          %add3A_1211 = arith.addi %add3A_1210, %broadcast_in_dim3A : vector<16xi32>
          %mul3A_1212 = arith.constant 512 : i32
          %mul3A_1213 = vector.broadcast %mul3A_1212 : i32 to vector<16xi32>
          %mul3A_1214 = arith.muli %min3A_1177, %mul3A_1213 : vector<16xi32>
          %mul3A_1215 = arith.constant 512 : i32
          %mul3A_1216 = vector.broadcast %mul3A_1215 : i32 to vector<16xi32>
          %mul3A_1217 = arith.muli %min3A_1183, %mul3A_1216 : vector<16xi32>
          %sub3A_1218 = arith.constant 1.000000e+00 : f32
          %sub3A_1219 = vector.broadcast %sub3A_1218 : f32 to vector<16xf32>
          %sub3A_1220 = arith.subf %sub3A_1219, %sub3A_1121 : vector<16xf32>
          %add3A_1221 = arith.addi %mul3A_1214, %add3A_1197 : vector<16xi32>
          %mul3A_1222 = arith.mulf %sub3A_1220, %sub3A_1125 : vector<16xf32>
          %and3A_1223 = arith.andi %and3A_1152, %and3A_1138 : vector<16xi1>
          %add3A_1224 = arith.addi %mul3A_1217, %add3A_1197 : vector<16xi32>
          %mul3A_1225 = arith.mulf %sub3A_1220, %mul3A_1124 : vector<16xf32>
          %and3A_1226 = arith.andi %and3A_1159, %and3A_1138 : vector<16xi1>
          %add3A_1227 = arith.addi %mul3A_1214, %add3A_1211 : vector<16xi32>
          %mul3A_1228 = arith.mulf %sub3A_1121, %sub3A_1125 : vector<16xf32>
          %and3A_1229 = arith.andi %and3A_1152, %and3A_1145 : vector<16xi1>
          %add3A_1230 = arith.addi %mul3A_1217, %add3A_1211 : vector<16xi32>
          %mul3A_1231 = arith.mulf %sub3A_1121, %mul3A_1124 : vector<16xf32>
          %and3A_1232 = arith.andi %and3A_1159, %and3A_1145 : vector<16xi1>
          %mul3A_1233 = arith.constant 16 : i32
          %mul3A_1234 = arith.muli %scan3A_687, %mul3A_1233 : i32
          %add3A_1235 = arith.constant 512 : i32
          %add3A_1236 = arith.addi %add3A_1235, %mul3A_1234 : i32
          %swap3A_1237 = arith.index_cast %add3A_1236 : i32 to index
          %swap3A_1238 = tpu.vector_load %arg10[%swap3A_1237] {strides = array<i32>} : memref<1024xi32, #tpu.memory_space<vmem>>, vector<16xi32>,
          tpu.vector_store %arg10[%swap3A_1237], %add3A_1221 {strides = array<i32>} : memref<1024xi32, #tpu.memory_space<vmem>>, vector<16xi32>,
          %select_n3A_1239 = arith.select %and3A_1223, %mul3A_1222, %broadcast_in_dim3A_97 : vector<16xi1>, vector<16xf32>
          %swap3A_1240 = arith.index_cast %add3A_1236 : i32 to index
          %swap3A_1241 = tpu.vector_load %arg12[%swap3A_1240] {strides = array<i32>} : memref<1024xf32, #tpu.memory_space<vmem>>, vector<16xf32>,
          tpu.vector_store %arg12[%swap3A_1240], %select_n3A_1239 {strides = array<i32>} : memref<1024xf32, #tpu.memory_space<vmem>>, vector<16xf32>,
          %mul3A_1242 = arith.constant 16 : i32
          %mul3A_1243 = arith.muli %scan3A_687, %mul3A_1242 : i32
          %add3A_1244 = arith.constant 576 : i32
          %add3A_1245 = arith.addi %add3A_1244, %mul3A_1243 : i32
          %swap3A_1246 = arith.index_cast %add3A_1245 : i32 to index
          %swap3A_1247 = tpu.vector_load %arg10[%swap3A_1246] {strides = array<i32>} : memref<1024xi32, #tpu.memory_space<vmem>>, vector<16xi32>,
          tpu.vector_store %arg10[%swap3A_1246], %add3A_1224 {strides = array<i32>} : memref<1024xi32, #tpu.memory_space<vmem>>, vector<16xi32>,
          %select_n3A_1248 = arith.select %and3A_1226, %mul3A_1225, %broadcast_in_dim3A_97 : vector<16xi1>, vector<16xf32>
          %swap3A_1249 = arith.index_cast %add3A_1245 : i32 to index
          %swap3A_1250 = tpu.vector_load %arg12[%swap3A_1249] {strides = array<i32>} : memref<1024xf32, #tpu.memory_space<vmem>>, vector<16xf32>,
          tpu.vector_store %arg12[%swap3A_1249], %select_n3A_1248 {strides = array<i32>} : memref<1024xf32, #tpu.memory_space<vmem>>, vector<16xf32>,
          %mul3A_1251 = arith.constant 16 : i32
          %mul3A_1252 = arith.muli %scan3A_687, %mul3A_1251 : i32
          %add3A_1253 = arith.constant 640 : i32
          %add3A_1254 = arith.addi %add3A_1253, %mul3A_1252 : i32
          %swap3A_1255 = arith.index_cast %add3A_1254 : i32 to index
          %swap3A_1256 = tpu.vector_load %arg10[%swap3A_1255] {strides = array<i32>} : memref<1024xi32, #tpu.memory_space<vmem>>, vector<16xi32>,
          tpu.vector_store %arg10[%swap3A_1255], %add3A_1227 {strides = array<i32>} : memref<1024xi32, #tpu.memory_space<vmem>>, vector<16xi32>,
          %select_n3A_1257 = arith.select %and3A_1229, %mul3A_1228, %broadcast_in_dim3A_97 : vector<16xi1>, vector<16xf32>
          %swap3A_1258 = arith.index_cast %add3A_1254 : i32 to index
          %swap3A_1259 = tpu.vector_load %arg12[%swap3A_1258] {strides = array<i32>} : memref<1024xf32, #tpu.memory_space<vmem>>, vector<16xf32>,
          tpu.vector_store %arg12[%swap3A_1258], %select_n3A_1257 {strides = array<i32>} : memref<1024xf32, #tpu.memory_space<vmem>>, vector<16xf32>,
          %mul3A_1260 = arith.constant 16 : i32
          %mul3A_1261 = arith.muli %scan3A_687, %mul3A_1260 : i32
          %add3A_1262 = arith.constant 704 : i32
          %add3A_1263 = arith.addi %add3A_1262, %mul3A_1261 : i32
          %swap3A_1264 = arith.index_cast %add3A_1263 : i32 to index
          %swap3A_1265 = tpu.vector_load %arg10[%swap3A_1264] {strides = array<i32>} : memref<1024xi32, #tpu.memory_space<vmem>>, vector<16xi32>,
          tpu.vector_store %arg10[%swap3A_1264], %add3A_1230 {strides = array<i32>} : memref<1024xi32, #tpu.memory_space<vmem>>, vector<16xi32>,
          %select_n3A_1266 = arith.select %and3A_1232, %mul3A_1231, %broadcast_in_dim3A_97 : vector<16xi1>, vector<16xf32>
          %swap3A_1267 = arith.index_cast %add3A_1263 : i32 to index
          %swap3A_1268 = tpu.vector_load %arg12[%swap3A_1267] {strides = array<i32>} : memref<1024xf32, #tpu.memory_space<vmem>>, vector<16xf32>,
          tpu.vector_store %arg12[%swap3A_1267], %select_n3A_1266 {strides = array<i32>} : memref<1024xf32, #tpu.memory_space<vmem>>, vector<16xf32>,
          %get3A_1269 = arith.constant 3 : i32
          %get3A_1270 = arith.constant 0 : i32
          %get3A_1271 = arith.index_cast %get3A_1269 : i32 to index
          %get3A_1272 = arith.index_cast %get3A_1270 : i32 to index
          %get3A_1273 = arith.constant 0 : index
          %get3A_1274 = tpu.vector_load %arg9[%get3A_1271, %get3A_1272, %get3A_1273] {strides = array<i32>} : memref<4x3x16xf32, #tpu.memory_space<vmem>>, vector<16xf32>,
          %get3A_1275 = arith.constant 3 : i32
          %get3A_1276 = arith.constant 1 : i32
          %get3A_1277 = arith.index_cast %get3A_1275 : i32 to index
          %get3A_1278 = arith.index_cast %get3A_1276 : i32 to index
          %get3A_1279 = arith.constant 0 : index
          %get3A_1280 = tpu.vector_load %arg9[%get3A_1277, %get3A_1278, %get3A_1279] {strides = array<i32>} : memref<4x3x16xf32, #tpu.memory_space<vmem>>, vector<16xf32>,
          %get3A_1281 = arith.constant 3 : i32
          %get3A_1282 = arith.constant 2 : i32
          %get3A_1283 = arith.index_cast %get3A_1281 : i32 to index
          %get3A_1284 = arith.index_cast %get3A_1282 : i32 to index
          %get3A_1285 = arith.constant 0 : index
          %get3A_1286 = tpu.vector_load %arg9[%get3A_1283, %get3A_1284, %get3A_1285] {strides = array<i32>} : memref<4x3x16xf32, #tpu.memory_space<vmem>>, vector<16xf32>,
          %mul3A_1287 = arith.constant 6.400000e+01 : f32
          %mul3A_1288 = vector.broadcast %mul3A_1287 : f32 to vector<16xf32>
          %mul3A_1289 = arith.mulf %get3A_691, %mul3A_1288 : vector<16xf32>
          %add3A_1290 = arith.addf %mul3A_1289, %get3A_1274 : vector<16xf32>
          %mul3A_1291 = arith.constant 6.400000e+01 : f32
          %mul3A_1292 = vector.broadcast %mul3A_1291 : f32 to vector<16xf32>
          %mul3A_1293 = arith.mulf %get3A_696, %mul3A_1292 : vector<16xf32>
          %add3A_1294 = arith.addf %mul3A_1293, %get3A_1280 : vector<16xf32>
          %convert_element_type3A_1295 = arith.fptosi %add3A_1290 : vector<16xf32> to vector<16xi32>
          %broadcast_in_dim3A_1296 = arith.constant 1 : i32
          %broadcast_in_dim3A_1297 = vector.broadcast %broadcast_in_dim3A_1296 : i32 to vector<16xi32>
          %broadcast_in_dim3A_1298 = arith.constant 0 : i32
          %broadcast_in_dim3A_1299 = vector.broadcast %broadcast_in_dim3A_1298 : i32 to vector<16xi32>
          %convert_element_type3A_1300 = arith.sitofp %convert_element_type3A_1295 : vector<16xi32> to vector<16xf32>
          %gt3A_1301 = arith.cmpf ogt, %convert_element_type3A_1300, %add3A_1290 : vector<16xf32>
          %select_n3A_1302 = arith.select %gt3A_1301, %broadcast_in_dim3A_1297, %broadcast_in_dim3A_1299 : vector<16xi1>, vector<16xi32>
          %sub3A_1303 = arith.subi %convert_element_type3A_1295, %select_n3A_1302 : vector<16xi32>
          %convert_element_type3A_1304 = arith.fptosi %add3A_1294 : vector<16xf32> to vector<16xi32>
          %broadcast_in_dim3A_1305 = arith.constant 1 : i32
          %broadcast_in_dim3A_1306 = vector.broadcast %broadcast_in_dim3A_1305 : i32 to vector<16xi32>
          %broadcast_in_dim3A_1307 = arith.constant 0 : i32
          %broadcast_in_dim3A_1308 = vector.broadcast %broadcast_in_dim3A_1307 : i32 to vector<16xi32>
          %convert_element_type3A_1309 = arith.sitofp %convert_element_type3A_1304 : vector<16xi32> to vector<16xf32>
          %gt3A_1310 = arith.cmpf ogt, %convert_element_type3A_1309, %add3A_1294 : vector<16xf32>
          %select_n3A_1311 = arith.select %gt3A_1310, %broadcast_in_dim3A_1306, %broadcast_in_dim3A_1308 : vector<16xi1>, vector<16xi32>
          %sub3A_1312 = arith.subi %convert_element_type3A_1304, %select_n3A_1311 : vector<16xi32>
          %convert_element_type3A_1313 = arith.sitofp %sub3A_1303 : vector<16xi32> to vector<16xf32>
          %sub3A_1314 = arith.subf %add3A_1290, %convert_element_type3A_1313 : vector<16xf32>
          %convert_element_type3A_1315 = arith.sitofp %sub3A_1312 : vector<16xi32> to vector<16xf32>
          %sub3A_1316 = arith.subf %add3A_1294, %convert_element_type3A_1315 : vector<16xf32>
          %mul3A_1317 = arith.mulf %sub3A_1316, %get3A_1286 : vector<16xf32>
          %sub3A_1318 = arith.subf %get3A_1286, %mul3A_1317 : vector<16xf32>
          %add3A_1319 = arith.constant 1 : i32
          %add3A_1320 = vector.broadcast %add3A_1319 : i32 to vector<16xi32>
          %add3A_1321 = arith.addi %sub3A_1303, %add3A_1320 : vector<16xi32>
          %add3A_1322 = arith.constant 1 : i32
          %add3A_1323 = vector.broadcast %add3A_1322 : i32 to vector<16xi32>
          %add3A_1324 = arith.addi %sub3A_1312, %add3A_1323 : vector<16xi32>
          %ge3A_1325 = arith.constant 0 : i32
          %ge3A_1326 = vector.broadcast %ge3A_1325 : i32 to vector<16xi32>
          %ge3A_1327 = arith.cmpi sge, %sub3A_1303, %ge3A_1326 : vector<16xi32>
          %le3A_1328 = arith.constant 63 : i32
          %le3A_1329 = vector.broadcast %le3A_1328 : i32 to vector<16xi32>
          %le3A_1330 = arith.cmpi sle, %sub3A_1303, %le3A_1329 : vector<16xi32>
          %and3A_1331 = arith.andi %ge3A_1327, %le3A_1330 : vector<16xi1>
          %ge3A_1332 = arith.constant 0 : i32
          %ge3A_1333 = vector.broadcast %ge3A_1332 : i32 to vector<16xi32>
          %ge3A_1334 = arith.cmpi sge, %add3A_1321, %ge3A_1333 : vector<16xi32>
          %le3A_1335 = arith.constant 63 : i32
          %le3A_1336 = vector.broadcast %le3A_1335 : i32 to vector<16xi32>
          %le3A_1337 = arith.cmpi sle, %add3A_1321, %le3A_1336 : vector<16xi32>
          %and3A_1338 = arith.andi %ge3A_1334, %le3A_1337 : vector<16xi1>
          %ge3A_1339 = arith.constant 0 : i32
          %ge3A_1340 = vector.broadcast %ge3A_1339 : i32 to vector<16xi32>
          %ge3A_1341 = arith.cmpi sge, %sub3A_1312, %ge3A_1340 : vector<16xi32>
          %le3A_1342 = arith.constant 63 : i32
          %le3A_1343 = vector.broadcast %le3A_1342 : i32 to vector<16xi32>
          %le3A_1344 = arith.cmpi sle, %sub3A_1312, %le3A_1343 : vector<16xi32>
          %and3A_1345 = arith.andi %ge3A_1341, %le3A_1344 : vector<16xi1>
          %ge3A_1346 = arith.constant 0 : i32
          %ge3A_1347 = vector.broadcast %ge3A_1346 : i32 to vector<16xi32>
          %ge3A_1348 = arith.cmpi sge, %add3A_1324, %ge3A_1347 : vector<16xi32>
          %le3A_1349 = arith.constant 63 : i32
          %le3A_1350 = vector.broadcast %le3A_1349 : i32 to vector<16xi32>
          %le3A_1351 = arith.cmpi sle, %add3A_1324, %le3A_1350 : vector<16xi32>
          %and3A_1352 = arith.andi %ge3A_1348, %le3A_1351 : vector<16xi1>
          %jit3A_1353 = arith.constant 0 : i32
          %jit3A_1354 = arith.constant 63 : i32
          %max3A_1355 = vector.broadcast %jit3A_1353 : i32 to vector<16xi32>
          %max3A_1356 = arith.maxsi %max3A_1355, %sub3A_1303 : vector<16xi32>
          %min3A_1357 = vector.broadcast %jit3A_1354 : i32 to vector<16xi32>
          %min3A_1358 = arith.minsi %min3A_1357, %max3A_1356 : vector<16xi32>
          %jit3A_1359 = arith.constant 0 : i32
          %jit3A_1360 = arith.constant 63 : i32
          %max3A_1361 = vector.broadcast %jit3A_1359 : i32 to vector<16xi32>
          %max3A_1362 = arith.maxsi %max3A_1361, %add3A_1321 : vector<16xi32>
          %min3A_1363 = vector.broadcast %jit3A_1360 : i32 to vector<16xi32>
          %min3A_1364 = arith.minsi %min3A_1363, %max3A_1362 : vector<16xi32>
          %jit3A_1365 = arith.constant 0 : i32
          %jit3A_1366 = arith.constant 63 : i32
          %max3A_1367 = vector.broadcast %jit3A_1365 : i32 to vector<16xi32>
          %max3A_1368 = arith.maxsi %max3A_1367, %sub3A_1312 : vector<16xi32>
          %min3A_1369 = vector.broadcast %jit3A_1366 : i32 to vector<16xi32>
          %min3A_1370 = arith.minsi %min3A_1369, %max3A_1368 : vector<16xi32>
          %jit3A_1371 = arith.constant 0 : i32
          %jit3A_1372 = arith.constant 63 : i32
          %max3A_1373 = vector.broadcast %jit3A_1371 : i32 to vector<16xi32>
          %max3A_1374 = arith.maxsi %max3A_1373, %add3A_1324 : vector<16xi32>
          %min3A_1375 = vector.broadcast %jit3A_1372 : i32 to vector<16xi32>
          %min3A_1376 = arith.minsi %min3A_1375, %max3A_1374 : vector<16xi32>
          %shift_right_arithmetic3A_1377 = arith.constant 3 : i32
          %shift_right_arithmetic3A_1378 = vector.broadcast %shift_right_arithmetic3A_1377 : i32 to vector<16xi32>
          %shift_right_arithmetic3A_1379 = arith.shrsi %min3A_1358, %shift_right_arithmetic3A_1378 : vector<16xi32>
          %shift_left3A_1380 = arith.constant 6 : i32
          %shift_left3A_1381 = vector.broadcast %shift_left3A_1380 : i32 to vector<16xi32>
          %shift_left3A_1382 = arith.shli %shift_right_arithmetic3A_1379, %shift_left3A_1381 : vector<16xi32>
          %and3A_1383 = arith.constant 7 : i32
          %and3A_1384 = vector.broadcast %and3A_1383 : i32 to vector<16xi32>
          %and3A_1385 = arith.andi %min3A_1358, %and3A_1384 : vector<16xi32>
          %shift_left3A_1386 = arith.constant 2 : i32
          %shift_left3A_1387 = vector.broadcast %shift_left3A_1386 : i32 to vector<16xi32>
          %shift_left3A_1388 = arith.shli %and3A_1385, %shift_left3A_1387 : vector<16xi32>
          %add3A_1389 = arith.addi %shift_left3A_1382, %shift_left3A_1388 : vector<16xi32>
          %add3A_1390 = arith.addi %add3A_1389, %broadcast_in_dim3A : vector<16xi32>
          %shift_right_arithmetic3A_1391 = arith.constant 3 : i32
          %shift_right_arithmetic3A_1392 = vector.broadcast %shift_right_arithmetic3A_1391 : i32 to vector<16xi32>
          %shift_right_arithmetic3A_1393 = arith.shrsi %min3A_1364, %shift_right_arithmetic3A_1392 : vector<16xi32>
          %shift_left3A_1394 = arith.constant 6 : i32
          %shift_left3A_1395 = vector.broadcast %shift_left3A_1394 : i32 to vector<16xi32>
          %shift_left3A_1396 = arith.shli %shift_right_arithmetic3A_1393, %shift_left3A_1395 : vector<16xi32>
          %and3A_1397 = arith.constant 7 : i32
          %and3A_1398 = vector.broadcast %and3A_1397 : i32 to vector<16xi32>
          %and3A_1399 = arith.andi %min3A_1364, %and3A_1398 : vector<16xi32>
          %shift_left3A_1400 = arith.constant 2 : i32
          %shift_left3A_1401 = vector.broadcast %shift_left3A_1400 : i32 to vector<16xi32>
          %shift_left3A_1402 = arith.shli %and3A_1399, %shift_left3A_1401 : vector<16xi32>
          %add3A_1403 = arith.addi %shift_left3A_1396, %shift_left3A_1402 : vector<16xi32>
          %add3A_1404 = arith.addi %add3A_1403, %broadcast_in_dim3A : vector<16xi32>
          %mul3A_1405 = arith.constant 512 : i32
          %mul3A_1406 = vector.broadcast %mul3A_1405 : i32 to vector<16xi32>
          %mul3A_1407 = arith.muli %min3A_1370, %mul3A_1406 : vector<16xi32>
          %mul3A_1408 = arith.constant 512 : i32
          %mul3A_1409 = vector.broadcast %mul3A_1408 : i32 to vector<16xi32>
          %mul3A_1410 = arith.muli %min3A_1376, %mul3A_1409 : vector<16xi32>
          %sub3A_1411 = arith.constant 1.000000e+00 : f32
          %sub3A_1412 = vector.broadcast %sub3A_1411 : f32 to vector<16xf32>
          %sub3A_1413 = arith.subf %sub3A_1412, %sub3A_1314 : vector<16xf32>
          %add3A_1414 = arith.addi %mul3A_1407, %add3A_1390 : vector<16xi32>
          %mul3A_1415 = arith.mulf %sub3A_1413, %sub3A_1318 : vector<16xf32>
          %and3A_1416 = arith.andi %and3A_1345, %and3A_1331 : vector<16xi1>
          %add3A_1417 = arith.addi %mul3A_1410, %add3A_1390 : vector<16xi32>
          %mul3A_1418 = arith.mulf %sub3A_1413, %mul3A_1317 : vector<16xf32>
          %and3A_1419 = arith.andi %and3A_1352, %and3A_1331 : vector<16xi1>
          %add3A_1420 = arith.addi %mul3A_1407, %add3A_1404 : vector<16xi32>
          %mul3A_1421 = arith.mulf %sub3A_1314, %sub3A_1318 : vector<16xf32>
          %and3A_1422 = arith.andi %and3A_1345, %and3A_1338 : vector<16xi1>
          %add3A_1423 = arith.addi %mul3A_1410, %add3A_1404 : vector<16xi32>
          %mul3A_1424 = arith.mulf %sub3A_1314, %mul3A_1317 : vector<16xf32>
          %and3A_1425 = arith.andi %and3A_1352, %and3A_1338 : vector<16xi1>
          %mul3A_1426 = arith.constant 16 : i32
          %mul3A_1427 = arith.muli %scan3A_687, %mul3A_1426 : i32
          %add3A_1428 = arith.constant 768 : i32
          %add3A_1429 = arith.addi %add3A_1428, %mul3A_1427 : i32
          %swap3A_1430 = arith.index_cast %add3A_1429 : i32 to index
          %swap3A_1431 = tpu.vector_load %arg10[%swap3A_1430] {strides = array<i32>} : memref<1024xi32, #tpu.memory_space<vmem>>, vector<16xi32>,
          tpu.vector_store %arg10[%swap3A_1430], %add3A_1414 {strides = array<i32>} : memref<1024xi32, #tpu.memory_space<vmem>>, vector<16xi32>,
          %select_n3A_1432 = arith.select %and3A_1416, %mul3A_1415, %broadcast_in_dim3A_97 : vector<16xi1>, vector<16xf32>
          %swap3A_1433 = arith.index_cast %add3A_1429 : i32 to index
          %swap3A_1434 = tpu.vector_load %arg12[%swap3A_1433] {strides = array<i32>} : memref<1024xf32, #tpu.memory_space<vmem>>, vector<16xf32>,
          tpu.vector_store %arg12[%swap3A_1433], %select_n3A_1432 {strides = array<i32>} : memref<1024xf32, #tpu.memory_space<vmem>>, vector<16xf32>,
          %mul3A_1435 = arith.constant 16 : i32
          %mul3A_1436 = arith.muli %scan3A_687, %mul3A_1435 : i32
          %add3A_1437 = arith.constant 832 : i32
          %add3A_1438 = arith.addi %add3A_1437, %mul3A_1436 : i32
          %swap3A_1439 = arith.index_cast %add3A_1438 : i32 to index
          %swap3A_1440 = tpu.vector_load %arg10[%swap3A_1439] {strides = array<i32>} : memref<1024xi32, #tpu.memory_space<vmem>>, vector<16xi32>,
          tpu.vector_store %arg10[%swap3A_1439], %add3A_1417 {strides = array<i32>} : memref<1024xi32, #tpu.memory_space<vmem>>, vector<16xi32>,
          %select_n3A_1441 = arith.select %and3A_1419, %mul3A_1418, %broadcast_in_dim3A_97 : vector<16xi1>, vector<16xf32>
          %swap3A_1442 = arith.index_cast %add3A_1438 : i32 to index
          %swap3A_1443 = tpu.vector_load %arg12[%swap3A_1442] {strides = array<i32>} : memref<1024xf32, #tpu.memory_space<vmem>>, vector<16xf32>,
          tpu.vector_store %arg12[%swap3A_1442], %select_n3A_1441 {strides = array<i32>} : memref<1024xf32, #tpu.memory_space<vmem>>, vector<16xf32>,
          %mul3A_1444 = arith.constant 16 : i32
          %mul3A_1445 = arith.muli %scan3A_687, %mul3A_1444 : i32
          %add3A_1446 = arith.constant 896 : i32
          %add3A_1447 = arith.addi %add3A_1446, %mul3A_1445 : i32
          %swap3A_1448 = arith.index_cast %add3A_1447 : i32 to index
          %swap3A_1449 = tpu.vector_load %arg10[%swap3A_1448] {strides = array<i32>} : memref<1024xi32, #tpu.memory_space<vmem>>, vector<16xi32>,
          tpu.vector_store %arg10[%swap3A_1448], %add3A_1420 {strides = array<i32>} : memref<1024xi32, #tpu.memory_space<vmem>>, vector<16xi32>,
          %select_n3A_1450 = arith.select %and3A_1422, %mul3A_1421, %broadcast_in_dim3A_97 : vector<16xi1>, vector<16xf32>
          %swap3A_1451 = arith.index_cast %add3A_1447 : i32 to index
          %swap3A_1452 = tpu.vector_load %arg12[%swap3A_1451] {strides = array<i32>} : memref<1024xf32, #tpu.memory_space<vmem>>, vector<16xf32>,
          tpu.vector_store %arg12[%swap3A_1451], %select_n3A_1450 {strides = array<i32>} : memref<1024xf32, #tpu.memory_space<vmem>>, vector<16xf32>,
          %mul3A_1453 = arith.constant 16 : i32
          %mul3A_1454 = arith.muli %scan3A_687, %mul3A_1453 : i32
          %add3A_1455 = arith.constant 960 : i32
          %add3A_1456 = arith.addi %add3A_1455, %mul3A_1454 : i32
          %swap3A_1457 = arith.index_cast %add3A_1456 : i32 to index
          %swap3A_1458 = tpu.vector_load %arg10[%swap3A_1457] {strides = array<i32>} : memref<1024xi32, #tpu.memory_space<vmem>>, vector<16xi32>,
          tpu.vector_store %arg10[%swap3A_1457], %add3A_1423 {strides = array<i32>} : memref<1024xi32, #tpu.memory_space<vmem>>, vector<16xi32>,
          %select_n3A_1459 = arith.select %and3A_1425, %mul3A_1424, %broadcast_in_dim3A_97 : vector<16xi1>, vector<16xf32>
          %swap3A_1460 = arith.index_cast %add3A_1456 : i32 to index
          %swap3A_1461 = tpu.vector_load %arg12[%swap3A_1460] {strides = array<i32>} : memref<1024xf32, #tpu.memory_space<vmem>>, vector<16xf32>,
          tpu.vector_store %arg12[%swap3A_1460], %select_n3A_1459 {strides = array<i32>} : memref<1024xf32, #tpu.memory_space<vmem>>, vector<16xf32>,
        }
        %scan3A_622 = arith.constant 4 : i32
        %dma_start3A_623 = arith.constant 0 : i32
        %dma_start3A_624 = arith.constant 0 : i32
        %dma_start3A_625 = tpu.memref_slice %arg14[%dma_start3A_623, %dma_start3A_624] : memref<1024x32xf32, #tpu.memory_space<vmem>> -> memref<128x32xf32, #tpu.memory_space<vmem>>
        %dma_start3A_626 = arith.constant 0 : i32
        %dma_start3A_627 = tpu.memref_slice %arg10[%dma_start3A_626] : memref<1024xi32, #tpu.memory_space<vmem>> -> memref<128xi32, #tpu.memory_space<vmem>>
        %dma_start3A_628 = arith.constant 0 : i32
        %dma_start3A_629 = arith.constant 0 : i32
        %dma_start3A_630 = tpu.memref_slice %arg2[%dma_start3A_628, %dma_start3A_629] : memref<131072x32xf32, #tpu.memory_space<hbm>> -> memref<131072x32xf32, #tpu.memory_space<hbm>>
        tpu.enqueue_indirect_dma source(%dma_start3A_630 : memref<131072x32xf32, #tpu.memory_space<hbm>>) target(%dma_start3A_625 : memref<128x32xf32, #tpu.memory_space<vmem>>) offsets(%dma_start3A_627 : memref<128xi32, #tpu.memory_space<vmem>>) semaphore(%arg18 : memref<!tpu.dma_semaphore, #tpu.memory_space<semaphore_mem>>)
        %dma_start3A_631 = arith.constant 128 : i32
        %dma_start3A_632 = arith.constant 0 : i32
        %dma_start3A_633 = tpu.memref_slice %arg14[%dma_start3A_631, %dma_start3A_632] : memref<1024x32xf32, #tpu.memory_space<vmem>> -> memref<128x32xf32, #tpu.memory_space<vmem>>
        %dma_start3A_634 = arith.constant 128 : i32
        %dma_start3A_635 = tpu.memref_slice %arg10[%dma_start3A_634] : memref<1024xi32, #tpu.memory_space<vmem>> -> memref<128xi32, #tpu.memory_space<vmem>>
        %dma_start3A_636 = arith.constant 0 : i32
        %dma_start3A_637 = arith.constant 0 : i32
        %dma_start3A_638 = tpu.memref_slice %arg2[%dma_start3A_636, %dma_start3A_637] : memref<131072x32xf32, #tpu.memory_space<hbm>> -> memref<131072x32xf32, #tpu.memory_space<hbm>>
        tpu.enqueue_indirect_dma source(%dma_start3A_638 : memref<131072x32xf32, #tpu.memory_space<hbm>>) target(%dma_start3A_633 : memref<128x32xf32, #tpu.memory_space<vmem>>) offsets(%dma_start3A_635 : memref<128xi32, #tpu.memory_space<vmem>>) semaphore(%arg18 : memref<!tpu.dma_semaphore, #tpu.memory_space<semaphore_mem>>)
        %dma_start3A_639 = arith.constant 256 : i32
        %dma_start3A_640 = arith.constant 0 : i32
        %dma_start3A_641 = tpu.memref_slice %arg14[%dma_start3A_639, %dma_start3A_640] : memref<1024x32xf32, #tpu.memory_space<vmem>> -> memref<128x32xf32, #tpu.memory_space<vmem>>
        %dma_start3A_642 = arith.constant 256 : i32
        %dma_start3A_643 = tpu.memref_slice %arg10[%dma_start3A_642] : memref<1024xi32, #tpu.memory_space<vmem>> -> memref<128xi32, #tpu.memory_space<vmem>>
        %dma_start3A_644 = arith.constant 0 : i32
        %dma_start3A_645 = arith.constant 0 : i32
        %dma_start3A_646 = tpu.memref_slice %arg2[%dma_start3A_644, %dma_start3A_645] : memref<131072x32xf32, #tpu.memory_space<hbm>> -> memref<131072x32xf32, #tpu.memory_space<hbm>>
        tpu.enqueue_indirect_dma source(%dma_start3A_646 : memref<131072x32xf32, #tpu.memory_space<hbm>>) target(%dma_start3A_641 : memref<128x32xf32, #tpu.memory_space<vmem>>) offsets(%dma_start3A_643 : memref<128xi32, #tpu.memory_space<vmem>>) semaphore(%arg18 : memref<!tpu.dma_semaphore, #tpu.memory_space<semaphore_mem>>)
        %dma_start3A_647 = arith.constant 384 : i32
        %dma_start3A_648 = arith.constant 0 : i32
        %dma_start3A_649 = tpu.memref_slice %arg14[%dma_start3A_647, %dma_start3A_648] : memref<1024x32xf32, #tpu.memory_space<vmem>> -> memref<128x32xf32, #tpu.memory_space<vmem>>
        %dma_start3A_650 = arith.constant 384 : i32
        %dma_start3A_651 = tpu.memref_slice %arg10[%dma_start3A_650] : memref<1024xi32, #tpu.memory_space<vmem>> -> memref<128xi32, #tpu.memory_space<vmem>>
        %dma_start3A_652 = arith.constant 0 : i32
        %dma_start3A_653 = arith.constant 0 : i32
        %dma_start3A_654 = tpu.memref_slice %arg2[%dma_start3A_652, %dma_start3A_653] : memref<131072x32xf32, #tpu.memory_space<hbm>> -> memref<131072x32xf32, #tpu.memory_space<hbm>>
        tpu.enqueue_indirect_dma source(%dma_start3A_654 : memref<131072x32xf32, #tpu.memory_space<hbm>>) target(%dma_start3A_649 : memref<128x32xf32, #tpu.memory_space<vmem>>) offsets(%dma_start3A_651 : memref<128xi32, #tpu.memory_space<vmem>>) semaphore(%arg18 : memref<!tpu.dma_semaphore, #tpu.memory_space<semaphore_mem>>)
        %dma_start3A_655 = arith.constant 512 : i32
        %dma_start3A_656 = arith.constant 0 : i32
        %dma_start3A_657 = tpu.memref_slice %arg14[%dma_start3A_655, %dma_start3A_656] : memref<1024x32xf32, #tpu.memory_space<vmem>> -> memref<128x32xf32, #tpu.memory_space<vmem>>
        %dma_start3A_658 = arith.constant 512 : i32
        %dma_start3A_659 = tpu.memref_slice %arg10[%dma_start3A_658] : memref<1024xi32, #tpu.memory_space<vmem>> -> memref<128xi32, #tpu.memory_space<vmem>>
        %dma_start3A_660 = arith.constant 0 : i32
        %dma_start3A_661 = arith.constant 0 : i32
        %dma_start3A_662 = tpu.memref_slice %arg2[%dma_start3A_660, %dma_start3A_661] : memref<131072x32xf32, #tpu.memory_space<hbm>> -> memref<131072x32xf32, #tpu.memory_space<hbm>>
        tpu.enqueue_indirect_dma source(%dma_start3A_662 : memref<131072x32xf32, #tpu.memory_space<hbm>>) target(%dma_start3A_657 : memref<128x32xf32, #tpu.memory_space<vmem>>) offsets(%dma_start3A_659 : memref<128xi32, #tpu.memory_space<vmem>>) semaphore(%arg18 : memref<!tpu.dma_semaphore, #tpu.memory_space<semaphore_mem>>)
        %dma_start3A_663 = arith.constant 640 : i32
        %dma_start3A_664 = arith.constant 0 : i32
        %dma_start3A_665 = tpu.memref_slice %arg14[%dma_start3A_663, %dma_start3A_664] : memref<1024x32xf32, #tpu.memory_space<vmem>> -> memref<128x32xf32, #tpu.memory_space<vmem>>
        %dma_start3A_666 = arith.constant 640 : i32
        %dma_start3A_667 = tpu.memref_slice %arg10[%dma_start3A_666] : memref<1024xi32, #tpu.memory_space<vmem>> -> memref<128xi32, #tpu.memory_space<vmem>>
        %dma_start3A_668 = arith.constant 0 : i32
        %dma_start3A_669 = arith.constant 0 : i32
        %dma_start3A_670 = tpu.memref_slice %arg2[%dma_start3A_668, %dma_start3A_669] : memref<131072x32xf32, #tpu.memory_space<hbm>> -> memref<131072x32xf32, #tpu.memory_space<hbm>>
        tpu.enqueue_indirect_dma source(%dma_start3A_670 : memref<131072x32xf32, #tpu.memory_space<hbm>>) target(%dma_start3A_665 : memref<128x32xf32, #tpu.memory_space<vmem>>) offsets(%dma_start3A_667 : memref<128xi32, #tpu.memory_space<vmem>>) semaphore(%arg18 : memref<!tpu.dma_semaphore, #tpu.memory_space<semaphore_mem>>)
        %dma_start3A_671 = arith.constant 768 : i32
        %dma_start3A_672 = arith.constant 0 : i32
        %dma_start3A_673 = tpu.memref_slice %arg14[%dma_start3A_671, %dma_start3A_672] : memref<1024x32xf32, #tpu.memory_space<vmem>> -> memref<128x32xf32, #tpu.memory_space<vmem>>
        %dma_start3A_674 = arith.constant 768 : i32
        %dma_start3A_675 = tpu.memref_slice %arg10[%dma_start3A_674] : memref<1024xi32, #tpu.memory_space<vmem>> -> memref<128xi32, #tpu.memory_space<vmem>>
        %dma_start3A_676 = arith.constant 0 : i32
        %dma_start3A_677 = arith.constant 0 : i32
        %dma_start3A_678 = tpu.memref_slice %arg2[%dma_start3A_676, %dma_start3A_677] : memref<131072x32xf32, #tpu.memory_space<hbm>> -> memref<131072x32xf32, #tpu.memory_space<hbm>>
        tpu.enqueue_indirect_dma source(%dma_start3A_678 : memref<131072x32xf32, #tpu.memory_space<hbm>>) target(%dma_start3A_673 : memref<128x32xf32, #tpu.memory_space<vmem>>) offsets(%dma_start3A_675 : memref<128xi32, #tpu.memory_space<vmem>>) semaphore(%arg18 : memref<!tpu.dma_semaphore, #tpu.memory_space<semaphore_mem>>)
        %dma_start3A_679 = arith.constant 896 : i32
        %dma_start3A_680 = arith.constant 0 : i32
        %dma_start3A_681 = tpu.memref_slice %arg14[%dma_start3A_679, %dma_start3A_680] : memref<1024x32xf32, #tpu.memory_space<vmem>> -> memref<128x32xf32, #tpu.memory_space<vmem>>
        %dma_start3A_682 = arith.constant 896 : i32
        %dma_start3A_683 = tpu.memref_slice %arg10[%dma_start3A_682] : memref<1024xi32, #tpu.memory_space<vmem>> -> memref<128xi32, #tpu.memory_space<vmem>>
        %dma_start3A_684 = arith.constant 0 : i32
        %dma_start3A_685 = arith.constant 0 : i32
        %dma_start3A_686 = tpu.memref_slice %arg2[%dma_start3A_684, %dma_start3A_685] : memref<131072x32xf32, #tpu.memory_space<hbm>> -> memref<131072x32xf32, #tpu.memory_space<hbm>>
        tpu.enqueue_indirect_dma source(%dma_start3A_686 : memref<131072x32xf32, #tpu.memory_space<hbm>>) target(%dma_start3A_681 : memref<128x32xf32, #tpu.memory_space<vmem>>) offsets(%dma_start3A_683 : memref<128xi32, #tpu.memory_space<vmem>>) semaphore(%arg18 : memref<!tpu.dma_semaphore, #tpu.memory_space<semaphore_mem>>)
      } else {
      }
      %dma_wait3A_482 = arith.constant 0 : i32
      %dma_wait3A_483 = arith.constant 0 : i32
      %dma_wait3A_484 = tpu.memref_slice %arg15[%dma_wait3A_482, %dma_wait3A_483] : memref<1024x32xf32, #tpu.memory_space<vmem>> -> memref<128x32xf32, #tpu.memory_space<vmem>>
      %dma_wait3A_485 = arith.constant 0 : i32
      %dma_wait3A_486 = tpu.memref_slice %arg11[%dma_wait3A_485] : memref<1024xi32, #tpu.memory_space<vmem>> -> memref<128xi32, #tpu.memory_space<vmem>>
      %dma_wait3A_487 = arith.constant 0 : i32
      %dma_wait3A_488 = arith.constant 0 : i32
      %dma_wait3A_489 = tpu.memref_slice %arg2[%dma_wait3A_487, %dma_wait3A_488] : memref<131072x32xf32, #tpu.memory_space<hbm>> -> memref<131072x32xf32, #tpu.memory_space<hbm>>
      tpu.wait_indirect_dma semaphore(%arg19 : memref<!tpu.dma_semaphore, #tpu.memory_space<semaphore_mem>>) src(%dma_wait3A_489 : memref<131072x32xf32, #tpu.memory_space<hbm>>) dst(%dma_wait3A_484 : memref<128x32xf32, #tpu.memory_space<vmem>>)
      %dma_wait3A_490 = arith.constant 128 : i32
      %dma_wait3A_491 = arith.constant 0 : i32
      %dma_wait3A_492 = tpu.memref_slice %arg15[%dma_wait3A_490, %dma_wait3A_491] : memref<1024x32xf32, #tpu.memory_space<vmem>> -> memref<128x32xf32, #tpu.memory_space<vmem>>
      %dma_wait3A_493 = arith.constant 128 : i32
      %dma_wait3A_494 = tpu.memref_slice %arg11[%dma_wait3A_493] : memref<1024xi32, #tpu.memory_space<vmem>> -> memref<128xi32, #tpu.memory_space<vmem>>
      %dma_wait3A_495 = arith.constant 0 : i32
      %dma_wait3A_496 = arith.constant 0 : i32
      %dma_wait3A_497 = tpu.memref_slice %arg2[%dma_wait3A_495, %dma_wait3A_496] : memref<131072x32xf32, #tpu.memory_space<hbm>> -> memref<131072x32xf32, #tpu.memory_space<hbm>>
      tpu.wait_indirect_dma semaphore(%arg19 : memref<!tpu.dma_semaphore, #tpu.memory_space<semaphore_mem>>) src(%dma_wait3A_497 : memref<131072x32xf32, #tpu.memory_space<hbm>>) dst(%dma_wait3A_492 : memref<128x32xf32, #tpu.memory_space<vmem>>)
      %dma_wait3A_498 = arith.constant 256 : i32
      %dma_wait3A_499 = arith.constant 0 : i32
      %dma_wait3A_500 = tpu.memref_slice %arg15[%dma_wait3A_498, %dma_wait3A_499] : memref<1024x32xf32, #tpu.memory_space<vmem>> -> memref<128x32xf32, #tpu.memory_space<vmem>>
      %dma_wait3A_501 = arith.constant 256 : i32
      %dma_wait3A_502 = tpu.memref_slice %arg11[%dma_wait3A_501] : memref<1024xi32, #tpu.memory_space<vmem>> -> memref<128xi32, #tpu.memory_space<vmem>>
      %dma_wait3A_503 = arith.constant 0 : i32
      %dma_wait3A_504 = arith.constant 0 : i32
      %dma_wait3A_505 = tpu.memref_slice %arg2[%dma_wait3A_503, %dma_wait3A_504] : memref<131072x32xf32, #tpu.memory_space<hbm>> -> memref<131072x32xf32, #tpu.memory_space<hbm>>
      tpu.wait_indirect_dma semaphore(%arg19 : memref<!tpu.dma_semaphore, #tpu.memory_space<semaphore_mem>>) src(%dma_wait3A_505 : memref<131072x32xf32, #tpu.memory_space<hbm>>) dst(%dma_wait3A_500 : memref<128x32xf32, #tpu.memory_space<vmem>>)
      %dma_wait3A_506 = arith.constant 384 : i32
      %dma_wait3A_507 = arith.constant 0 : i32
      %dma_wait3A_508 = tpu.memref_slice %arg15[%dma_wait3A_506, %dma_wait3A_507] : memref<1024x32xf32, #tpu.memory_space<vmem>> -> memref<128x32xf32, #tpu.memory_space<vmem>>
      %dma_wait3A_509 = arith.constant 384 : i32
      %dma_wait3A_510 = tpu.memref_slice %arg11[%dma_wait3A_509] : memref<1024xi32, #tpu.memory_space<vmem>> -> memref<128xi32, #tpu.memory_space<vmem>>
      %dma_wait3A_511 = arith.constant 0 : i32
      %dma_wait3A_512 = arith.constant 0 : i32
      %dma_wait3A_513 = tpu.memref_slice %arg2[%dma_wait3A_511, %dma_wait3A_512] : memref<131072x32xf32, #tpu.memory_space<hbm>> -> memref<131072x32xf32, #tpu.memory_space<hbm>>
      tpu.wait_indirect_dma semaphore(%arg19 : memref<!tpu.dma_semaphore, #tpu.memory_space<semaphore_mem>>) src(%dma_wait3A_513 : memref<131072x32xf32, #tpu.memory_space<hbm>>) dst(%dma_wait3A_508 : memref<128x32xf32, #tpu.memory_space<vmem>>)
      %dma_wait3A_514 = arith.constant 512 : i32
      %dma_wait3A_515 = arith.constant 0 : i32
      %dma_wait3A_516 = tpu.memref_slice %arg15[%dma_wait3A_514, %dma_wait3A_515] : memref<1024x32xf32, #tpu.memory_space<vmem>> -> memref<128x32xf32, #tpu.memory_space<vmem>>
      %dma_wait3A_517 = arith.constant 512 : i32
      %dma_wait3A_518 = tpu.memref_slice %arg11[%dma_wait3A_517] : memref<1024xi32, #tpu.memory_space<vmem>> -> memref<128xi32, #tpu.memory_space<vmem>>
      %dma_wait3A_519 = arith.constant 0 : i32
      %dma_wait3A_520 = arith.constant 0 : i32
      %dma_wait3A_521 = tpu.memref_slice %arg2[%dma_wait3A_519, %dma_wait3A_520] : memref<131072x32xf32, #tpu.memory_space<hbm>> -> memref<131072x32xf32, #tpu.memory_space<hbm>>
      tpu.wait_indirect_dma semaphore(%arg19 : memref<!tpu.dma_semaphore, #tpu.memory_space<semaphore_mem>>) src(%dma_wait3A_521 : memref<131072x32xf32, #tpu.memory_space<hbm>>) dst(%dma_wait3A_516 : memref<128x32xf32, #tpu.memory_space<vmem>>)
      %dma_wait3A_522 = arith.constant 640 : i32
      %dma_wait3A_523 = arith.constant 0 : i32
      %dma_wait3A_524 = tpu.memref_slice %arg15[%dma_wait3A_522, %dma_wait3A_523] : memref<1024x32xf32, #tpu.memory_space<vmem>> -> memref<128x32xf32, #tpu.memory_space<vmem>>
      %dma_wait3A_525 = arith.constant 640 : i32
      %dma_wait3A_526 = tpu.memref_slice %arg11[%dma_wait3A_525] : memref<1024xi32, #tpu.memory_space<vmem>> -> memref<128xi32, #tpu.memory_space<vmem>>
      %dma_wait3A_527 = arith.constant 0 : i32
      %dma_wait3A_528 = arith.constant 0 : i32
      %dma_wait3A_529 = tpu.memref_slice %arg2[%dma_wait3A_527, %dma_wait3A_528] : memref<131072x32xf32, #tpu.memory_space<hbm>> -> memref<131072x32xf32, #tpu.memory_space<hbm>>
      tpu.wait_indirect_dma semaphore(%arg19 : memref<!tpu.dma_semaphore, #tpu.memory_space<semaphore_mem>>) src(%dma_wait3A_529 : memref<131072x32xf32, #tpu.memory_space<hbm>>) dst(%dma_wait3A_524 : memref<128x32xf32, #tpu.memory_space<vmem>>)
      %dma_wait3A_530 = arith.constant 768 : i32
      %dma_wait3A_531 = arith.constant 0 : i32
      %dma_wait3A_532 = tpu.memref_slice %arg15[%dma_wait3A_530, %dma_wait3A_531] : memref<1024x32xf32, #tpu.memory_space<vmem>> -> memref<128x32xf32, #tpu.memory_space<vmem>>
      %dma_wait3A_533 = arith.constant 768 : i32
      %dma_wait3A_534 = tpu.memref_slice %arg11[%dma_wait3A_533] : memref<1024xi32, #tpu.memory_space<vmem>> -> memref<128xi32, #tpu.memory_space<vmem>>
      %dma_wait3A_535 = arith.constant 0 : i32
      %dma_wait3A_536 = arith.constant 0 : i32
      %dma_wait3A_537 = tpu.memref_slice %arg2[%dma_wait3A_535, %dma_wait3A_536] : memref<131072x32xf32, #tpu.memory_space<hbm>> -> memref<131072x32xf32, #tpu.memory_space<hbm>>
      tpu.wait_indirect_dma semaphore(%arg19 : memref<!tpu.dma_semaphore, #tpu.memory_space<semaphore_mem>>) src(%dma_wait3A_537 : memref<131072x32xf32, #tpu.memory_space<hbm>>) dst(%dma_wait3A_532 : memref<128x32xf32, #tpu.memory_space<vmem>>)
      %dma_wait3A_538 = arith.constant 896 : i32
      %dma_wait3A_539 = arith.constant 0 : i32
      %dma_wait3A_540 = tpu.memref_slice %arg15[%dma_wait3A_538, %dma_wait3A_539] : memref<1024x32xf32, #tpu.memory_space<vmem>> -> memref<128x32xf32, #tpu.memory_space<vmem>>
      %dma_wait3A_541 = arith.constant 896 : i32
      %dma_wait3A_542 = tpu.memref_slice %arg11[%dma_wait3A_541] : memref<1024xi32, #tpu.memory_space<vmem>> -> memref<128xi32, #tpu.memory_space<vmem>>
      %dma_wait3A_543 = arith.constant 0 : i32
      %dma_wait3A_544 = arith.constant 0 : i32
      %dma_wait3A_545 = tpu.memref_slice %arg2[%dma_wait3A_543, %dma_wait3A_544] : memref<131072x32xf32, #tpu.memory_space<hbm>> -> memref<131072x32xf32, #tpu.memory_space<hbm>>
      tpu.wait_indirect_dma semaphore(%arg19 : memref<!tpu.dma_semaphore, #tpu.memory_space<semaphore_mem>>) src(%dma_wait3A_545 : memref<131072x32xf32, #tpu.memory_space<hbm>>) dst(%dma_wait3A_540 : memref<128x32xf32, #tpu.memory_space<vmem>>)
      %mul3A_546 = arith.constant 2 : i32
      %mul3A_547 = arith.muli %mul3A_546, %scan3A_275 : i32
      %add3A_548 = arith.constant 1 : i32
      %add3A_549 = arith.addi %mul3A_547, %add3A_548 : i32
      %add3A_550 = arith.constant 1 : i32
      %add3A_551 = arith.addi %add3A_279, %add3A_550 : i32
      %ge3A_552 = arith.constant 2 : i32
      %ge3A_553 = arith.cmpi sge, %add3A_549, %ge3A_552 : i32
      %convert_element_type3A_554 = arith.extui %ge3A_553 : i1 to i32
      %cond3A_555 = arith.constant 0 : i32
      %cond3A_556 = arith.cmpi ne, %convert_element_type3A_554, %cond3A_555 : i32
      scf.if %cond3A_556 {
        %mul3A_613 = arith.constant 128 : i32
        %mul3A_614 = arith.muli %select_n3A, %mul3A_613 : i32
        %mul3A_615 = arith.constant 8 : i32
        %mul3A_616 = arith.muli %add3A_551, %mul3A_615 : i32
        %add3A_617 = arith.addi %mul3A_614, %mul3A_616 : i32
        %jit3A_618 = arith.constant 4 : i32
        %div3A_619 = arith.divsi %select_n3A_30, %jit3A_618 : i32
        %sign3A_620 = arith.constant 0 : i32
        %sign3A_621 = arith.cmpi sgt, %select_n3A_30, %sign3A_620 : i32
        %sign3A_622 = arith.extui %sign3A_621 : i1 to i32
        %sign3A_623 = arith.constant 0 : i32
        %sign3A_624 = arith.cmpi slt, %select_n3A_30, %sign3A_623 : i32
        %sign3A_625 = arith.extui %sign3A_624 : i1 to i32
        %sign3A_626 = arith.subi %sign3A_622, %sign3A_625 : i32
        %sign3A_627 = arith.constant 0 : i32
        %sign3A_628 = arith.cmpi sgt, %jit3A_618, %sign3A_627 : i32
        %sign3A_629 = arith.extui %sign3A_628 : i1 to i32
        %sign3A_630 = arith.constant 0 : i32
        %sign3A_631 = arith.cmpi slt, %jit3A_618, %sign3A_630 : i32
        %sign3A_632 = arith.extui %sign3A_631 : i1 to i32
        %sign3A_633 = arith.subi %sign3A_629, %sign3A_632 : i32
        %ne3A_634 = arith.cmpi ne, %sign3A_626, %sign3A_633 : i32
        %rem3A_635 = arith.remsi %select_n3A_30, %jit3A_618 : i32
        %ne3A_636 = arith.constant 0 : i32
        %ne3A_637 = arith.cmpi ne, %rem3A_635, %ne3A_636 : i32
        %and3A_638 = arith.andi %ne3A_634, %ne3A_637 : i1
        %sub3A_639 = arith.constant 1 : i32
        %sub3A_640 = arith.subi %div3A_619, %sub3A_639 : i32
        %select_n3A_641 = arith.select %and3A_638, %sub3A_640, %div3A_619 : i32
        %jit3A_642 = arith.constant 4 : i32
        %eq3A_643 = arith.constant 0 : i32
        %eq3A_644 = arith.cmpi eq, %jit3A_642, %eq3A_643 : i32
        %jit3A_645 = arith.constant 1 : i32
        %select_n3A_646 = arith.select %eq3A_644, %jit3A_645, %jit3A_642 : i32
        %rem3A_647 = arith.remsi %select_n3A_30, %select_n3A_646 : i32
        %ne3A_648 = arith.constant 0 : i32
        %ne3A_649 = arith.cmpi ne, %rem3A_647, %ne3A_648 : i32
        %lt3A_650 = arith.constant 0 : i32
        %lt3A_651 = arith.cmpi slt, %rem3A_647, %lt3A_650 : i32
        %lt3A_652 = arith.constant 0 : i32
        %lt3A_653 = arith.cmpi slt, %select_n3A_646, %lt3A_652 : i32
        %ne3A_654 = arith.xori %lt3A_651, %lt3A_653 : i1
        %and3A_655 = arith.andi %ne3A_654, %ne3A_649 : i1
        %add3A_656 = arith.addi %rem3A_647, %select_n3A_646 : i32
        %select_n3A_657 = arith.select %and3A_655, %add3A_656, %rem3A_647 : i32
        %mul3A_658 = arith.constant 32 : i32
        %mul3A_659 = arith.muli %select_n3A_657, %mul3A_658 : i32
        %dma_wait3A_660 = arith.constant 0 : i32
        %dma_wait3A_661 = tpu.memref_slice %arg6[%add3A_617, %select_n3A_641, %dma_wait3A_660, %mul3A_659] : memref<512x2x8x128xf32, #tpu.memory_space<hbm>> -> memref<8x1x8x32xf32, #tpu.memory_space<hbm>>
        %dma_wait3A_662 = tpu.memref_squeeze %dma_wait3A_661 : memref<8x1x8x32xf32, #tpu.memory_space<hbm>> -> memref<8x8x32xf32, #tpu.memory_space<hbm>>
        %dma_wait3A_663 = arith.constant 0 : i32
        %dma_wait3A_664 = tpu.memref_slice %arg6[%add3A_617, %select_n3A_641, %dma_wait3A_663, %mul3A_659] : memref<512x2x8x128xf32, #tpu.memory_space<hbm>> -> memref<8x1x8x32xf32, #tpu.memory_space<hbm>>
        %dma_wait3A_665 = tpu.memref_squeeze %dma_wait3A_664 : memref<8x1x8x32xf32, #tpu.memory_space<hbm>> -> memref<8x8x32xf32, #tpu.memory_space<hbm>>
        tpu.wait_dma2 semaphore(%arg21 : memref<!tpu.dma_semaphore, #tpu.memory_space<semaphore_mem>>) src(%arg17 : memref<8x8x32xf32, #tpu.memory_space<vmem>>) dst(%dma_wait3A_665 : memref<8x8x32xf32, #tpu.memory_space<hbm>>)
      } else {
      }
      %parallel_loop3A_557 = arith.constant 0 : i32
      %parallel_loop3A_558 = arith.constant 64 : i32
      %parallel_loop3A_559 = arith.constant 1 : i32
      scf.for %parallel_loop3A_613 = %parallel_loop3A_557 to %parallel_loop3A_558 step %parallel_loop3A_559  : i32 {
        %parallel_loop3A_614 = arith.constant 0 : i32
        %parallel_loop3A_615 = arith.addi %parallel_loop3A_614, %parallel_loop3A_613 : i32
        %parallel_loop3A_616 = vector.broadcast %parallel_loop3A_615 : i32 to vector<16xi32>
        %parallel_loop3A_617 = tpu.vector_load_idx %arg13[%parallel_loop3A_616] : memref<1024xf32, #tpu.memory_space<vmem>>[vector<16xi32>], vector<16xf32>,
        %parallel_loop3A_618 = arith.index_cast %parallel_loop3A_615 : i32 to index
        %parallel_loop3A_619 = arith.constant 0 : index
        %parallel_loop3A_620 = tpu.vector_load %arg15[%parallel_loop3A_618, %parallel_loop3A_619] {strides = array<i32>} : memref<1024x32xf32, #tpu.memory_space<vmem>>, vector<16xf32>,
        %parallel_loop3A_621 = arith.mulf %parallel_loop3A_617, %parallel_loop3A_620 : vector<16xf32>
        %parallel_loop3A_622 = arith.addf %broadcast_in_dim3A_97, %parallel_loop3A_621 : vector<16xf32>
        %parallel_loop3A_623 = arith.index_cast %parallel_loop3A_615 : i32 to index
        %parallel_loop3A_624 = arith.constant 16 : index
        %parallel_loop3A_625 = tpu.vector_load %arg15[%parallel_loop3A_623, %parallel_loop3A_624] {strides = array<i32>} : memref<1024x32xf32, #tpu.memory_space<vmem>>, vector<16xf32>,
        %parallel_loop3A_626 = arith.mulf %parallel_loop3A_617, %parallel_loop3A_625 : vector<16xf32>
        %parallel_loop3A_627 = arith.addf %broadcast_in_dim3A_97, %parallel_loop3A_626 : vector<16xf32>
        %parallel_loop3A_628 = arith.constant 64 : i32
        %parallel_loop3A_629 = arith.addi %parallel_loop3A_628, %parallel_loop3A_613 : i32
        %parallel_loop3A_630 = vector.broadcast %parallel_loop3A_629 : i32 to vector<16xi32>
        %parallel_loop3A_631 = tpu.vector_load_idx %arg13[%parallel_loop3A_630] : memref<1024xf32, #tpu.memory_space<vmem>>[vector<16xi32>], vector<16xf32>,
        %parallel_loop3A_632 = arith.index_cast %parallel_loop3A_629 : i32 to index
        %parallel_loop3A_633 = arith.constant 0 : index
        %parallel_loop3A_634 = tpu.vector_load %arg15[%parallel_loop3A_632, %parallel_loop3A_633] {strides = array<i32>} : memref<1024x32xf32, #tpu.memory_space<vmem>>, vector<16xf32>,
        %parallel_loop3A_635 = arith.mulf %parallel_loop3A_631, %parallel_loop3A_634 : vector<16xf32>
        %parallel_loop3A_636 = arith.addf %broadcast_in_dim3A_97, %parallel_loop3A_635 : vector<16xf32>
        %parallel_loop3A_637 = arith.index_cast %parallel_loop3A_629 : i32 to index
        %parallel_loop3A_638 = arith.constant 16 : index
        %parallel_loop3A_639 = tpu.vector_load %arg15[%parallel_loop3A_637, %parallel_loop3A_638] {strides = array<i32>} : memref<1024x32xf32, #tpu.memory_space<vmem>>, vector<16xf32>,
        %parallel_loop3A_640 = arith.mulf %parallel_loop3A_631, %parallel_loop3A_639 : vector<16xf32>
        %parallel_loop3A_641 = arith.addf %broadcast_in_dim3A_97, %parallel_loop3A_640 : vector<16xf32>
        %parallel_loop3A_642 = arith.constant 128 : i32
        %parallel_loop3A_643 = arith.addi %parallel_loop3A_642, %parallel_loop3A_613 : i32
        %parallel_loop3A_644 = vector.broadcast %parallel_loop3A_643 : i32 to vector<16xi32>
        %parallel_loop3A_645 = tpu.vector_load_idx %arg13[%parallel_loop3A_644] : memref<1024xf32, #tpu.memory_space<vmem>>[vector<16xi32>], vector<16xf32>,
        %parallel_loop3A_646 = arith.index_cast %parallel_loop3A_643 : i32 to index
        %parallel_loop3A_647 = arith.constant 0 : index
        %parallel_loop3A_648 = tpu.vector_load %arg15[%parallel_loop3A_646, %parallel_loop3A_647] {strides = array<i32>} : memref<1024x32xf32, #tpu.memory_space<vmem>>, vector<16xf32>,
        %parallel_loop3A_649 = arith.mulf %parallel_loop3A_645, %parallel_loop3A_648 : vector<16xf32>
        %parallel_loop3A_650 = arith.addf %parallel_loop3A_622, %parallel_loop3A_649 : vector<16xf32>
        %parallel_loop3A_651 = arith.index_cast %parallel_loop3A_643 : i32 to index
        %parallel_loop3A_652 = arith.constant 16 : index
        %parallel_loop3A_653 = tpu.vector_load %arg15[%parallel_loop3A_651, %parallel_loop3A_652] {strides = array<i32>} : memref<1024x32xf32, #tpu.memory_space<vmem>>, vector<16xf32>,
        %parallel_loop3A_654 = arith.mulf %parallel_loop3A_645, %parallel_loop3A_653 : vector<16xf32>
        %parallel_loop3A_655 = arith.addf %parallel_loop3A_627, %parallel_loop3A_654 : vector<16xf32>
        %parallel_loop3A_656 = arith.constant 192 : i32
        %parallel_loop3A_657 = arith.addi %parallel_loop3A_656, %parallel_loop3A_613 : i32
        %parallel_loop3A_658 = vector.broadcast %parallel_loop3A_657 : i32 to vector<16xi32>
        %parallel_loop3A_659 = tpu.vector_load_idx %arg13[%parallel_loop3A_658] : memref<1024xf32, #tpu.memory_space<vmem>>[vector<16xi32>], vector<16xf32>,
        %parallel_loop3A_660 = arith.index_cast %parallel_loop3A_657 : i32 to index
        %parallel_loop3A_661 = arith.constant 0 : index
        %parallel_loop3A_662 = tpu.vector_load %arg15[%parallel_loop3A_660, %parallel_loop3A_661] {strides = array<i32>} : memref<1024x32xf32, #tpu.memory_space<vmem>>, vector<16xf32>,
        %parallel_loop3A_663 = arith.mulf %parallel_loop3A_659, %parallel_loop3A_662 : vector<16xf32>
        %parallel_loop3A_664 = arith.addf %parallel_loop3A_636, %parallel_loop3A_663 : vector<16xf32>
        %parallel_loop3A_665 = arith.index_cast %parallel_loop3A_657 : i32 to index
        %parallel_loop3A_666 = arith.constant 16 : index
        %parallel_loop3A_667 = tpu.vector_load %arg15[%parallel_loop3A_665, %parallel_loop3A_666] {strides = array<i32>} : memref<1024x32xf32, #tpu.memory_space<vmem>>, vector<16xf32>,
        %parallel_loop3A_668 = arith.mulf %parallel_loop3A_659, %parallel_loop3A_667 : vector<16xf32>
        %parallel_loop3A_669 = arith.addf %parallel_loop3A_641, %parallel_loop3A_668 : vector<16xf32>
        %parallel_loop3A_670 = arith.constant 256 : i32
        %parallel_loop3A_671 = arith.addi %parallel_loop3A_670, %parallel_loop3A_613 : i32
        %parallel_loop3A_672 = vector.broadcast %parallel_loop3A_671 : i32 to vector<16xi32>
        %parallel_loop3A_673 = tpu.vector_load_idx %arg13[%parallel_loop3A_672] : memref<1024xf32, #tpu.memory_space<vmem>>[vector<16xi32>], vector<16xf32>,
        %parallel_loop3A_674 = arith.index_cast %parallel_loop3A_671 : i32 to index
        %parallel_loop3A_675 = arith.constant 0 : index
        %parallel_loop3A_676 = tpu.vector_load %arg15[%parallel_loop3A_674, %parallel_loop3A_675] {strides = array<i32>} : memref<1024x32xf32, #tpu.memory_space<vmem>>, vector<16xf32>,
        %parallel_loop3A_677 = arith.mulf %parallel_loop3A_673, %parallel_loop3A_676 : vector<16xf32>
        %parallel_loop3A_678 = arith.addf %parallel_loop3A_650, %parallel_loop3A_677 : vector<16xf32>
        %parallel_loop3A_679 = arith.index_cast %parallel_loop3A_671 : i32 to index
        %parallel_loop3A_680 = arith.constant 16 : index
        %parallel_loop3A_681 = tpu.vector_load %arg15[%parallel_loop3A_679, %parallel_loop3A_680] {strides = array<i32>} : memref<1024x32xf32, #tpu.memory_space<vmem>>, vector<16xf32>,
        %parallel_loop3A_682 = arith.mulf %parallel_loop3A_673, %parallel_loop3A_681 : vector<16xf32>
        %parallel_loop3A_683 = arith.addf %parallel_loop3A_655, %parallel_loop3A_682 : vector<16xf32>
        %parallel_loop3A_684 = arith.constant 320 : i32
        %parallel_loop3A_685 = arith.addi %parallel_loop3A_684, %parallel_loop3A_613 : i32
        %parallel_loop3A_686 = vector.broadcast %parallel_loop3A_685 : i32 to vector<16xi32>
        %parallel_loop3A_687 = tpu.vector_load_idx %arg13[%parallel_loop3A_686] : memref<1024xf32, #tpu.memory_space<vmem>>[vector<16xi32>], vector<16xf32>,
        %parallel_loop3A_688 = arith.index_cast %parallel_loop3A_685 : i32 to index
        %parallel_loop3A_689 = arith.constant 0 : index
        %parallel_loop3A_690 = tpu.vector_load %arg15[%parallel_loop3A_688, %parallel_loop3A_689] {strides = array<i32>} : memref<1024x32xf32, #tpu.memory_space<vmem>>, vector<16xf32>,
        %parallel_loop3A_691 = arith.mulf %parallel_loop3A_687, %parallel_loop3A_690 : vector<16xf32>
        %parallel_loop3A_692 = arith.addf %parallel_loop3A_664, %parallel_loop3A_691 : vector<16xf32>
        %parallel_loop3A_693 = arith.index_cast %parallel_loop3A_685 : i32 to index
        %parallel_loop3A_694 = arith.constant 16 : index
        %parallel_loop3A_695 = tpu.vector_load %arg15[%parallel_loop3A_693, %parallel_loop3A_694] {strides = array<i32>} : memref<1024x32xf32, #tpu.memory_space<vmem>>, vector<16xf32>,
        %parallel_loop3A_696 = arith.mulf %parallel_loop3A_687, %parallel_loop3A_695 : vector<16xf32>
        %parallel_loop3A_697 = arith.addf %parallel_loop3A_669, %parallel_loop3A_696 : vector<16xf32>
        %parallel_loop3A_698 = arith.constant 384 : i32
        %parallel_loop3A_699 = arith.addi %parallel_loop3A_698, %parallel_loop3A_613 : i32
        %parallel_loop3A_700 = vector.broadcast %parallel_loop3A_699 : i32 to vector<16xi32>
        %parallel_loop3A_701 = tpu.vector_load_idx %arg13[%parallel_loop3A_700] : memref<1024xf32, #tpu.memory_space<vmem>>[vector<16xi32>], vector<16xf32>,
        %parallel_loop3A_702 = arith.index_cast %parallel_loop3A_699 : i32 to index
        %parallel_loop3A_703 = arith.constant 0 : index
        %parallel_loop3A_704 = tpu.vector_load %arg15[%parallel_loop3A_702, %parallel_loop3A_703] {strides = array<i32>} : memref<1024x32xf32, #tpu.memory_space<vmem>>, vector<16xf32>,
        %parallel_loop3A_705 = arith.mulf %parallel_loop3A_701, %parallel_loop3A_704 : vector<16xf32>
        %parallel_loop3A_706 = arith.addf %parallel_loop3A_678, %parallel_loop3A_705 : vector<16xf32>
        %parallel_loop3A_707 = arith.index_cast %parallel_loop3A_699 : i32 to index
        %parallel_loop3A_708 = arith.constant 16 : index
        %parallel_loop3A_709 = tpu.vector_load %arg15[%parallel_loop3A_707, %parallel_loop3A_708] {strides = array<i32>} : memref<1024x32xf32, #tpu.memory_space<vmem>>, vector<16xf32>,
        %parallel_loop3A_710 = arith.mulf %parallel_loop3A_701, %parallel_loop3A_709 : vector<16xf32>
        %parallel_loop3A_711 = arith.addf %parallel_loop3A_683, %parallel_loop3A_710 : vector<16xf32>
        %parallel_loop3A_712 = arith.constant 448 : i32
        %parallel_loop3A_713 = arith.addi %parallel_loop3A_712, %parallel_loop3A_613 : i32
        %parallel_loop3A_714 = vector.broadcast %parallel_loop3A_713 : i32 to vector<16xi32>
        %parallel_loop3A_715 = tpu.vector_load_idx %arg13[%parallel_loop3A_714] : memref<1024xf32, #tpu.memory_space<vmem>>[vector<16xi32>], vector<16xf32>,
        %parallel_loop3A_716 = arith.index_cast %parallel_loop3A_713 : i32 to index
        %parallel_loop3A_717 = arith.constant 0 : index
        %parallel_loop3A_718 = tpu.vector_load %arg15[%parallel_loop3A_716, %parallel_loop3A_717] {strides = array<i32>} : memref<1024x32xf32, #tpu.memory_space<vmem>>, vector<16xf32>,
        %parallel_loop3A_719 = arith.mulf %parallel_loop3A_715, %parallel_loop3A_718 : vector<16xf32>
        %parallel_loop3A_720 = arith.addf %parallel_loop3A_692, %parallel_loop3A_719 : vector<16xf32>
        %parallel_loop3A_721 = arith.index_cast %parallel_loop3A_713 : i32 to index
        %parallel_loop3A_722 = arith.constant 16 : index
        %parallel_loop3A_723 = tpu.vector_load %arg15[%parallel_loop3A_721, %parallel_loop3A_722] {strides = array<i32>} : memref<1024x32xf32, #tpu.memory_space<vmem>>, vector<16xf32>,
        %parallel_loop3A_724 = arith.mulf %parallel_loop3A_715, %parallel_loop3A_723 : vector<16xf32>
        %parallel_loop3A_725 = arith.addf %parallel_loop3A_697, %parallel_loop3A_724 : vector<16xf32>
        %parallel_loop3A_726 = arith.constant 512 : i32
        %parallel_loop3A_727 = arith.addi %parallel_loop3A_726, %parallel_loop3A_613 : i32
        %parallel_loop3A_728 = vector.broadcast %parallel_loop3A_727 : i32 to vector<16xi32>
        %parallel_loop3A_729 = tpu.vector_load_idx %arg13[%parallel_loop3A_728] : memref<1024xf32, #tpu.memory_space<vmem>>[vector<16xi32>], vector<16xf32>,
        %parallel_loop3A_730 = arith.index_cast %parallel_loop3A_727 : i32 to index
        %parallel_loop3A_731 = arith.constant 0 : index
        %parallel_loop3A_732 = tpu.vector_load %arg15[%parallel_loop3A_730, %parallel_loop3A_731] {strides = array<i32>} : memref<1024x32xf32, #tpu.memory_space<vmem>>, vector<16xf32>,
        %parallel_loop3A_733 = arith.mulf %parallel_loop3A_729, %parallel_loop3A_732 : vector<16xf32>
        %parallel_loop3A_734 = arith.addf %parallel_loop3A_706, %parallel_loop3A_733 : vector<16xf32>
        %parallel_loop3A_735 = arith.index_cast %parallel_loop3A_727 : i32 to index
        %parallel_loop3A_736 = arith.constant 16 : index
        %parallel_loop3A_737 = tpu.vector_load %arg15[%parallel_loop3A_735, %parallel_loop3A_736] {strides = array<i32>} : memref<1024x32xf32, #tpu.memory_space<vmem>>, vector<16xf32>,
        %parallel_loop3A_738 = arith.mulf %parallel_loop3A_729, %parallel_loop3A_737 : vector<16xf32>
        %parallel_loop3A_739 = arith.addf %parallel_loop3A_711, %parallel_loop3A_738 : vector<16xf32>
        %parallel_loop3A_740 = arith.constant 576 : i32
        %parallel_loop3A_741 = arith.addi %parallel_loop3A_740, %parallel_loop3A_613 : i32
        %parallel_loop3A_742 = vector.broadcast %parallel_loop3A_741 : i32 to vector<16xi32>
        %parallel_loop3A_743 = tpu.vector_load_idx %arg13[%parallel_loop3A_742] : memref<1024xf32, #tpu.memory_space<vmem>>[vector<16xi32>], vector<16xf32>,
        %parallel_loop3A_744 = arith.index_cast %parallel_loop3A_741 : i32 to index
        %parallel_loop3A_745 = arith.constant 0 : index
        %parallel_loop3A_746 = tpu.vector_load %arg15[%parallel_loop3A_744, %parallel_loop3A_745] {strides = array<i32>} : memref<1024x32xf32, #tpu.memory_space<vmem>>, vector<16xf32>,
        %parallel_loop3A_747 = arith.mulf %parallel_loop3A_743, %parallel_loop3A_746 : vector<16xf32>
        %parallel_loop3A_748 = arith.addf %parallel_loop3A_720, %parallel_loop3A_747 : vector<16xf32>
        %parallel_loop3A_749 = arith.index_cast %parallel_loop3A_741 : i32 to index
        %parallel_loop3A_750 = arith.constant 16 : index
        %parallel_loop3A_751 = tpu.vector_load %arg15[%parallel_loop3A_749, %parallel_loop3A_750] {strides = array<i32>} : memref<1024x32xf32, #tpu.memory_space<vmem>>, vector<16xf32>,
        %parallel_loop3A_752 = arith.mulf %parallel_loop3A_743, %parallel_loop3A_751 : vector<16xf32>
        %parallel_loop3A_753 = arith.addf %parallel_loop3A_725, %parallel_loop3A_752 : vector<16xf32>
        %parallel_loop3A_754 = arith.constant 640 : i32
        %parallel_loop3A_755 = arith.addi %parallel_loop3A_754, %parallel_loop3A_613 : i32
        %parallel_loop3A_756 = vector.broadcast %parallel_loop3A_755 : i32 to vector<16xi32>
        %parallel_loop3A_757 = tpu.vector_load_idx %arg13[%parallel_loop3A_756] : memref<1024xf32, #tpu.memory_space<vmem>>[vector<16xi32>], vector<16xf32>,
        %parallel_loop3A_758 = arith.index_cast %parallel_loop3A_755 : i32 to index
        %parallel_loop3A_759 = arith.constant 0 : index
        %parallel_loop3A_760 = tpu.vector_load %arg15[%parallel_loop3A_758, %parallel_loop3A_759] {strides = array<i32>} : memref<1024x32xf32, #tpu.memory_space<vmem>>, vector<16xf32>,
        %parallel_loop3A_761 = arith.mulf %parallel_loop3A_757, %parallel_loop3A_760 : vector<16xf32>
        %parallel_loop3A_762 = arith.addf %parallel_loop3A_734, %parallel_loop3A_761 : vector<16xf32>
        %parallel_loop3A_763 = arith.index_cast %parallel_loop3A_755 : i32 to index
        %parallel_loop3A_764 = arith.constant 16 : index
        %parallel_loop3A_765 = tpu.vector_load %arg15[%parallel_loop3A_763, %parallel_loop3A_764] {strides = array<i32>} : memref<1024x32xf32, #tpu.memory_space<vmem>>, vector<16xf32>,
        %parallel_loop3A_766 = arith.mulf %parallel_loop3A_757, %parallel_loop3A_765 : vector<16xf32>
        %parallel_loop3A_767 = arith.addf %parallel_loop3A_739, %parallel_loop3A_766 : vector<16xf32>
        %parallel_loop3A_768 = arith.constant 704 : i32
        %parallel_loop3A_769 = arith.addi %parallel_loop3A_768, %parallel_loop3A_613 : i32
        %parallel_loop3A_770 = vector.broadcast %parallel_loop3A_769 : i32 to vector<16xi32>
        %parallel_loop3A_771 = tpu.vector_load_idx %arg13[%parallel_loop3A_770] : memref<1024xf32, #tpu.memory_space<vmem>>[vector<16xi32>], vector<16xf32>,
        %parallel_loop3A_772 = arith.index_cast %parallel_loop3A_769 : i32 to index
        %parallel_loop3A_773 = arith.constant 0 : index
        %parallel_loop3A_774 = tpu.vector_load %arg15[%parallel_loop3A_772, %parallel_loop3A_773] {strides = array<i32>} : memref<1024x32xf32, #tpu.memory_space<vmem>>, vector<16xf32>,
        %parallel_loop3A_775 = arith.mulf %parallel_loop3A_771, %parallel_loop3A_774 : vector<16xf32>
        %parallel_loop3A_776 = arith.addf %parallel_loop3A_748, %parallel_loop3A_775 : vector<16xf32>
        %parallel_loop3A_777 = arith.index_cast %parallel_loop3A_769 : i32 to index
        %parallel_loop3A_778 = arith.constant 16 : index
        %parallel_loop3A_779 = tpu.vector_load %arg15[%parallel_loop3A_777, %parallel_loop3A_778] {strides = array<i32>} : memref<1024x32xf32, #tpu.memory_space<vmem>>, vector<16xf32>,
        %parallel_loop3A_780 = arith.mulf %parallel_loop3A_771, %parallel_loop3A_779 : vector<16xf32>
        %parallel_loop3A_781 = arith.addf %parallel_loop3A_753, %parallel_loop3A_780 : vector<16xf32>
        %parallel_loop3A_782 = arith.constant 768 : i32
        %parallel_loop3A_783 = arith.addi %parallel_loop3A_782, %parallel_loop3A_613 : i32
        %parallel_loop3A_784 = vector.broadcast %parallel_loop3A_783 : i32 to vector<16xi32>
        %parallel_loop3A_785 = tpu.vector_load_idx %arg13[%parallel_loop3A_784] : memref<1024xf32, #tpu.memory_space<vmem>>[vector<16xi32>], vector<16xf32>,
        %parallel_loop3A_786 = arith.index_cast %parallel_loop3A_783 : i32 to index
        %parallel_loop3A_787 = arith.constant 0 : index
        %parallel_loop3A_788 = tpu.vector_load %arg15[%parallel_loop3A_786, %parallel_loop3A_787] {strides = array<i32>} : memref<1024x32xf32, #tpu.memory_space<vmem>>, vector<16xf32>,
        %parallel_loop3A_789 = arith.mulf %parallel_loop3A_785, %parallel_loop3A_788 : vector<16xf32>
        %parallel_loop3A_790 = arith.addf %parallel_loop3A_762, %parallel_loop3A_789 : vector<16xf32>
        %parallel_loop3A_791 = arith.index_cast %parallel_loop3A_783 : i32 to index
        %parallel_loop3A_792 = arith.constant 16 : index
        %parallel_loop3A_793 = tpu.vector_load %arg15[%parallel_loop3A_791, %parallel_loop3A_792] {strides = array<i32>} : memref<1024x32xf32, #tpu.memory_space<vmem>>, vector<16xf32>,
        %parallel_loop3A_794 = arith.mulf %parallel_loop3A_785, %parallel_loop3A_793 : vector<16xf32>
        %parallel_loop3A_795 = arith.addf %parallel_loop3A_767, %parallel_loop3A_794 : vector<16xf32>
        %parallel_loop3A_796 = arith.constant 832 : i32
        %parallel_loop3A_797 = arith.addi %parallel_loop3A_796, %parallel_loop3A_613 : i32
        %parallel_loop3A_798 = vector.broadcast %parallel_loop3A_797 : i32 to vector<16xi32>
        %parallel_loop3A_799 = tpu.vector_load_idx %arg13[%parallel_loop3A_798] : memref<1024xf32, #tpu.memory_space<vmem>>[vector<16xi32>], vector<16xf32>,
        %parallel_loop3A_800 = arith.index_cast %parallel_loop3A_797 : i32 to index
        %parallel_loop3A_801 = arith.constant 0 : index
        %parallel_loop3A_802 = tpu.vector_load %arg15[%parallel_loop3A_800, %parallel_loop3A_801] {strides = array<i32>} : memref<1024x32xf32, #tpu.memory_space<vmem>>, vector<16xf32>,
        %parallel_loop3A_803 = arith.mulf %parallel_loop3A_799, %parallel_loop3A_802 : vector<16xf32>
        %parallel_loop3A_804 = arith.addf %parallel_loop3A_776, %parallel_loop3A_803 : vector<16xf32>
        %parallel_loop3A_805 = arith.index_cast %parallel_loop3A_797 : i32 to index
        %parallel_loop3A_806 = arith.constant 16 : index
        %parallel_loop3A_807 = tpu.vector_load %arg15[%parallel_loop3A_805, %parallel_loop3A_806] {strides = array<i32>} : memref<1024x32xf32, #tpu.memory_space<vmem>>, vector<16xf32>,
        %parallel_loop3A_808 = arith.mulf %parallel_loop3A_799, %parallel_loop3A_807 : vector<16xf32>
        %parallel_loop3A_809 = arith.addf %parallel_loop3A_781, %parallel_loop3A_808 : vector<16xf32>
        %parallel_loop3A_810 = arith.constant 896 : i32
        %parallel_loop3A_811 = arith.addi %parallel_loop3A_810, %parallel_loop3A_613 : i32
        %parallel_loop3A_812 = vector.broadcast %parallel_loop3A_811 : i32 to vector<16xi32>
        %parallel_loop3A_813 = tpu.vector_load_idx %arg13[%parallel_loop3A_812] : memref<1024xf32, #tpu.memory_space<vmem>>[vector<16xi32>], vector<16xf32>,
        %parallel_loop3A_814 = arith.index_cast %parallel_loop3A_811 : i32 to index
        %parallel_loop3A_815 = arith.constant 0 : index
        %parallel_loop3A_816 = tpu.vector_load %arg15[%parallel_loop3A_814, %parallel_loop3A_815] {strides = array<i32>} : memref<1024x32xf32, #tpu.memory_space<vmem>>, vector<16xf32>,
        %parallel_loop3A_817 = arith.mulf %parallel_loop3A_813, %parallel_loop3A_816 : vector<16xf32>
        %parallel_loop3A_818 = arith.addf %parallel_loop3A_790, %parallel_loop3A_817 : vector<16xf32>
        %parallel_loop3A_819 = arith.index_cast %parallel_loop3A_811 : i32 to index
        %parallel_loop3A_820 = arith.constant 16 : index
        %parallel_loop3A_821 = tpu.vector_load %arg15[%parallel_loop3A_819, %parallel_loop3A_820] {strides = array<i32>} : memref<1024x32xf32, #tpu.memory_space<vmem>>, vector<16xf32>,
        %parallel_loop3A_822 = arith.mulf %parallel_loop3A_813, %parallel_loop3A_821 : vector<16xf32>
        %parallel_loop3A_823 = arith.addf %parallel_loop3A_795, %parallel_loop3A_822 : vector<16xf32>
        %parallel_loop3A_824 = arith.constant 960 : i32
        %parallel_loop3A_825 = arith.addi %parallel_loop3A_824, %parallel_loop3A_613 : i32
        %parallel_loop3A_826 = vector.broadcast %parallel_loop3A_825 : i32 to vector<16xi32>
        %parallel_loop3A_827 = tpu.vector_load_idx %arg13[%parallel_loop3A_826] : memref<1024xf32, #tpu.memory_space<vmem>>[vector<16xi32>], vector<16xf32>,
        %parallel_loop3A_828 = arith.index_cast %parallel_loop3A_825 : i32 to index
        %parallel_loop3A_829 = arith.constant 0 : index
        %parallel_loop3A_830 = tpu.vector_load %arg15[%parallel_loop3A_828, %parallel_loop3A_829] {strides = array<i32>} : memref<1024x32xf32, #tpu.memory_space<vmem>>, vector<16xf32>,
        %parallel_loop3A_831 = arith.mulf %parallel_loop3A_827, %parallel_loop3A_830 : vector<16xf32>
        %parallel_loop3A_832 = arith.addf %parallel_loop3A_804, %parallel_loop3A_831 : vector<16xf32>
        %parallel_loop3A_833 = arith.index_cast %parallel_loop3A_825 : i32 to index
        %parallel_loop3A_834 = arith.constant 16 : index
        %parallel_loop3A_835 = tpu.vector_load %arg15[%parallel_loop3A_833, %parallel_loop3A_834] {strides = array<i32>} : memref<1024x32xf32, #tpu.memory_space<vmem>>, vector<16xf32>,
        %parallel_loop3A_836 = arith.mulf %parallel_loop3A_827, %parallel_loop3A_835 : vector<16xf32>
        %parallel_loop3A_837 = arith.addf %parallel_loop3A_809, %parallel_loop3A_836 : vector<16xf32>
        %parallel_loop3A_838 = arith.addf %parallel_loop3A_818, %parallel_loop3A_832 : vector<16xf32>
        %parallel_loop3A_839 = arith.constant 3 : i32
        %parallel_loop3A_840 = arith.shrsi %parallel_loop3A_613, %parallel_loop3A_839 : i32
        %parallel_loop3A_841 = arith.constant 7 : i32
        %parallel_loop3A_842 = arith.andi %parallel_loop3A_613, %parallel_loop3A_841 : i32
        %parallel_loop3A_843 = arith.index_cast %parallel_loop3A_840 : i32 to index
        %parallel_loop3A_844 = arith.index_cast %parallel_loop3A_842 : i32 to index
        %parallel_loop3A_845 = arith.constant 0 : index
        %parallel_loop3A_846 = tpu.vector_load %arg17[%parallel_loop3A_843, %parallel_loop3A_844, %parallel_loop3A_845] {strides = array<i32>} : memref<8x8x32xf32, #tpu.memory_space<vmem>>, vector<16xf32>,
        tpu.vector_store %arg17[%parallel_loop3A_843, %parallel_loop3A_844, %parallel_loop3A_845], %parallel_loop3A_838 {strides = array<i32>} : memref<8x8x32xf32, #tpu.memory_space<vmem>>, vector<16xf32>,
        %parallel_loop3A_847 = arith.addf %parallel_loop3A_823, %parallel_loop3A_837 : vector<16xf32>
        %parallel_loop3A_848 = arith.constant 3 : i32
        %parallel_loop3A_849 = arith.shrsi %parallel_loop3A_613, %parallel_loop3A_848 : i32
        %parallel_loop3A_850 = arith.constant 7 : i32
        %parallel_loop3A_851 = arith.andi %parallel_loop3A_613, %parallel_loop3A_850 : i32
        %parallel_loop3A_852 = arith.index_cast %parallel_loop3A_849 : i32 to index
        %parallel_loop3A_853 = arith.index_cast %parallel_loop3A_851 : i32 to index
        %parallel_loop3A_854 = arith.constant 16 : index
        %parallel_loop3A_855 = tpu.vector_load %arg17[%parallel_loop3A_852, %parallel_loop3A_853, %parallel_loop3A_854] {strides = array<i32>} : memref<8x8x32xf32, #tpu.memory_space<vmem>>, vector<16xf32>,
        tpu.vector_store %arg17[%parallel_loop3A_852, %parallel_loop3A_853, %parallel_loop3A_854], %parallel_loop3A_847 {strides = array<i32>} : memref<8x8x32xf32, #tpu.memory_space<vmem>>, vector<16xf32>,
      } {sc.loop_unroll_factor = 2 : i64, sc.parallel_access}
      %mul3A_560 = arith.constant 128 : i32
      %mul3A_561 = arith.muli %select_n3A, %mul3A_560 : i32
      %mul3A_562 = arith.constant 8 : i32
      %mul3A_563 = arith.muli %add3A_551, %mul3A_562 : i32
      %add3A_564 = arith.addi %mul3A_561, %mul3A_563 : i32
      %jit3A_565 = arith.constant 4 : i32
      %div3A_566 = arith.divsi %select_n3A_30, %jit3A_565 : i32
      %sign3A_567 = arith.constant 0 : i32
      %sign3A_568 = arith.cmpi sgt, %select_n3A_30, %sign3A_567 : i32
      %sign3A_569 = arith.extui %sign3A_568 : i1 to i32
      %sign3A_570 = arith.constant 0 : i32
      %sign3A_571 = arith.cmpi slt, %select_n3A_30, %sign3A_570 : i32
      %sign3A_572 = arith.extui %sign3A_571 : i1 to i32
      %sign3A_573 = arith.subi %sign3A_569, %sign3A_572 : i32
      %sign3A_574 = arith.constant 0 : i32
      %sign3A_575 = arith.cmpi sgt, %jit3A_565, %sign3A_574 : i32
      %sign3A_576 = arith.extui %sign3A_575 : i1 to i32
      %sign3A_577 = arith.constant 0 : i32
      %sign3A_578 = arith.cmpi slt, %jit3A_565, %sign3A_577 : i32
      %sign3A_579 = arith.extui %sign3A_578 : i1 to i32
      %sign3A_580 = arith.subi %sign3A_576, %sign3A_579 : i32
      %ne3A_581 = arith.cmpi ne, %sign3A_573, %sign3A_580 : i32
      %rem3A_582 = arith.remsi %select_n3A_30, %jit3A_565 : i32
      %ne3A_583 = arith.constant 0 : i32
      %ne3A_584 = arith.cmpi ne, %rem3A_582, %ne3A_583 : i32
      %and3A_585 = arith.andi %ne3A_581, %ne3A_584 : i1
      %sub3A_586 = arith.constant 1 : i32
      %sub3A_587 = arith.subi %div3A_566, %sub3A_586 : i32
      %select_n3A_588 = arith.select %and3A_585, %sub3A_587, %div3A_566 : i32
      %jit3A_589 = arith.constant 4 : i32
      %eq3A_590 = arith.constant 0 : i32
      %eq3A_591 = arith.cmpi eq, %jit3A_589, %eq3A_590 : i32
      %jit3A_592 = arith.constant 1 : i32
      %select_n3A_593 = arith.select %eq3A_591, %jit3A_592, %jit3A_589 : i32
      %rem3A_594 = arith.remsi %select_n3A_30, %select_n3A_593 : i32
      %ne3A_595 = arith.constant 0 : i32
      %ne3A_596 = arith.cmpi ne, %rem3A_594, %ne3A_595 : i32
      %lt3A_597 = arith.constant 0 : i32
      %lt3A_598 = arith.cmpi slt, %rem3A_594, %lt3A_597 : i32
      %lt3A_599 = arith.constant 0 : i32
      %lt3A_600 = arith.cmpi slt, %select_n3A_593, %lt3A_599 : i32
      %ne3A_601 = arith.xori %lt3A_598, %lt3A_600 : i1
      %and3A_602 = arith.andi %ne3A_601, %ne3A_596 : i1
      %add3A_603 = arith.addi %rem3A_594, %select_n3A_593 : i32
      %select_n3A_604 = arith.select %and3A_602, %add3A_603, %rem3A_594 : i32
      %mul3A_605 = arith.constant 32 : i32
      %mul3A_606 = arith.muli %select_n3A_604, %mul3A_605 : i32
      %dma_start3A_607 = arith.constant 0 : i32
      %dma_start3A_608 = tpu.memref_slice %arg6[%add3A_564, %select_n3A_588, %dma_start3A_607, %mul3A_606] : memref<512x2x8x128xf32, #tpu.memory_space<hbm>> -> memref<8x1x8x32xf32, #tpu.memory_space<hbm>>
      %dma_start3A_609 = tpu.memref_squeeze %dma_start3A_608 : memref<8x1x8x32xf32, #tpu.memory_space<hbm>> -> memref<8x8x32xf32, #tpu.memory_space<hbm>>
      %dma_start3A_610 = arith.constant 0 : i32
      %dma_start3A_611 = tpu.memref_slice %arg6[%add3A_564, %select_n3A_588, %dma_start3A_610, %mul3A_606] : memref<512x2x8x128xf32, #tpu.memory_space<hbm>> -> memref<8x1x8x32xf32, #tpu.memory_space<hbm>>
      %dma_start3A_612 = tpu.memref_squeeze %dma_start3A_611 : memref<8x1x8x32xf32, #tpu.memory_space<hbm>> -> memref<8x8x32xf32, #tpu.memory_space<hbm>>
      tpu.enqueue_dma source(%arg17 : memref<8x8x32xf32, #tpu.memory_space<vmem>>) target(%dma_start3A_612 : memref<8x8x32xf32, #tpu.memory_space<hbm>>) target_semaphore(%arg21 : memref<!tpu.dma_semaphore, #tpu.memory_space<semaphore_mem>>)
    }
    %scan3A_171 = arith.constant 8 : i32
    %mul3A_172 = arith.constant 128 : i32
    %mul3A_173 = arith.muli %select_n3A, %mul3A_172 : i32
    %add3A_174 = arith.constant 112 : i32
    %add3A_175 = arith.addi %mul3A_173, %add3A_174 : i32
    %jit3A_176 = arith.constant 4 : i32
    %div3A_177 = arith.divsi %select_n3A_30, %jit3A_176 : i32
    %sign3A_178 = arith.constant 0 : i32
    %sign3A_179 = arith.cmpi sgt, %select_n3A_30, %sign3A_178 : i32
    %sign3A_180 = arith.extui %sign3A_179 : i1 to i32
    %sign3A_181 = arith.constant 0 : i32
    %sign3A_182 = arith.cmpi slt, %select_n3A_30, %sign3A_181 : i32
    %sign3A_183 = arith.extui %sign3A_182 : i1 to i32
    %sign3A_184 = arith.subi %sign3A_180, %sign3A_183 : i32
    %sign3A_185 = arith.constant 0 : i32
    %sign3A_186 = arith.cmpi sgt, %jit3A_176, %sign3A_185 : i32
    %sign3A_187 = arith.extui %sign3A_186 : i1 to i32
    %sign3A_188 = arith.constant 0 : i32
    %sign3A_189 = arith.cmpi slt, %jit3A_176, %sign3A_188 : i32
    %sign3A_190 = arith.extui %sign3A_189 : i1 to i32
    %sign3A_191 = arith.subi %sign3A_187, %sign3A_190 : i32
    %ne3A_192 = arith.cmpi ne, %sign3A_184, %sign3A_191 : i32
    %rem3A_193 = arith.remsi %select_n3A_30, %jit3A_176 : i32
    %ne3A_194 = arith.constant 0 : i32
    %ne3A_195 = arith.cmpi ne, %rem3A_193, %ne3A_194 : i32
    %and3A_196 = arith.andi %ne3A_192, %ne3A_195 : i1
    %sub3A_197 = arith.constant 1 : i32
    %sub3A_198 = arith.subi %div3A_177, %sub3A_197 : i32
    %select_n3A_199 = arith.select %and3A_196, %sub3A_198, %div3A_177 : i32
    %jit3A_200 = arith.constant 4 : i32
    %eq3A_201 = arith.constant 0 : i32
    %eq3A_202 = arith.cmpi eq, %jit3A_200, %eq3A_201 : i32
    %jit3A_203 = arith.constant 1 : i32
    %select_n3A_204 = arith.select %eq3A_202, %jit3A_203, %jit3A_200 : i32
    %rem3A_205 = arith.remsi %select_n3A_30, %select_n3A_204 : i32
    %ne3A_206 = arith.constant 0 : i32
    %ne3A_207 = arith.cmpi ne, %rem3A_205, %ne3A_206 : i32
    %lt3A_208 = arith.constant 0 : i32
    %lt3A_209 = arith.cmpi slt, %rem3A_205, %lt3A_208 : i32
    %lt3A_210 = arith.constant 0 : i32
    %lt3A_211 = arith.cmpi slt, %select_n3A_204, %lt3A_210 : i32
    %ne3A_212 = arith.xori %lt3A_209, %lt3A_211 : i1
    %and3A_213 = arith.andi %ne3A_212, %ne3A_207 : i1
    %add3A_214 = arith.addi %rem3A_205, %select_n3A_204 : i32
    %select_n3A_215 = arith.select %and3A_213, %add3A_214, %rem3A_205 : i32
    %mul3A_216 = arith.constant 32 : i32
    %mul3A_217 = arith.muli %select_n3A_215, %mul3A_216 : i32
    %dma_wait3A = arith.constant 0 : i32
    %dma_wait3A_218 = tpu.memref_slice %arg6[%add3A_175, %select_n3A_199, %dma_wait3A, %mul3A_217] : memref<512x2x8x128xf32, #tpu.memory_space<hbm>> -> memref<8x1x8x32xf32, #tpu.memory_space<hbm>>
    %dma_wait3A_219 = tpu.memref_squeeze %dma_wait3A_218 : memref<8x1x8x32xf32, #tpu.memory_space<hbm>> -> memref<8x8x32xf32, #tpu.memory_space<hbm>>
    %dma_wait3A_220 = arith.constant 0 : i32
    %dma_wait3A_221 = tpu.memref_slice %arg6[%add3A_175, %select_n3A_199, %dma_wait3A_220, %mul3A_217] : memref<512x2x8x128xf32, #tpu.memory_space<hbm>> -> memref<8x1x8x32xf32, #tpu.memory_space<hbm>>
    %dma_wait3A_222 = tpu.memref_squeeze %dma_wait3A_221 : memref<8x1x8x32xf32, #tpu.memory_space<hbm>> -> memref<8x8x32xf32, #tpu.memory_space<hbm>>
    tpu.wait_dma2 semaphore(%arg20 : memref<!tpu.dma_semaphore, #tpu.memory_space<semaphore_mem>>) src(%arg16 : memref<8x8x32xf32, #tpu.memory_space<vmem>>) dst(%dma_wait3A_222 : memref<8x8x32xf32, #tpu.memory_space<hbm>>)
    %mul3A_223 = arith.constant 128 : i32
    %mul3A_224 = arith.muli %select_n3A, %mul3A_223 : i32
    %add3A_225 = arith.constant 120 : i32
    %add3A_226 = arith.addi %mul3A_224, %add3A_225 : i32
    %jit3A_227 = arith.constant 4 : i32
    %div3A_228 = arith.divsi %select_n3A_30, %jit3A_227 : i32
    %sign3A_229 = arith.constant 0 : i32
    %sign3A_230 = arith.cmpi sgt, %select_n3A_30, %sign3A_229 : i32
    %sign3A_231 = arith.extui %sign3A_230 : i1 to i32
    %sign3A_232 = arith.constant 0 : i32
    %sign3A_233 = arith.cmpi slt, %select_n3A_30, %sign3A_232 : i32
    %sign3A_234 = arith.extui %sign3A_233 : i1 to i32
    %sign3A_235 = arith.subi %sign3A_231, %sign3A_234 : i32
    %sign3A_236 = arith.constant 0 : i32
    %sign3A_237 = arith.cmpi sgt, %jit3A_227, %sign3A_236 : i32
    %sign3A_238 = arith.extui %sign3A_237 : i1 to i32
    %sign3A_239 = arith.constant 0 : i32
    %sign3A_240 = arith.cmpi slt, %jit3A_227, %sign3A_239 : i32
    %sign3A_241 = arith.extui %sign3A_240 : i1 to i32
    %sign3A_242 = arith.subi %sign3A_238, %sign3A_241 : i32
    %ne3A_243 = arith.cmpi ne, %sign3A_235, %sign3A_242 : i32
    %rem3A_244 = arith.remsi %select_n3A_30, %jit3A_227 : i32
    %ne3A_245 = arith.constant 0 : i32
    %ne3A_246 = arith.cmpi ne, %rem3A_244, %ne3A_245 : i32
    %and3A_247 = arith.andi %ne3A_243, %ne3A_246 : i1
    %sub3A_248 = arith.constant 1 : i32
    %sub3A_249 = arith.subi %div3A_228, %sub3A_248 : i32
    %select_n3A_250 = arith.select %and3A_247, %sub3A_249, %div3A_228 : i32
    %jit3A_251 = arith.constant 4 : i32
    %eq3A_252 = arith.constant 0 : i32
    %eq3A_253 = arith.cmpi eq, %jit3A_251, %eq3A_252 : i32
    %jit3A_254 = arith.constant 1 : i32
    %select_n3A_255 = arith.select %eq3A_253, %jit3A_254, %jit3A_251 : i32
    %rem3A_256 = arith.remsi %select_n3A_30, %select_n3A_255 : i32
    %ne3A_257 = arith.constant 0 : i32
    %ne3A_258 = arith.cmpi ne, %rem3A_256, %ne3A_257 : i32
    %lt3A_259 = arith.constant 0 : i32
    %lt3A_260 = arith.cmpi slt, %rem3A_256, %lt3A_259 : i32
    %lt3A_261 = arith.constant 0 : i32
    %lt3A_262 = arith.cmpi slt, %select_n3A_255, %lt3A_261 : i32
    %ne3A_263 = arith.xori %lt3A_260, %lt3A_262 : i1
    %and3A_264 = arith.andi %ne3A_263, %ne3A_258 : i1
    %add3A_265 = arith.addi %rem3A_256, %select_n3A_255 : i32
    %select_n3A_266 = arith.select %and3A_264, %add3A_265, %rem3A_256 : i32
    %mul3A_267 = arith.constant 32 : i32
    %mul3A_268 = arith.muli %select_n3A_266, %mul3A_267 : i32
    %dma_wait3A_269 = arith.constant 0 : i32
    %dma_wait3A_270 = tpu.memref_slice %arg6[%add3A_226, %select_n3A_250, %dma_wait3A_269, %mul3A_268] : memref<512x2x8x128xf32, #tpu.memory_space<hbm>> -> memref<8x1x8x32xf32, #tpu.memory_space<hbm>>
    %dma_wait3A_271 = tpu.memref_squeeze %dma_wait3A_270 : memref<8x1x8x32xf32, #tpu.memory_space<hbm>> -> memref<8x8x32xf32, #tpu.memory_space<hbm>>
    %dma_wait3A_272 = arith.constant 0 : i32
    %dma_wait3A_273 = tpu.memref_slice %arg6[%add3A_226, %select_n3A_250, %dma_wait3A_272, %mul3A_268] : memref<512x2x8x128xf32, #tpu.memory_space<hbm>> -> memref<8x1x8x32xf32, #tpu.memory_space<hbm>>
    %dma_wait3A_274 = tpu.memref_squeeze %dma_wait3A_273 : memref<8x1x8x32xf32, #tpu.memory_space<hbm>> -> memref<8x8x32xf32, #tpu.memory_space<hbm>>
    tpu.wait_dma2 semaphore(%arg21 : memref<!tpu.dma_semaphore, #tpu.memory_space<semaphore_mem>>) src(%arg17 : memref<8x8x32xf32, #tpu.memory_space<vmem>>) dst(%dma_wait3A_274 : memref<8x8x32xf32, #tpu.memory_space<hbm>>)
    return
  }
}

module attributes {stable_mosaic.version = 14 : i64} {
  func.func @body(%arg0: i32, %arg1: memref<1024x256xf32, #tpu.memory_space<vmem>>, %arg2: memref<256x256xf32, #tpu.memory_space<vmem>>, %arg3: memref<1x256xf32, #tpu.memory_space<vmem>>, %arg4: memref<128x2x8x128xf32, #tpu.memory_space<vmem>>) attributes {dimension_semantics = [#tpu.dimension_semantics<arbitrary>], iteration_bounds = array<i64: 16>, scalar_prefetch = 0 : i64, scratch_operands = 0 : i64, tpu.core_type = #tpu.core_type<tc>, window_params = [{transform_indices = @transform_0, window_bounds = array<i64: 1024, 256>}, {pipeline_mode = #tpu.pipeline_mode<synchronous>, transform_indices = @transform_1, window_bounds = array<i64: 256, 256>}, {pipeline_mode = #tpu.pipeline_mode<synchronous>, transform_indices = @transform_2, window_bounds = array<i64: 1, 256>}, {transform_indices = @transform_3, window_bounds = array<i64: 128, 2, 8, 128>}]} {
    %get3A = arith.constant 0 : index
    %get3A_0 = arith.constant 0 : index
    %get3A_1 = vector.load %arg1[%get3A, %get3A_0] : memref<1024x256xf32, #tpu.memory_space<vmem>>, vector<1024x256xf32>
    %get3A_2 = arith.constant 0 : index
    %get3A_3 = arith.constant 0 : index
    %get3A_4 = vector.load %arg2[%get3A_2, %get3A_3] : memref<256x256xf32, #tpu.memory_space<vmem>>, vector<256x256xf32>
    %dot_general3A = arith.constant dense<0.000000e+00> : vector<1024x256xf32>
    %dot_general3A_5 = tpu.matmul %get3A_1, %get3A_4, %dot_general3A {dimension_numbers = #tpu.dot_dimension_numbers<[1], [0], [0], [1], [0, 0, 1, 1], [], []>, transpose_lhs_hint = false} : vector<1024x256xf32>, vector<256x256xf32>, vector<1024x256xf32> -> vector<1024x256xf32>
    %get3A_6 = arith.constant 0 : index
    %get3A_7 = arith.constant 0 : index
    %get3A_8 = vector.load %arg3[%get3A_6, %get3A_7] : memref<1x256xf32, #tpu.memory_space<vmem>>, vector<1x256xf32>
    %add3A = vector.broadcast %get3A_8 : vector<1x256xf32> to vector<1024x256xf32>
    %add3A_9 = arith.addf %dot_general3A_5, %add3A : vector<1024x256xf32>
    %slice3A = vector.extract_strided_slice %add3A_9 {offsets = [0, 0], sizes = [1024, 128], strides = [1, 1]} : vector<1024x256xf32> to vector<1024x128xf32>
    %reshape3A = vector.shape_cast %slice3A : vector<1024x128xf32> to vector<128x8x128xf32>
    %swap3A = arith.constant 0 : index
    %swap3A_10 = arith.constant 0 : index
    %swap3A_11 = arith.constant 0 : index
    %swap3A_12 = arith.constant 0 : index
    %swap3A_13 = vector.load %arg4[%swap3A, %swap3A_10, %swap3A_11, %swap3A_12] : memref<128x2x8x128xf32, #tpu.memory_space<vmem>>, vector<128x1x8x128xf32>
    %swap3A_14 = vector.shape_cast %swap3A_13 : vector<128x1x8x128xf32> to vector<128x8x128xf32>
    %swap3A_15 = vector.shape_cast %reshape3A : vector<128x8x128xf32> to vector<128x1x8x128xf32>
    tpu.vector_store %arg4[%swap3A, %swap3A_10, %swap3A_11, %swap3A_12], %swap3A_15 {strides = array<i32>} : memref<128x2x8x128xf32, #tpu.memory_space<vmem>>, vector<128x1x8x128xf32>,
    %slice3A_16 = vector.extract_strided_slice %add3A_9 {offsets = [0, 128], sizes = [1024, 128], strides = [1, 1]} : vector<1024x256xf32> to vector<1024x128xf32>
    %reshape3A_17 = vector.shape_cast %slice3A_16 : vector<1024x128xf32> to vector<128x8x128xf32>
    %swap3A_18 = arith.constant 0 : index
    %swap3A_19 = arith.constant 1 : index
    %swap3A_20 = arith.constant 0 : index
    %swap3A_21 = arith.constant 0 : index
    %swap3A_22 = vector.load %arg4[%swap3A_18, %swap3A_19, %swap3A_20, %swap3A_21] : memref<128x2x8x128xf32, #tpu.memory_space<vmem>>, vector<128x1x8x128xf32>
    %swap3A_23 = vector.shape_cast %swap3A_22 : vector<128x1x8x128xf32> to vector<128x8x128xf32>
    %swap3A_24 = vector.shape_cast %reshape3A_17 : vector<128x8x128xf32> to vector<128x1x8x128xf32>
    tpu.vector_store %arg4[%swap3A_18, %swap3A_19, %swap3A_20, %swap3A_21], %swap3A_24 {strides = array<i32>} : memref<128x2x8x128xf32, #tpu.memory_space<vmem>>, vector<128x1x8x128xf32>,
    return
  }
  func.func @transform_0(%arg0: i32) -> (i32, i32) {
    %c0_i32 = arith.constant 0 : i32
    %c0_i32_0 = arith.constant 0 : i32
    return %arg0, %c0_i32 : i32, i32
  }
  func.func @transform_1(%arg0: i32) -> (i32, i32) {
    %c0_i32 = arith.constant 0 : i32
    %c0_i32_0 = arith.constant 0 : i32
    %c0_i32_1 = arith.constant 0 : i32
    return %c0_i32, %c0_i32_0 : i32, i32
  }
  func.func @transform_2(%arg0: i32) -> (i32, i32) {
    %c0_i32 = arith.constant 0 : i32
    %c0_i32_0 = arith.constant 0 : i32
    %c0_i32_1 = arith.constant 0 : i32
    return %c0_i32, %c0_i32_0 : i32, i32
  }
  func.func @transform_3(%arg0: i32) -> (i32, i32, i32, i32) {
    %c0_i32 = arith.constant 0 : i32
    %c0_i32_0 = arith.constant 0 : i32
    %c0_i32_1 = arith.constant 0 : i32
    %c0_i32_2 = arith.constant 0 : i32
    return %arg0, %c0_i32, %c0_i32_0, %c0_i32_1 : i32, i32, i32, i32
  }
}

module attributes {stable_mosaic.version = 14 : i64} {
  func.func @body(%arg0: i32, %arg1: memref<128x2x8x128xf32, #tpu.memory_space<vmem>>, %arg2: memref<256x256xf32, #tpu.memory_space<vmem>>, %arg3: memref<1x256xf32, #tpu.memory_space<vmem>>, %arg4: memref<1024x256xf32, #tpu.memory_space<vmem>>) attributes {dimension_semantics = [#tpu.dimension_semantics<arbitrary>], iteration_bounds = array<i64: 4>, scalar_prefetch = 0 : i64, scratch_operands = 0 : i64, tpu.core_type = #tpu.core_type<tc>, window_params = [{transform_indices = @transform_0, window_bounds = array<i64: 128, 2, 8, 128>}, {pipeline_mode = #tpu.pipeline_mode<synchronous>, transform_indices = @transform_1, window_bounds = array<i64: 256, 256>}, {pipeline_mode = #tpu.pipeline_mode<synchronous>, transform_indices = @transform_2, window_bounds = array<i64: 1, 256>}, {transform_indices = @transform_3, window_bounds = array<i64: 1024, 256>}]} {
    %get3A = arith.constant 0 : index
    %get3A_0 = arith.constant 0 : index
    %get3A_1 = arith.constant 0 : index
    %get3A_2 = arith.constant 0 : index
    %get3A_3 = vector.load %arg1[%get3A, %get3A_0, %get3A_1, %get3A_2] : memref<128x2x8x128xf32, #tpu.memory_space<vmem>>, vector<128x1x8x128xf32>
    %get3A_4 = vector.shape_cast %get3A_3 : vector<128x1x8x128xf32> to vector<128x8x128xf32>
    %reshape3A = vector.shape_cast %get3A_4 : vector<128x8x128xf32> to vector<1024x128xf32>
    %get3A_5 = arith.constant 0 : index
    %get3A_6 = arith.constant 1 : index
    %get3A_7 = arith.constant 0 : index
    %get3A_8 = arith.constant 0 : index
    %get3A_9 = vector.load %arg1[%get3A_5, %get3A_6, %get3A_7, %get3A_8] : memref<128x2x8x128xf32, #tpu.memory_space<vmem>>, vector<128x1x8x128xf32>
    %get3A_10 = vector.shape_cast %get3A_9 : vector<128x1x8x128xf32> to vector<128x8x128xf32>
    %reshape3A_11 = vector.shape_cast %get3A_10 : vector<128x8x128xf32> to vector<1024x128xf32>
    %get3A_12 = arith.constant 0 : index
    %get3A_13 = arith.constant 0 : index
    %get3A_14 = vector.load %arg2[%get3A_12, %get3A_13] : memref<256x256xf32, #tpu.memory_space<vmem>>, vector<128x256xf32>
    %dot_general3A = arith.constant dense<0.000000e+00> : vector<1024x256xf32>
    %dot_general3A_15 = tpu.matmul %reshape3A, %get3A_14, %dot_general3A {dimension_numbers = #tpu.dot_dimension_numbers<[1], [0], [0], [1], [0, 0, 1, 1], [], []>, transpose_lhs_hint = false} : vector<1024x128xf32>, vector<128x256xf32>, vector<1024x256xf32> -> vector<1024x256xf32>
    %get3A_16 = arith.constant 128 : index
    %get3A_17 = arith.constant 0 : index
    %get3A_18 = vector.load %arg2[%get3A_16, %get3A_17] : memref<256x256xf32, #tpu.memory_space<vmem>>, vector<128x256xf32>
    %dot_general3A_19 = arith.constant dense<0.000000e+00> : vector<1024x256xf32>
    %dot_general3A_20 = tpu.matmul %reshape3A_11, %get3A_18, %dot_general3A_19 {dimension_numbers = #tpu.dot_dimension_numbers<[1], [0], [0], [1], [0, 0, 1, 1], [], []>, transpose_lhs_hint = false} : vector<1024x128xf32>, vector<128x256xf32>, vector<1024x256xf32> -> vector<1024x256xf32>
    %add3A = arith.addf %dot_general3A_15, %dot_general3A_20 : vector<1024x256xf32>
    %get3A_21 = arith.constant 0 : index
    %get3A_22 = arith.constant 0 : index
    %get3A_23 = vector.load %arg3[%get3A_21, %get3A_22] : memref<1x256xf32, #tpu.memory_space<vmem>>, vector<1x256xf32>
    %add3A_24 = vector.broadcast %get3A_23 : vector<1x256xf32> to vector<1024x256xf32>
    %add3A_25 = arith.addf %add3A, %add3A_24 : vector<1024x256xf32>
    %swap3A = arith.constant 0 : index
    %swap3A_26 = arith.constant 0 : index
    %swap3A_27 = vector.load %arg4[%swap3A, %swap3A_26] : memref<1024x256xf32, #tpu.memory_space<vmem>>, vector<1024x256xf32>
    tpu.vector_store %arg4[%swap3A, %swap3A_26], %add3A_25 {strides = array<i32>} : memref<1024x256xf32, #tpu.memory_space<vmem>>, vector<1024x256xf32>,
    return
  }
  func.func @transform_0(%arg0: i32) -> (i32, i32, i32, i32) {
    %c0_i32 = arith.constant 0 : i32
    %c0_i32_0 = arith.constant 0 : i32
    %c0_i32_1 = arith.constant 0 : i32
    %c0_i32_2 = arith.constant 0 : i32
    return %arg0, %c0_i32, %c0_i32_0, %c0_i32_1 : i32, i32, i32, i32
  }
  func.func @transform_1(%arg0: i32) -> (i32, i32) {
    %c0_i32 = arith.constant 0 : i32
    %c0_i32_0 = arith.constant 0 : i32
    %c0_i32_1 = arith.constant 0 : i32
    return %c0_i32, %c0_i32_0 : i32, i32
  }
  func.func @transform_2(%arg0: i32) -> (i32, i32) {
    %c0_i32 = arith.constant 0 : i32
    %c0_i32_0 = arith.constant 0 : i32
    %c0_i32_1 = arith.constant 0 : i32
    return %c0_i32, %c0_i32_0 : i32, i32
  }
  func.func @transform_3(%arg0: i32) -> (i32, i32) {
    %c0_i32 = arith.constant 0 : i32
    %c0_i32_0 = arith.constant 0 : i32
    return %arg0, %c0_i32 : i32, i32
  }
}

</mosaic_0001>

<sc_bundles>
// kernel: kernel.5.cloned.1.call-start
scs
__scs_entry_jumppad:
0x0: {  	(pc) =	sbr.rel $0x88, $3  }
0x1: {  	(tag) =	ssettag $0x0;
	lr =	simm.s32 $0x1  }
0x2: {  	[smem:$0x3F99] =	sst lr;
	_ =	strace $0xD0000000  }
0x3: {  	_ = 	snop  }
0x4: {  	_ = 	snop  }
0x5: {  	_ = 	snop  }
0x6: {  	_ = 	snop  }
0x7: {  	_ = 	snop  }
__scs_overlays_trampoline_lowered:
0x8: {  	[smem:$0x3FA8] =	sst s0  }
0x9: {  	[smem:$0x3FA9] =	sst s1  }
0xa: {  	[smem:$0x3FAA] =	sst s2  }
0xb: {  	[smem:$0x3FAB] =	sst s3  }
0xc: {  	[smem:$0x3FAC] =	sst s4  }
0xd: {  	[smem:$0x3FAD] =	sst s5  }
0xe: {  	[smem:$0x3FAE] =	sst s6  }
0xf: {  	[smem:$0x3FAF] =	sst s7  }
0x10: {  	[smem:$0x3FB0] =	sst s8  }
0x11: {  	[smem:$0x3FB1] =	sst s9;
	s0 =	simm.s32 @!p0 $0x0  }
0x12: {  	s1 =	sld [smem:$0x3F97];
	s0 =	simm.s32 @p0 $0x1  }
0x13: {  	[smem:$0x3FB2] =	sst s0;
	s0 =	simm.s32 @!p1 $0x0  }
0x14: {  	s2 =	sld [smem:$0x3F96];
	s0 =	simm.s32 @p1 $0x1  }
0x15: {  	[smem:$0x3FB3] =	sst s0;
	s0 =	simm.s32 @!p2 $0x0  }
0x16: {  	s3 =	sld [smem:$0x3FDB];
	s0 =	simm.s32 @p2 $0x1  }
0x17: {  	s4 =	simm.s32 $0x1BF5;
	[smem:$0x3FB5] =	sst s0  }
0x18: {  	s0 =	sld [smem:$0x3F98];
	_ =	swait.ge [sflag:s4], $0x0  }
0x19: {  	s7 =	sld [smem:$0x3F99]  }
0x1a: {  	s8 =	sadd.s32 $0xFFFFE003, lr  }
0x1b: {  	s9 =	sadd.s32 $0xFFFFFEF7, lr;
	s5 =	simm.s32 $0xFFFFFFFF;
	p2 =	slt.u32 s8, $0xFFFFF086  }
0x1c: {  	p1 =	slt.u32 s9, $0xF7A;
	s5 =	simm.s32 @!p2 $0x0  }
0x1d: {  	s5 =	simm.s32 @p1 $0x1;
	p0 =	seq.s32 s7, s2  }
0x1e: {  	s7 =	smul.u32 @!p0 $0xF7A, s2;
	p2 =	seq.s32 @!p0 s5, $0x0  }
0x1f: {  	s9 =	smul.u32 $0xF7A, s1;
	s8 =	simm.s32 @!p0 $0x1BF5;
	p2 =	por !p2, p0  }
0x20: {  	[sflag:s8] =	ssyncset.s32 @!p0 $0xFFFFF086;
	s6 =	sadd.s32 @!p0 s3, s7;
	s7 =	simm.s32 @!p0 $0x108  }
0x21: {  	s3 =	sadd.s32 s3, s9;
	s6 =	sadd.s32 @!p0 $0x88, s6;
	s7 =	simm.s32 @p2 $0x1082  }
0x22: {  	[simem:s7], [sflag:s8] =	dma.local @!p0 [hbm:s6], $0xF7A  }
0x23: {  	s9 =	sor.u32 $0xD0000000, s2;
	s6 =	simm.s32 $0x108;
	_ =	swait.ge @!p0 [sflag:s8], $0x0  }
0x24: {  	s3 =	sadd.s32 $0x88, s3;
	s6 =	simm.s32 @!p1 $0x1082;
	[sflag:s4] =	ssyncset.s32 $0xFFFFF086  }
0x25: {  	[simem:s6], [sflag:s4] =	dma.local [hbm:s3], $0xF7A  }
0x26: {  	[smem:$0x3F99] =	sst s1;
	(tag) =	ssettag s2;
	_ =	strace s9  }
0x27: {  	s1 =	sld [smem:$0x3FA9]  }
0x28: {  	s2 =	sld [smem:$0x3FAA]  }
0x29: {  	s4 =	sld [smem:$0x3FAC]  }
0x2a: {  	p0 =	seq.s32 s5, $0x0;
	s5 =	sld [smem:$0x3FAD]  }
0x2b: {  	s6 =	sld [smem:$0x3FAE]  }
0x2c: {  	s7 =	sld [smem:$0x3FAF]  }
0x2d: {  	s3 =	simm.s32 $0x108;
	s8 =	sld [smem:$0x3FB0]  }
0x2e: {  	s3 =	simm.s32 @!p0 $0x1082;
	s9 =	sld [smem:$0x3FB1]  }
0x2f: {  	lr =	sadd.s32 s0, s3;
	s0 =	sld [smem:$0x3FA8]  }
0x30: {  	s3 =	sld [smem:$0x3FAB]  }
0x31: {  	[smem:$0x3FB4] =	sst s10  }
0x32: {  	s10 =	sld [smem:$0x3FB2];
	_ =	sdelay $0x3  }
0x33: {  	p0 =	seq.s32 s10, $0x1;
	s10 =	sld [smem:$0x3FB4];
	_ =	sdelay $0x3  }
0x34: {  	[smem:$0x3FB4] =	sst s10  }
0x35: {  	s10 =	sld [smem:$0x3FB3];
	_ =	sdelay $0x3  }
0x36: {  	p1 =	seq.s32 s10, $0x1;
	s10 =	sld [smem:$0x3FB4];
	_ =	sdelay $0x3  }
0x37: {  	[smem:$0x3FB4] =	sst s10  }
0x38: {  	s10 =	sld [smem:$0x3FB5]  }
0x39: {  	_ = 	snop;
	(pc) =	sbr.ind lr, $3  }
0x3a: {  	_ = 	snop  }
0x3b: {  	_ = 	snop  }
0x3c: {  	p2 =	seq.s32 s10, $0x1;
	s10 =	sld [smem:$0x3FB4]  }
0x3d: {  	_ =	shalt  }
0x3e: {  	_ =	shalt  }
0x3f: {  	_ =	shalt  }
0x40: {  	_ =	shalt  }
0x41: {  	_ =	shalt  }
0x42: {  	_ =	shalt  }
0x43: {  	_ =	shalt  }
0x44: {  	_ =	shalt  }
0x45: {  	_ =	shalt  }
0x46: {  	_ =	shalt  }
0x47: {  	_ =	shalt  }
0x48: {  	_ =	shalt  }
0x49: {  	_ =	shalt  }
0x4a: {  	_ =	shalt  }
0x4b: {  	_ =	shalt  }
0x4c: {  	_ =	shalt  }
0x4d: {  	_ =	shalt  }
0x4e: {  	_ =	shalt  }
0x4f: {  	_ =	shalt  }
0x50: {  	_ =	shalt  }
0x51: {  	_ =	shalt  }
0x52: {  	_ =	shalt  }
0x53: {  	_ =	shalt  }
0x54: {  	_ =	shalt  }
0x55: {  	_ =	shalt  }
0x56: {  	_ =	shalt  }
0x57: {  	_ =	shalt  }
0x58: {  	_ =	shalt  }
0x59: {  	_ =	shalt  }
0x5a: {  	_ =	shalt  }
0x5b: {  	_ =	shalt  }
0x5c: {  	_ =	shalt  }
0x5d: {  	_ =	shalt  }
0x5e: {  	_ =	shalt  }
0x5f: {  	_ =	shalt  }
0x60: {  	_ =	shalt  }
0x61: {  	_ =	shalt  }
0x62: {  	_ =	shalt  }
0x63: {  	_ =	shalt  }
0x64: {  	_ =	shalt  }
0x65: {  	_ =	shalt  }
0x66: {  	_ =	shalt  }
0x67: {  	_ =	shalt  }
0x68: {  	_ =	shalt  }
0x69: {  	_ =	shalt  }
0x6a: {  	_ =	shalt  }
0x6b: {  	_ =	shalt  }
0x6c: {  	_ =	shalt  }
0x6d: {  	_ =	shalt  }
0x6e: {  	_ =	shalt  }
0x6f: {  	_ =	shalt  }
0x70: {  	_ =	shalt  }
0x71: {  	_ =	shalt  }
0x72: {  	_ =	shalt  }
0x73: {  	_ =	shalt  }
0x74: {  	_ =	shalt  }
0x75: {  	_ =	shalt  }
0x76: {  	_ =	shalt  }
0x77: {  	_ =	shalt  }
0x78: {  	_ =	shalt  }
0x79: {  	_ =	shalt  }
0x7a: {  	_ =	shalt  }
0x7b: {  	_ =	shalt  }
0x7c: {  	_ =	shalt  }
0x7d: {  	_ =	shalt  }
0x7e: {  	_ =	shalt  }
0x7f: {  	_ =	shalt  }
0x80: {  	_ =	shalt  }
0x81: {  	_ =	shalt  }
0x82: {  	_ =	shalt  }
0x83: {  	_ =	shalt  }
0x84: {  	_ =	shalt  }
0x85: {  	_ =	shalt  }
0x86: {  	_ =	shalt  }
0x87: {  	_ =	shalt  }
.Lfunc_end0:
.L_simem_size_0:
called_computation_lowered:
.L_overlay_start_0:
0x88: {  	s2 =	sld [smem:$0x3FD9]  }
0x89: {  	s3 =	sld [smem:$0x3FFE];
	_ =	sdelay $0x1  }
0x8a: {  	s1 =	srdreg.scid  }
0x8b: {  	s0 =	sand.u32 $0x1, s1  }
0x8c: {  	s17 =	sshll.u32 s0, $0xA;
	s2 =	sadd.s32 s3, s2  }
0x8d: {  	s2 =	sadd.s32 s2, s17  }
0x8e: {  	[smem:$0x3FC0] =	sst s2  }
0x8f: {  	_ = 	snop  }
0x90: {  	s2 =	sld [smem:$0x3FD0];
	(tm) =	ssettm $0x1  }
0x91: {  	s18 =	sld [smem:$0x3FFB];
	_ =	sdelay $0x3  }
0x92: {  	_ =	strace s18  }
0x93: {  	s3 =	sld [smem:$0x3FFC];
	_ =	sdelay $0x3  }
0x94: {  	_ =	strace s3  }
0x95: {  	s3 =	sld [smem:$0x3FFD];
	_ =	sdelay $0x3  }
0x96: {  	_ =	strace s3  }
0x97: {  	_ =	strace $0x8FFFFFFF  }
0x98: {  	s19 =	sld [smem:$0x3FDB];
	_ =	sdelay $0x1  }
0x99: {  	s4 =	simm.s32 $_scs_section_size  }
0x9a: {  	s5 =	simm.s32 $_size__tile_overlayer_lowered;
	s6 =	simm.s32 $_tile_overlayer_lowered  }
0x9b: {  	s22 =	simm.s32 $0x1BFF;
	s21 =	sshll.u32 s6, $0x1;
	s3 =	sadd.s32 s4, s19  }
0x9c: {  	s7 =	simm.s32 $0x0;
	s20 =	sshll.u32 s5, $0x1;
	s5 =	sadd.s32 s21, s3  }
0x9d: {  	[timem:s7], [sflag:s22] =	dma.local [hbm:s5], s20  }
0x9e: {  	_ =	swait.ge [sflag:s22], s20  }
0x9f: {  	s4 =	ssub.s32 $0x0, s20;
	[sflag:s22] =	ssyncset.done $0x0  }
0xa0: {  	[sflag:s22] =	ssyncadd.s32 s4;
	_ =	sdelay $0x1  }
0xa1: {  	s23 =	simm.s32 $0x1B8B  }
0xa2: {  	_ =	swait.ge [sflag:s23], $0x1  }
0xa3: {  	[sflag:s23] =	ssyncset.done $0x0  }
0xa4: {  	s25 =	simm.s32 $0x1B8E;
	s24 =	sld [smem:$0x3FFE];
	[sflag:s23] =	ssyncadd.s32 $0xFFFFFFFF  }
0xa5: {  	s26 =	simm.s32 $execute0_lowered;
	[smem:$0x3FD2] =	sst s25  }
0xa6: {  	s5 =	sshll.u32 s26, $0x1;
	_ =	strace $0x80000046;
	[dreg:$0x1] =	wrdreg $0xFFFFFFFF  }
0xa7: {  	s28 =	simm.s32 $_size_execute0_lowered;
	s3 =	sadd.s32 s3, s5;
	[dreg:$0x0] =	wrdreg $0x0  }
0xa8: {  	s5 =	sshll.u32 s28, $0x1;
	[dreg:$0x2] =	wrdreg s3  }
0xa9: {  	[dreg:$0x3] =	wrdreg s5  }
0xaa: {  	[dreg:$0x4] =	wrdreg $0xC0  }
0xab: {  	_ =	task [dreg:s7], $0x5FFFF  }
0xac: {  	[dreg:$0x1] =	wrdreg $0xFFFFFFFF  }
0xad: {  	[dreg:$0x0] =	wrdreg $0x60  }
0xae: {  	[dreg:$0x2] =	wrdreg s24  }
0xaf: {  	[dreg:$0x3] =	wrdreg s2  }
0xb0: {  	[dreg:$0x4] =	wrdreg $0x9  }
0xb1: {  	_ =	task.clear_ibuf [dreg:s7], $0x5FFFF;
	_ =	strace $0x90000046  }
0xb2: {  	s29 =	simm.s32 $0x9;
	_ =	strace $0x80000048  }
0xb3: {  	_ =	swait.ge [sflag:s29], $0x1  }
0xb4: {  	[sflag:s29] =	ssyncadd.s32 $0xFFFFFFFF  }
0xb5: {  	_ =	strace $0x90000048  }
0xb6: {  	_ =	sfence  }
0xb7: {  	s30 =	sld [smem:$0x0];
	_ =	sdelay $0x2  }
0xb8: {  	s31 =	sshll.u32 s1, $0xD;
	s1 =	sshrl.u32 s1, $0x2  }
0xb9: {  	s3 =	sand.u32 $0x4000, s31;
	s1 =	sadd.s32 s1, s30  }
0xba: {  	s0 =	sor.u32 s3, s0;
	s1 =	sshll.u32 s1, $0x11  }
0xbb: {  	s0 =	sor.u32 s1, s0  }
0xbc: {  	s0 =	sadd.s32 $0x8F2B, s0  }
0xbd: {  	[sflag:s0] =	ssyncadd.remote.s32 $0x1  }
0xbe: {  	_ =	sfence.sel $0xFFFF  }
0xbf: {  	[dreg:$0x0] =	wrdreg $0xFFFFFFFF;
	(pc) =	sbr.abs _section_cstart, $3  }
0xc0: {  	[dreg:$0x1] =	wrdreg $0xFFFFFFFF  }
0xc1: {  	_ =	task.clear_ibuf [dreg:s7], $0x2FFFF;
	_ =	strace $0x9FFFFFFF  }
0xc2: {  	(tm) =	ssettm $0x7FFFFFFF  }
0xc3: {  	_ =	shalt  }
tec
execute0_lowered:
.L_overlay_start_1:
0x0: {  	(tag) =	ssettag $0x1  }
0x1: {  	s0 =	rddreg [dreg:$0x0];
	s1 =	srdreg.scid  }
0x2: {  	s2 =	rddreg [dreg:$0x1];
	s11 =	stileid.u32;
	s4 =	simm.s32 $0x0  }
0x3: {  	s7 =	simm.s32 $0x1;
	s31 =	simm.s32 $0x80;
	s20 =	simm.s32 $0x10C0  }
0x4: {  	s21 =	simm.s32 $0x20;
	s1 =	sand.u32 $0x1, s1;
	s6 =	sand.u32 $0x7, s11  }
0x5: {  	[smem:$0x7FF] =	sst s4;
	s4 =	sadd.s32 $0x600, s0;
	s5 =	sshll.u32 s11, $0x7  }
0x6: {  	s3 =	sshll.u32 s1, $0x4;
	p1 =	sne.s32 s6, $0x0;
	_ =	strace $0x80000047  }
0x7: {  	s5 =	sand.u32 $0x180, s5;
	s24 =	sshrl.u32 s6, $0x2;
	s1 =	ssub.s32 $0x2, s1  }
0x8: {  	s6 =	smul.u32 $0x18, s6;
	s3 =	sor.u32 s11, s3;
	s8 =	sadd.s32 s5, s0  }
0x9: {  	s9 =	sshll.u32 s24, $0x5;
	s10 =	sshrl.u32 s1, $0x1;
	s11 =	sand.u32 $0x3, s11  }
0xa: {  	s5 =	simm.s32 $0x1;
	p0 =	seq.s32 s3, $0x0;
	s3 =	sshrl.u32 s3, $0x3  }
0xb: {  	s1 =	ssub.s32 s1, s10;
	s26 =	sadd.s32 $0x400, s8;
	s28 =	sshll.u32 s11, $0x5  }
0xc: {  	s29 =	sadd.s32 $0x200, s8;
	s0 =	sadd.s32 s0, s6;
	s6 =	simm.s32 $0x122C0  }
0xd: {  	s8 =	simm.s32 $0x124C0;
	p0 =	por !p1, !p0;
	[dreg:$0x3] =	wrdreg s26  }
0xe: {  	s10 =	simm.s32 $0x125C0;
	[dreg:$0x4] =	wrdreg s29;
	p0 =	por !p0, !p0  }
0xf: {  	[dreg:$0x5] =	wrdreg s0;
	s30 =	smax.u32 s1, $0x1;
	s7 =	simm.s32 @!p0 $0x0  }
0x10: {  	s0 =	simm.s32 $0x2;
	s1 =	simm.s32 $0x14C0;
	s3 =	ssub.s32 s3, s7  }
0x11: {  	s7 =	sshll.u32 s24, $0xA;
	s25 =	sshll.u32 s3, $0xF;
	s3 =	sshll.u32 s3, $0x12  }
0x12: {  	[dreg:$0x6] =	wrdreg s30;
	s9 =	sor.u32 s9, s25;
	s3 =	sor.u32 s7, s3  }
0x13: {  	s7 =	simm.s32 $0x123C0;
	s14 =	sor.u32 s11, s9;
	s9 =	sor.u32 s28, s3  }
0x14: {  	v1 =	vimm.s32 $0x0;
	s3 =	simm.s32 $0x126C0;
	s11 =	simm.s32 $0x127C0;
	v0 =	vmov s14;
	s14 =	simm.s32 $0x0  }
.LBB2_1:
0x15: {  	[dreg:$0x7] =	wrdreg s14  }
0x16: {  	s12 =	simm.s32 $0x0;
	s13 =	rddreg [dreg:$0x3];
	s26 =	simm.s32 $0x5  }
0x17: {  	[tilespmem:s12], [sflag:$0x5] =	stream.linear.gather [hbm4b:s13+s12], $0x400, $0x38;
	[tilespmem:$0x128C0] =	vst v63  }
0x18: {  	_ =	swait.ge [sflag:s26], $0x400  }
0x19: {  	[sflag:s26] =	ssyncset.done $0x0  }
0x1a: {  	s15 =	simm.s32 $0x400;
	s28 =	rddreg [dreg:$0x4];
	[sflag:s26] =	ssyncadd.s32 $0xFFFFFC00  }
0x1b: {  	[tilespmem:s15], [sflag:$0x5] =	stream.linear.gather [hbm4b:s28+s12], $0x400, $0x38;
	[tilespmem:$0x128C0] =	vst v63  }
0x1c: {  	_ =	swait.ge [sflag:s26], $0x400  }
0x1d: {  	[sflag:s26] =	ssyncset.done $0x0  }
0x1e: {  	s30 =	simm.s32 $0x800;
	s29 =	rddreg [dreg:$0x5];
	[sflag:s26] =	ssyncadd.s32 $0xFFFFFC00  }
0x1f: {  	[tilespmem:s30], [sflag:$0x5] =	stream.linear.gather [hbm4b:s29+s12], $0xC0, $0x38;
	[tilespmem:$0x128C0] =	vst v63  }
0x20: {  	_ =	swait.ge [sflag:s26], $0xC0  }
0x21: {  	[sflag:s26] =	ssyncset.done $0x0  }
0x22: {  	s14 =	simm.s32 $0x0;
	[sflag:s26] =	ssyncadd.s32 $0xFFFFFF40  }
.LBB2_2:
0x23: {  	s15 =	sshra.s32 s14, $0x2  }
0x24: {  	v2 =	vld [tilespmem:s15+$0x400]  }
0x25: {  	v5 =	vld [tilespmem:s15+$0x0]  }
0x26: {  	v4 =	vld [tilespmem:$0x810]  }
0x27: {  	v6 =	vld [tilespmem:$0x800];
	_ =	sdelay $0x1  }
0x28: {  	v3 =	vmul.f32 $6.400000000e+01, v2  }
0x29: {  	v2 =	vmul.f32 $6.400000000e+01, v5  }
0x2a: {  	v4 =	vadd.f32 v4, v3  }
0x2b: {  	v6 =	vadd.f32 v6, v2  }
0x2c: {  	v28 =	vtrunc.f32 v4  }
0x2d: {  	v9 =	vtrunc.f32 v6;
	v7 =	vcvt.f32.s32 v28;
	vm0 =	vlt.f32 v4, v28  }
0x2e: {  	v29 =	vcvt.f32.s32 v9;
	vm15 =	vlt.f32 v6, v9;
	v5 =	vsel vm0, $0xFFFFFFFF, v1  }
0x2f: {  	v10 =	vsel vm15, $0xFFFFFFFF, v1;
	v5 =	vadd.s32 v7, v5  }
0x30: {  	v7 =	vadd.s32 v29, v10;
	v30 =	vcvt.s32.f32 v5  }
0x31: {  	v31 =	vcvt.s32.f32 v7;
	v32 =	vadd.s32 $0x1, v7;
	v33 =	vadd.s32 $0x1, v5  }
0x32: {  	vm4 =	vgt.s32 v7, $0x0;
	vm2 =	vgt.s32 v5, $0x0;
	v17 =	vor.u32 v7, v5  }
0x33: {  	v8 =	vld [tilespmem:$0x820];
	vm1 =	vgt.s32 v32, $0x0;
	v11 =	vnsel vm4, $0x0, v7;
	v13 =	vnsel vm2, $0x0, v5  }
0x34: {  	vm5 =	vgt.s32 v33, $0x0;
	vm6 =	vlt.u32 v17, $0x40;
	v4 =	vsub.f32 v4, v30  }
0x35: {  	v6 =	vsub.f32 v6, v31;
	v12 =	vnsel vm1, $0x0, v32;
	v11 =	vmin.u32 v11, $0x3F  }
0x36: {  	v13 =	vmin.u32 v13, $0x3F;
	v15 =	vnsel vm5, $0x0, v33;
	v12 =	vmin.u32 v12, $0x3F  }
0x37: {  	v14 =	vshll.u32 v11, $0x3;
	v11 =	vshll.u32 v11, $0x2;
	v15 =	vmin.u32 v15, $0x3F  }
0x38: {  	v13 =	vshll.u32 v13, $0x9;
	v4 =	vmul.f32 v4, v8;
	v14 =	vand.u32 $0x1C0, v14  }
0x39: {  	v11 =	vand.u32 $0x1C, v11;
	v34 =	vshll.u32 v12, $0x3;
	v12 =	vshll.u32 v12, $0x2  }
0x3a: {  	v16 =	vsub.f32 $1.000000000e+00, v6;
	v15 =	vshll.u32 v15, $0x9;
	v11 =	vor.u32 v14, v11  }
0x3b: {  	v14 =	vand.u32 $0x1C0, v34;
	v12 =	vand.u32 $0x1C, v12;
	v11 =	vor.u32 v0, v11  }
0x3c: {  	v8 =	vsub.f32 v8, v4;
	v12 =	vor.u32 v14, v12;
	v18 =	vadd.s32 v13, v11  }
0x3d: {  	v7 =	vor.u32 v7, v33;
	v12 =	vor.u32 v0, v12;
	v11 =	vadd.s32 v15, v11;
	[tilespmem:s15+$0x8C0] =	vst v18  }
0x3e: {  	v5 =	vor.u32 v32, v5;
	v35 =	vmul.f32 v8, v16;
	[tilespmem:s15+$0x900] =	vst v11;
	v38 =	vadd.s32 v13, v12  }
0x3f: {  	v39 =	vor.u32 v32, v33;
	v16 =	vmul.f32 v4, v16;
	v41 =	vadd.s32 v15, v12;
	[tilespmem:s15+$0x940] =	vst v38  }
0x40: {  	vm7 =	vlt.u32 v7, $0x40;
	v36 =	vmul.f32 v8, v6;
	[tilespmem:s15+$0x980] =	vst v41;
	v14 =	vnsel vm6, $0x0, v35  }
0x41: {  	vm8 =	vlt.u32 v5, $0x40;
	v4 =	vmul.f32 v4, v6;
	v37 =	vnsel vm7, $0x0, v16;
	[tilespmem:s15+$0x10C0] =	vst v14  }
0x42: {  	vm9 =	vlt.u32 v39, $0x40;
	v40 =	vnsel vm8, $0x0, v36;
	[tilespmem:s15+$0x1100] =	vst v37  }
0x43: {  	v4 =	vnsel vm9, $0x0, v4;
	[tilespmem:s15+$0x1140] =	vst v40  }
0x44: {  	[tilespmem:s15+$0x1180] =	vst v4  }
0x45: {  	v4 =	vld [tilespmem:$0x840]  }
0x46: {  	v42 =	vld [tilespmem:$0x830];
	_ =	sdelay $0x3  }
0x47: {  	v4 =	vadd.f32 v4, v3  }
0x48: {  	v5 =	vadd.f32 v42, v2  }
0x49: {  	v43 =	vtrunc.f32 v4  }
0x4a: {  	v45 =	vtrunc.f32 v5;
	v44 =	vcvt.f32.s32 v43;
	vm10 =	vlt.f32 v4, v43  }
0x4b: {  	v46 =	vcvt.f32.s32 v45;
	vm11 =	vlt.f32 v5, v45;
	v6 =	vsel vm10, $0xFFFFFFFF, v1  }
0x4c: {  	v48 =	vsel vm11, $0xFFFFFFFF, v1;
	v6 =	vadd.s32 v44, v6  }
0x4d: {  	v7 =	vadd.s32 v46, v48;
	v47 =	vcvt.s32.f32 v6  }
0x4e: {  	v49 =	vcvt.s32.f32 v7;
	v50 =	vadd.s32 $0x1, v7;
	v51 =	vadd.s32 $0x1, v6  }
0x4f: {  	vm12 =	vgt.s32 v7, $0x0;
	vm14 =	vgt.s32 v6, $0x0;
	v60 =	vor.u32 v7, v6  }
0x50: {  	v8 =	vld [tilespmem:$0x850];
	vm13 =	vgt.s32 v50, $0x0;
	v52 =	vnsel vm12, $0x0, v7;
	v54 =	vnsel vm14, $0x0, v6  }
0x51: {  	vm15 =	vgt.s32 v51, $0x0;
	v7 =	vor.u32 v7, v51;
	v4 =	vsub.f32 v4, v47  }
0x52: {  	v5 =	vsub.f32 v5, v49;
	v53 =	vnsel vm13, $0x0, v50;
	v11 =	vmin.u32 v52, $0x3F  }
0x53: {  	v13 =	vmin.u32 v54, $0x3F;
	v56 =	vnsel vm15, $0x0, v51;
	v12 =	vmin.u32 v53, $0x3F  }
0x54: {  	v55 =	vshll.u32 v11, $0x3;
	v11 =	vshll.u32 v11, $0x2;
	v15 =	vmin.u32 v56, $0x3F  }
0x55: {  	v13 =	vshll.u32 v13, $0x9;
	v4 =	vmul.f32 v4, v8;
	v14 =	vand.u32 $0x1C0, v55  }
0x56: {  	v11 =	vand.u32 $0x1C, v11;
	v57 =	vshll.u32 v12, $0x3;
	v12 =	vshll.u32 v12, $0x2  }
0x57: {  	v58 =	vsub.f32 $1.000000000e+00, v5;
	v15 =	vshll.u32 v15, $0x9;
	v11 =	vor.u32 v14, v11  }
0x58: {  	v14 =	vand.u32 $0x1C0, v57;
	v12 =	vand.u32 $0x1C, v12;
	v11 =	vor.u32 v0, v11  }
0x59: {  	v8 =	vsub.f32 v8, v4;
	v16 =	vmul.f32 v4, v58;
	v61 =	vadd.s32 v13, v11  }
0x5a: {  	vm5 =	vlt.u32 v7, $0x40;
	v12 =	vor.u32 v14, v12;
	v11 =	vadd.s32 v15, v11;
	[tilespmem:s15+$0x9C0] =	vst v61  }
0x5b: {  	v12 =	vor.u32 v0, v12;
	v59 =	vmul.f32 v8, v58;
	[tilespmem:s15+$0xA00] =	vst v11;
	v63 =	vnsel vm5, $0x0, v16  }
0x5c: {  	vm4 =	vlt.u32 v60, $0x40;
	v6 =	vor.u32 v50, v6;
	v13 =	vadd.s32 v13, v12;
	[tilespmem:s15+$0x1200] =	vst v63  }
0x5d: {  	vm6 =	vlt.u32 v6, $0x40;
	v62 =	vmul.f32 v8, v5;
	[tilespmem:s15+$0xA40] =	vst v13;
	v14 =	vnsel vm4, $0x0, v59  }
0x5e: {  	v4 =	vmul.f32 v4, v5;
	v15 =	vadd.s32 v15, v12;
	[tilespmem:s15+$0x11C0] =	vst v14;
	v14 =	vor.u32 v50, v51  }
0x5f: {  	[tilespmem:s15+$0xA80] =	vst v15;
	v6 =	vnsel vm6, $0x0, v62;
	vm7 =	vlt.u32 v14, $0x40  }
0x60: {  	[tilespmem:s15+$0x1240] =	vst v6;
	v4 =	vnsel vm7, $0x0, v4  }
0x61: {  	[tilespmem:s15+$0x1280] =	vst v4  }
0x62: {  	v4 =	vld [tilespmem:$0x870]  }
0x63: {  	v16 =	vld [tilespmem:$0x860];
	_ =	sdelay $0x3  }
0x64: {  	v4 =	vadd.f32 v4, v3  }
0x65: {  	v5 =	vadd.f32 v16, v2  }
0x66: {  	v17 =	vtrunc.f32 v4  }
0x67: {  	v19 =	vtrunc.f32 v5;
	v18 =	vcvt.f32.s32 v17;
	vm8 =	vlt.f32 v4, v17  }
0x68: {  	v20 =	vcvt.f32.s32 v19;
	vm9 =	vlt.f32 v5, v19;
	v6 =	vsel vm8, $0xFFFFFFFF, v1  }
0x69: {  	v22 =	vsel vm9, $0xFFFFFFFF, v1;
	v6 =	vadd.s32 v18, v6  }
0x6a: {  	v7 =	vadd.s32 v20, v22;
	v21 =	vcvt.s32.f32 v6  }
0x6b: {  	v23 =	vcvt.s32.f32 v7;
	v24 =	vadd.s32 $0x1, v7;
	v25 =	vadd.s32 $0x1, v6  }
0x6c: {  	vm10 =	vgt.s32 v7, $0x0;
	vm12 =	vgt.s32 v6, $0x0;
	v34 =	vor.u32 v7, v6  }
0x6d: {  	v8 =	vld [tilespmem:$0x880];
	vm11 =	vgt.s32 v24, $0x0;
	v26 =	vnsel vm10, $0x0, v7;
	v28 =	vnsel vm12, $0x0, v6  }
0x6e: {  	vm13 =	vgt.s32 v25, $0x0;
	vm14 =	vlt.u32 v34, $0x40;
	v7 =	vor.u32 v7, v25  }
0x6f: {  	v4 =	vsub.f32 v4, v21;
	v5 =	vsub.f32 v5, v23;
	v27 =	vnsel vm11, $0x0, v24  }
0x70: {  	v11 =	vmin.u32 v26, $0x3F;
	v13 =	vmin.u32 v28, $0x3F;
	v30 =	vnsel vm13, $0x0, v25  }
0x71: {  	v12 =	vmin.u32 v27, $0x3F;
	v29 =	vshll.u32 v11, $0x3;
	v11 =	vshll.u32 v11, $0x2  }
0x72: {  	v15 =	vmin.u32 v30, $0x3F;
	v13 =	vshll.u32 v13, $0x9;
	v4 =	vmul.f32 v4, v8  }
0x73: {  	v14 =	vand.u32 $0x1C0, v29;
	v11 =	vand.u32 $0x1C, v11;
	v31 =	vshll.u32 v12, $0x3  }
0x74: {  	v12 =	vshll.u32 v12, $0x2;
	v32 =	vsub.f32 $1.000000000e+00, v5;
	v11 =	vor.u32 v14, v11  }
0x75: {  	v15 =	vshll.u32 v15, $0x9;
	v14 =	vand.u32 $0x1C0, v31;
	v11 =	vor.u32 v0, v11  }
0x76: {  	v12 =	vand.u32 $0x1C, v12;
	v16 =	vmul.f32 v4, v32;
	v35 =	vadd.s32 v13, v11  }
0x77: {  	vm15 =	vlt.u32 v7, $0x40;
	v12 =	vor.u32 v14, v12;
	v11 =	vadd.s32 v15, v11;
	[tilespmem:s15+$0xAC0] =	vst v35  }
0x78: {  	v8 =	vsub.f32 v8, v4;
	v12 =	vor.u32 v0, v12;
	[tilespmem:s15+$0xB00] =	vst v11;
	v37 =	vnsel vm15, $0x0, v16  }
0x79: {  	v39 =	vor.u32 v24, v25;
	v4 =	vmul.f32 v4, v5;
	v38 =	vadd.s32 v13, v12;
	[tilespmem:s15+$0x1300] =	vst v37  }
0x7a: {  	vm5 =	vlt.u32 v39, $0x40;
	v33 =	vmul.f32 v8, v32;
	v40 =	vadd.s32 v15, v12;
	[tilespmem:s15+$0xB40] =	vst v38  }
0x7b: {  	v6 =	vor.u32 v24, v6;
	v36 =	vmul.f32 v8, v5;
	v4 =	vnsel vm5, $0x0, v4;
	[tilespmem:s15+$0xB80] =	vst v40  }
0x7c: {  	vm4 =	vlt.u32 v6, $0x40;
	[tilespmem:s15+$0x1380] =	vst v4;
	v14 =	vnsel vm14, $0x0, v33  }
0x7d: {  	v6 =	vnsel vm4, $0x0, v36;
	[tilespmem:s15+$0x12C0] =	vst v14  }
0x7e: {  	[tilespmem:s15+$0x1340] =	vst v6  }
0x7f: {  	v4 =	vld [tilespmem:$0x8A0]  }
0x80: {  	v41 =	vld [tilespmem:$0x890];
	_ =	sdelay $0x3  }
0x81: {  	v3 =	vadd.f32 v4, v3  }
0x82: {  	v2 =	vadd.f32 v41, v2  }
0x83: {  	v4 =	vtrunc.f32 v3  }
0x84: {  	v43 =	vtrunc.f32 v2;
	v42 =	vcvt.f32.s32 v4;
	vm6 =	vlt.f32 v3, v4  }
0x85: {  	v44 =	vcvt.f32.s32 v43;
	vm7 =	vlt.f32 v2, v43;
	v4 =	vsel vm6, $0xFFFFFFFF, v1  }
0x86: {  	v46 =	vsel vm7, $0xFFFFFFFF, v1;
	v4 =	vadd.s32 v42, v4  }
0x87: {  	v5 =	vadd.s32 v44, v46;
	v45 =	vcvt.s32.f32 v4  }
0x88: {  	v47 =	vcvt.s32.f32 v5;
	v48 =	vadd.s32 $0x1, v5;
	v49 =	vadd.s32 $0x1, v4  }
0x89: {  	vm8 =	vgt.s32 v5, $0x0;
	vm10 =	vgt.s32 v4, $0x0;
	v58 =	vor.u32 v5, v4  }
0x8a: {  	v6 =	vld [tilespmem:$0x8B0];
	vm9 =	vgt.s32 v48, $0x0;
	v50 =	vnsel vm8, $0x0, v5;
	v52 =	vnsel vm10, $0x0, v4  }
0x8b: {  	vm11 =	vgt.s32 v49, $0x0;
	v5 =	vor.u32 v5, v49;
	v3 =	vsub.f32 v3, v45  }
0x8c: {  	v2 =	vsub.f32 v2, v47;
	v51 =	vnsel vm9, $0x0, v48;
	v9 =	vmin.u32 v50, $0x3F  }
0x8d: {  	v11 =	vmin.u32 v52, $0x3F;
	v54 =	vnsel vm11, $0x0, v49;
	vm13 =	vlt.u32 v5, $0x40  }
0x8e: {  	v10 =	vmin.u32 v51, $0x3F;
	v53 =	vshll.u32 v9, $0x3;
	v9 =	vshll.u32 v9, $0x2  }
0x8f: {  	v13 =	vmin.u32 v54, $0x3F;
	v11 =	vshll.u32 v11, $0x9;
	v3 =	vmul.f32 v3, v6  }
0x90: {  	v12 =	vand.u32 $0x1C0, v53;
	v9 =	vand.u32 $0x1C, v9;
	v55 =	vshll.u32 v10, $0x3  }
0x91: {  	v10 =	vshll.u32 v10, $0x2;
	v56 =	vsub.f32 $1.000000000e+00, v2;
	v9 =	vor.u32 v12, v9  }
0x92: {  	v13 =	vshll.u32 v13, $0x9;
	v12 =	vand.u32 $0x1C0, v55;
	v9 =	vor.u32 v0, v9  }
0x93: {  	v10 =	vand.u32 $0x1C, v10;
	v14 =	vmul.f32 v3, v56;
	v59 =	vadd.s32 v11, v9  }
0x94: {  	v6 =	vsub.f32 v6, v3;
	v10 =	vor.u32 v12, v10;
	v9 =	vadd.s32 v13, v9;
	[tilespmem:s15+$0xBC0] =	vst v59  }
0x95: {  	vm12 =	vlt.u32 v58, $0x40;
	v10 =	vor.u32 v0, v10;
	[tilespmem:s15+$0xC00] =	vst v9;
	v61 =	vnsel vm13, $0x0, v14  }
0x96: {  	p0 =	sne.s32 s14, $0xC0;
	v4 =	vor.u32 v48, v4;
	v57 =	vmul.f32 v6, v56;
	v62 =	vadd.s32 v11, v10;
	[tilespmem:s15+$0x1400] =	vst v61  }
.Ltmp0:
0x97: {  	vm14 =	vlt.u32 v4, $0x40;
	v60 =	vmul.f32 v6, v2;
	v63 =	vadd.s32 v13, v10;
	[tilespmem:s15+$0xC40] =	vst v62;
	(pc) =	sbr.rel @p0 .LBB2_2-.Ltmp0, $4  }
0x98: {  	v2 =	vmul.f32 v3, v2;
	v3 =	vor.u32 v48, v49;
	[tilespmem:s15+$0xC80] =	vst v63;
	v12 =	vnsel vm12, $0x0, v57  }
0x99: {  	vm15 =	vlt.u32 v3, $0x40;
	v4 =	vnsel vm14, $0x0, v60;
	[tilespmem:s15+$0x13C0] =	vst v12  }
0x9a: {  	v2 =	vnsel vm15, $0x0, v2;
	[tilespmem:s15+$0x1440] =	vst v4  }
0x9b: {  	s14 =	sadd.s32 $0x40, s14;
	[tilespmem:s15+$0x1480] =	vst v2  }
0x9c: {  	s14 =	simm.s32 $0x80;
	s12 =	simm.s32 $0x8C0;
	s13 =	simm.s32 $0x18C0  }
0x9d: {  	[tilespmem:s13], [sflag:$0x1] =	stream.indirect.gather [hbm4b:s4+s14], $0x20, s12, s14, $0xb8;
	[tilespmem:$0x128C0] =	vst v63  }
0x9e: {  	s15 =	simm.s32 $0x28C0;
	s13 =	simm.s32 $0x940  }
0x9f: {  	[tilespmem:s15], [sflag:$0x1] =	stream.indirect.gather [hbm4b:s4+s14], $0x20, s13, s14, $0xb8;
	[tilespmem:$0x128C0] =	vst v63  }
0xa0: {  	s16 =	simm.s32 $0x9C0;
	s17 =	simm.s32 $0x38C0  }
0xa1: {  	[tilespmem:s17], [sflag:$0x1] =	stream.indirect.gather [hbm4b:s4+s14], $0x20, s16, s14, $0xb8;
	[tilespmem:$0x128C0] =	vst v63  }
0xa2: {  	s18 =	simm.s32 $0xA40;
	s19 =	simm.s32 $0x48C0  }
0xa3: {  	[tilespmem:s19], [sflag:$0x1] =	stream.indirect.gather [hbm4b:s4+s14], $0x20, s18, s14, $0xb8;
	[tilespmem:$0x128C0] =	vst v63  }
0xa4: {  	s22 =	simm.s32 $0xAC0;
	s23 =	simm.s32 $0x58C0;
	s24 =	simm.s32 $0xB40  }
0xa5: {  	[tilespmem:s23], [sflag:$0x1] =	stream.indirect.gather [hbm4b:s4+s14], $0x20, s22, s14, $0xb8;
	[tilespmem:$0x128C0] =	vst v63  }
0xa6: {  	s25 =	simm.s32 $0x68C0;
	s26 =	simm.s32 $0xBC0;
	s28 =	simm.s32 $0x78C0  }
0xa7: {  	[tilespmem:s25], [sflag:$0x1] =	stream.indirect.gather [hbm4b:s4+s14], $0x20, s24, s14, $0xb8;
	[tilespmem:$0x128C0] =	vst v63  }
0xa8: {  	s29 =	simm.s32 $0xC40;
	s30 =	simm.s32 $0x88C0;
	s15 =	simm.s32 $0x0  }
0xa9: {  	[tilespmem:s28], [sflag:$0x1] =	stream.indirect.gather [hbm4b:s4+s14], $0x20, s26, s14, $0xb8;
	[tilespmem:$0x128C0] =	vst v63  }
0xaa: {  	s16 =	simm.s32 $0x40;
	s17 =	simm.s32 $0x440;
	s18 =	simm.s32 $0x480  }
0xab: {  	[tilespmem:s30], [sflag:$0x1] =	stream.indirect.gather [hbm4b:s4+s14], $0x20, s29, s14, $0xb8;
	[tilespmem:$0x128C0] =	vst v63  }
.LBB2_4:
0xac: {  	v3 =	vmov s17  }
0xad: {  	v2 =	vmov s16;
	_ =	sdelay $0x1  }
0xae: {  	s19 =	sshllo.u32 s15, $0x1;
	s22 =	simm.s32 $0x0  }
.LBB2_5:
0xaf: {  	s23 =	sshra.s32 s22, $0x2  }
0xb0: {  	v4 =	vld.idx.msk [tilespmem:v3+s23+$0x0 ss:$0x1], $0xffff  }
0xb1: {  	v7 =	vld.idx.msk [tilespmem:v2+s23+$0x0 ss:$0x1], $0xffff  }
0xb2: {  	v6 =	vld [tilespmem:$0x810]  }
0xb3: {  	v8 =	vld [tilespmem:$0x800];
	_ =	sdelay $0x1  }
0xb4: {  	v5 =	vmul.f32 $6.400000000e+01, v4  }
0xb5: {  	v4 =	vmul.f32 $6.400000000e+01, v7  }
0xb6: {  	v6 =	vadd.f32 v6, v5  }
0xb7: {  	v8 =	vadd.f32 v8, v4  }
0xb8: {  	v27 =	vtrunc.f32 v6  }
0xb9: {  	v11 =	vtrunc.f32 v8;
	v9 =	vcvt.f32.s32 v27;
	vm0 =	vlt.f32 v6, v27  }
0xba: {  	v28 =	vcvt.f32.s32 v11;
	vm15 =	vlt.f32 v8, v11;
	v7 =	vsel vm0, $0xFFFFFFFF, v1  }
0xbb: {  	v12 =	vsel vm15, $0xFFFFFFFF, v1;
	v7 =	vadd.s32 v9, v7  }
0xbc: {  	v9 =	vadd.s32 v28, v12;
	v29 =	vcvt.s32.f32 v7  }
0xbd: {  	v30 =	vcvt.s32.f32 v9;
	v31 =	vadd.s32 $0x1, v9;
	v32 =	vadd.s32 $0x1, v7  }
0xbe: {  	vm4 =	vgt.s32 v9, $0x0;
	vm2 =	vgt.s32 v7, $0x0;
	v19 =	vor.u32 v9, v7  }
0xbf: {  	v10 =	vld [tilespmem:$0x820];
	vm1 =	vgt.s32 v31, $0x0;
	v13 =	vnsel vm4, $0x0, v9;
	v15 =	vnsel vm2, $0x0, v7  }
0xc0: {  	vm5 =	vgt.s32 v32, $0x0;
	vm6 =	vlt.u32 v19, $0x40;
	v6 =	vsub.f32 v6, v29  }
0xc1: {  	v8 =	vsub.f32 v8, v30;
	v14 =	vnsel vm1, $0x0, v31;
	v13 =	vmin.u32 v13, $0x3F  }
0xc2: {  	v15 =	vmin.u32 v15, $0x3F;
	v17 =	vnsel vm5, $0x0, v32;
	v14 =	vmin.u32 v14, $0x3F  }
0xc3: {  	v16 =	vshll.u32 v13, $0x3;
	v13 =	vshll.u32 v13, $0x2;
	v17 =	vmin.u32 v17, $0x3F  }
0xc4: {  	v15 =	vshll.u32 v15, $0x9;
	v6 =	vmul.f32 v6, v10;
	v16 =	vand.u32 $0x1C0, v16  }
0xc5: {  	v13 =	vand.u32 $0x1C, v13;
	v33 =	vshll.u32 v14, $0x3;
	v14 =	vshll.u32 v14, $0x2  }
0xc6: {  	v18 =	vsub.f32 $1.000000000e+00, v8;
	v17 =	vshll.u32 v17, $0x9;
	v13 =	vor.u32 v16, v13  }
0xc7: {  	v16 =	vand.u32 $0x1C0, v33;
	v14 =	vand.u32 $0x1C, v14;
	v13 =	vor.u32 v0, v13  }
0xc8: {  	v10 =	vsub.f32 v10, v6;
	v14 =	vor.u32 v16, v14;
	v20 =	vadd.s32 v15, v13  }
0xc9: {  	v9 =	vor.u32 v9, v32;
	v14 =	vor.u32 v0, v14;
	v13 =	vadd.s32 v17, v13;
	[tilespmem:s23+$0xCC0] =	vst v20  }
0xca: {  	v7 =	vor.u32 v31, v7;
	v34 =	vmul.f32 v10, v18;
	[tilespmem:s23+$0xD00] =	vst v13;
	v37 =	vadd.s32 v15, v14  }
0xcb: {  	v38 =	vor.u32 v31, v32;
	v18 =	vmul.f32 v6, v18;
	v40 =	vadd.s32 v17, v14;
	[tilespmem:s23+$0xD40] =	vst v37  }
0xcc: {  	vm7 =	vlt.u32 v9, $0x40;
	v35 =	vmul.f32 v10, v8;
	[tilespmem:s23+$0xD80] =	vst v40;
	v16 =	vnsel vm6, $0x0, v34  }
0xcd: {  	vm8 =	vlt.u32 v7, $0x40;
	v6 =	vmul.f32 v6, v8;
	v36 =	vnsel vm7, $0x0, v18;
	[tilespmem:s23+$0x14C0] =	vst v16  }
0xce: {  	vm9 =	vlt.u32 v38, $0x40;
	v39 =	vnsel vm8, $0x0, v35;
	[tilespmem:s23+$0x1500] =	vst v36  }
0xcf: {  	v6 =	vnsel vm9, $0x0, v6;
	[tilespmem:s23+$0x1540] =	vst v39  }
0xd0: {  	[tilespmem:s23+$0x1580] =	vst v6  }
0xd1: {  	v6 =	vld [tilespmem:$0x840]  }
0xd2: {  	v41 =	vld [tilespmem:$0x830];
	_ =	sdelay $0x3  }
0xd3: {  	v6 =	vadd.f32 v6, v5  }
0xd4: {  	v7 =	vadd.f32 v41, v4  }
0xd5: {  	v42 =	vtrunc.f32 v6  }
0xd6: {  	v44 =	vtrunc.f32 v7;
	v43 =	vcvt.f32.s32 v42;
	vm10 =	vlt.f32 v6, v42  }
0xd7: {  	v45 =	vcvt.f32.s32 v44;
	vm11 =	vlt.f32 v7, v44;
	v8 =	vsel vm10, $0xFFFFFFFF, v1  }
0xd8: {  	v47 =	vsel vm11, $0xFFFFFFFF, v1;
	v8 =	vadd.s32 v43, v8  }
0xd9: {  	v9 =	vadd.s32 v45, v47;
	v46 =	vcvt.s32.f32 v8  }
0xda: {  	v48 =	vcvt.s32.f32 v9;
	v49 =	vadd.s32 $0x1, v9;
	v50 =	vadd.s32 $0x1, v8  }
0xdb: {  	vm12 =	vgt.s32 v9, $0x0;
	vm14 =	vgt.s32 v8, $0x0;
	v59 =	vor.u32 v9, v8  }
0xdc: {  	v10 =	vld [tilespmem:$0x850];
	vm13 =	vgt.s32 v49, $0x0;
	v51 =	vnsel vm12, $0x0, v9;
	v53 =	vnsel vm14, $0x0, v8  }
0xdd: {  	vm15 =	vgt.s32 v50, $0x0;
	vm4 =	vlt.u32 v59, $0x40;
	v9 =	vor.u32 v9, v50  }
0xde: {  	v6 =	vsub.f32 v6, v46;
	v7 =	vsub.f32 v7, v48;
	v52 =	vnsel vm13, $0x0, v49  }
0xdf: {  	v13 =	vmin.u32 v51, $0x3F;
	v15 =	vmin.u32 v53, $0x3F;
	v55 =	vnsel vm15, $0x0, v50  }
0xe0: {  	v14 =	vmin.u32 v52, $0x3F;
	v54 =	vshll.u32 v13, $0x3;
	v13 =	vshll.u32 v13, $0x2  }
0xe1: {  	v17 =	vmin.u32 v55, $0x3F;
	v15 =	vshll.u32 v15, $0x9;
	v6 =	vmul.f32 v6, v10  }
0xe2: {  	v16 =	vand.u32 $0x1C0, v54;
	v13 =	vand.u32 $0x1C, v13;
	v56 =	vshll.u32 v14, $0x3  }
0xe3: {  	v14 =	vshll.u32 v14, $0x2;
	v57 =	vsub.f32 $1.000000000e+00, v7;
	v13 =	vor.u32 v16, v13  }
0xe4: {  	v17 =	vshll.u32 v17, $0x9;
	v16 =	vand.u32 $0x1C0, v56;
	v13 =	vor.u32 v0, v13  }
0xe5: {  	v14 =	vand.u32 $0x1C, v14;
	v18 =	vmul.f32 v6, v57;
	v60 =	vadd.s32 v15, v13  }
0xe6: {  	vm5 =	vlt.u32 v9, $0x40;
	v14 =	vor.u32 v16, v14;
	v13 =	vadd.s32 v17, v13;
	[tilespmem:s23+$0xDC0] =	vst v60  }
0xe7: {  	v10 =	vsub.f32 v10, v6;
	v14 =	vor.u32 v0, v14;
	[tilespmem:s23+$0xE00] =	vst v13;
	v62 =	vnsel vm5, $0x0, v18  }
0xe8: {  	v12 =	vor.u32 v49, v50;
	v6 =	vmul.f32 v6, v7;
	v63 =	vadd.s32 v15, v14;
	[tilespmem:s23+$0x1600] =	vst v62  }
0xe9: {  	vm7 =	vlt.u32 v12, $0x40;
	v58 =	vmul.f32 v10, v57;
	v15 =	vadd.s32 v17, v14;
	[tilespmem:s23+$0xE40] =	vst v63  }
0xea: {  	v8 =	vor.u32 v49, v8;
	v61 =	vmul.f32 v10, v7;
	v6 =	vnsel vm7, $0x0, v6;
	[tilespmem:s23+$0xE80] =	vst v15  }
0xeb: {  	vm6 =	vlt.u32 v8, $0x40;
	[tilespmem:s23+$0x1680] =	vst v6;
	v16 =	vnsel vm4, $0x0, v58  }
0xec: {  	v8 =	vnsel vm6, $0x0, v61;
	[tilespmem:s23+$0x15C0] =	vst v16  }
0xed: {  	[tilespmem:s23+$0x1640] =	vst v8  }
0xee: {  	v6 =	vld [tilespmem:$0x870]  }
0xef: {  	v16 =	vld [tilespmem:$0x860];
	_ =	sdelay $0x3  }
0xf0: {  	v6 =	vadd.f32 v6, v5  }
0xf1: {  	v7 =	vadd.f32 v16, v4  }
0xf2: {  	v17 =	vtrunc.f32 v6  }
0xf3: {  	v19 =	vtrunc.f32 v7;
	v18 =	vcvt.f32.s32 v17;
	vm8 =	vlt.f32 v6, v17  }
0xf4: {  	v20 =	vcvt.f32.s32 v19;
	vm9 =	vlt.f32 v7, v19;
	v8 =	vsel vm8, $0xFFFFFFFF, v1  }
0xf5: {  	v22 =	vsel vm9, $0xFFFFFFFF, v1;
	v8 =	vadd.s32 v18, v8  }
0xf6: {  	v9 =	vadd.s32 v20, v22;
	v21 =	vcvt.s32.f32 v8  }
0xf7: {  	v23 =	vcvt.s32.f32 v9;
	v24 =	vadd.s32 $0x1, v9;
	v25 =	vadd.s32 $0x1, v8  }
0xf8: {  	vm10 =	vgt.s32 v9, $0x0;
	vm12 =	vgt.s32 v8, $0x0;
	v34 =	vor.u32 v9, v8  }
0xf9: {  	v10 =	vld [tilespmem:$0x880];
	vm11 =	vgt.s32 v24, $0x0;
	v26 =	vnsel vm10, $0x0, v9;
	v28 =	vnsel vm12, $0x0, v8  }
0xfa: {  	vm13 =	vgt.s32 v25, $0x0;
	vm14 =	vlt.u32 v34, $0x40;
	v9 =	vor.u32 v9, v25  }
0xfb: {  	v6 =	vsub.f32 v6, v21;
	v7 =	vsub.f32 v7, v23;
	v27 =	vnsel vm11, $0x0, v24  }
0xfc: {  	v13 =	vmin.u32 v26, $0x3F;
	v15 =	vmin.u32 v28, $0x3F;
	v30 =	vnsel vm13, $0x0, v25  }
0xfd: {  	v14 =	vmin.u32 v27, $0x3F;
	v29 =	vshll.u32 v13, $0x3;
	v13 =	vshll.u32 v13, $0x2  }
0xfe: {  	v17 =	vmin.u32 v30, $0x3F;
	v15 =	vshll.u32 v15, $0x9;
	v6 =	vmul.f32 v6, v10  }
0xff: {  	v16 =	vand.u32 $0x1C0, v29;
	v13 =	vand.u32 $0x1C, v13;
	v31 =	vshll.u32 v14, $0x3  }
0x100: {  	v14 =	vshll.u32 v14, $0x2;
	v32 =	vsub.f32 $1.000000000e+00, v7;
	v13 =	vor.u32 v16, v13  }
0x101: {  	v17 =	vshll.u32 v17, $0x9;
	v16 =	vand.u32 $0x1C0, v31;
	v13 =	vor.u32 v0, v13  }
0x102: {  	v14 =	vand.u32 $0x1C, v14;
	v18 =	vmul.f32 v6, v32;
	v35 =	vadd.s32 v15, v13  }
0x103: {  	vm15 =	vlt.u32 v9, $0x40;
	v14 =	vor.u32 v16, v14;
	v13 =	vadd.s32 v17, v13;
	[tilespmem:s23+$0xEC0] =	vst v35  }
0x104: {  	v10 =	vsub.f32 v10, v6;
	v14 =	vor.u32 v0, v14;
	[tilespmem:s23+$0xF00] =	vst v13;
	v37 =	vnsel vm15, $0x0, v18  }
0x105: {  	v39 =	vor.u32 v24, v25;
	v6 =	vmul.f32 v6, v7;
	v38 =	vadd.s32 v15, v14;
	[tilespmem:s23+$0x1700] =	vst v37  }
0x106: {  	vm5 =	vlt.u32 v39, $0x40;
	v33 =	vmul.f32 v10, v32;
	v40 =	vadd.s32 v17, v14;
	[tilespmem:s23+$0xF40] =	vst v38  }
0x107: {  	v8 =	vor.u32 v24, v8;
	v36 =	vmul.f32 v10, v7;
	v6 =	vnsel vm5, $0x0, v6;
	[tilespmem:s23+$0xF80] =	vst v40  }
0x108: {  	vm4 =	vlt.u32 v8, $0x40;
	[tilespmem:s23+$0x1780] =	vst v6;
	v16 =	vnsel vm14, $0x0, v33  }
0x109: {  	v8 =	vnsel vm4, $0x0, v36;
	[tilespmem:s23+$0x16C0] =	vst v16  }
0x10a: {  	[tilespmem:s23+$0x1740] =	vst v8  }
0x10b: {  	v6 =	vld [tilespmem:$0x8A0]  }
0x10c: {  	v41 =	vld [tilespmem:$0x890];
	_ =	sdelay $0x3  }
0x10d: {  	v5 =	vadd.f32 v6, v5  }
0x10e: {  	v4 =	vadd.f32 v41, v4  }
0x10f: {  	v6 =	vtrunc.f32 v5  }
0x110: {  	v43 =	vtrunc.f32 v4;
	v42 =	vcvt.f32.s32 v6;
	vm6 =	vlt.f32 v5, v6  }
0x111: {  	v44 =	vcvt.f32.s32 v43;
	vm7 =	vlt.f32 v4, v43;
	v6 =	vsel vm6, $0xFFFFFFFF, v1  }
0x112: {  	v46 =	vsel vm7, $0xFFFFFFFF, v1;
	v6 =	vadd.s32 v42, v6  }
0x113: {  	v7 =	vadd.s32 v44, v46;
	v45 =	vcvt.s32.f32 v6  }
0x114: {  	v47 =	vcvt.s32.f32 v7;
	v48 =	vadd.s32 $0x1, v7;
	v49 =	vadd.s32 $0x1, v6  }
0x115: {  	vm8 =	vgt.s32 v7, $0x0;
	vm10 =	vgt.s32 v6, $0x0;
	v58 =	vor.u32 v7, v6  }
0x116: {  	v8 =	vld [tilespmem:$0x8B0];
	vm9 =	vgt.s32 v48, $0x0;
	v50 =	vnsel vm8, $0x0, v7;
	v52 =	vnsel vm10, $0x0, v6  }
0x117: {  	vm11 =	vgt.s32 v49, $0x0;
	v7 =	vor.u32 v7, v49;
	v5 =	vsub.f32 v5, v45  }
0x118: {  	v4 =	vsub.f32 v4, v47;
	v51 =	vnsel vm9, $0x0, v48;
	v11 =	vmin.u32 v50, $0x3F  }
0x119: {  	v13 =	vmin.u32 v52, $0x3F;
	v54 =	vnsel vm11, $0x0, v49;
	vm13 =	vlt.u32 v7, $0x40  }
0x11a: {  	v12 =	vmin.u32 v51, $0x3F;
	v53 =	vshll.u32 v11, $0x3;
	v11 =	vshll.u32 v11, $0x2  }
0x11b: {  	v15 =	vmin.u32 v54, $0x3F;
	v13 =	vshll.u32 v13, $0x9;
	v5 =	vmul.f32 v5, v8  }
0x11c: {  	v14 =	vand.u32 $0x1C0, v53;
	v11 =	vand.u32 $0x1C, v11;
	v55 =	vshll.u32 v12, $0x3  }
0x11d: {  	v12 =	vshll.u32 v12, $0x2;
	v56 =	vsub.f32 $1.000000000e+00, v4;
	v11 =	vor.u32 v14, v11  }
0x11e: {  	v15 =	vshll.u32 v15, $0x9;
	v14 =	vand.u32 $0x1C0, v55;
	v11 =	vor.u32 v0, v11  }
0x11f: {  	v12 =	vand.u32 $0x1C, v12;
	v16 =	vmul.f32 v5, v56;
	v59 =	vadd.s32 v13, v11  }
0x120: {  	v8 =	vsub.f32 v8, v5;
	v12 =	vor.u32 v14, v12;
	v11 =	vadd.s32 v15, v11;
	[tilespmem:s23+$0xFC0] =	vst v59  }
0x121: {  	vm12 =	vlt.u32 v58, $0x40;
	v12 =	vor.u32 v0, v12;
	[tilespmem:s23+$0x1000] =	vst v11;
	v61 =	vnsel vm13, $0x0, v16  }
0x122: {  	p0 =	sne.s32 s22, $0xC0;
	v6 =	vor.u32 v48, v6;
	v57 =	vmul.f32 v8, v56;
	v62 =	vadd.s32 v13, v12;
	[tilespmem:s23+$0x1800] =	vst v61  }
.Ltmp1:
0x123: {  	vm14 =	vlt.u32 v6, $0x40;
	v60 =	vmul.f32 v8, v4;
	v63 =	vadd.s32 v15, v12;
	[tilespmem:s23+$0x1040] =	vst v62;
	(pc) =	sbr.rel @p0 .LBB2_5-.Ltmp1, $4  }
0x124: {  	v4 =	vmul.f32 v5, v4;
	v5 =	vor.u32 v48, v49;
	[tilespmem:s23+$0x1080] =	vst v63;
	v14 =	vnsel vm12, $0x0, v57  }
0x125: {  	vm15 =	vlt.u32 v5, $0x40;
	v6 =	vnsel vm14, $0x0, v60;
	[tilespmem:s23+$0x17C0] =	vst v14  }
0x126: {  	v4 =	vnsel vm15, $0x0, v4;
	[tilespmem:s23+$0x1840] =	vst v6  }
0x127: {  	s22 =	sadd.s32 $0x40, s22;
	[tilespmem:s23+$0x1880] =	vst v4  }
0x128: {  	s12 =	simm.s32 $0xCC0;
	s13 =	simm.s32 $0x98C0  }
0x129: {  	[tilespmem:s13], [sflag:$0x2] =	stream.indirect.gather [hbm4b:s4+s31], $0x20, s12, s31, $0xb8;
	[tilespmem:$0x128C0] =	vst v63  }
0x12a: {  	s24 =	simm.s32 $0xD40;
	s25 =	simm.s32 $0xA8C0  }
0x12b: {  	[tilespmem:s25], [sflag:$0x2] =	stream.indirect.gather [hbm4b:s4+s31], $0x20, s24, s31, $0xb8;
	[tilespmem:$0x128C0] =	vst v63  }
0x12c: {  	s26 =	simm.s32 $0xDC0;
	s30 =	simm.s32 $0xB8C0  }
0x12d: {  	[tilespmem:s30], [sflag:$0x2] =	stream.indirect.gather [hbm4b:s4+s31], $0x20, s26, s31, $0xb8;
	[tilespmem:$0x128C0] =	vst v63  }
0x12e: {  	s22 =	simm.s32 $0xE40;
	s23 =	simm.s32 $0xC8C0  }
0x12f: {  	[tilespmem:s23], [sflag:$0x2] =	stream.indirect.gather [hbm4b:s4+s31], $0x20, s22, s31, $0xb8;
	[tilespmem:$0x128C0] =	vst v63  }
0x130: {  	s24 =	simm.s32 $0xEC0;
	s25 =	simm.s32 $0xD8C0  }
0x131: {  	[tilespmem:s25], [sflag:$0x2] =	stream.indirect.gather [hbm4b:s4+s31], $0x20, s24, s31, $0xb8;
	[tilespmem:$0x128C0] =	vst v63  }
0x132: {  	s26 =	simm.s32 $0xF40;
	s30 =	simm.s32 $0xE8C0  }
0x133: {  	[tilespmem:s30], [sflag:$0x2] =	stream.indirect.gather [hbm4b:s4+s31], $0x20, s26, s31, $0xb8;
	[tilespmem:$0x128C0] =	vst v63  }
0x134: {  	s13 =	simm.s32 $0xFC0;
	s22 =	simm.s32 $0xF8C0  }
0x135: {  	[tilespmem:s22], [sflag:$0x2] =	stream.indirect.gather [hbm4b:s4+s31], $0x20, s13, s31, $0xb8;
	[tilespmem:$0x128C0] =	vst v63  }
0x136: {  	s23 =	simm.s32 $0x1040;
	s24 =	simm.s32 $0x108C0  }
0x137: {  	[tilespmem:s24], [sflag:$0x2] =	stream.indirect.gather [hbm4b:s4+s31], $0x20, s23, s31, $0xb8;
	[tilespmem:$0x128C0] =	vst v63  }
0x138: {  	_ =	swait.ge [sflag:s5], $0x1000  }
0x139: {  	[sflag:s5] =	ssyncset.done $0x0  }
0x13a: {  	[sflag:s5] =	ssyncadd.s32 $0xFFFFF000  }
0x13b: {  	_ =	swait.ge [sflag:s5], $0x1000  }
0x13c: {  	[sflag:s5] =	ssyncset.done $0x0  }
0x13d: {  	[sflag:s5] =	ssyncadd.s32 $0xFFFFF000  }
0x13e: {  	_ =	swait.ge [sflag:s5], $0x1000  }
0x13f: {  	[sflag:s5] =	ssyncset.done $0x0  }
0x140: {  	[sflag:s5] =	ssyncadd.s32 $0xFFFFF000  }
0x141: {  	_ =	swait.ge [sflag:s5], $0x1000  }
0x142: {  	[sflag:s5] =	ssyncset.done $0x0  }
0x143: {  	[sflag:s5] =	ssyncadd.s32 $0xFFFFF000  }
0x144: {  	_ =	swait.ge [sflag:s5], $0x1000  }
0x145: {  	[sflag:s5] =	ssyncset.done $0x0  }
0x146: {  	[sflag:s5] =	ssyncadd.s32 $0xFFFFF000  }
0x147: {  	_ =	swait.ge [sflag:s5], $0x1000  }
0x148: {  	[sflag:s5] =	ssyncset.done $0x0  }
0x149: {  	[sflag:s5] =	ssyncadd.s32 $0xFFFFF000  }
0x14a: {  	_ =	swait.ge [sflag:s5], $0x1000  }
0x14b: {  	[sflag:s5] =	ssyncset.done $0x0  }
0x14c: {  	[sflag:s5] =	ssyncadd.s32 $0xFFFFF000  }
0x14d: {  	s22 =	simm.s32 $0x381;
	_ =	swait.ge [sflag:s5], $0x1000  }
0x14e: {  	p0 =	seq.s32 s15, $0x0;
	s25 =	simm.s32 $0x3C1;
	v2 =	vmov s22;
	[sflag:s5] =	ssyncset.done $0x0  }
0x14f: {  	v3 =	vmov s25;
	s23 =	simm.s32 @!p0 $0x3;
	s24 =	simm.s32 $0x301;
	[sflag:s5] =	ssyncadd.s32 $0xFFFFF000  }
0x150: {  	s25 =	simm.s32 $0x181;
	s26 =	simm.s32 $0x341;
	v4 =	vmov s24;
	_ =	swait.ge @!p0 [sflag:s23], $0x800  }
0x151: {  	s30 =	simm.s32 $0x281;
	v9 =	vmov s25;
	s25 =	simm.s32 $0x1;
	v5 =	vmov s26;
	[sflag:s23] =	ssyncset.done @!p0 $0x0  }
0x152: {  	s12 =	simm.s32 $0x2C1;
	v6 =	vmov s30;
	v17 =	vmov s25;
	s25 =	simm.s32 $0x100;
	[sflag:s23] =	ssyncadd.s32 @!p0 $0xFFFFF800  }
0x153: {  	v8 =	vmov s12;
	v23 =	vmov s25;
	v18 =	vld.idx.msk [tilespmem:v2+s20+$0x0], $0xffff  }
0x154: {  	v23 =	vand.u32 $0xFFFFFFFE, v23;
	v19 =	vld.idx.msk [tilespmem:v3+s20+$0x0], $0xffff  }
0x155: {  	v23 =	vbroadcast v23, $0x0;
	v12 =	vld.idx.msk [tilespmem:v4+s20+$0x0], $0xffff  }
0x156: {  	v14 =	vld.idx.msk [tilespmem:v5+s20+$0x0], $0xffff  }
0x157: {  	v7 =	vld.idx.msk [tilespmem:v6+s20+$0x0], $0xffff  }
0x158: {  	v10 =	vld.idx.msk [tilespmem:v8+s20+$0x0], $0xffff  }
0x159: {  	s24 =	simm.s32 $0x241;
	v5 =	vld.idx.msk [tilespmem:v9+s20+$0x0], $0xffff  }
0x15a: {  	v3 =	vmov s24;
	s24 =	simm.s32 $0xC1;
	v22 =	vld.idx.msk [tilespmem:v17+s20+$0x0], $0xffff  }
0x15b: {  	v46 =	vld.idx.msk [tilespmem:v23+s20+$0x0], $0xffff;
	v16 =	vmov s24;
	s24 =	simm.s32 $0x0  }
0x15c: {  	v21 =	vld [tilespmem:s24+$0x88D0]  }
0x15d: {  	v27 =	vld [tilespmem:s24+$0x78D0]  }
0x15e: {  	v25 =	vld [tilespmem:s24+$0x80D0]  }
0x15f: {  	v30 =	vld [tilespmem:s24+$0x68D0]  }
0x160: {  	v29 =	vld [tilespmem:s24+$0x70D0]  }
0x161: {  	v31 =	vld [tilespmem:s24+$0x58D0]  }
0x162: {  	v32 =	vld [tilespmem:s24+$0x60D0]  }
0x163: {  	v33 =	vld [tilespmem:s24+$0x48D0]  }
0x164: {  	v34 =	vld [tilespmem:s24+$0x50D0]  }
0x165: {  	v35 =	vld [tilespmem:s24+$0x38D0]  }
0x166: {  	v36 =	vld [tilespmem:s24+$0x40D0]  }
0x167: {  	v37 =	vld [tilespmem:s24+$0x28D0]  }
0x168: {  	v38 =	vld [tilespmem:s24+$0x30D0]  }
0x169: {  	s26 =	simm.s32 $0x1C1;
	v39 =	vld [tilespmem:s24+$0x18D0]  }
0x16a: {  	s30 =	simm.s32 $0x101;
	v11 =	vmov s26;
	v40 =	vld [tilespmem:s24+$0x20D0]  }
0x16b: {  	s12 =	simm.s32 $0x141;
	v6 =	vmov s30;
	v53 =	vld [tilespmem:s24+$0x18F0]  }
0x16c: {  	v13 =	vmov s12;
	v54 =	vld [tilespmem:s24+$0x20E0]  }
0x16d: {  	v55 =	vld [tilespmem:s24+$0x20F0]  }
0x16e: {  	v4 =	vld.idx.msk [tilespmem:v3+s20+$0x0], $0xffff  }
0x16f: {  	s26 =	simm.s32 $0x41;
	s23 =	simm.s32 $0xC0;
	v3 =	vld.idx.msk [tilespmem:v11+s20+$0x0], $0xffff  }
0x170: {  	s12 =	simm.s32 $0x40;
	v17 =	vmov s23;
	v11 =	vmov s26;
	v8 =	vld.idx.msk [tilespmem:v6+s20+$0x0], $0xffff  }
0x171: {  	v17 =	vand.u32 $0xFFFFFFFE, v17;
	v6 =	vld.idx.msk [tilespmem:v13+s20+$0x0], $0xffff;
	v13 =	vmov s12  }
0x172: {  	v17 =	vbroadcast v17, $0x0;
	v58 =	vld [tilespmem:s24+$0x28E0];
	v13 =	vand.u32 $0xFFFFFFFE, v13  }
0x173: {  	v59 =	vld [tilespmem:s24+$0x28F0];
	v13 =	vbroadcast v13, $0x0  }
0x174: {  	s30 =	simm.s32 $0x0;
	v60 =	vld [tilespmem:s24+$0x30E0]  }
0x175: {  	s13 =	simm.s32 $0x201;
	s26 =	simm.s32 $0x140;
	v20 =	vld.idx.msk [tilespmem:v11+s20+$0x0], $0xffff;
	v11 =	vmov s30  }
0x176: {  	v2 =	vmov s13;
	s13 =	simm.s32 $0x81;
	v61 =	vld [tilespmem:s24+$0x30F0];
	v24 =	vmov s26;
	v11 =	vand.u32 $0xFFFFFFFE, v11  }
0x177: {  	v15 =	vmov s13;
	s13 =	simm.s32 $0x80;
	v9 =	vld.idx.msk [tilespmem:v16+s20+$0x0], $0xffff;
	v24 =	vand.u32 $0xFFFFFFFE, v24;
	v11 =	vbroadcast v11, $0x0  }
0x178: {  	v16 =	vmov s13;
	v24 =	vbroadcast v24, $0x0;
	v45 =	vld.idx.msk [tilespmem:v17+s20+$0x0], $0xffff  }
0x179: {  	v16 =	vand.u32 $0xFFFFFFFE, v16;
	v42 =	vld.idx.msk [tilespmem:v13+s20+$0x0], $0xffff  }
0x17a: {  	v62 =	vld [tilespmem:s24+$0x38C0];
	v16 =	vbroadcast v16, $0x0;
	s30 =	simm.s32 $0x180  }
0x17b: {  	s25 =	simm.s32 $0x280;
	v63 =	vld [tilespmem:s24+$0x40C0];
	s12 =	simm.s32 $0x1C0;
	v26 =	vmov s30  }
0x17c: {  	v43 =	vmov s25;
	v2 =	vld.idx.msk [tilespmem:v2+s20+$0x0], $0xffff;
	v28 =	vmov s12;
	s30 =	simm.s32 $0x300;
	v26 =	vand.u32 $0xFFFFFFFE, v26  }
0x17d: {  	s13 =	simm.s32 $0x200;
	v56 =	vmov s30;
	v38 =	vmul.f32 v38, v45;
	v41 =	vld.idx.msk [tilespmem:v11+s20+$0x0], $0xffff;
	v11 =	vbroadcast v26, $0x0  }
0x17e: {  	s23 =	simm.s32 $0x240;
	v47 =	vld.idx.msk [tilespmem:v24+s20+$0x0], $0xffff;
	v26 =	vand.u32 $0xFFFFFFFE, v28;
	v28 =	vmov s13;
	v40 =	vmul.f32 v40, v42  }
0x17f: {  	v15 =	vld.idx.msk [tilespmem:v15+s20+$0x0], $0xffff;
	v13 =	vbroadcast v26, $0x0;
	v26 =	vand.u32 $0xFFFFFFFE, v28;
	v28 =	vmov s23  }
0x180: {  	v44 =	vld.idx.msk [tilespmem:v16+s20+$0x0], $0xffff;
	v16 =	vbroadcast v26, $0x0;
	v26 =	vand.u32 $0xFFFFFFFE, v28;
	v40 =	vadd.f32 $0.0e+00, v40  }
0x181: {  	s13 =	simm.s32 $0x380;
	v17 =	vbroadcast v26, $0x0;
	v26 =	vand.u32 $0xFFFFFFFE, v43;
	v43 =	vand.u32 $0xFFFFFFFE, v56;
	v56 =	vld [tilespmem:s24+$0x28C0]  }
0x182: {  	v24 =	vmov s13;
	v38 =	vadd.f32 v38, v40;
	v40 =	vld [tilespmem:s24+$0x38F0]  }
0x183: {  	v36 =	vmul.f32 v36, v47;
	v24 =	vand.u32 $0xFFFFFFFE, v24;
	v49 =	vld.idx.msk [tilespmem:v11+s20+$0x0], $0xffff  }
0x184: {  	s26 =	simm.s32 $0x2C0;
	v51 =	vbroadcast v24, $0x0;
	v11 =	vbroadcast v43, $0x0;
	v43 =	vld [tilespmem:s24+$0x90D0]  }
0x185: {  	s12 =	simm.s32 $0x340;
	v37 =	vmul.f32 v37, v44;
	v28 =	vmov s26;
	v36 =	vadd.f32 v36, v38;
	v38 =	vld [tilespmem:s24+$0x40F0]  }
0x186: {  	v23 =	vbroadcast v26, $0x0;
	v26 =	vand.u32 $0xFFFFFFFE, v28;
	v28 =	vmov s12;
	v50 =	vld.idx.msk [tilespmem:v13+s20+$0x0], $0xffff  }
0x187: {  	s23 =	simm.s32 $0x3C0;
	v48 =	vbroadcast v26, $0x0;
	v26 =	vand.u32 $0xFFFFFFFE, v28;
	v39 =	vmul.f32 v39, v41;
	v28 =	vld.idx.msk [tilespmem:v16+s20+$0x0], $0xffff  }
0x188: {  	v57 =	vbroadcast v26, $0x0;
	v26 =	vmov s23;
	v44 =	vmul.f32 v56, v44;
	v56 =	vld [tilespmem:s24+$0x68E0]  }
0x189: {  	v13 =	vand.u32 $0xFFFFFFFE, v26;
	v26 =	vld.idx.msk [tilespmem:v17+s20+$0x0], $0xffff  }
0x18a: {  	v39 =	vadd.f32 $0.0e+00, v39;
	v16 =	vld.idx.msk [tilespmem:v51+s20+$0x0], $0xffff  }
0x18b: {  	v51 =	vld [tilespmem:s24+$0x20C0]  }
0x18c: {  	v37 =	vadd.f32 v37, v39;
	v39 =	vld [tilespmem:s24+$0x38E0]  }
0x18d: {  	v24 =	vld.idx.msk [tilespmem:v23+s20+$0x0], $0xffff  }
0x18e: {  	v35 =	vmul.f32 v35, v46;
	v23 =	vld.idx.msk [tilespmem:v48+s20+$0x0], $0xffff  }
0x18f: {  	v52 =	vbroadcast v13, $0x0;
	v48 =	vld [tilespmem:s24+$0x18C0]  }
0x190: {  	v35 =	vadd.f32 v35, v37;
	v37 =	vld [tilespmem:s24+$0x40E0]  }
0x191: {  	v11 =	vld.idx.msk [tilespmem:v11+s20+$0x0], $0xffff  }
0x192: {  	v33 =	vmul.f32 v33, v49;
	v13 =	vld.idx.msk [tilespmem:v57+s20+$0x0], $0xffff  }
0x193: {  	v57 =	vld [tilespmem:s24+$0x30C0]  }
0x194: {  	v33 =	vadd.f32 v33, v35;
	v35 =	vld [tilespmem:s24+$0x48C0]  }
0x195: {  	v34 =	vmul.f32 v34, v50;
	v17 =	vld.idx.msk [tilespmem:v52+s20+$0x0], $0xffff  }
0x196: {  	v52 =	vld [tilespmem:s24+$0x18E0]  }
0x197: {  	v31 =	vmul.f32 v31, v28;
	v34 =	vadd.f32 v34, v36;
	v36 =	vld [tilespmem:s24+$0x50C0]  }
0x198: {  	v32 =	vmul.f32 v32, v26;
	v42 =	vmul.f32 v51, v42;
	v51 =	vld [tilespmem:s24+$0x60F0]  }
0x199: {  	v39 =	vmul.f32 v39, v8;
	v8 =	vmul.f32 v40, v8;
	v40 =	vld [tilespmem:s24+$0x90E0]  }
0x19a: {  	v31 =	vadd.f32 v31, v33;
	v33 =	vld [tilespmem:s24+$0x48E0]  }
0x19b: {  	v30 =	vmul.f32 v30, v24;
	v32 =	vadd.f32 v32, v34;
	v29 =	vmul.f32 v29, v23;
	v34 =	vld [tilespmem:s24+$0x48F0]  }
0x19c: {  	v37 =	vmul.f32 v37, v6;
	v6 =	vmul.f32 v38, v6;
	v38 =	vld [tilespmem:s24+$0x80E0]  }
0x19d: {  	v27 =	vmul.f32 v27, v11;
	v30 =	vadd.f32 v30, v31;
	v31 =	vld [tilespmem:s24+$0x50E0]  }
0x19e: {  	v42 =	vadd.f32 $0.0e+00, v42;
	v45 =	vmul.f32 v57, v45;
	v29 =	vadd.f32 v29, v32;
	v32 =	vld [tilespmem:s24+$0x50F0]  }
0x19f: {  	v54 =	vmul.f32 v54, v20;
	v25 =	vmul.f32 v25, v13;
	v27 =	vadd.f32 v27, v30;
	v30 =	vld [tilespmem:s24+$0x58C0]  }
0x1a0: {  	v20 =	vmul.f32 v55, v20;
	v21 =	vmul.f32 v21, v16;
	v42 =	vadd.f32 v45, v42;
	v45 =	vld [tilespmem:s24+$0x68F0]  }
0x1a1: {  	v47 =	vmul.f32 v63, v47;
	v25 =	vadd.f32 v25, v29;
	v29 =	vmul.f32 v43, v17;
	v43 =	vld [tilespmem:s24+$0x60C0]  }
0x1a2: {  	v46 =	vmul.f32 v62, v46;
	v21 =	vadd.f32 v21, v27;
	v27 =	vld [tilespmem:s24+$0x58E0]  }
0x1a3: {  	s30 =	simm.s32 $0x303;
	v20 =	vadd.f32 $0.0e+00, v20;
	v36 =	vmul.f32 v36, v50;
	v62 =	vadd.f32 v47, v42;
	v42 =	vld [tilespmem:s24+$0x78E0]  }
0x1a4: {  	v63 =	vmov s30;
	v33 =	vmul.f32 v33, v5;
	v5 =	vmul.f32 v34, v5;
	v34 =	vld [tilespmem:s24+$0x88C0]  }
0x1a5: {  	s23 =	simm.s32 $0x2C3;
	v25 =	vadd.f32 v29, v25;
	v29 =	vmul.f32 v48, v41;
	v41 =	vld [tilespmem:s24+$0x58F0];
	v48 =	vmul.f32 v52, v22  }
0x1a6: {  	v50 =	vmov s23;
	v22 =	vmul.f32 v53, v22;
	v52 =	vld [tilespmem:s24+$0x68C0];
	v31 =	vmul.f32 v31, v3  }
0x1a7: {  	v53 =	vld [tilespmem:s24+$0x70C0];
	v3 =	vmul.f32 v32, v3;
	v21 =	vadd.f32 v25, v21;
	v29 =	vadd.f32 $0.0e+00, v29  }
0x1a8: {  	v32 =	vld [tilespmem:s24+$0x88E0];
	v48 =	vadd.f32 $0.0e+00, v48;
	v22 =	vadd.f32 $0.0e+00, v22;
	v28 =	vmul.f32 v30, v28  }
0x1a9: {  	v25 =	vld [tilespmem:s24+$0x60E0];
	v29 =	vadd.f32 v44, v29;
	v44 =	vmul.f32 v58, v15;
	v15 =	vmul.f32 v59, v15  }
0x1aa: {  	s26 =	simm.s32 $0x3C3;
	v58 =	vadd.f32 $0.0e+00, v54;
	v59 =	vmul.f32 v60, v9;
	v9 =	vmul.f32 v61, v9;
	v60 =	vld [tilespmem:s24+$0x70F0]  }
0x1ab: {  	v30 =	vmov s26;
	v61 =	vld [tilespmem:s24+$0x78C0];
	v44 =	vadd.f32 v44, v48;
	v15 =	vadd.f32 v15, v22  }
0x1ac: {  	v26 =	vmul.f32 v43, v26;
	v22 =	vld [tilespmem:s24+$0x70E0];
	v48 =	vadd.f32 v59, v58;
	v9 =	vadd.f32 v9, v20  }
0x1ad: {  	s26 =	simm.s32 $0x243;
	v20 =	vadd.f32 v46, v29;
	v29 =	vld [tilespmem:s24+$0x80C0];
	v8 =	vadd.f32 v8, v15;
	v15 =	vmul.f32 v35, v49  }
0x1ae: {  	s25 =	simm.s32 $0x383;
	v57 =	vmov s26;
	v39 =	vadd.f32 v39, v44;
	v35 =	vld [tilespmem:s24+$0x78F0];
	v6 =	vadd.f32 v6, v9  }
0x1af: {  	v49 =	vld [tilespmem:s24+$0x90F0];
	v9 =	vadd.f32 v15, v20;
	v5 =	vadd.f32 v5, v8;
	v8 =	vmov s25  }
0x1b0: {  	s12 =	simm.s32 $0x343;
	v24 =	vmul.f32 v52, v24;
	v15 =	vld [tilespmem:s24+$0x80F0];
	v20 =	vadd.f32 v36, v62;
	v33 =	vadd.f32 v33, v39  }
0x1b1: {  	s13 =	simm.s32 $0x283;
	v36 =	vld [tilespmem:s24+$0x90C0];
	v6 =	vadd.f32 v3, v6;
	v3 =	vmul.f32 v27, v2;
	v27 =	vmov s12  }
0x1b2: {  	v37 =	vadd.f32 v37, v48;
	v48 =	vmov s13;
	v39 =	vld [tilespmem:s24+$0x88F0];
	v9 =	vadd.f32 v28, v9  }
0x1b3: {  	s13 =	simm.s32 $0x103;
	s12 =	simm.s32 $0x1C3;
	v28 =	vmul.f32 v41, v2;
	v20 =	vadd.f32 v26, v20;
	v26 =	vadd.f32 v3, v33;
	v3 =	vld.idx.msk [tilespmem:v30+s20+$0x0], $0xffff  }
0x1b4: {  	v59 =	vmov s13;
	v60 =	vmul.f32 v60, v10;
	v58 =	vmov s12;
	v2 =	vld.idx.msk [tilespmem:v8+s20+$0x0], $0xffff  }
0x1b5: {  	v30 =	vmul.f32 v51, v4;
	v8 =	vmul.f32 v25, v4;
	v25 =	vadd.f32 v28, v5;
	v5 =	vld.idx.msk [tilespmem:v63+s20+$0x0], $0xffff  }
0x1b6: {  	v31 =	vadd.f32 v31, v37;
	s25 =	simm.s32 $0x203;
	v24 =	vadd.f32 v24, v9;
	v9 =	vmul.f32 v45, v7;
	v4 =	vld.idx.msk [tilespmem:v27+s20+$0x0], $0xffff  }
0x1b7: {  	s30 =	simm.s32 $0x183;
	v28 =	vmov s25;
	v27 =	vadd.f32 v30, v6;
	v30 =	vmul.f32 v56, v7;
	v6 =	vld.idx.msk [tilespmem:v48+s20+$0x0], $0xffff  }
0x1b8: {  	s12 =	simm.s32 $0x43;
	v7 =	vld.idx.msk [tilespmem:v50+s20+$0x0], $0xffff;
	v31 =	vadd.f32 v8, v31;
	v8 =	vmul.f32 v53, v23;
	v23 =	vmov s30  }
0x1b9: {  	s23 =	simm.s32 $0x143;
	v61 =	vmul.f32 v61, v11;
	v22 =	vmul.f32 v22, v10;
	v63 =	vmov s12;
	v10 =	vld.idx.msk [tilespmem:v58+s20+$0x0], $0xffff  }
0x1ba: {  	v26 =	vadd.f32 v30, v26;
	v30 =	vmov s23;
	v25 =	vadd.f32 v9, v25;
	v9 =	vld.idx.msk [tilespmem:v57+s20+$0x0], $0xffff;
	s23 =	simm.s32 $0x40  }
0x1bb: {  	s26 =	simm.s32 $0xC3;
	v16 =	vmul.f32 v34, v16;
	[tilespmem:s24+$0x118D0] =	vst v21;
	v24 =	vadd.f32 v61, v24;
	v21 =	vld [tilespmem:s23+$0x70D0]  }
0x1bc: {  	v62 =	vmov s26;
	s25 =	simm.s32 $0x83;
	v20 =	vadd.f32 v8, v20;
	v8 =	vld.idx.msk [tilespmem:v28+s20+$0x0], $0xffff  }
0x1bd: {  	s30 =	simm.s32 $0x3;
	v24 =	vadd.f32 v16, v24;
	v28 =	vmov s25;
	v11 =	vld.idx.msk [tilespmem:v23+s20+$0x0], $0xffff;
	v23 =	vmul.f32 v29, v13  }
0x1be: {  	v22 =	vadd.f32 v22, v31;
	v31 =	vmul.f32 v42, v12;
	v16 =	vld.idx.msk [tilespmem:v63+s20+$0x0], $0xffff;
	v29 =	vmov s30  }
0x1bf: {  	v13 =	vld.idx.msk [tilespmem:v59+s20+$0x0], $0xffff;
	v20 =	vadd.f32 v23, v20;
	v23 =	vmul.f32 v35, v12  }
0x1c0: {  	v27 =	vadd.f32 v60, v27;
	v26 =	vadd.f32 v31, v26;
	v31 =	vmul.f32 v15, v14;
	v12 =	vld.idx.msk [tilespmem:v30+s20+$0x0], $0xffff  }
0x1c1: {  	v30 =	vmul.f32 v38, v14;
	v14 =	vld.idx.msk [tilespmem:v62+s20+$0x0], $0xffff;
	v23 =	vadd.f32 v23, v25;
	v25 =	vmul.f32 v36, v17  }
0x1c2: {  	v27 =	vadd.f32 v31, v27;
	v15 =	vld.idx.msk [tilespmem:v28+s20+$0x0], $0xffff;
	v28 =	vmul.f32 v32, v18  }
0x1c3: {  	v22 =	vadd.f32 v30, v22;
	v17 =	vld.idx.msk [tilespmem:v29+s20+$0x0], $0xffff;
	v20 =	vadd.f32 v25, v20;
	v25 =	vmul.f32 v40, v19  }
0x1c4: {  	v29 =	vmul.f32 v39, v18;
	v26 =	vadd.f32 v28, v26;
	v18 =	vld [tilespmem:s23+$0x88D0];
	v19 =	vmul.f32 v49, v19  }
0x1c5: {  	v24 =	vadd.f32 v20, v24;
	v22 =	vadd.f32 v25, v22;
	v20 =	vld [tilespmem:s23+$0x78D0]  }
0x1c6: {  	s22 =	simm.s32 $0x20;
	s25 =	simm.s32 $0x0;
	v23 =	vadd.f32 v29, v23;
	v25 =	vadd.f32 v19, v27;
	v19 =	vld [tilespmem:s23+$0x80D0]  }
0x1c7: {  	s28 =	simm.s32 $0x342;
	s26 =	sand.u32 $0xE0, s22;
	s25 =	sand.u32 $0x700, s25;
	v26 =	vadd.f32 v22, v26;
	v22 =	vld [tilespmem:s23+$0x68D0]  }
0x1c8: {  	s13 =	simm.s32 $0x302;
	s25 =	sor.u32 s26, s25;
	s30 =	simm.s32 $0x382;
	[tilespmem:s24+$0x118C0] =	vst v24;
	v23 =	vadd.f32 v25, v23;
	v24 =	vld [tilespmem:s23+$0x58D0]  }
0x1c9: {  	s29 =	simm.s32 $0x42;
	s26 =	sadd.s32 $0x118C0, s25;
	v28 =	vmov s30;
	v27 =	vmov s13;
	s24 =	simm.s32 $0x2;
	v25 =	vld [tilespmem:s23+$0x48D0];
	[tilespmem:s25+$0x118C0] =	vst v26  }
0x1ca: {  	v29 =	vmov s24;
	s25 =	simm.s32 $0x100;
	v26 =	vmov s28;
	s28 =	simm.s32 $0x282;
	[tilespmem:s26+$0x10] =	vst v23;
	v23 =	vld [tilespmem:s23+$0x60D0];
	s26 =	simm.s32 $0x4  }
.LBB2_7:
0x1cb: {  	p1 =	slt.u32 s26, $0x3E;
	v29 =	vand.u32 $0xFFFFFFFE, v29;
	v30 =	vmov s29;
	s29 =	sadd.s32 $0x80, s24;
	v34 =	vld [tilespmem:s23+$0x50D0];
	v31 =	vmov s28  }
0x1cc: {  	s28 =	sadd.s32 $0xC0, s24;
	v29 =	vbroadcast v29, $0x0;
	v30 =	vand.u32 $0xFFFFFFFE, v30;
	v32 =	vmov s29;
	v35 =	vld [tilespmem:s23+$0x38D0]  }
0x1cd: {  	v33 =	vmov s28;
	s28 =	sadd.s32 $0x100, s24;
	v30 =	vbroadcast v30, $0x0;
	v32 =	vand.u32 $0xFFFFFFFE, v32;
	v36 =	vld [tilespmem:s23+$0x40D0]  }
0x1ce: {  	v33 =	vand.u32 $0xFFFFFFFE, v33;
	v38 =	vmov s28;
	s28 =	sadd.s32 $0x140, s24;
	v32 =	vbroadcast v32, $0x0;
	v37 =	vld [tilespmem:s23+$0x28D0]  }
0x1cf: {  	v33 =	vbroadcast v33, $0x0;
	v38 =	vand.u32 $0xFFFFFFFE, v38;
	v40 =	vmov s28;
	s28 =	sadd.s32 $0x180, s24;
	v39 =	vld [tilespmem:s23+$0x30D0]  }
0x1d0: {  	v38 =	vbroadcast v38, $0x0;
	v40 =	vand.u32 $0xFFFFFFFE, v40;
	v42 =	vmov s28;
	s28 =	sadd.s32 $0x1C0, s24;
	v41 =	vld [tilespmem:s23+$0x18D0]  }
0x1d1: {  	v40 =	vbroadcast v40, $0x0;
	v42 =	vand.u32 $0xFFFFFFFE, v42;
	v44 =	vmov s28;
	s28 =	sadd.s32 $0x200, s24;
	v43 =	vld [tilespmem:s23+$0x20D0]  }
0x1d2: {  	v45 =	vld.idx.msk [tilespmem:v29+s20+$0x0], $0xffff;
	v29 =	vbroadcast v42, $0x0;
	v42 =	vand.u32 $0xFFFFFFFE, v44;
	v44 =	vmov s28;
	s28 =	sadd.s32 $0x240, s24  }
0x1d3: {  	v46 =	vld.idx.msk [tilespmem:v30+s20+$0x0], $0xffff;
	v30 =	vbroadcast v42, $0x0;
	v42 =	vand.u32 $0xFFFFFFFE, v44;
	v44 =	vmov s28;
	s28 =	sadd.s32 $0x2C0, s24  }
0x1d4: {  	v47 =	vld.idx.msk [tilespmem:v32+s20+$0x0], $0xffff;
	v42 =	vbroadcast v42, $0x0;
	v32 =	vand.u32 $0xFFFFFFFE, v44;
	v44 =	vmov s28  }
0x1d5: {  	v28 =	vand.u32 $0xFFFFFFFE, v28;
	v31 =	vand.u32 $0xFFFFFFFE, v31;
	v48 =	vld.idx.msk [tilespmem:v33+s20+$0x0], $0xffff;
	v49 =	vbroadcast v32, $0x0  }
0x1d6: {  	v27 =	vand.u32 $0xFFFFFFFE, v27;
	v33 =	vld.idx.msk [tilespmem:v38+s20+$0x0], $0xffff;
	v38 =	vbroadcast v31, $0x0;
	v31 =	vand.u32 $0xFFFFFFFE, v44  }
0x1d7: {  	v26 =	vand.u32 $0xFFFFFFFE, v26;
	v50 =	vbroadcast v28, $0x0;
	s28 =	sadd.s32 $0x3C0, s24;
	s24 =	smov.u32 s26;
	v40 =	vld.idx.msk [tilespmem:v40+s20+$0x0], $0xffff;
	v44 =	vbroadcast v31, $0x0  }
0x1d8: {  	v51 =	vbroadcast v27, $0x0;
	v52 =	vbroadcast v26, $0x0;
	v26 =	vmov s28;
	v31 =	vld.idx.msk [tilespmem:v29+s20+$0x0], $0xffff  }
0x1d9: {  	v26 =	vand.u32 $0xFFFFFFFE, v26;
	v27 =	vmul.f32 v41, v45;
	v28 =	vmul.f32 v43, v46;
	v32 =	vld.idx.msk [tilespmem:v30+s20+$0x0], $0xffff  }
0x1da: {  	v41 =	vbroadcast v26, $0x0;
	v37 =	vmul.f32 v37, v47;
	v29 =	vld.idx.msk [tilespmem:v42+s20+$0x0], $0xffff  }
0x1db: {  	v26 =	vadd.f32 $0.0e+00, v27;
	v28 =	vadd.f32 $0.0e+00, v28;
	v39 =	vmul.f32 v39, v48;
	v30 =	vld.idx.msk [tilespmem:v49+s20+$0x0], $0xffff  }
0x1dc: {  	v35 =	vmul.f32 v35, v33;
	v27 =	vld.idx.msk [tilespmem:v38+s20+$0x0], $0xffff  }
0x1dd: {  	v37 =	vadd.f32 v37, v26;
	v38 =	vadd.f32 v39, v28;
	v36 =	vmul.f32 v36, v40;
	v28 =	vld.idx.msk [tilespmem:v44+s20+$0x0], $0xffff  }
0x1de: {  	v39 =	vmul.f32 v25, v31;
	v26 =	vld.idx.msk [tilespmem:v51+s20+$0x0], $0xffff  }
0x1df: {  	v35 =	vadd.f32 v35, v37;
	v36 =	vadd.f32 v36, v38;
	v34 =	vmul.f32 v34, v32;
	v25 =	vld.idx.msk [tilespmem:v52+s20+$0x0], $0xffff  }
0x1e0: {  	v37 =	vmul.f32 v24, v29;
	v24 =	vld.idx.msk [tilespmem:v50+s20+$0x0], $0xffff  }
0x1e1: {  	v35 =	vadd.f32 v39, v35;
	v34 =	vadd.f32 v34, v36;
	v36 =	vmul.f32 v23, v30;
	v23 =	vld.idx.msk [tilespmem:v41+s20+$0x0], $0xffff  }
0x1e2: {  	v22 =	vmul.f32 v22, v27;
	v38 =	vld [tilespmem:s23+$0x90D0]  }
0x1e3: {  	v35 =	vadd.f32 v37, v35;
	v34 =	vadd.f32 v36, v34;
	v21 =	vmul.f32 v21, v28;
	v39 =	vld [tilespmem:s23+$0x18C0]  }
0x1e4: {  	v20 =	vmul.f32 v20, v26;
	v36 =	vld [tilespmem:s23+$0x20C0]  }
0x1e5: {  	v22 =	vadd.f32 v22, v35;
	v21 =	vadd.f32 v21, v34;
	v19 =	vmul.f32 v19, v25;
	v34 =	vld [tilespmem:s23+$0x18E0]  }
0x1e6: {  	v18 =	vmul.f32 v18, v24;
	v35 =	vld [tilespmem:s23+$0x18F0]  }
0x1e7: {  	v20 =	vadd.f32 v20, v22;
	v19 =	vadd.f32 v19, v21;
	v21 =	vmul.f32 v38, v23;
	v22 =	vld [tilespmem:s23+$0x20E0]  }
0x1e8: {  	v37 =	vmul.f32 v39, v45;
	v38 =	vld [tilespmem:s23+$0x20F0]  }
0x1e9: {  	v18 =	vadd.f32 v18, v20;
	v36 =	vmul.f32 v36, v46;
	v39 =	vld [tilespmem:s23+$0x28C0];
	v19 =	vadd.f32 v21, v19  }
0x1ea: {  	v20 =	vadd.f32 $0.0e+00, v37;
	v21 =	vld [tilespmem:s23+$0x30C0];
	v34 =	vmul.f32 v34, v17  }
0x1eb: {  	v36 =	vadd.f32 $0.0e+00, v36;
	v18 =	vadd.f32 v19, v18;
	v17 =	vmul.f32 v35, v17;
	v19 =	vld [tilespmem:s23+$0x28E0]  }
0x1ec: {  	v34 =	vadd.f32 $0.0e+00, v34;
	v22 =	vmul.f32 v22, v16;
	v35 =	vld [tilespmem:s23+$0x28F0]  }
0x1ed: {  	[tilespmem:s23+$0x118D0] =	vst v18;
	v17 =	vadd.f32 $0.0e+00, v17;
	v16 =	vmul.f32 v38, v16;
	v18 =	vld [tilespmem:s23+$0x30E0]  }
0x1ee: {  	v37 =	vmul.f32 v39, v47;
	v22 =	vadd.f32 $0.0e+00, v22;
	v38 =	vld [tilespmem:s23+$0x30F0]  }
0x1ef: {  	v21 =	vmul.f32 v21, v48;
	v39 =	vld [tilespmem:s23+$0x38C0];
	v16 =	vadd.f32 $0.0e+00, v16  }
0x1f0: {  	v20 =	vadd.f32 v37, v20;
	v37 =	vld [tilespmem:s23+$0x40C0];
	v19 =	vmul.f32 v19, v15  }
0x1f1: {  	v21 =	vadd.f32 v21, v36;
	v15 =	vmul.f32 v35, v15;
	v35 =	vld [tilespmem:s23+$0x38E0]  }
0x1f2: {  	v19 =	vadd.f32 v19, v34;
	v18 =	vmul.f32 v18, v14;
	v34 =	vld [tilespmem:s23+$0x38F0]  }
0x1f3: {  	v15 =	vadd.f32 v15, v17;
	v14 =	vmul.f32 v38, v14;
	v17 =	vld [tilespmem:s23+$0x40E0]  }
0x1f4: {  	v33 =	vmul.f32 v39, v33;
	v18 =	vadd.f32 v18, v22;
	v22 =	vld [tilespmem:s23+$0x40F0]  }
0x1f5: {  	v36 =	vmul.f32 v37, v40;
	v37 =	vld [tilespmem:s23+$0x48C0];
	v14 =	vadd.f32 v14, v16  }
0x1f6: {  	v16 =	vadd.f32 v33, v20;
	v20 =	vld [tilespmem:s23+$0x50C0];
	v33 =	vmul.f32 v35, v13  }
0x1f7: {  	v21 =	vadd.f32 v36, v21;
	v13 =	vmul.f32 v34, v13;
	v34 =	vld [tilespmem:s23+$0x48E0]  }
0x1f8: {  	v19 =	vadd.f32 v33, v19;
	v17 =	vmul.f32 v17, v12;
	v33 =	vld [tilespmem:s23+$0x48F0]  }
0x1f9: {  	v13 =	vadd.f32 v13, v15;
	v12 =	vmul.f32 v22, v12;
	v15 =	vld [tilespmem:s23+$0x50E0]  }
0x1fa: {  	v22 =	vmul.f32 v37, v31;
	v17 =	vadd.f32 v17, v18;
	v18 =	vld [tilespmem:s23+$0x50F0]  }
0x1fb: {  	v20 =	vmul.f32 v20, v32;
	v31 =	vld [tilespmem:s23+$0x58C0];
	v12 =	vadd.f32 v12, v14  }
0x1fc: {  	v14 =	vadd.f32 v22, v16;
	v16 =	vld [tilespmem:s23+$0x60C0];
	v22 =	vmul.f32 v34, v11  }
0x1fd: {  	v20 =	vadd.f32 v20, v21;
	v11 =	vmul.f32 v33, v11;
	v21 =	vld [tilespmem:s23+$0x58E0]  }
0x1fe: {  	v19 =	vadd.f32 v22, v19;
	v15 =	vmul.f32 v15, v10;
	v22 =	vld [tilespmem:s23+$0x58F0]  }
0x1ff: {  	v11 =	vadd.f32 v11, v13;
	v10 =	vmul.f32 v18, v10;
	v13 =	vld [tilespmem:s23+$0x60E0]  }
0x200: {  	v18 =	vmul.f32 v31, v29;
	v15 =	vadd.f32 v15, v17;
	v17 =	vld [tilespmem:s23+$0x60F0]  }
0x201: {  	v16 =	vmul.f32 v16, v30;
	v29 =	vld [tilespmem:s23+$0x68C0];
	v10 =	vadd.f32 v10, v12  }
0x202: {  	v12 =	vadd.f32 v18, v14;
	v14 =	vld [tilespmem:s23+$0x70C0];
	v18 =	vmul.f32 v21, v8  }
0x203: {  	v16 =	vadd.f32 v16, v20;
	v8 =	vmul.f32 v22, v8;
	v20 =	vld [tilespmem:s23+$0x68E0]  }
0x204: {  	v18 =	vadd.f32 v18, v19;
	v13 =	vmul.f32 v13, v9;
	v19 =	vld [tilespmem:s23+$0x68F0]  }
0x205: {  	v8 =	vadd.f32 v8, v11;
	v9 =	vmul.f32 v17, v9;
	v11 =	vld [tilespmem:s23+$0x70E0]  }
0x206: {  	v17 =	vmul.f32 v29, v27;
	v13 =	vadd.f32 v13, v15;
	v15 =	vld [tilespmem:s23+$0x70F0]  }
0x207: {  	v14 =	vmul.f32 v14, v28;
	v21 =	vld [tilespmem:s23+$0x78C0];
	v9 =	vadd.f32 v9, v10  }
0x208: {  	v10 =	vadd.f32 v17, v12;
	v12 =	vld [tilespmem:s23+$0x80C0];
	v17 =	vmul.f32 v20, v6  }
0x209: {  	v14 =	vadd.f32 v14, v16;
	v6 =	vmul.f32 v19, v6;
	v16 =	vld [tilespmem:s23+$0x78E0]  }
0x20a: {  	v17 =	vadd.f32 v17, v18;
	v11 =	vmul.f32 v11, v7;
	v18 =	vld [tilespmem:s23+$0x78F0]  }
0x20b: {  	v6 =	vadd.f32 v6, v8;
	v7 =	vmul.f32 v15, v7;
	v8 =	vld [tilespmem:s23+$0x80E0]  }
0x20c: {  	s28 =	sadd.s32 $0x381, s26;
	v15 =	vmul.f32 v21, v26;
	v11 =	vadd.f32 v11, v13;
	v13 =	vld [tilespmem:s23+$0x80F0]  }
0x20d: {  	v19 =	vmov s28;
	s28 =	sadd.s32 $0x3C1, s26;
	v12 =	vmul.f32 v12, v25;
	v20 =	vld [tilespmem:s23+$0x88C0];
	v7 =	vadd.f32 v7, v9  }
0x20e: {  	s29 =	sadd.s32 $0x301, s26;
	v9 =	vmov s28;
	v10 =	vadd.f32 v15, v10;
	v15 =	vld [tilespmem:s23+$0x90C0];
	v16 =	vmul.f32 v16, v5  }
0x20f: {  	v21 =	vmov s29;
	s28 =	sadd.s32 $0x341, s26;
	v12 =	vadd.f32 v12, v14;
	v5 =	vmul.f32 v18, v5;
	v14 =	vld [tilespmem:s23+$0x88E0]  }
0x210: {  	s29 =	sadd.s32 $0x281, s26;
	v18 =	vmov s28;
	v16 =	vadd.f32 v16, v17;
	v8 =	vmul.f32 v8, v4;
	v17 =	vld [tilespmem:s23+$0x88F0]  }
0x211: {  	v22 =	vmov s29;
	s28 =	sadd.s32 $0x2C1, s26;
	v25 =	vadd.f32 v5, v6;
	v4 =	vmul.f32 v13, v4;
	v6 =	vld [tilespmem:s23+$0x90E0]  }
0x212: {  	s29 =	sadd.s32 $0x201, s26;
	v13 =	vmov s28;
	v5 =	vmul.f32 v20, v24;
	v8 =	vadd.f32 v8, v11;
	v11 =	vld [tilespmem:s23+$0x90F0]  }
0x213: {  	s28 =	sadd.s32 $0x241, s26;
	v20 =	vmov s29;
	v19 =	vld.idx.msk [tilespmem:v19+s20+$0x0], $0xffff;
	v15 =	vmul.f32 v15, v23;
	v23 =	vadd.f32 v4, v7  }
0x214: {  	s29 =	sadd.s32 $0x181, s26;
	v24 =	vmov s28;
	v26 =	vld.idx.msk [tilespmem:v9+s20+$0x0], $0xffff;
	v7 =	vadd.f32 v5, v10;
	v9 =	vmul.f32 v14, v2  }
0x215: {  	s28 =	sadd.s32 $0x1C1, s26;
	v10 =	vmov s29;
	v5 =	vld.idx.msk [tilespmem:v21+s20+$0x0], $0xffff;
	v12 =	vadd.f32 v15, v12;
	v2 =	vmul.f32 v17, v2  }
0x216: {  	v14 =	vmov s28;
	v4 =	vld.idx.msk [tilespmem:v18+s20+$0x0], $0xffff;
	v15 =	vadd.f32 v9, v16;
	v9 =	vmul.f32 v6, v3  }
0x217: {  	s28 =	sadd.s32 $0x101, s26;
	v6 =	vld.idx.msk [tilespmem:v22+s20+$0x0], $0xffff;
	v12 =	vadd.f32 v12, v7;
	v16 =	vadd.f32 v2, v25;
	v11 =	vmul.f32 v11, v3  }
0x218: {  	s22 =	sadd.s32 $0x40, s22;
	v17 =	vmov s28;
	s28 =	sadd.s32 $0x141, s26;
	v7 =	vld.idx.msk [tilespmem:v13+s20+$0x0], $0xffff;
	v21 =	vadd.f32 v9, v8  }
0x219: {  	s29 =	sadd.s32 $0x81, s26;
	v18 =	vmov s28;
	s28 =	sadd.s32 $0xFFFFFFE0, s22;
	v8 =	vld.idx.msk [tilespmem:v20+s20+$0x0], $0xffff;
	[tilespmem:s23+$0x118C0] =	vst v12;
	v12 =	vadd.f32 v11, v23;
	v2 =	vmov v19  }
0x21a: {  	s28 =	sand.u32 $0x700, s28;
	v19 =	vmov s29;
	s23 =	sadd.s32 $0xC1, s26;
	s29 =	sand.u32 $0xE0, s22;
	v3 =	vmov v26;
	v9 =	vld.idx.msk [tilespmem:v24+s20+$0x0], $0xffff;
	v13 =	vadd.f32 v21, v15  }
0x21b: {  	s30 =	sadd.s32 $0x1, s26;
	v20 =	vmov s23;
	s23 =	sor.u32 s29, s28;
	v11 =	vld.idx.msk [tilespmem:v10+s20+$0x0], $0xffff;
	v12 =	vadd.f32 v12, v16  }
0x21c: {  	s28 =	sadd.s32 $0x41, s26;
	v16 =	vmov s30;
	s29 =	sadd.s32 $0x118C0, s23;
	v10 =	vld.idx.msk [tilespmem:v14+s20+$0x0], $0xffff;
	[tilespmem:s23+$0x118C0] =	vst v13  }
0x21d: {  	v21 =	vmov s28;
	v13 =	vld.idx.msk [tilespmem:v17+s20+$0x0], $0xffff;
	[tilespmem:s29+$0x10] =	vst v12  }
0x21e: {  	v12 =	vld.idx.msk [tilespmem:v18+s20+$0x0], $0xffff  }
0x21f: {  	v15 =	vld.idx.msk [tilespmem:v19+s20+$0x0], $0xffff  }
0x220: {  	v14 =	vld.idx.msk [tilespmem:v20+s20+$0x0], $0xffff  }
0x221: {  	s25 =	sadd.s32 $0x100, s25;
	v17 =	vld.idx.msk [tilespmem:v16+s20+$0x0], $0xffff  }
0x222: {  	s23 =	sshra.s32 s25, $0x2;
	v16 =	vld.idx.msk [tilespmem:v21+s20+$0x0], $0xffff  }
0x223: {  	v18 =	vld [tilespmem:s23+$0x88D0]  }
0x224: {  	v20 =	vld [tilespmem:s23+$0x78D0]  }
0x225: {  	v19 =	vld [tilespmem:s23+$0x80D0]  }
.Ltmp2:
0x226: {  	v22 =	vld [tilespmem:s23+$0x68D0];
	(pc) =	sbr.rel @p1 .LBB2_7-.Ltmp2, $4  }
0x227: {  	v21 =	vld [tilespmem:s23+$0x70D0]  }
0x228: {  	v24 =	vld [tilespmem:s23+$0x58D0]  }
0x229: {  	s12 =	sadd.s32 $0x340, s26;
	s13 =	sadd.s32 $0x380, s26;
	v29 =	vmov s26;
	s30 =	sadd.s32 $0x300, s26;
	v23 =	vld [tilespmem:s23+$0x60D0]  }
0x22a: {  	v28 =	vmov s13;
	v26 =	vmov s12;
	s28 =	sadd.s32 $0x280, s24;
	s26 =	sadd.s32 $0x2, s26;
	v27 =	vmov s30;
	s29 =	sadd.s32 $0x40, s24;
	v25 =	vld [tilespmem:s23+$0x48D0]  }
0x22b: {  	v31 =	vld [tilespmem:s23+$0x50D0]  }
0x22c: {  	v33 =	vld [tilespmem:s23+$0x38D0]  }
0x22d: {  	v29 =	vand.u32 $0xFFFFFFFE, v29;
	v35 =	vld [tilespmem:s23+$0x40D0]  }
0x22e: {  	v30 =	vmov s29;
	v36 =	vld [tilespmem:s23+$0x28D0];
	v46 =	vmov s28;
	v27 =	vand.u32 $0xFFFFFFFE, v27  }
0x22f: {  	s12 =	sadd.s32 $0x80, s24;
	s29 =	sadd.s32 $0xC0, s24;
	s30 =	sadd.s32 $0x100, s24;
	v38 =	vld [tilespmem:s23+$0x30D0];
	v26 =	vand.u32 $0xFFFFFFFE, v26;
	v29 =	vbroadcast v29, $0x0;
	v30 =	vand.u32 $0xFFFFFFFE, v30  }
0x230: {  	s13 =	sadd.s32 $0x140, s24;
	s25 =	sadd.s32 $0x180, s24;
	v40 =	vld [tilespmem:s23+$0x18D0];
	s26 =	sadd.s32 $0x1C0, s24;
	v32 =	vmov s12;
	v34 =	vmov s29;
	v37 =	vmov s30  }
0x231: {  	v42 =	vld [tilespmem:s23+$0x20D0];
	v39 =	vmov s13;
	v41 =	vmov s25;
	v43 =	vmov s26  }
0x232: {  	v59 =	vld [tilespmem:s23+$0x90D0];
	v46 =	vand.u32 $0xFFFFFFFE, v46;
	v27 =	vbroadcast v27, $0x0;
	v30 =	vbroadcast v30, $0x0  }
0x233: {  	v60 =	vld [tilespmem:s23+$0x18E0];
	s29 =	sadd.s32 $0x200, s24;
	v32 =	vand.u32 $0xFFFFFFFE, v32;
	v34 =	vand.u32 $0xFFFFFFFE, v34;
	v37 =	vand.u32 $0xFFFFFFFE, v37  }
0x234: {  	v61 =	vld [tilespmem:s23+$0x18F0];
	s25 =	sadd.s32 $0x3C0, s24;
	v49 =	vand.u32 $0xFFFFFFFE, v43;
	v50 =	vmov s29;
	v46 =	vbroadcast v46, $0x0  }
0x235: {  	v63 =	vld [tilespmem:s23+$0x28E0];
	v51 =	vmov s25;
	v32 =	vbroadcast v32, $0x0;
	v34 =	vbroadcast v34, $0x0  }
0x236: {  	v43 =	vand.u32 $0xFFFFFFFE, v50;
	v50 =	vbroadcast v26, $0x0;
	v26 =	vand.u32 $0xFFFFFFFE, v51;
	v51 =	vld [tilespmem:s23+$0x40F0]  }
0x237: {  	v39 =	vand.u32 $0xFFFFFFFE, v39;
	v37 =	vbroadcast v37, $0x0;
	v44 =	vld.idx.msk [tilespmem:v29+s20+$0x0], $0xffff  }
0x238: {  	v41 =	vand.u32 $0xFFFFFFFE, v41;
	v39 =	vbroadcast v39, $0x0;
	v54 =	vbroadcast v26, $0x0;
	v26 =	vld.idx.msk [tilespmem:v27+s20+$0x0], $0xffff  }
0x239: {  	v28 =	vand.u32 $0xFFFFFFFE, v28;
	v48 =	vbroadcast v41, $0x0;
	v30 =	vld.idx.msk [tilespmem:v30+s20+$0x0], $0xffff  }
0x23a: {  	s13 =	sadd.s32 $0x2C0, s24;
	v41 =	vbroadcast v49, $0x0;
	v49 =	vbroadcast v28, $0x0;
	v28 =	vld.idx.msk [tilespmem:v46+s20+$0x0], $0xffff  }
0x23b: {  	v47 =	vmov s13;
	v32 =	vld.idx.msk [tilespmem:v32+s20+$0x0], $0xffff  }
0x23c: {  	v47 =	vand.u32 $0xFFFFFFFE, v47;
	v34 =	vld.idx.msk [tilespmem:v34+s20+$0x0], $0xffff  }
0x23d: {  	s30 =	sadd.s32 $0x240, s24;
	v47 =	vbroadcast v47, $0x0;
	v37 =	vld.idx.msk [tilespmem:v37+s20+$0x0], $0xffff  }
0x23e: {  	v45 =	vmov s30;
	v39 =	vld.idx.msk [tilespmem:v39+s20+$0x0], $0xffff  }
0x23f: {  	v45 =	vand.u32 $0xFFFFFFFE, v45;
	v43 =	vbroadcast v43, $0x0;
	v48 =	vld.idx.msk [tilespmem:v48+s20+$0x0], $0xffff  }
0x240: {  	v45 =	vbroadcast v45, $0x0;
	v41 =	vld.idx.msk [tilespmem:v41+s20+$0x0], $0xffff  }
0x241: {  	v27 =	vld.idx.msk [tilespmem:v50+s20+$0x0], $0xffff  }
0x242: {  	v50 =	vld [tilespmem:s23+$0x40E0]  }
0x243: {  	v29 =	vld.idx.msk [tilespmem:v47+s20+$0x0], $0xffff  }
0x244: {  	v47 =	vld [tilespmem:s23+$0x38E0]  }
0x245: {  	v52 =	vmul.f32 v40, v44;
	v40 =	vld.idx.msk [tilespmem:v43+s20+$0x0], $0xffff  }
0x246: {  	v43 =	vld.idx.msk [tilespmem:v45+s20+$0x0], $0xffff  }
0x247: {  	v53 =	vmul.f32 v42, v30;
	v42 =	vld [tilespmem:s23+$0x30E0]  }
0x248: {  	v57 =	vmul.f32 v25, v48;
	v25 =	vld.idx.msk [tilespmem:v49+s20+$0x0], $0xffff  }
0x249: {  	v49 =	vld [tilespmem:s23+$0x38F0]  }
0x24a: {  	v36 =	vmul.f32 v36, v32;
	v55 =	vadd.f32 $0.0e+00, v52;
	v52 =	vld [tilespmem:s23+$0x48C0]  }
0x24b: {  	v38 =	vmul.f32 v38, v34;
	v56 =	vadd.f32 $0.0e+00, v53;
	v53 =	vld [tilespmem:s23+$0x50C0]  }
0x24c: {  	v33 =	vmul.f32 v33, v37;
	v36 =	vadd.f32 v36, v55;
	v58 =	vmul.f32 v24, v40;
	v24 =	vld.idx.msk [tilespmem:v54+s20+$0x0], $0xffff  }
0x24d: {  	v54 =	vld [tilespmem:s23+$0x48E0]  }
0x24e: {  	v35 =	vmul.f32 v35, v39;
	v38 =	vadd.f32 v38, v56;
	v33 =	vadd.f32 v33, v36;
	v36 =	vld [tilespmem:s23+$0x50E0]  }
0x24f: {  	v61 =	vmul.f32 v61, v17;
	v56 =	vmul.f32 v42, v14;
	v42 =	vld [tilespmem:s23+$0x68E0]  }
0x250: {  	v35 =	vadd.f32 v35, v38;
	v38 =	vld [tilespmem:s23+$0x18C0]  }
0x251: {  	v60 =	vmul.f32 v60, v17;
	v17 =	vadd.f32 $0.0e+00, v61;
	v61 =	vmul.f32 v49, v13;
	v49 =	vld [tilespmem:s23+$0x70E0]  }
0x252: {  	v31 =	vmul.f32 v31, v41;
	v45 =	vmul.f32 v52, v48;
	v52 =	vld [tilespmem:s23+$0x70F0]  }
0x253: {  	v33 =	vadd.f32 v57, v33;
	v57 =	vld [tilespmem:s23+$0x30F0]  }
0x254: {  	v31 =	vadd.f32 v31, v35;
	v35 =	vld [tilespmem:s23+$0x28C0]  }
0x255: {  	v23 =	vmul.f32 v23, v43;
	v33 =	vadd.f32 v58, v33;
	v58 =	vld [tilespmem:s23+$0x38C0]  }
0x256: {  	v22 =	vmul.f32 v22, v28;
	v62 =	vmul.f32 v59, v24;
	v59 =	vld [tilespmem:s23+$0x40C0]  }
0x257: {  	v20 =	vmul.f32 v20, v26;
	v21 =	vmul.f32 v21, v29;
	v23 =	vadd.f32 v23, v31;
	v31 =	vld [tilespmem:s23+$0x20C0]  }
0x258: {  	v19 =	vmul.f32 v19, v27;
	v18 =	vmul.f32 v18, v25;
	v22 =	vadd.f32 v22, v33;
	v33 =	vld [tilespmem:s23+$0x20E0]  }
0x259: {  	v46 =	vmul.f32 v53, v41;
	v38 =	vmul.f32 v38, v44;
	v44 =	vld [tilespmem:s23+$0x48F0];
	v21 =	vadd.f32 v21, v23  }
0x25a: {  	v48 =	vmul.f32 v54, v11;
	v53 =	vmul.f32 v36, v10;
	v20 =	vadd.f32 v20, v22;
	v22 =	vld [tilespmem:s23+$0x20F0]  }
0x25b: {  	v32 =	vmul.f32 v35, v32;
	v35 =	vld [tilespmem:s23+$0x50F0];
	v19 =	vadd.f32 v19, v21;
	v21 =	vmul.f32 v63, v15  }
0x25c: {  	v18 =	vadd.f32 v18, v20;
	v20 =	vld [tilespmem:s23+$0x30C0];
	v30 =	vmul.f32 v31, v30;
	v31 =	vadd.f32 $0.0e+00, v60  }
0x25d: {  	v57 =	vmul.f32 v57, v14;
	v60 =	vmul.f32 v47, v13;
	v47 =	vld [tilespmem:s23+$0x68F0];
	v19 =	vadd.f32 v62, v19  }
0x25e: {  	v58 =	vmul.f32 v58, v37;
	v62 =	vadd.f32 $0.0e+00, v38;
	v21 =	vadd.f32 v21, v31;
	v31 =	vld [tilespmem:s23+$0x68C0]  }
0x25f: {  	v59 =	vmul.f32 v59, v39;
	v18 =	vadd.f32 v19, v18;
	v19 =	vld [tilespmem:s23+$0x28F0];
	v63 =	vmul.f32 v22, v16  }
0x260: {  	v33 =	vmul.f32 v33, v16;
	v30 =	vadd.f32 $0.0e+00, v30;
	v23 =	vadd.f32 v32, v62;
	v32 =	vld [tilespmem:s23+$0x60C0]  }
0x261: {  	v22 =	vld [tilespmem:s23+$0x58E0];
	v62 =	vmul.f32 v50, v12;
	v20 =	vmul.f32 v20, v34;
	v16 =	vadd.f32 $0.0e+00, v63  }
0x262: {  	v55 =	vadd.f32 $0.0e+00, v33;
	v54 =	vmul.f32 v35, v10;
	v34 =	vld [tilespmem:s23+$0x58C0];
	v63 =	vmul.f32 v51, v12  }
0x263: {  	[tilespmem:s23+$0x118D0] =	vst v18;
	v18 =	vld [tilespmem:s23+$0x60E0];
	v51 =	vmul.f32 v44, v11;
	v20 =	vadd.f32 v20, v30;
	v14 =	vadd.f32 v57, v16  }
0x264: {  	v41 =	vld [tilespmem:s23+$0x88C0];
	v16 =	vadd.f32 v60, v21;
	v36 =	vmul.f32 v31, v28;
	v38 =	vmul.f32 v19, v15  }
0x265: {  	v37 =	vld [tilespmem:s23+$0x60F0];
	v19 =	vadd.f32 v56, v55;
	v32 =	vmul.f32 v32, v43;
	v20 =	vadd.f32 v59, v20  }
0x266: {  	v30 =	vld [tilespmem:s23+$0x58F0];
	v43 =	vmul.f32 v47, v6;
	v12 =	vadd.f32 v63, v14;
	v14 =	vadd.f32 v48, v16  }
0x267: {  	v57 =	vld [tilespmem:s23+$0x80C0];
	v15 =	vadd.f32 v38, v17;
	v17 =	vadd.f32 v58, v23;
	v56 =	vmul.f32 v34, v40  }
0x268: {  	v44 =	vld [tilespmem:s23+$0x90C0];
	v19 =	vadd.f32 v62, v19;
	v58 =	vmul.f32 v22, v8;
	v63 =	vmul.f32 v18, v9  }
0x269: {  	v55 =	vld [tilespmem:s23+$0x78C0];
	v40 =	vmul.f32 v42, v6;
	v50 =	vadd.f32 v46, v20;
	v10 =	vadd.f32 v54, v12  }
0x26a: {  	v59 =	vld [tilespmem:s23+$0x78E0];
	v46 =	vmul.f32 v52, v7;
	v13 =	vadd.f32 v61, v15;
	v15 =	vadd.f32 v45, v17  }
0x26b: {  	v47 =	vld [tilespmem:s23+$0x88E0];
	v16 =	vadd.f32 v53, v19;
	v61 =	vmul.f32 v30, v8;
	v30 =	vmul.f32 v37, v9  }
0x26c: {  	v23 =	vld [tilespmem:s23+$0x70C0];
	v12 =	vadd.f32 v58, v14;
	v45 =	vmul.f32 v49, v7;
	v49 =	vmul.f32 v57, v27  }
0x26d: {  	v38 =	vld [tilespmem:s23+$0x80F0];
	v58 =	vmul.f32 v41, v25;
	v60 =	vadd.f32 v32, v50;
	v11 =	vadd.f32 v51, v13  }
0x26e: {  	v62 =	vld [tilespmem:s23+$0x78F0];
	v48 =	vmul.f32 v55, v26;
	v13 =	vadd.f32 v56, v15;
	v14 =	vadd.f32 v63, v16  }
0x26f: {  	v32 =	vld [tilespmem:s23+$0x80E0];
	v9 =	vadd.f32 v30, v10;
	v10 =	vadd.f32 v40, v12;
	v51 =	vmul.f32 v59, v5  }
0x270: {  	v52 =	vld [tilespmem:s23+$0x90E0];
	v15 =	vmul.f32 v44, v24;
	v59 =	vmul.f32 v47, v2;
	v8 =	vadd.f32 v61, v11  }
0x271: {  	v55 =	vld [tilespmem:s23+$0x90F0];
	v37 =	vmul.f32 v23, v29;
	v11 =	vadd.f32 v36, v13;
	v12 =	vadd.f32 v45, v14  }
0x272: {  	v50 =	vld [tilespmem:s23+$0x88F0];
	v57 =	vmul.f32 v38, v4;
	v7 =	vadd.f32 v46, v9;
	v9 =	vadd.f32 v51, v10  }
0x273: {  	v54 =	vmul.f32 v62, v5;
	v42 =	vadd.f32 v37, v60;
	v6 =	vadd.f32 v43, v8  }
0x274: {  	v8 =	vadd.f32 v48, v11;
	v56 =	vmul.f32 v32, v4;
	v4 =	vadd.f32 v57, v7  }
0x275: {  	v61 =	vmul.f32 v52, v3;
	v7 =	vadd.f32 v59, v9;
	v53 =	vadd.f32 v49, v42  }
0x276: {  	v3 =	vmul.f32 v55, v3;
	v5 =	vadd.f32 v54, v6;
	v10 =	vadd.f32 v56, v12  }
0x277: {  	v2 =	vmul.f32 v50, v2;
	v6 =	vadd.f32 v58, v8;
	v60 =	vadd.f32 v15, v53  }
0x278: {  	s26 =	sadd.s32 $0x40, s22;
	v3 =	vadd.f32 v3, v4;
	v62 =	vadd.f32 v61, v10  }
0x279: {  	s13 =	sadd.s32 $0xFFFFFFE0, s26;
	v2 =	vadd.f32 v2, v5;
	v6 =	vadd.f32 v60, v6  }
0x27a: {  	s28 =	sshll.u32 s15, $0xF;
	s12 =	sand.u32 $0xE0, s26;
	s13 =	sand.u32 $0x700, s13;
	v63 =	vadd.f32 v62, v7  }
0x27b: {  	s29 =	sadd.s32 s9, s28;
	s12 =	sor.u32 s12, s13;
	v2 =	vadd.f32 v3, v2;
	[tilespmem:s23+$0x118C0] =	vst v6  }
0x27c: {  	s13 =	sshrl.u32 s29, $0x3;
	s30 =	sadd.s32 $0x118C0, s12;
	[tilespmem:s12+$0x118C0] =	vst v63  }
0x27d: {  	s23 =	simm.s32 $0x118C0;
	s12 =	sadd.s32 s2, s13;
	[tilespmem:s30+$0x10] =	vst v2  }
0x27e: {  	[hbm4b:s12+s21] =	stream.strided.scatter [tilespmem:s23], [sflag:$0x3], $0x100, s31, s21, $0x38;
	[tilespmem:$0x128C0] =	vst v63  }
0x27f: {  	s25 =	simm.s32 $0x119C0;
	s24 =	sadd.s32 $0x100, s12  }
0x280: {  	[hbm4b:s24+s21] =	stream.strided.scatter [tilespmem:s25], [sflag:$0x3], $0x100, s31, s21, $0x38;
	[tilespmem:$0x128C0] =	vst v63  }
0x281: {  	s28 =	simm.s32 $0x11AC0;
	s26 =	sadd.s32 $0x200, s12  }
0x282: {  	[hbm4b:s26+s21] =	stream.strided.scatter [tilespmem:s28], [sflag:$0x3], $0x100, s31, s21, $0x38;
	[tilespmem:$0x128C0] =	vst v63  }
0x283: {  	s29 =	sadd.s32 $0x300, s12;
	s30 =	simm.s32 $0x11BC0  }
0x284: {  	[hbm4b:s29+s21] =	stream.strided.scatter [tilespmem:s30], [sflag:$0x3], $0x100, s31, s21, $0x38;
	[tilespmem:$0x128C0] =	vst v63  }
0x285: {  	s23 =	sadd.s32 $0x400, s12;
	s24 =	simm.s32 $0x11CC0  }
0x286: {  	[hbm4b:s23+s21] =	stream.strided.scatter [tilespmem:s24], [sflag:$0x3], $0x100, s31, s21, $0x38;
	[tilespmem:$0x128C0] =	vst v63  }
0x287: {  	p1 =	seq.s32 s15, $0x7;
	s25 =	sadd.s32 $0x500, s12;
	s26 =	simm.s32 $0x11DC0  }
0x288: {  	[hbm4b:s25+s21] =	stream.strided.scatter [tilespmem:s26], [sflag:$0x3], $0x100, s31, s21, $0x38;
	[tilespmem:$0x128C0] =	vst v63  }
.Ltmp3:
0x289: {  	_ = 	snop;
	(pc) =	sbr.rel @p1 .LBB2_11-.Ltmp3, $4  }
0x28a: {  	s28 =	sadd.s32 $0x600, s12;
	s29 =	simm.s32 $0x11EC0  }
0x28b: {  	[hbm4b:s28+s21] =	stream.strided.scatter [tilespmem:s29], [sflag:$0x3], $0x100, s31, s21, $0x38;
	[tilespmem:$0x128C0] =	vst v63  }
0x28c: {  	s22 =	simm.s32 $0x0;
	s12 =	sadd.s32 $0x700, s12;
	s30 =	simm.s32 $0x11FC0  }
0x28d: {  	[hbm4b:s12+s21] =	stream.strided.scatter [tilespmem:s30], [sflag:$0x3], $0x100, s31, s21, $0x38;
	[tilespmem:$0x128C0] =	vst v63  }
.LBB2_9:
0x28e: {  	s23 =	sshra.s32 s22, $0x2  }
0x28f: {  	s12 =	sadd.s32 s23, s18  }
0x290: {  	s30 =	sadd.s32 s23, s14;
	v2 =	vld [tilespmem:s12+$0x0]  }
0x291: {  	v5 =	vld [tilespmem:s30+$0x0]  }
0x292: {  	v4 =	vld [tilespmem:$0x810]  }
0x293: {  	v6 =	vld [tilespmem:$0x800];
	_ =	sdelay $0x1  }
0x294: {  	v3 =	vmul.f32 $6.400000000e+01, v2  }
0x295: {  	v2 =	vmul.f32 $6.400000000e+01, v5  }
0x296: {  	v4 =	vadd.f32 v4, v3  }
0x297: {  	v6 =	vadd.f32 v6, v2  }
0x298: {  	v28 =	vtrunc.f32 v4  }
0x299: {  	v9 =	vtrunc.f32 v6;
	v7 =	vcvt.f32.s32 v28;
	vm0 =	vlt.f32 v4, v28  }
0x29a: {  	v29 =	vcvt.f32.s32 v9;
	vm15 =	vlt.f32 v6, v9;
	v5 =	vsel vm0, $0xFFFFFFFF, v1  }
0x29b: {  	v10 =	vsel vm15, $0xFFFFFFFF, v1;
	v5 =	vadd.s32 v7, v5  }
0x29c: {  	v7 =	vadd.s32 v29, v10;
	v30 =	vcvt.s32.f32 v5  }
0x29d: {  	v31 =	vcvt.s32.f32 v7;
	v32 =	vadd.s32 $0x1, v7;
	v33 =	vadd.s32 $0x1, v5  }
0x29e: {  	vm4 =	vgt.s32 v7, $0x0;
	vm2 =	vgt.s32 v5, $0x0;
	v17 =	vor.u32 v7, v5  }
0x29f: {  	v8 =	vld [tilespmem:$0x820];
	vm1 =	vgt.s32 v32, $0x0;
	v11 =	vnsel vm4, $0x0, v7;
	v13 =	vnsel vm2, $0x0, v5  }
0x2a0: {  	vm5 =	vgt.s32 v33, $0x0;
	vm6 =	vlt.u32 v17, $0x40;
	v4 =	vsub.f32 v4, v30  }
0x2a1: {  	v6 =	vsub.f32 v6, v31;
	v12 =	vnsel vm1, $0x0, v32;
	v11 =	vmin.u32 v11, $0x3F  }
0x2a2: {  	v13 =	vmin.u32 v13, $0x3F;
	v15 =	vnsel vm5, $0x0, v33;
	v12 =	vmin.u32 v12, $0x3F  }
0x2a3: {  	v14 =	vshll.u32 v11, $0x3;
	v11 =	vshll.u32 v11, $0x2;
	v15 =	vmin.u32 v15, $0x3F  }
0x2a4: {  	v13 =	vshll.u32 v13, $0x9;
	v4 =	vmul.f32 v4, v8;
	v14 =	vand.u32 $0x1C0, v14  }
0x2a5: {  	v11 =	vand.u32 $0x1C, v11;
	v34 =	vshll.u32 v12, $0x3;
	v12 =	vshll.u32 v12, $0x2  }
0x2a6: {  	v16 =	vsub.f32 $1.000000000e+00, v6;
	v15 =	vshll.u32 v15, $0x9;
	v11 =	vor.u32 v14, v11  }
0x2a7: {  	v14 =	vand.u32 $0x1C0, v34;
	v12 =	vand.u32 $0x1C, v12;
	v11 =	vor.u32 v0, v11  }
0x2a8: {  	v8 =	vsub.f32 v8, v4;
	v12 =	vor.u32 v14, v12;
	v18 =	vadd.s32 v13, v11  }
0x2a9: {  	v7 =	vor.u32 v7, v33;
	v12 =	vor.u32 v0, v12;
	v11 =	vadd.s32 v15, v11;
	[tilespmem:s23+$0x8C0] =	vst v18  }
0x2aa: {  	v5 =	vor.u32 v32, v5;
	v35 =	vmul.f32 v8, v16;
	[tilespmem:s23+$0x900] =	vst v11;
	v38 =	vadd.s32 v13, v12  }
0x2ab: {  	v39 =	vor.u32 v32, v33;
	v16 =	vmul.f32 v4, v16;
	v41 =	vadd.s32 v15, v12;
	[tilespmem:s23+$0x940] =	vst v38  }
0x2ac: {  	vm7 =	vlt.u32 v7, $0x40;
	v36 =	vmul.f32 v8, v6;
	[tilespmem:s23+$0x980] =	vst v41;
	v14 =	vnsel vm6, $0x0, v35  }
0x2ad: {  	vm8 =	vlt.u32 v5, $0x40;
	v4 =	vmul.f32 v4, v6;
	v37 =	vnsel vm7, $0x0, v16;
	[tilespmem:s23+$0x10C0] =	vst v14  }
0x2ae: {  	vm9 =	vlt.u32 v39, $0x40;
	v40 =	vnsel vm8, $0x0, v36;
	[tilespmem:s23+$0x1100] =	vst v37  }
0x2af: {  	v4 =	vnsel vm9, $0x0, v4;
	[tilespmem:s23+$0x1140] =	vst v40  }
0x2b0: {  	[tilespmem:s23+$0x1180] =	vst v4  }
0x2b1: {  	v4 =	vld [tilespmem:$0x840]  }
0x2b2: {  	v42 =	vld [tilespmem:$0x830];
	_ =	sdelay $0x3  }
0x2b3: {  	v4 =	vadd.f32 v4, v3  }
0x2b4: {  	v5 =	vadd.f32 v42, v2  }
0x2b5: {  	v43 =	vtrunc.f32 v4  }
0x2b6: {  	v45 =	vtrunc.f32 v5;
	v44 =	vcvt.f32.s32 v43;
	vm10 =	vlt.f32 v4, v43  }
0x2b7: {  	v46 =	vcvt.f32.s32 v45;
	vm11 =	vlt.f32 v5, v45;
	v6 =	vsel vm10, $0xFFFFFFFF, v1  }
0x2b8: {  	v48 =	vsel vm11, $0xFFFFFFFF, v1;
	v6 =	vadd.s32 v44, v6  }
0x2b9: {  	v7 =	vadd.s32 v46, v48;
	v47 =	vcvt.s32.f32 v6  }
0x2ba: {  	v49 =	vcvt.s32.f32 v7;
	v50 =	vadd.s32 $0x1, v7;
	v51 =	vadd.s32 $0x1, v6  }
0x2bb: {  	vm12 =	vgt.s32 v7, $0x0;
	vm14 =	vgt.s32 v6, $0x0;
	v60 =	vor.u32 v7, v6  }
0x2bc: {  	v8 =	vld [tilespmem:$0x850];
	vm13 =	vgt.s32 v50, $0x0;
	v52 =	vnsel vm12, $0x0, v7;
	v54 =	vnsel vm14, $0x0, v6  }
0x2bd: {  	vm15 =	vgt.s32 v51, $0x0;
	v7 =	vor.u32 v7, v51;
	v4 =	vsub.f32 v4, v47  }
0x2be: {  	v5 =	vsub.f32 v5, v49;
	v53 =	vnsel vm13, $0x0, v50;
	v11 =	vmin.u32 v52, $0x3F  }
0x2bf: {  	v13 =	vmin.u32 v54, $0x3F;
	v56 =	vnsel vm15, $0x0, v51;
	v12 =	vmin.u32 v53, $0x3F  }
0x2c0: {  	v55 =	vshll.u32 v11, $0x3;
	v11 =	vshll.u32 v11, $0x2;
	v15 =	vmin.u32 v56, $0x3F  }
0x2c1: {  	v13 =	vshll.u32 v13, $0x9;
	v4 =	vmul.f32 v4, v8;
	v14 =	vand.u32 $0x1C0, v55  }
0x2c2: {  	v11 =	vand.u32 $0x1C, v11;
	v57 =	vshll.u32 v12, $0x3;
	v12 =	vshll.u32 v12, $0x2  }
0x2c3: {  	v58 =	vsub.f32 $1.000000000e+00, v5;
	v15 =	vshll.u32 v15, $0x9;
	v11 =	vor.u32 v14, v11  }
0x2c4: {  	v14 =	vand.u32 $0x1C0, v57;
	v12 =	vand.u32 $0x1C, v12;
	v11 =	vor.u32 v0, v11  }
0x2c5: {  	v8 =	vsub.f32 v8, v4;
	v16 =	vmul.f32 v4, v58;
	v61 =	vadd.s32 v13, v11  }
0x2c6: {  	vm5 =	vlt.u32 v7, $0x40;
	v12 =	vor.u32 v14, v12;
	v11 =	vadd.s32 v15, v11;
	[tilespmem:s23+$0x9C0] =	vst v61  }
0x2c7: {  	v12 =	vor.u32 v0, v12;
	v59 =	vmul.f32 v8, v58;
	[tilespmem:s23+$0xA00] =	vst v11;
	v63 =	vnsel vm5, $0x0, v16  }
0x2c8: {  	vm4 =	vlt.u32 v60, $0x40;
	v6 =	vor.u32 v50, v6;
	v13 =	vadd.s32 v13, v12;
	[tilespmem:s23+$0x1200] =	vst v63  }
0x2c9: {  	vm6 =	vlt.u32 v6, $0x40;
	v62 =	vmul.f32 v8, v5;
	[tilespmem:s23+$0xA40] =	vst v13;
	v14 =	vnsel vm4, $0x0, v59  }
0x2ca: {  	v4 =	vmul.f32 v4, v5;
	v15 =	vadd.s32 v15, v12;
	[tilespmem:s23+$0x11C0] =	vst v14;
	v14 =	vor.u32 v50, v51  }
0x2cb: {  	[tilespmem:s23+$0xA80] =	vst v15;
	v6 =	vnsel vm6, $0x0, v62;
	vm7 =	vlt.u32 v14, $0x40  }
0x2cc: {  	[tilespmem:s23+$0x1240] =	vst v6;
	v4 =	vnsel vm7, $0x0, v4  }
0x2cd: {  	[tilespmem:s23+$0x1280] =	vst v4  }
0x2ce: {  	v4 =	vld [tilespmem:$0x870]  }
0x2cf: {  	v16 =	vld [tilespmem:$0x860];
	_ =	sdelay $0x3  }
0x2d0: {  	v4 =	vadd.f32 v4, v3  }
0x2d1: {  	v5 =	vadd.f32 v16, v2  }
0x2d2: {  	v17 =	vtrunc.f32 v4  }
0x2d3: {  	v19 =	vtrunc.f32 v5;
	v18 =	vcvt.f32.s32 v17;
	vm8 =	vlt.f32 v4, v17  }
0x2d4: {  	v20 =	vcvt.f32.s32 v19;
	vm9 =	vlt.f32 v5, v19;
	v6 =	vsel vm8, $0xFFFFFFFF, v1  }
0x2d5: {  	v22 =	vsel vm9, $0xFFFFFFFF, v1;
	v6 =	vadd.s32 v18, v6  }
0x2d6: {  	v7 =	vadd.s32 v20, v22;
	v21 =	vcvt.s32.f32 v6  }
0x2d7: {  	v23 =	vcvt.s32.f32 v7;
	v24 =	vadd.s32 $0x1, v7;
	v25 =	vadd.s32 $0x1, v6  }
0x2d8: {  	vm10 =	vgt.s32 v7, $0x0;
	vm12 =	vgt.s32 v6, $0x0;
	v34 =	vor.u32 v7, v6  }
0x2d9: {  	v8 =	vld [tilespmem:$0x880];
	vm11 =	vgt.s32 v24, $0x0;
	v26 =	vnsel vm10, $0x0, v7;
	v28 =	vnsel vm12, $0x0, v6  }
0x2da: {  	vm13 =	vgt.s32 v25, $0x0;
	vm14 =	vlt.u32 v34, $0x40;
	v7 =	vor.u32 v7, v25  }
0x2db: {  	v4 =	vsub.f32 v4, v21;
	v5 =	vsub.f32 v5, v23;
	v27 =	vnsel vm11, $0x0, v24  }
0x2dc: {  	v11 =	vmin.u32 v26, $0x3F;
	v13 =	vmin.u32 v28, $0x3F;
	v30 =	vnsel vm13, $0x0, v25  }
0x2dd: {  	v12 =	vmin.u32 v27, $0x3F;
	v29 =	vshll.u32 v11, $0x3;
	v11 =	vshll.u32 v11, $0x2  }
0x2de: {  	v15 =	vmin.u32 v30, $0x3F;
	v13 =	vshll.u32 v13, $0x9;
	v4 =	vmul.f32 v4, v8  }
0x2df: {  	v14 =	vand.u32 $0x1C0, v29;
	v11 =	vand.u32 $0x1C, v11;
	v31 =	vshll.u32 v12, $0x3  }
0x2e0: {  	v12 =	vshll.u32 v12, $0x2;
	v32 =	vsub.f32 $1.000000000e+00, v5;
	v11 =	vor.u32 v14, v11  }
0x2e1: {  	v15 =	vshll.u32 v15, $0x9;
	v14 =	vand.u32 $0x1C0, v31;
	v11 =	vor.u32 v0, v11  }
0x2e2: {  	v12 =	vand.u32 $0x1C, v12;
	v16 =	vmul.f32 v4, v32;
	v35 =	vadd.s32 v13, v11  }
0x2e3: {  	vm15 =	vlt.u32 v7, $0x40;
	v12 =	vor.u32 v14, v12;
	v11 =	vadd.s32 v15, v11;
	[tilespmem:s23+$0xAC0] =	vst v35  }
0x2e4: {  	v8 =	vsub.f32 v8, v4;
	v12 =	vor.u32 v0, v12;
	[tilespmem:s23+$0xB00] =	vst v11;
	v37 =	vnsel vm15, $0x0, v16  }
0x2e5: {  	v39 =	vor.u32 v24, v25;
	v4 =	vmul.f32 v4, v5;
	v38 =	vadd.s32 v13, v12;
	[tilespmem:s23+$0x1300] =	vst v37  }
0x2e6: {  	vm5 =	vlt.u32 v39, $0x40;
	v33 =	vmul.f32 v8, v32;
	v40 =	vadd.s32 v15, v12;
	[tilespmem:s23+$0xB40] =	vst v38  }
0x2e7: {  	v6 =	vor.u32 v24, v6;
	v36 =	vmul.f32 v8, v5;
	v4 =	vnsel vm5, $0x0, v4;
	[tilespmem:s23+$0xB80] =	vst v40  }
0x2e8: {  	vm4 =	vlt.u32 v6, $0x40;
	[tilespmem:s23+$0x1380] =	vst v4;
	v14 =	vnsel vm14, $0x0, v33  }
0x2e9: {  	v6 =	vnsel vm4, $0x0, v36;
	[tilespmem:s23+$0x12C0] =	vst v14  }
0x2ea: {  	[tilespmem:s23+$0x1340] =	vst v6  }
0x2eb: {  	v4 =	vld [tilespmem:$0x8A0]  }
0x2ec: {  	v41 =	vld [tilespmem:$0x890];
	_ =	sdelay $0x3  }
0x2ed: {  	v3 =	vadd.f32 v4, v3  }
0x2ee: {  	v2 =	vadd.f32 v41, v2  }
0x2ef: {  	v4 =	vtrunc.f32 v3  }
0x2f0: {  	v43 =	vtrunc.f32 v2;
	v42 =	vcvt.f32.s32 v4;
	vm6 =	vlt.f32 v3, v4  }
0x2f1: {  	v44 =	vcvt.f32.s32 v43;
	vm7 =	vlt.f32 v2, v43;
	v4 =	vsel vm6, $0xFFFFFFFF, v1  }
0x2f2: {  	v46 =	vsel vm7, $0xFFFFFFFF, v1;
	v4 =	vadd.s32 v42, v4  }
0x2f3: {  	v5 =	vadd.s32 v44, v46;
	v45 =	vcvt.s32.f32 v4  }
0x2f4: {  	v47 =	vcvt.s32.f32 v5;
	v48 =	vadd.s32 $0x1, v5;
	v49 =	vadd.s32 $0x1, v4  }
0x2f5: {  	vm8 =	vgt.s32 v5, $0x0;
	vm10 =	vgt.s32 v4, $0x0;
	v58 =	vor.u32 v5, v4  }
0x2f6: {  	v6 =	vld [tilespmem:$0x8B0];
	vm9 =	vgt.s32 v48, $0x0;
	v50 =	vnsel vm8, $0x0, v5;
	v52 =	vnsel vm10, $0x0, v4  }
0x2f7: {  	vm11 =	vgt.s32 v49, $0x0;
	v5 =	vor.u32 v5, v49;
	v3 =	vsub.f32 v3, v45  }
0x2f8: {  	v2 =	vsub.f32 v2, v47;
	v51 =	vnsel vm9, $0x0, v48;
	v9 =	vmin.u32 v50, $0x3F  }
0x2f9: {  	v11 =	vmin.u32 v52, $0x3F;
	v54 =	vnsel vm11, $0x0, v49;
	vm13 =	vlt.u32 v5, $0x40  }
0x2fa: {  	v10 =	vmin.u32 v51, $0x3F;
	v53 =	vshll.u32 v9, $0x3;
	v9 =	vshll.u32 v9, $0x2  }
0x2fb: {  	v13 =	vmin.u32 v54, $0x3F;
	v11 =	vshll.u32 v11, $0x9;
	v3 =	vmul.f32 v3, v6  }
0x2fc: {  	v12 =	vand.u32 $0x1C0, v53;
	v9 =	vand.u32 $0x1C, v9;
	v55 =	vshll.u32 v10, $0x3  }
0x2fd: {  	v10 =	vshll.u32 v10, $0x2;
	v56 =	vsub.f32 $1.000000000e+00, v2;
	v9 =	vor.u32 v12, v9  }
0x2fe: {  	v13 =	vshll.u32 v13, $0x9;
	v12 =	vand.u32 $0x1C0, v55;
	v9 =	vor.u32 v0, v9  }
0x2ff: {  	v10 =	vand.u32 $0x1C, v10;
	v14 =	vmul.f32 v3, v56;
	v59 =	vadd.s32 v11, v9  }
0x300: {  	v6 =	vsub.f32 v6, v3;
	v10 =	vor.u32 v12, v10;
	v9 =	vadd.s32 v13, v9;
	[tilespmem:s23+$0xBC0] =	vst v59  }
0x301: {  	vm12 =	vlt.u32 v58, $0x40;
	v10 =	vor.u32 v0, v10;
	[tilespmem:s23+$0xC00] =	vst v9;
	v61 =	vnsel vm13, $0x0, v14  }
0x302: {  	p1 =	sne.s32 s22, $0xC0;
	v4 =	vor.u32 v48, v4;
	v57 =	vmul.f32 v6, v56;
	v62 =	vadd.s32 v11, v10;
	[tilespmem:s23+$0x1400] =	vst v61  }
.Ltmp4:
0x303: {  	vm14 =	vlt.u32 v4, $0x40;
	v60 =	vmul.f32 v6, v2;
	v63 =	vadd.s32 v13, v10;
	[tilespmem:s23+$0xC40] =	vst v62;
	(pc) =	sbr.rel @p1 .LBB2_9-.Ltmp4, $4  }
0x304: {  	v2 =	vmul.f32 v3, v2;
	v3 =	vor.u32 v48, v49;
	[tilespmem:s23+$0xC80] =	vst v63;
	v12 =	vnsel vm12, $0x0, v57  }
0x305: {  	vm15 =	vlt.u32 v3, $0x40;
	v4 =	vnsel vm14, $0x0, v60;
	[tilespmem:s23+$0x13C0] =	vst v12  }
0x306: {  	v2 =	vnsel vm15, $0x0, v2;
	[tilespmem:s23+$0x1440] =	vst v4  }
0x307: {  	s22 =	sadd.s32 $0x40, s22;
	[tilespmem:s23+$0x1480] =	vst v2  }
0x308: {  	s12 =	simm.s32 $0x8C0;
	s13 =	simm.s32 $0x18C0  }
0x309: {  	[tilespmem:s13], [sflag:$0x1] =	stream.indirect.gather [hbm4b:s4+s31], $0x20, s12, s31, $0xb8;
	[tilespmem:$0x128C0] =	vst v63  }
0x30a: {  	s24 =	simm.s32 $0x940;
	s25 =	simm.s32 $0x28C0  }
0x30b: {  	[tilespmem:s25], [sflag:$0x1] =	stream.indirect.gather [hbm4b:s4+s31], $0x20, s24, s31, $0xb8;
	[tilespmem:$0x128C0] =	vst v63  }
0x30c: {  	s26 =	simm.s32 $0x9C0;
	s28 =	simm.s32 $0x38C0  }
0x30d: {  	[tilespmem:s28], [sflag:$0x1] =	stream.indirect.gather [hbm4b:s4+s31], $0x20, s26, s31, $0xb8;
	[tilespmem:$0x128C0] =	vst v63  }
0x30e: {  	s29 =	simm.s32 $0xA40;
	s30 =	simm.s32 $0x48C0  }
0x30f: {  	[tilespmem:s30], [sflag:$0x1] =	stream.indirect.gather [hbm4b:s4+s31], $0x20, s29, s31, $0xb8;
	[tilespmem:$0x128C0] =	vst v63  }
0x310: {  	s22 =	simm.s32 $0xAC0;
	s23 =	simm.s32 $0x58C0  }
0x311: {  	[tilespmem:s23], [sflag:$0x1] =	stream.indirect.gather [hbm4b:s4+s31], $0x20, s22, s31, $0xb8;
	[tilespmem:$0x128C0] =	vst v63  }
0x312: {  	s24 =	simm.s32 $0xB40;
	s25 =	simm.s32 $0x68C0  }
0x313: {  	[tilespmem:s25], [sflag:$0x1] =	stream.indirect.gather [hbm4b:s4+s31], $0x20, s24, s31, $0xb8;
	[tilespmem:$0x128C0] =	vst v63  }
0x314: {  	s26 =	simm.s32 $0xBC0;
	s28 =	simm.s32 $0x78C0  }
0x315: {  	[tilespmem:s28], [sflag:$0x1] =	stream.indirect.gather [hbm4b:s4+s31], $0x20, s26, s31, $0xb8;
	[tilespmem:$0x128C0] =	vst v63  }
0x316: {  	s29 =	simm.s32 $0xC40;
	s30 =	simm.s32 $0x88C0  }
0x317: {  	[tilespmem:s30], [sflag:$0x1] =	stream.indirect.gather [hbm4b:s4+s31], $0x20, s29, s31, $0xb8;
	[tilespmem:$0x128C0] =	vst v63  }
.LBB2_11:
0x318: {  	_ =	swait.ge [sflag:s0], $0x1000  }
0x319: {  	[sflag:s0] =	ssyncset.done $0x0  }
0x31a: {  	[sflag:s0] =	ssyncadd.s32 $0xFFFFF000  }
0x31b: {  	_ =	swait.ge [sflag:s0], $0x1000  }
0x31c: {  	[sflag:s0] =	ssyncset.done $0x0  }
0x31d: {  	[sflag:s0] =	ssyncadd.s32 $0xFFFFF000  }
0x31e: {  	_ =	swait.ge [sflag:s0], $0x1000  }
0x31f: {  	[sflag:s0] =	ssyncset.done $0x0  }
0x320: {  	[sflag:s0] =	ssyncadd.s32 $0xFFFFF000  }
0x321: {  	_ =	swait.ge [sflag:s0], $0x1000  }
0x322: {  	[sflag:s0] =	ssyncset.done $0x0  }
0x323: {  	[sflag:s0] =	ssyncadd.s32 $0xFFFFF000  }
0x324: {  	_ =	swait.ge [sflag:s0], $0x1000  }
0x325: {  	[sflag:s0] =	ssyncset.done $0x0  }
0x326: {  	[sflag:s0] =	ssyncadd.s32 $0xFFFFF000  }
0x327: {  	_ =	swait.ge [sflag:s0], $0x1000  }
0x328: {  	[sflag:s0] =	ssyncset.done $0x0  }
0x329: {  	[sflag:s0] =	ssyncadd.s32 $0xFFFFF000  }
0x32a: {  	_ =	swait.ge [sflag:s0], $0x1000  }
0x32b: {  	[sflag:s0] =	ssyncset.done $0x0  }
0x32c: {  	[sflag:s0] =	ssyncadd.s32 $0xFFFFF000  }
0x32d: {  	s12 =	simm.s32 $0x381;
	_ =	swait.ge [sflag:s0], $0x1000  }
0x32e: {  	s30 =	simm.s32 $0x3C1;
	v2 =	vmov s12;
	[sflag:s0] =	ssyncset.done $0x0  }
0x32f: {  	s13 =	simm.s32 @!p0 $0x4;
	s22 =	simm.s32 $0x301;
	v3 =	vmov s30;
	[sflag:s0] =	ssyncadd.s32 $0xFFFFF000  }
0x330: {  	v4 =	vmov s22;
	s22 =	simm.s32 $0x341;
	_ =	swait.ge @!p0 [sflag:s13], $0x800  }
0x331: {  	s23 =	simm.s32 $0x281;
	v5 =	vmov s22;
	[sflag:s13] =	ssyncset.done @!p0 $0x0  }
0x332: {  	s24 =	simm.s32 $0x2C1;
	v6 =	vmov s23;
	[sflag:s13] =	ssyncadd.s32 @!p0 $0xFFFFF800  }
0x333: {  	v8 =	vmov s24;
	s30 =	simm.s32 $0x181;
	v18 =	vld.idx.msk [tilespmem:v2+s1+$0x0], $0xffff  }
0x334: {  	v9 =	vmov s30;
	s30 =	simm.s32 $0x1;
	v19 =	vld.idx.msk [tilespmem:v3+s1+$0x0], $0xffff  }
0x335: {  	v17 =	vmov s30;
	v12 =	vld.idx.msk [tilespmem:v4+s1+$0x0], $0xffff  }
0x336: {  	v14 =	vld.idx.msk [tilespmem:v5+s1+$0x0], $0xffff  }
0x337: {  	v7 =	vld.idx.msk [tilespmem:v6+s1+$0x0], $0xffff  }
0x338: {  	v10 =	vld.idx.msk [tilespmem:v8+s1+$0x0], $0xffff  }
0x339: {  	s24 =	simm.s32 $0x141;
	v5 =	vld.idx.msk [tilespmem:v9+s1+$0x0], $0xffff  }
0x33a: {  	v13 =	vmov s24;
	s24 =	simm.s32 $0x0;
	v22 =	vld.idx.msk [tilespmem:v17+s1+$0x0], $0xffff  }
0x33b: {  	v21 =	vld [tilespmem:s24+$0x108D0]  }
0x33c: {  	v27 =	vld [tilespmem:s24+$0xF8D0]  }
0x33d: {  	v25 =	vld [tilespmem:s24+$0x100D0]  }
0x33e: {  	v30 =	vld [tilespmem:s24+$0xE8D0]  }
0x33f: {  	v29 =	vld [tilespmem:s24+$0xF0D0]  }
0x340: {  	v31 =	vld [tilespmem:s24+$0xD8D0]  }
0x341: {  	s30 =	simm.s32 $0x100;
	v32 =	vld [tilespmem:s24+$0xE0D0]  }
0x342: {  	v23 =	vmov s30;
	v33 =	vld [tilespmem:s24+$0xC8D0]  }
0x343: {  	v23 =	vand.u32 $0xFFFFFFFE, v23;
	v34 =	vld [tilespmem:s24+$0xD0D0]  }
0x344: {  	v23 =	vbroadcast v23, $0x0;
	v35 =	vld [tilespmem:s24+$0xB8D0]  }
0x345: {  	v36 =	vld [tilespmem:s24+$0xC0D0]  }
0x346: {  	v37 =	vld [tilespmem:s24+$0xA8D0]  }
0x347: {  	v38 =	vld [tilespmem:s24+$0xB0D0]  }
0x348: {  	s26 =	simm.s32 $0x241;
	v39 =	vld [tilespmem:s24+$0x98D0]  }
0x349: {  	s22 =	simm.s32 $0x1C1;
	v3 =	vmov s26;
	v40 =	vld [tilespmem:s24+$0xA0D0]  }
0x34a: {  	s23 =	simm.s32 $0x101;
	v11 =	vmov s22;
	v46 =	vld.idx.msk [tilespmem:v23+s1+$0x0], $0xffff  }
0x34b: {  	v6 =	vmov s23;
	v53 =	vld [tilespmem:s24+$0x98F0]  }
0x34c: {  	v54 =	vld [tilespmem:s24+$0xA0E0]  }
0x34d: {  	v55 =	vld [tilespmem:s24+$0xA0F0]  }
0x34e: {  	s26 =	simm.s32 $0xC1;
	v4 =	vld.idx.msk [tilespmem:v3+s1+$0x0], $0xffff  }
0x34f: {  	s13 =	simm.s32 $0x41;
	v16 =	vmov s26;
	s26 =	simm.s32 $0xC0;
	v3 =	vld.idx.msk [tilespmem:v11+s1+$0x0], $0xffff  }
0x350: {  	s23 =	simm.s32 $0x40;
	v17 =	vmov s26;
	v11 =	vmov s13;
	v8 =	vld.idx.msk [tilespmem:v6+s1+$0x0], $0xffff  }
0x351: {  	v17 =	vand.u32 $0xFFFFFFFE, v17;
	v6 =	vld.idx.msk [tilespmem:v13+s1+$0x0], $0xffff;
	v13 =	vmov s23  }
0x352: {  	v58 =	vld [tilespmem:s24+$0xA8E0];
	v17 =	vbroadcast v17, $0x0;
	v13 =	vand.u32 $0xFFFFFFFE, v13  }
0x353: {  	v59 =	vld [tilespmem:s24+$0xA8F0];
	v13 =	vbroadcast v13, $0x0  }
0x354: {  	s22 =	simm.s32 $0x0;
	v60 =	vld [tilespmem:s24+$0xB0E0]  }
0x355: {  	s25 =	simm.s32 $0x201;
	s13 =	simm.s32 $0x140;
	v20 =	vld.idx.msk [tilespmem:v11+s1+$0x0], $0xffff;
	v11 =	vmov s22  }
0x356: {  	v2 =	vmov s25;
	s25 =	simm.s32 $0x81;
	v61 =	vld [tilespmem:s24+$0xB0F0];
	v24 =	vmov s13;
	v11 =	vand.u32 $0xFFFFFFFE, v11  }
0x357: {  	v15 =	vmov s25;
	s25 =	simm.s32 $0x80;
	v9 =	vld.idx.msk [tilespmem:v16+s1+$0x0], $0xffff;
	v24 =	vand.u32 $0xFFFFFFFE, v24;
	v11 =	vbroadcast v11, $0x0  }
0x358: {  	v16 =	vmov s25;
	v24 =	vbroadcast v24, $0x0;
	v45 =	vld.idx.msk [tilespmem:v17+s1+$0x0], $0xffff  }
0x359: {  	v16 =	vand.u32 $0xFFFFFFFE, v16;
	v42 =	vld.idx.msk [tilespmem:v13+s1+$0x0], $0xffff  }
0x35a: {  	v62 =	vld [tilespmem:s24+$0xB8C0];
	v16 =	vbroadcast v16, $0x0;
	s22 =	simm.s32 $0x180  }
0x35b: {  	s30 =	simm.s32 $0x280;
	v63 =	vld [tilespmem:s24+$0xC0C0];
	s23 =	simm.s32 $0x1C0;
	v26 =	vmov s22  }
0x35c: {  	v43 =	vmov s30;
	v2 =	vld.idx.msk [tilespmem:v2+s1+$0x0], $0xffff;
	v28 =	vmov s23;
	s22 =	simm.s32 $0x300;
	v26 =	vand.u32 $0xFFFFFFFE, v26  }
0x35d: {  	s25 =	simm.s32 $0x200;
	v56 =	vmov s22;
	v38 =	vmul.f32 v38, v45;
	v41 =	vld.idx.msk [tilespmem:v11+s1+$0x0], $0xffff;
	v11 =	vbroadcast v26, $0x0  }
0x35e: {  	s26 =	simm.s32 $0x240;
	v47 =	vld.idx.msk [tilespmem:v24+s1+$0x0], $0xffff;
	v26 =	vand.u32 $0xFFFFFFFE, v28;
	v28 =	vmov s25;
	v40 =	vmul.f32 v40, v42  }
0x35f: {  	v15 =	vld.idx.msk [tilespmem:v15+s1+$0x0], $0xffff;
	v13 =	vbroadcast v26, $0x0;
	v26 =	vand.u32 $0xFFFFFFFE, v28;
	v28 =	vmov s26  }
0x360: {  	v44 =	vld.idx.msk [tilespmem:v16+s1+$0x0], $0xffff;
	v16 =	vbroadcast v26, $0x0;
	v26 =	vand.u32 $0xFFFFFFFE, v28;
	v40 =	vadd.f32 $0.0e+00, v40  }
0x361: {  	s25 =	simm.s32 $0x380;
	v17 =	vbroadcast v26, $0x0;
	v26 =	vand.u32 $0xFFFFFFFE, v43;
	v43 =	vand.u32 $0xFFFFFFFE, v56;
	v56 =	vld [tilespmem:s24+$0xA8C0]  }
0x362: {  	v24 =	vmov s25;
	v38 =	vadd.f32 v38, v40;
	v40 =	vld [tilespmem:s24+$0xB8F0]  }
0x363: {  	v36 =	vmul.f32 v36, v47;
	v24 =	vand.u32 $0xFFFFFFFE, v24;
	v49 =	vld.idx.msk [tilespmem:v11+s1+$0x0], $0xffff  }
0x364: {  	s13 =	simm.s32 $0x2C0;
	v51 =	vbroadcast v24, $0x0;
	v11 =	vbroadcast v43, $0x0;
	v43 =	vld [tilespmem:s24+$0x110D0]  }
0x365: {  	s23 =	simm.s32 $0x340;
	v37 =	vmul.f32 v37, v44;
	v28 =	vmov s13;
	v36 =	vadd.f32 v36, v38;
	v38 =	vld [tilespmem:s24+$0xC0F0]  }
0x366: {  	v23 =	vbroadcast v26, $0x0;
	v26 =	vand.u32 $0xFFFFFFFE, v28;
	v28 =	vmov s23;
	v50 =	vld.idx.msk [tilespmem:v13+s1+$0x0], $0xffff  }
0x367: {  	s26 =	simm.s32 $0x3C0;
	v48 =	vbroadcast v26, $0x0;
	v26 =	vand.u32 $0xFFFFFFFE, v28;
	v39 =	vmul.f32 v39, v41;
	v28 =	vld.idx.msk [tilespmem:v16+s1+$0x0], $0xffff  }
0x368: {  	v57 =	vbroadcast v26, $0x0;
	v26 =	vmov s26;
	v44 =	vmul.f32 v56, v44;
	v56 =	vld [tilespmem:s24+$0xE8E0]  }
0x369: {  	v13 =	vand.u32 $0xFFFFFFFE, v26;
	v26 =	vld.idx.msk [tilespmem:v17+s1+$0x0], $0xffff  }
0x36a: {  	v39 =	vadd.f32 $0.0e+00, v39;
	v16 =	vld.idx.msk [tilespmem:v51+s1+$0x0], $0xffff  }
0x36b: {  	v51 =	vld [tilespmem:s24+$0xA0C0]  }
0x36c: {  	v37 =	vadd.f32 v37, v39;
	v39 =	vld [tilespmem:s24+$0xB8E0]  }
0x36d: {  	v24 =	vld.idx.msk [tilespmem:v23+s1+$0x0], $0xffff  }
0x36e: {  	v35 =	vmul.f32 v35, v46;
	v23 =	vld.idx.msk [tilespmem:v48+s1+$0x0], $0xffff  }
0x36f: {  	v52 =	vbroadcast v13, $0x0;
	v48 =	vld [tilespmem:s24+$0x98C0]  }
0x370: {  	v35 =	vadd.f32 v35, v37;
	v37 =	vld [tilespmem:s24+$0xC0E0]  }
0x371: {  	v11 =	vld.idx.msk [tilespmem:v11+s1+$0x0], $0xffff  }
0x372: {  	v33 =	vmul.f32 v33, v49;
	v13 =	vld.idx.msk [tilespmem:v57+s1+$0x0], $0xffff  }
0x373: {  	v57 =	vld [tilespmem:s24+$0xB0C0]  }
0x374: {  	v33 =	vadd.f32 v33, v35;
	v35 =	vld [tilespmem:s24+$0xC8C0]  }
0x375: {  	v34 =	vmul.f32 v34, v50;
	v17 =	vld.idx.msk [tilespmem:v52+s1+$0x0], $0xffff  }
0x376: {  	v52 =	vld [tilespmem:s24+$0x98E0]  }
0x377: {  	v31 =	vmul.f32 v31, v28;
	v34 =	vadd.f32 v34, v36;
	v36 =	vld [tilespmem:s24+$0xD0C0]  }
0x378: {  	v32 =	vmul.f32 v32, v26;
	v42 =	vmul.f32 v51, v42;
	v51 =	vld [tilespmem:s24+$0xE0F0]  }
0x379: {  	v39 =	vmul.f32 v39, v8;
	v8 =	vmul.f32 v40, v8;
	v40 =	vld [tilespmem:s24+$0x110E0]  }
0x37a: {  	v31 =	vadd.f32 v31, v33;
	v33 =	vld [tilespmem:s24+$0xC8E0]  }
0x37b: {  	v30 =	vmul.f32 v30, v24;
	v32 =	vadd.f32 v32, v34;
	v29 =	vmul.f32 v29, v23;
	v34 =	vld [tilespmem:s24+$0xC8F0]  }
0x37c: {  	v37 =	vmul.f32 v37, v6;
	v6 =	vmul.f32 v38, v6;
	v38 =	vld [tilespmem:s24+$0x100E0]  }
0x37d: {  	v27 =	vmul.f32 v27, v11;
	v30 =	vadd.f32 v30, v31;
	v31 =	vld [tilespmem:s24+$0xD0E0]  }
0x37e: {  	v42 =	vadd.f32 $0.0e+00, v42;
	v45 =	vmul.f32 v57, v45;
	v29 =	vadd.f32 v29, v32;
	v32 =	vld [tilespmem:s24+$0xD0F0]  }
0x37f: {  	v54 =	vmul.f32 v54, v20;
	v25 =	vmul.f32 v25, v13;
	v27 =	vadd.f32 v27, v30;
	v30 =	vld [tilespmem:s24+$0xD8C0]  }
0x380: {  	v20 =	vmul.f32 v55, v20;
	v21 =	vmul.f32 v21, v16;
	v42 =	vadd.f32 v45, v42;
	v45 =	vld [tilespmem:s24+$0xE8F0]  }
0x381: {  	v47 =	vmul.f32 v63, v47;
	v25 =	vadd.f32 v25, v29;
	v29 =	vmul.f32 v43, v17;
	v43 =	vld [tilespmem:s24+$0xE0C0]  }
0x382: {  	v46 =	vmul.f32 v62, v46;
	s22 =	simm.s32 $0x303;
	v20 =	vadd.f32 $0.0e+00, v20;
	v21 =	vadd.f32 v21, v27;
	v27 =	vld [tilespmem:s24+$0xD8E0]  }
0x383: {  	v63 =	vmov s22;
	v33 =	vmul.f32 v33, v5;
	v62 =	vadd.f32 v47, v42;
	v42 =	vld [tilespmem:s24+$0xF8E0]  }
0x384: {  	s26 =	simm.s32 $0x2C3;
	v5 =	vmul.f32 v34, v5;
	v34 =	vld [tilespmem:s24+$0x108C0];
	v25 =	vadd.f32 v29, v25;
	v29 =	vmul.f32 v48, v41  }
0x385: {  	v36 =	vmul.f32 v36, v50;
	v50 =	vmov s26;
	v41 =	vld [tilespmem:s24+$0xD8F0];
	v48 =	vmul.f32 v52, v22  }
0x386: {  	v22 =	vmul.f32 v53, v22;
	v52 =	vld [tilespmem:s24+$0xE8C0];
	v31 =	vmul.f32 v31, v3;
	v29 =	vadd.f32 $0.0e+00, v29  }
0x387: {  	v53 =	vld [tilespmem:s24+$0xF0C0];
	v3 =	vmul.f32 v32, v3;
	v21 =	vadd.f32 v25, v21;
	v48 =	vadd.f32 $0.0e+00, v48  }
0x388: {  	v32 =	vld [tilespmem:s24+$0x108E0];
	v22 =	vadd.f32 $0.0e+00, v22;
	v29 =	vadd.f32 v44, v29;
	v44 =	vmul.f32 v58, v15  }
0x389: {  	v25 =	vld [tilespmem:s24+$0xE0E0];
	v15 =	vmul.f32 v59, v15;
	v58 =	vadd.f32 $0.0e+00, v54;
	v59 =	vmul.f32 v60, v9  }
0x38a: {  	s13 =	simm.s32 $0x3C3;
	v28 =	vmul.f32 v30, v28;
	v9 =	vmul.f32 v61, v9;
	v60 =	vld [tilespmem:s24+$0xF0F0];
	v44 =	vadd.f32 v44, v48  }
0x38b: {  	v30 =	vmov s13;
	v61 =	vld [tilespmem:s24+$0xF8C0];
	v15 =	vadd.f32 v15, v22;
	v48 =	vadd.f32 v59, v58  }
0x38c: {  	v26 =	vmul.f32 v43, v26;
	v22 =	vld [tilespmem:s24+$0xF0E0];
	v9 =	vadd.f32 v9, v20;
	v20 =	vadd.f32 v46, v29  }
0x38d: {  	s13 =	simm.s32 $0x243;
	v29 =	vld [tilespmem:s24+$0x100C0];
	v39 =	vadd.f32 v39, v44;
	v8 =	vadd.f32 v8, v15;
	v15 =	vmul.f32 v35, v49  }
0x38e: {  	s30 =	simm.s32 $0x383;
	v57 =	vmov s13;
	v35 =	vld [tilespmem:s24+$0xF8F0];
	v37 =	vadd.f32 v37, v48;
	v6 =	vadd.f32 v6, v9  }
0x38f: {  	s25 =	simm.s32 $0x283;
	v49 =	vld [tilespmem:s24+$0x110F0];
	v9 =	vadd.f32 v15, v20;
	v5 =	vadd.f32 v5, v8;
	v8 =	vmov s30  }
0x390: {  	s23 =	simm.s32 $0x343;
	v48 =	vmov s25;
	v15 =	vld [tilespmem:s24+$0x100F0];
	v20 =	vadd.f32 v36, v62;
	v33 =	vadd.f32 v33, v39  }
0x391: {  	s25 =	simm.s32 $0x103;
	v36 =	vld [tilespmem:s24+$0x110C0];
	v6 =	vadd.f32 v3, v6;
	v3 =	vmul.f32 v27, v2;
	v27 =	vmov s23  }
0x392: {  	v24 =	vmul.f32 v52, v24;
	v59 =	vmov s25;
	v39 =	vld [tilespmem:s24+$0x108F0];
	v9 =	vadd.f32 v28, v9  }
0x393: {  	s23 =	simm.s32 $0x1C3;
	v28 =	vmul.f32 v41, v2;
	v20 =	vadd.f32 v26, v20;
	v26 =	vadd.f32 v3, v33;
	v3 =	vld.idx.msk [tilespmem:v30+s1+$0x0], $0xffff  }
0x394: {  	v60 =	vmul.f32 v60, v10;
	v58 =	vmov s23;
	v30 =	vmul.f32 v51, v4;
	v2 =	vld.idx.msk [tilespmem:v8+s1+$0x0], $0xffff  }
0x395: {  	v31 =	vadd.f32 v31, v37;
	s30 =	simm.s32 $0x203;
	v8 =	vmul.f32 v25, v4;
	v25 =	vadd.f32 v28, v5;
	v5 =	vld.idx.msk [tilespmem:v63+s1+$0x0], $0xffff  }
0x396: {  	s22 =	simm.s32 $0x183;
	v24 =	vadd.f32 v24, v9;
	v28 =	vmov s30;
	v4 =	vld.idx.msk [tilespmem:v27+s1+$0x0], $0xffff;
	v27 =	vadd.f32 v30, v6  }
0x397: {  	s25 =	simm.s32 $0x43;
	v6 =	vld.idx.msk [tilespmem:v48+s1+$0x0], $0xffff;
	v31 =	vadd.f32 v8, v31;
	v8 =	vmul.f32 v53, v23;
	v23 =	vmov s22  }
0x398: {  	v9 =	vmul.f32 v45, v7;
	v30 =	vmul.f32 v56, v7;
	v7 =	vld.idx.msk [tilespmem:v50+s1+$0x0], $0xffff;
	v63 =	vmov s25  }
0x399: {  	s26 =	simm.s32 $0x143;
	v61 =	vmul.f32 v61, v11;
	v22 =	vmul.f32 v22, v10;
	v10 =	vld.idx.msk [tilespmem:v58+s1+$0x0], $0xffff  }
0x39a: {  	v26 =	vadd.f32 v30, v26;
	v30 =	vmov s26;
	v25 =	vadd.f32 v9, v25;
	v9 =	vld.idx.msk [tilespmem:v57+s1+$0x0], $0xffff  }
0x39b: {  	v16 =	vmul.f32 v34, v16;
	s30 =	simm.s32 $0x83;
	v24 =	vadd.f32 v61, v24;
	s22 =	simm.s32 $0xC3;
	v20 =	vadd.f32 v8, v20;
	v8 =	vld.idx.msk [tilespmem:v28+s1+$0x0], $0xffff  }
0x39c: {  	s23 =	simm.s32 $0x3;
	v62 =	vmov s22;
	v28 =	vmov s30;
	v11 =	vld.idx.msk [tilespmem:v23+s1+$0x0], $0xffff;
	v23 =	vmul.f32 v29, v13  }
0x39d: {  	v24 =	vadd.f32 v16, v24;
	v22 =	vadd.f32 v22, v31;
	v16 =	vld.idx.msk [tilespmem:v63+s1+$0x0], $0xffff;
	v29 =	vmov s23  }
0x39e: {  	v31 =	vmul.f32 v42, v12;
	v13 =	vld.idx.msk [tilespmem:v59+s1+$0x0], $0xffff;
	v20 =	vadd.f32 v23, v20;
	v23 =	vmul.f32 v35, v12  }
0x39f: {  	v27 =	vadd.f32 v60, v27;
	s23 =	simm.s32 $0x40;
	v12 =	vld.idx.msk [tilespmem:v30+s1+$0x0], $0xffff;
	v30 =	vmul.f32 v38, v14  }
0x3a0: {  	[tilespmem:s24+$0x120D0] =	vst v21;
	v26 =	vadd.f32 v31, v26;
	v21 =	vld [tilespmem:s23+$0xF0D0];
	v23 =	vadd.f32 v23, v25;
	v25 =	vmul.f32 v36, v17  }
0x3a1: {  	v31 =	vmul.f32 v15, v14;
	v15 =	vld.idx.msk [tilespmem:v28+s1+$0x0], $0xffff;
	v28 =	vmul.f32 v32, v18;
	v22 =	vadd.f32 v30, v22  }
0x3a2: {  	v17 =	vld.idx.msk [tilespmem:v29+s1+$0x0], $0xffff;
	v29 =	vmul.f32 v39, v18;
	v20 =	vadd.f32 v25, v20;
	v25 =	vmul.f32 v40, v19  }
0x3a3: {  	v27 =	vadd.f32 v31, v27;
	v14 =	vld.idx.msk [tilespmem:v62+s1+$0x0], $0xffff;
	v26 =	vadd.f32 v28, v26;
	v19 =	vmul.f32 v49, v19  }
0x3a4: {  	v18 =	vld [tilespmem:s23+$0x108D0];
	v23 =	vadd.f32 v29, v23;
	v22 =	vadd.f32 v25, v22  }
0x3a5: {  	s26 =	simm.s32 $0x0;
	s22 =	simm.s32 $0x20;
	v24 =	vadd.f32 v20, v24;
	v20 =	vld [tilespmem:s23+$0xF8D0];
	v25 =	vadd.f32 v19, v27  }
0x3a6: {  	s12 =	sand.u32 $0x700, s26;
	s30 =	sand.u32 $0xE0, s22;
	v19 =	vld [tilespmem:s23+$0x100D0];
	v26 =	vadd.f32 v22, v26  }
0x3a7: {  	s12 =	sor.u32 s30, s12;
	v22 =	vld [tilespmem:s23+$0xE8D0];
	[tilespmem:s24+$0x120C0] =	vst v24;
	v23 =	vadd.f32 v25, v23  }
0x3a8: {  	s29 =	simm.s32 $0x42;
	s26 =	simm.s32 $0x382;
	s13 =	sadd.s32 $0x120C0, s12;
	v24 =	vld [tilespmem:s23+$0xD8D0];
	[tilespmem:s12+$0x120C0] =	vst v26  }
0x3a9: {  	s30 =	simm.s32 $0x342;
	v28 =	vmov s26;
	s24 =	simm.s32 $0x2;
	v25 =	vld [tilespmem:s23+$0xC8D0];
	[tilespmem:s13+$0x10] =	vst v23;
	s13 =	simm.s32 $0x302  }
0x3aa: {  	s28 =	simm.s32 $0x282;
	s25 =	simm.s32 $0x100;
	s26 =	simm.s32 $0x4;
	v29 =	vmov s24;
	v26 =	vmov s30;
	v23 =	vld [tilespmem:s23+$0xE0D0];
	v27 =	vmov s13  }
.LBB2_12:
0x3ab: {  	p0 =	slt.u32 s26, $0x3E;
	v29 =	vand.u32 $0xFFFFFFFE, v29;
	v30 =	vmov s29;
	s12 =	sadd.s32 $0x80, s24;
	v34 =	vld [tilespmem:s23+$0xD0D0];
	v31 =	vmov s28  }
0x3ac: {  	v29 =	vbroadcast v29, $0x0;
	v30 =	vand.u32 $0xFFFFFFFE, v30;
	v32 =	vmov s12;
	s12 =	sadd.s32 $0xC0, s24;
	v35 =	vld [tilespmem:s23+$0xB8D0]  }
0x3ad: {  	v30 =	vbroadcast v30, $0x0;
	v32 =	vand.u32 $0xFFFFFFFE, v32;
	v33 =	vmov s12;
	s12 =	sadd.s32 $0x100, s24;
	v36 =	vld [tilespmem:s23+$0xC0D0]  }
0x3ae: {  	v32 =	vbroadcast v32, $0x0;
	v37 =	vld [tilespmem:s23+$0xA8D0];
	v33 =	vand.u32 $0xFFFFFFFE, v33;
	v38 =	vmov s12;
	s12 =	sadd.s32 $0x140, s24  }
0x3af: {  	v33 =	vbroadcast v33, $0x0;
	v39 =	vld [tilespmem:s23+$0xB0D0];
	v38 =	vand.u32 $0xFFFFFFFE, v38;
	v40 =	vmov s12;
	s12 =	sadd.s32 $0x180, s24  }
0x3b0: {  	v41 =	vld [tilespmem:s23+$0x98D0];
	v38 =	vbroadcast v38, $0x0;
	v40 =	vand.u32 $0xFFFFFFFE, v40;
	v42 =	vmov s12;
	s12 =	sadd.s32 $0x1C0, s24  }
0x3b1: {  	v43 =	vld [tilespmem:s23+$0xA0D0];
	v40 =	vbroadcast v40, $0x0;
	v42 =	vand.u32 $0xFFFFFFFE, v42;
	v44 =	vmov s12;
	s12 =	sadd.s32 $0x200, s24  }
0x3b2: {  	v45 =	vld.idx.msk [tilespmem:v29+s1+$0x0], $0xffff;
	v29 =	vbroadcast v42, $0x0;
	v42 =	vand.u32 $0xFFFFFFFE, v44;
	v44 =	vmov s12;
	s12 =	sadd.s32 $0x240, s24  }
0x3b3: {  	v46 =	vld.idx.msk [tilespmem:v30+s1+$0x0], $0xffff;
	v30 =	vbroadcast v42, $0x0;
	v42 =	vand.u32 $0xFFFFFFFE, v44;
	v44 =	vmov s12;
	s12 =	sadd.s32 $0x2C0, s24  }
0x3b4: {  	v47 =	vld.idx.msk [tilespmem:v32+s1+$0x0], $0xffff;
	v42 =	vbroadcast v42, $0x0;
	v32 =	vand.u32 $0xFFFFFFFE, v44;
	v44 =	vmov s12  }
0x3b5: {  	v28 =	vand.u32 $0xFFFFFFFE, v28;
	v31 =	vand.u32 $0xFFFFFFFE, v31;
	v48 =	vld.idx.msk [tilespmem:v33+s1+$0x0], $0xffff;
	v49 =	vbroadcast v32, $0x0  }
0x3b6: {  	v27 =	vand.u32 $0xFFFFFFFE, v27;
	v33 =	vld.idx.msk [tilespmem:v38+s1+$0x0], $0xffff;
	v38 =	vbroadcast v31, $0x0;
	v31 =	vand.u32 $0xFFFFFFFE, v44  }
0x3b7: {  	v26 =	vand.u32 $0xFFFFFFFE, v26;
	v50 =	vbroadcast v28, $0x0;
	s12 =	sadd.s32 $0x3C0, s24;
	s24 =	smov.u32 s26;
	v40 =	vld.idx.msk [tilespmem:v40+s1+$0x0], $0xffff;
	v44 =	vbroadcast v31, $0x0  }
0x3b8: {  	v51 =	vbroadcast v27, $0x0;
	v52 =	vbroadcast v26, $0x0;
	v26 =	vmov s12;
	v31 =	vld.idx.msk [tilespmem:v29+s1+$0x0], $0xffff  }
0x3b9: {  	v26 =	vand.u32 $0xFFFFFFFE, v26;
	v27 =	vmul.f32 v41, v45;
	v28 =	vmul.f32 v43, v46;
	v32 =	vld.idx.msk [tilespmem:v30+s1+$0x0], $0xffff  }
0x3ba: {  	v41 =	vbroadcast v26, $0x0;
	v37 =	vmul.f32 v37, v47;
	v29 =	vld.idx.msk [tilespmem:v42+s1+$0x0], $0xffff  }
0x3bb: {  	v26 =	vadd.f32 $0.0e+00, v27;
	v28 =	vadd.f32 $0.0e+00, v28;
	v39 =	vmul.f32 v39, v48;
	v30 =	vld.idx.msk [tilespmem:v49+s1+$0x0], $0xffff  }
0x3bc: {  	v35 =	vmul.f32 v35, v33;
	v27 =	vld.idx.msk [tilespmem:v38+s1+$0x0], $0xffff  }
0x3bd: {  	v37 =	vadd.f32 v37, v26;
	v38 =	vadd.f32 v39, v28;
	v36 =	vmul.f32 v36, v40;
	v28 =	vld.idx.msk [tilespmem:v44+s1+$0x0], $0xffff  }
0x3be: {  	v39 =	vmul.f32 v25, v31;
	v26 =	vld.idx.msk [tilespmem:v51+s1+$0x0], $0xffff  }
0x3bf: {  	v35 =	vadd.f32 v35, v37;
	v36 =	vadd.f32 v36, v38;
	v34 =	vmul.f32 v34, v32;
	v25 =	vld.idx.msk [tilespmem:v52+s1+$0x0], $0xffff  }
0x3c0: {  	v37 =	vmul.f32 v24, v29;
	v24 =	vld.idx.msk [tilespmem:v50+s1+$0x0], $0xffff  }
0x3c1: {  	v35 =	vadd.f32 v39, v35;
	v34 =	vadd.f32 v34, v36;
	v36 =	vmul.f32 v23, v30;
	v23 =	vld.idx.msk [tilespmem:v41+s1+$0x0], $0xffff  }
0x3c2: {  	v22 =	vmul.f32 v22, v27;
	v38 =	vld [tilespmem:s23+$0x110D0]  }
0x3c3: {  	v35 =	vadd.f32 v37, v35;
	v34 =	vadd.f32 v36, v34;
	v21 =	vmul.f32 v21, v28;
	v39 =	vld [tilespmem:s23+$0x98C0]  }
0x3c4: {  	v20 =	vmul.f32 v20, v26;
	v36 =	vld [tilespmem:s23+$0xA0C0]  }
0x3c5: {  	v22 =	vadd.f32 v22, v35;
	v21 =	vadd.f32 v21, v34;
	v19 =	vmul.f32 v19, v25;
	v34 =	vld [tilespmem:s23+$0x98E0]  }
0x3c6: {  	v18 =	vmul.f32 v18, v24;
	v35 =	vld [tilespmem:s23+$0x98F0]  }
0x3c7: {  	v20 =	vadd.f32 v20, v22;
	v19 =	vadd.f32 v19, v21;
	v21 =	vmul.f32 v38, v23;
	v22 =	vld [tilespmem:s23+$0xA0E0]  }
0x3c8: {  	v37 =	vmul.f32 v39, v45;
	v38 =	vld [tilespmem:s23+$0xA0F0]  }
0x3c9: {  	v18 =	vadd.f32 v18, v20;
	v36 =	vmul.f32 v36, v46;
	v39 =	vld [tilespmem:s23+$0xA8C0];
	v19 =	vadd.f32 v21, v19  }
0x3ca: {  	v20 =	vadd.f32 $0.0e+00, v37;
	v21 =	vld [tilespmem:s23+$0xB0C0];
	v34 =	vmul.f32 v34, v17  }
0x3cb: {  	v36 =	vadd.f32 $0.0e+00, v36;
	v18 =	vadd.f32 v19, v18;
	v17 =	vmul.f32 v35, v17;
	v19 =	vld [tilespmem:s23+$0xA8E0]  }
0x3cc: {  	v34 =	vadd.f32 $0.0e+00, v34;
	v22 =	vmul.f32 v22, v16;
	v35 =	vld [tilespmem:s23+$0xA8F0]  }
0x3cd: {  	[tilespmem:s23+$0x120D0] =	vst v18;
	v17 =	vadd.f32 $0.0e+00, v17;
	v16 =	vmul.f32 v38, v16;
	v18 =	vld [tilespmem:s23+$0xB0E0]  }
0x3ce: {  	v37 =	vmul.f32 v39, v47;
	v22 =	vadd.f32 $0.0e+00, v22;
	v38 =	vld [tilespmem:s23+$0xB0F0]  }
0x3cf: {  	v21 =	vmul.f32 v21, v48;
	v39 =	vld [tilespmem:s23+$0xB8C0];
	v16 =	vadd.f32 $0.0e+00, v16  }
0x3d0: {  	v20 =	vadd.f32 v37, v20;
	v37 =	vld [tilespmem:s23+$0xC0C0];
	v19 =	vmul.f32 v19, v15  }
0x3d1: {  	v21 =	vadd.f32 v21, v36;
	v15 =	vmul.f32 v35, v15;
	v35 =	vld [tilespmem:s23+$0xB8E0]  }
0x3d2: {  	v19 =	vadd.f32 v19, v34;
	v18 =	vmul.f32 v18, v14;
	v34 =	vld [tilespmem:s23+$0xB8F0]  }
0x3d3: {  	v15 =	vadd.f32 v15, v17;
	v14 =	vmul.f32 v38, v14;
	v17 =	vld [tilespmem:s23+$0xC0E0]  }
0x3d4: {  	v33 =	vmul.f32 v39, v33;
	v18 =	vadd.f32 v18, v22;
	v22 =	vld [tilespmem:s23+$0xC0F0]  }
0x3d5: {  	v36 =	vmul.f32 v37, v40;
	v37 =	vld [tilespmem:s23+$0xC8C0];
	v14 =	vadd.f32 v14, v16  }
0x3d6: {  	v16 =	vadd.f32 v33, v20;
	v20 =	vld [tilespmem:s23+$0xD0C0];
	v33 =	vmul.f32 v35, v13  }
0x3d7: {  	v21 =	vadd.f32 v36, v21;
	v13 =	vmul.f32 v34, v13;
	v34 =	vld [tilespmem:s23+$0xC8E0]  }
0x3d8: {  	v19 =	vadd.f32 v33, v19;
	v17 =	vmul.f32 v17, v12;
	v33 =	vld [tilespmem:s23+$0xC8F0]  }
0x3d9: {  	v13 =	vadd.f32 v13, v15;
	v12 =	vmul.f32 v22, v12;
	v15 =	vld [tilespmem:s23+$0xD0E0]  }
0x3da: {  	v22 =	vmul.f32 v37, v31;
	v17 =	vadd.f32 v17, v18;
	v18 =	vld [tilespmem:s23+$0xD0F0]  }
0x3db: {  	v20 =	vmul.f32 v20, v32;
	v31 =	vld [tilespmem:s23+$0xD8C0];
	v12 =	vadd.f32 v12, v14  }
0x3dc: {  	v14 =	vadd.f32 v22, v16;
	v16 =	vld [tilespmem:s23+$0xE0C0];
	v22 =	vmul.f32 v34, v11  }
0x3dd: {  	v20 =	vadd.f32 v20, v21;
	v11 =	vmul.f32 v33, v11;
	v21 =	vld [tilespmem:s23+$0xD8E0]  }
0x3de: {  	v19 =	vadd.f32 v22, v19;
	v15 =	vmul.f32 v15, v10;
	v22 =	vld [tilespmem:s23+$0xD8F0]  }
0x3df: {  	v11 =	vadd.f32 v11, v13;
	v10 =	vmul.f32 v18, v10;
	v13 =	vld [tilespmem:s23+$0xE0E0]  }
0x3e0: {  	v18 =	vmul.f32 v31, v29;
	v15 =	vadd.f32 v15, v17;
	v17 =	vld [tilespmem:s23+$0xE0F0]  }
0x3e1: {  	v16 =	vmul.f32 v16, v30;
	v29 =	vld [tilespmem:s23+$0xE8C0];
	v10 =	vadd.f32 v10, v12  }
0x3e2: {  	v12 =	vadd.f32 v18, v14;
	v14 =	vld [tilespmem:s23+$0xF0C0];
	v18 =	vmul.f32 v21, v8  }
0x3e3: {  	v16 =	vadd.f32 v16, v20;
	v8 =	vmul.f32 v22, v8;
	v20 =	vld [tilespmem:s23+$0xE8E0]  }
0x3e4: {  	v18 =	vadd.f32 v18, v19;
	v13 =	vmul.f32 v13, v9;
	v19 =	vld [tilespmem:s23+$0xE8F0]  }
0x3e5: {  	v8 =	vadd.f32 v8, v11;
	v9 =	vmul.f32 v17, v9;
	v11 =	vld [tilespmem:s23+$0xF0E0]  }
0x3e6: {  	v17 =	vmul.f32 v29, v27;
	v13 =	vadd.f32 v13, v15;
	v15 =	vld [tilespmem:s23+$0xF0F0]  }
0x3e7: {  	v14 =	vmul.f32 v14, v28;
	v21 =	vld [tilespmem:s23+$0xF8C0];
	v9 =	vadd.f32 v9, v10  }
0x3e8: {  	v10 =	vadd.f32 v17, v12;
	v12 =	vld [tilespmem:s23+$0x100C0];
	v17 =	vmul.f32 v20, v6  }
0x3e9: {  	v14 =	vadd.f32 v14, v16;
	v6 =	vmul.f32 v19, v6;
	v16 =	vld [tilespmem:s23+$0xF8E0]  }
0x3ea: {  	v17 =	vadd.f32 v17, v18;
	v11 =	vmul.f32 v11, v7;
	v18 =	vld [tilespmem:s23+$0xF8F0]  }
0x3eb: {  	v6 =	vadd.f32 v6, v8;
	v7 =	vmul.f32 v15, v7;
	v8 =	vld [tilespmem:s23+$0x100E0]  }
0x3ec: {  	s12 =	sadd.s32 $0x381, s26;
	v15 =	vmul.f32 v21, v26;
	v11 =	vadd.f32 v11, v13;
	v13 =	vld [tilespmem:s23+$0x100F0]  }
0x3ed: {  	v19 =	vmov s12;
	s12 =	sadd.s32 $0x3C1, s26;
	v12 =	vmul.f32 v12, v25;
	v20 =	vld [tilespmem:s23+$0x108C0];
	v7 =	vadd.f32 v7, v9  }
0x3ee: {  	s13 =	sadd.s32 $0x301, s26;
	v9 =	vmov s12;
	v10 =	vadd.f32 v15, v10;
	v15 =	vld [tilespmem:s23+$0x110C0];
	v16 =	vmul.f32 v16, v5  }
0x3ef: {  	v21 =	vmov s13;
	s12 =	sadd.s32 $0x341, s26;
	v12 =	vadd.f32 v12, v14;
	v5 =	vmul.f32 v18, v5;
	v14 =	vld [tilespmem:s23+$0x108E0]  }
0x3f0: {  	s13 =	sadd.s32 $0x281, s26;
	v18 =	vmov s12;
	v16 =	vadd.f32 v16, v17;
	v8 =	vmul.f32 v8, v4;
	v17 =	vld [tilespmem:s23+$0x108F0]  }
0x3f1: {  	v22 =	vmov s13;
	s12 =	sadd.s32 $0x2C1, s26;
	v25 =	vadd.f32 v5, v6;
	v4 =	vmul.f32 v13, v4;
	v6 =	vld [tilespmem:s23+$0x110E0]  }
0x3f2: {  	s13 =	sadd.s32 $0x201, s26;
	v13 =	vmov s12;
	v5 =	vmul.f32 v20, v24;
	v8 =	vadd.f32 v8, v11;
	v11 =	vld [tilespmem:s23+$0x110F0]  }
0x3f3: {  	s12 =	sadd.s32 $0x241, s26;
	v20 =	vmov s13;
	v19 =	vld.idx.msk [tilespmem:v19+s1+$0x0], $0xffff;
	v15 =	vmul.f32 v15, v23;
	v23 =	vadd.f32 v4, v7  }
0x3f4: {  	s13 =	sadd.s32 $0x181, s26;
	v24 =	vmov s12;
	v26 =	vld.idx.msk [tilespmem:v9+s1+$0x0], $0xffff;
	v7 =	vadd.f32 v5, v10;
	v9 =	vmul.f32 v14, v2  }
0x3f5: {  	s12 =	sadd.s32 $0x1C1, s26;
	v10 =	vmov s13;
	v5 =	vld.idx.msk [tilespmem:v21+s1+$0x0], $0xffff;
	v12 =	vadd.f32 v15, v12;
	v2 =	vmul.f32 v17, v2  }
0x3f6: {  	v14 =	vmov s12;
	v4 =	vld.idx.msk [tilespmem:v18+s1+$0x0], $0xffff;
	v15 =	vadd.f32 v9, v16;
	v9 =	vmul.f32 v6, v3  }
0x3f7: {  	s12 =	sadd.s32 $0x101, s26;
	v6 =	vld.idx.msk [tilespmem:v22+s1+$0x0], $0xffff;
	v12 =	vadd.f32 v12, v7;
	v16 =	vadd.f32 v2, v25;
	v11 =	vmul.f32 v11, v3  }
0x3f8: {  	s22 =	sadd.s32 $0x40, s22;
	v17 =	vmov s12;
	s12 =	sadd.s32 $0x141, s26;
	v7 =	vld.idx.msk [tilespmem:v13+s1+$0x0], $0xffff;
	v21 =	vadd.f32 v9, v8  }
0x3f9: {  	s13 =	sadd.s32 $0x81, s26;
	v18 =	vmov s12;
	s12 =	sadd.s32 $0xFFFFFFE0, s22;
	v8 =	vld.idx.msk [tilespmem:v20+s1+$0x0], $0xffff;
	[tilespmem:s23+$0x120C0] =	vst v12;
	v12 =	vadd.f32 v11, v23;
	v2 =	vmov v19  }
0x3fa: {  	s12 =	sand.u32 $0x700, s12;
	v19 =	vmov s13;
	s13 =	sadd.s32 $0xC1, s26;
	s23 =	sand.u32 $0xE0, s22;
	v3 =	vmov v26;
	v9 =	vld.idx.msk [tilespmem:v24+s1+$0x0], $0xffff;
	v13 =	vadd.f32 v21, v15  }
0x3fb: {  	s28 =	sadd.s32 $0x1, s26;
	v20 =	vmov s13;
	s12 =	sor.u32 s23, s12;
	v11 =	vld.idx.msk [tilespmem:v10+s1+$0x0], $0xffff;
	v12 =	vadd.f32 v12, v16  }
0x3fc: {  	s13 =	sadd.s32 $0x41, s26;
	v16 =	vmov s28;
	s23 =	sadd.s32 $0x120C0, s12;
	v10 =	vld.idx.msk [tilespmem:v14+s1+$0x0], $0xffff;
	[tilespmem:s12+$0x120C0] =	vst v13  }
0x3fd: {  	v21 =	vmov s13;
	v13 =	vld.idx.msk [tilespmem:v17+s1+$0x0], $0xffff;
	[tilespmem:s23+$0x10] =	vst v12  }
0x3fe: {  	v12 =	vld.idx.msk [tilespmem:v18+s1+$0x0], $0xffff  }
0x3ff: {  	v15 =	vld.idx.msk [tilespmem:v19+s1+$0x0], $0xffff  }
0x400: {  	v14 =	vld.idx.msk [tilespmem:v20+s1+$0x0], $0xffff  }
0x401: {  	s25 =	sadd.s32 $0x100, s25;
	v17 =	vld.idx.msk [tilespmem:v16+s1+$0x0], $0xffff  }
0x402: {  	s23 =	sshra.s32 s25, $0x2;
	v16 =	vld.idx.msk [tilespmem:v21+s1+$0x0], $0xffff  }
0x403: {  	v18 =	vld [tilespmem:s23+$0x108D0]  }
0x404: {  	v20 =	vld [tilespmem:s23+$0xF8D0]  }
0x405: {  	v19 =	vld [tilespmem:s23+$0x100D0]  }
.Ltmp5:
0x406: {  	v22 =	vld [tilespmem:s23+$0xE8D0];
	(pc) =	sbr.rel @p0 .LBB2_12-.Ltmp5, $4  }
0x407: {  	v21 =	vld [tilespmem:s23+$0xF0D0]  }
0x408: {  	v24 =	vld [tilespmem:s23+$0xD8D0]  }
0x409: {  	s30 =	sadd.s32 $0x380, s26;
	v29 =	vmov s26;
	s13 =	sadd.s32 $0x340, s26;
	s12 =	sadd.s32 $0x300, s26;
	v23 =	vld [tilespmem:s23+$0xE0D0]  }
0x40a: {  	s29 =	sadd.s32 $0x40, s24;
	v28 =	vmov s30;
	s28 =	sadd.s32 $0x280, s24;
	v26 =	vmov s13;
	s26 =	sadd.s32 $0x2, s26;
	v27 =	vmov s12;
	v25 =	vld [tilespmem:s23+$0xC8D0]  }
0x40b: {  	v31 =	vld [tilespmem:s23+$0xD0D0]  }
0x40c: {  	v33 =	vld [tilespmem:s23+$0xB8D0]  }
0x40d: {  	v29 =	vand.u32 $0xFFFFFFFE, v29;
	v35 =	vld [tilespmem:s23+$0xC0D0]  }
0x40e: {  	v30 =	vmov s29;
	v36 =	vld [tilespmem:s23+$0xA8D0];
	v46 =	vmov s28;
	v27 =	vand.u32 $0xFFFFFFFE, v27  }
0x40f: {  	s12 =	sadd.s32 $0x80, s24;
	s30 =	sadd.s32 $0xC0, s24;
	s13 =	sadd.s32 $0x100, s24;
	v38 =	vld [tilespmem:s23+$0xB0D0];
	v26 =	vand.u32 $0xFFFFFFFE, v26;
	v29 =	vbroadcast v29, $0x0;
	v30 =	vand.u32 $0xFFFFFFFE, v30  }
0x410: {  	s25 =	sadd.s32 $0x140, s24;
	s26 =	sadd.s32 $0x180, s24;
	v40 =	vld [tilespmem:s23+$0x98D0];
	s29 =	sadd.s32 $0x1C0, s24;
	v32 =	vmov s12;
	v34 =	vmov s30;
	v37 =	vmov s13  }
0x411: {  	v42 =	vld [tilespmem:s23+$0xA0D0];
	v39 =	vmov s25;
	v41 =	vmov s26;
	v43 =	vmov s29  }
0x412: {  	v59 =	vld [tilespmem:s23+$0x110D0];
	v46 =	vand.u32 $0xFFFFFFFE, v46;
	v27 =	vbroadcast v27, $0x0;
	v30 =	vbroadcast v30, $0x0  }
0x413: {  	v60 =	vld [tilespmem:s23+$0x98E0];
	s30 =	sadd.s32 $0x200, s24;
	v32 =	vand.u32 $0xFFFFFFFE, v32;
	v34 =	vand.u32 $0xFFFFFFFE, v34;
	v37 =	vand.u32 $0xFFFFFFFE, v37  }
0x414: {  	v61 =	vld [tilespmem:s23+$0x98F0];
	s26 =	sadd.s32 $0x3C0, s24;
	v49 =	vand.u32 $0xFFFFFFFE, v43;
	v50 =	vmov s30;
	v46 =	vbroadcast v46, $0x0  }
0x415: {  	v63 =	vld [tilespmem:s23+$0xA8E0];
	v51 =	vmov s26;
	v32 =	vbroadcast v32, $0x0;
	v34 =	vbroadcast v34, $0x0  }
0x416: {  	v43 =	vand.u32 $0xFFFFFFFE, v50;
	v50 =	vbroadcast v26, $0x0;
	v26 =	vand.u32 $0xFFFFFFFE, v51;
	v51 =	vld [tilespmem:s23+$0xC0F0]  }
0x417: {  	v39 =	vand.u32 $0xFFFFFFFE, v39;
	v37 =	vbroadcast v37, $0x0;
	v44 =	vld.idx.msk [tilespmem:v29+s1+$0x0], $0xffff  }
0x418: {  	v41 =	vand.u32 $0xFFFFFFFE, v41;
	v39 =	vbroadcast v39, $0x0;
	v54 =	vbroadcast v26, $0x0;
	v26 =	vld.idx.msk [tilespmem:v27+s1+$0x0], $0xffff  }
0x419: {  	v28 =	vand.u32 $0xFFFFFFFE, v28;
	v48 =	vbroadcast v41, $0x0;
	v30 =	vld.idx.msk [tilespmem:v30+s1+$0x0], $0xffff  }
0x41a: {  	s25 =	sadd.s32 $0x2C0, s24;
	v41 =	vbroadcast v49, $0x0;
	v49 =	vbroadcast v28, $0x0;
	v28 =	vld.idx.msk [tilespmem:v46+s1+$0x0], $0xffff  }
0x41b: {  	v47 =	vmov s25;
	v32 =	vld.idx.msk [tilespmem:v32+s1+$0x0], $0xffff  }
0x41c: {  	v47 =	vand.u32 $0xFFFFFFFE, v47;
	v34 =	vld.idx.msk [tilespmem:v34+s1+$0x0], $0xffff  }
0x41d: {  	s13 =	sadd.s32 $0x240, s24;
	v47 =	vbroadcast v47, $0x0;
	v37 =	vld.idx.msk [tilespmem:v37+s1+$0x0], $0xffff  }
0x41e: {  	v45 =	vmov s13;
	v39 =	vld.idx.msk [tilespmem:v39+s1+$0x0], $0xffff  }
0x41f: {  	v45 =	vand.u32 $0xFFFFFFFE, v45;
	v43 =	vbroadcast v43, $0x0;
	v48 =	vld.idx.msk [tilespmem:v48+s1+$0x0], $0xffff  }
0x420: {  	v45 =	vbroadcast v45, $0x0;
	v41 =	vld.idx.msk [tilespmem:v41+s1+$0x0], $0xffff  }
0x421: {  	v27 =	vld.idx.msk [tilespmem:v50+s1+$0x0], $0xffff  }
0x422: {  	v50 =	vld [tilespmem:s23+$0xC0E0]  }
0x423: {  	v29 =	vld.idx.msk [tilespmem:v47+s1+$0x0], $0xffff  }
0x424: {  	v47 =	vld [tilespmem:s23+$0xB8E0]  }
0x425: {  	v52 =	vmul.f32 v40, v44;
	v40 =	vld.idx.msk [tilespmem:v43+s1+$0x0], $0xffff  }
0x426: {  	v43 =	vld.idx.msk [tilespmem:v45+s1+$0x0], $0xffff  }
0x427: {  	v53 =	vmul.f32 v42, v30;
	v42 =	vld [tilespmem:s23+$0xB0E0]  }
0x428: {  	v57 =	vmul.f32 v25, v48;
	v25 =	vld.idx.msk [tilespmem:v49+s1+$0x0], $0xffff  }
0x429: {  	v49 =	vld [tilespmem:s23+$0xB8F0]  }
0x42a: {  	v36 =	vmul.f32 v36, v32;
	v55 =	vadd.f32 $0.0e+00, v52;
	v52 =	vld [tilespmem:s23+$0xC8C0]  }
0x42b: {  	v38 =	vmul.f32 v38, v34;
	v56 =	vadd.f32 $0.0e+00, v53;
	v53 =	vld [tilespmem:s23+$0xD0C0]  }
0x42c: {  	v33 =	vmul.f32 v33, v37;
	v36 =	vadd.f32 v36, v55;
	v58 =	vmul.f32 v24, v40;
	v24 =	vld.idx.msk [tilespmem:v54+s1+$0x0], $0xffff  }
0x42d: {  	v54 =	vld [tilespmem:s23+$0xC8E0]  }
0x42e: {  	v35 =	vmul.f32 v35, v39;
	v38 =	vadd.f32 v38, v56;
	v33 =	vadd.f32 v33, v36;
	v36 =	vld [tilespmem:s23+$0xD0E0]  }
0x42f: {  	v61 =	vmul.f32 v61, v17;
	v56 =	vmul.f32 v42, v14;
	v42 =	vld [tilespmem:s23+$0xE8E0]  }
0x430: {  	v35 =	vadd.f32 v35, v38;
	v38 =	vld [tilespmem:s23+$0x98C0]  }
0x431: {  	v60 =	vmul.f32 v60, v17;
	v17 =	vadd.f32 $0.0e+00, v61;
	v61 =	vmul.f32 v49, v13;
	v49 =	vld [tilespmem:s23+$0xF0E0]  }
0x432: {  	v31 =	vmul.f32 v31, v41;
	v45 =	vmul.f32 v52, v48;
	v52 =	vld [tilespmem:s23+$0xF0F0]  }
0x433: {  	v33 =	vadd.f32 v57, v33;
	v57 =	vld [tilespmem:s23+$0xB0F0]  }
0x434: {  	v31 =	vadd.f32 v31, v35;
	v35 =	vld [tilespmem:s23+$0xA8C0]  }
0x435: {  	v23 =	vmul.f32 v23, v43;
	v33 =	vadd.f32 v58, v33;
	v58 =	vld [tilespmem:s23+$0xB8C0]  }
0x436: {  	v22 =	vmul.f32 v22, v28;
	v62 =	vmul.f32 v59, v24;
	v59 =	vld [tilespmem:s23+$0xC0C0]  }
0x437: {  	v20 =	vmul.f32 v20, v26;
	v21 =	vmul.f32 v21, v29;
	v23 =	vadd.f32 v23, v31;
	v31 =	vld [tilespmem:s23+$0xA0C0]  }
0x438: {  	v19 =	vmul.f32 v19, v27;
	v18 =	vmul.f32 v18, v25;
	v22 =	vadd.f32 v22, v33;
	v33 =	vld [tilespmem:s23+$0xA0E0]  }
0x439: {  	v46 =	vmul.f32 v53, v41;
	v38 =	vmul.f32 v38, v44;
	v44 =	vld [tilespmem:s23+$0xC8F0];
	v21 =	vadd.f32 v21, v23  }
0x43a: {  	v48 =	vmul.f32 v54, v11;
	v53 =	vmul.f32 v36, v10;
	v20 =	vadd.f32 v20, v22;
	v22 =	vld [tilespmem:s23+$0xA0F0]  }
0x43b: {  	v32 =	vmul.f32 v35, v32;
	v35 =	vld [tilespmem:s23+$0xD0F0];
	v19 =	vadd.f32 v19, v21;
	v21 =	vmul.f32 v63, v15  }
0x43c: {  	v18 =	vadd.f32 v18, v20;
	v20 =	vld [tilespmem:s23+$0xB0C0];
	v30 =	vmul.f32 v31, v30;
	v31 =	vadd.f32 $0.0e+00, v60  }
0x43d: {  	v57 =	vmul.f32 v57, v14;
	v60 =	vmul.f32 v47, v13;
	v47 =	vld [tilespmem:s23+$0xE8F0];
	v19 =	vadd.f32 v62, v19  }
0x43e: {  	v58 =	vmul.f32 v58, v37;
	v62 =	vadd.f32 $0.0e+00, v38;
	v21 =	vadd.f32 v21, v31;
	v31 =	vld [tilespmem:s23+$0xE8C0]  }
0x43f: {  	v59 =	vmul.f32 v59, v39;
	v18 =	vadd.f32 v19, v18;
	v19 =	vld [tilespmem:s23+$0xA8F0];
	v63 =	vmul.f32 v22, v16  }
0x440: {  	v33 =	vmul.f32 v33, v16;
	v30 =	vadd.f32 $0.0e+00, v30;
	v23 =	vadd.f32 v32, v62;
	v32 =	vld [tilespmem:s23+$0xE0C0]  }
0x441: {  	v22 =	vld [tilespmem:s23+$0xD8E0];
	v62 =	vmul.f32 v50, v12;
	v20 =	vmul.f32 v20, v34;
	v16 =	vadd.f32 $0.0e+00, v63  }
0x442: {  	v55 =	vadd.f32 $0.0e+00, v33;
	v54 =	vmul.f32 v35, v10;
	v34 =	vld [tilespmem:s23+$0xD8C0];
	v63 =	vmul.f32 v51, v12  }
0x443: {  	[tilespmem:s23+$0x120D0] =	vst v18;
	v18 =	vld [tilespmem:s23+$0xE0E0];
	v51 =	vmul.f32 v44, v11;
	v20 =	vadd.f32 v20, v30;
	v14 =	vadd.f32 v57, v16  }
0x444: {  	v41 =	vld [tilespmem:s23+$0x108C0];
	v16 =	vadd.f32 v60, v21;
	v36 =	vmul.f32 v31, v28;
	v38 =	vmul.f32 v19, v15  }
0x445: {  	v37 =	vld [tilespmem:s23+$0xE0F0];
	v19 =	vadd.f32 v56, v55;
	v32 =	vmul.f32 v32, v43;
	v20 =	vadd.f32 v59, v20  }
0x446: {  	v30 =	vld [tilespmem:s23+$0xD8F0];
	v43 =	vmul.f32 v47, v6;
	v12 =	vadd.f32 v63, v14;
	v14 =	vadd.f32 v48, v16  }
0x447: {  	v57 =	vld [tilespmem:s23+$0x100C0];
	v15 =	vadd.f32 v38, v17;
	v17 =	vadd.f32 v58, v23;
	v56 =	vmul.f32 v34, v40  }
0x448: {  	v44 =	vld [tilespmem:s23+$0x110C0];
	v19 =	vadd.f32 v62, v19;
	v58 =	vmul.f32 v22, v8;
	v63 =	vmul.f32 v18, v9  }
0x449: {  	v55 =	vld [tilespmem:s23+$0xF8C0];
	v40 =	vmul.f32 v42, v6;
	v50 =	vadd.f32 v46, v20;
	v10 =	vadd.f32 v54, v12  }
0x44a: {  	v59 =	vld [tilespmem:s23+$0xF8E0];
	v46 =	vmul.f32 v52, v7;
	v13 =	vadd.f32 v61, v15;
	v15 =	vadd.f32 v45, v17  }
0x44b: {  	v47 =	vld [tilespmem:s23+$0x108E0];
	v16 =	vadd.f32 v53, v19;
	v61 =	vmul.f32 v30, v8;
	v30 =	vmul.f32 v37, v9  }
0x44c: {  	v23 =	vld [tilespmem:s23+$0xF0C0];
	v12 =	vadd.f32 v58, v14;
	v45 =	vmul.f32 v49, v7;
	v49 =	vmul.f32 v57, v27  }
0x44d: {  	v38 =	vld [tilespmem:s23+$0x100F0];
	v58 =	vmul.f32 v41, v25;
	v60 =	vadd.f32 v32, v50;
	v11 =	vadd.f32 v51, v13  }
0x44e: {  	v62 =	vld [tilespmem:s23+$0xF8F0];
	v48 =	vmul.f32 v55, v26;
	v13 =	vadd.f32 v56, v15;
	v14 =	vadd.f32 v63, v16  }
0x44f: {  	v32 =	vld [tilespmem:s23+$0x100E0];
	v9 =	vadd.f32 v30, v10;
	v10 =	vadd.f32 v40, v12;
	v51 =	vmul.f32 v59, v5  }
0x450: {  	v52 =	vld [tilespmem:s23+$0x110E0];
	v15 =	vmul.f32 v44, v24;
	v59 =	vmul.f32 v47, v2;
	v8 =	vadd.f32 v61, v11  }
0x451: {  	v55 =	vld [tilespmem:s23+$0x110F0];
	v37 =	vmul.f32 v23, v29;
	v11 =	vadd.f32 v36, v13;
	v12 =	vadd.f32 v45, v14  }
0x452: {  	v50 =	vld [tilespmem:s23+$0x108F0];
	v57 =	vmul.f32 v38, v4;
	v7 =	vadd.f32 v46, v9;
	v9 =	vadd.f32 v51, v10  }
0x453: {  	v54 =	vmul.f32 v62, v5;
	v42 =	vadd.f32 v37, v60;
	v6 =	vadd.f32 v43, v8  }
0x454: {  	v8 =	vadd.f32 v48, v11;
	v56 =	vmul.f32 v32, v4;
	v4 =	vadd.f32 v57, v7  }
0x455: {  	v61 =	vmul.f32 v52, v3;
	v7 =	vadd.f32 v59, v9;
	v53 =	vadd.f32 v49, v42  }
0x456: {  	v3 =	vmul.f32 v55, v3;
	v5 =	vadd.f32 v54, v6;
	v10 =	vadd.f32 v56, v12  }
0x457: {  	v2 =	vmul.f32 v50, v2;
	v6 =	vadd.f32 v58, v8;
	v60 =	vadd.f32 v15, v53  }
0x458: {  	s28 =	sadd.s32 $0x40, s22;
	v3 =	vadd.f32 v3, v4;
	v62 =	vadd.f32 v61, v10  }
0x459: {  	s13 =	sadd.s32 $0xFFFFFFE0, s28;
	v2 =	vadd.f32 v2, v5;
	v6 =	vadd.f32 v60, v6  }
0x45a: {  	s19 =	sshll.u32 s19, $0xE;
	s12 =	sand.u32 $0xE0, s28;
	s13 =	sand.u32 $0x700, s13;
	v63 =	vadd.f32 v62, v7  }
0x45b: {  	s29 =	sadd.s32 s9, s19;
	s12 =	sor.u32 s12, s13;
	v2 =	vadd.f32 v3, v2;
	[tilespmem:s23+$0x120C0] =	vst v6  }
0x45c: {  	s13 =	sshrl.u32 s29, $0x3;
	s30 =	sadd.s32 $0x120C0, s12;
	[tilespmem:s12+$0x120C0] =	vst v63  }
0x45d: {  	s22 =	simm.s32 $0x120C0;
	s12 =	sadd.s32 s2, s13;
	[tilespmem:s30+$0x10] =	vst v2  }
0x45e: {  	[hbm4b:s12+s21] =	stream.strided.scatter [tilespmem:s22], [sflag:$0x4], $0x100, s31, s21, $0x38;
	[tilespmem:$0x128C0] =	vst v63  }
0x45f: {  	s24 =	simm.s32 $0x121C0;
	s23 =	sadd.s32 $0x100, s12  }
0x460: {  	[hbm4b:s23+s21] =	stream.strided.scatter [tilespmem:s24], [sflag:$0x4], $0x100, s31, s21, $0x38;
	[tilespmem:$0x128C0] =	vst v63  }
0x461: {  	s25 =	sadd.s32 $0x200, s12  }
0x462: {  	[hbm4b:s25+s21] =	stream.strided.scatter [tilespmem:s6], [sflag:$0x4], $0x100, s31, s21, $0x38;
	[tilespmem:$0x128C0] =	vst v63  }
0x463: {  	s26 =	sadd.s32 $0x300, s12  }
0x464: {  	[hbm4b:s26+s21] =	stream.strided.scatter [tilespmem:s7], [sflag:$0x4], $0x100, s31, s21, $0x38;
	[tilespmem:$0x128C0] =	vst v63  }
0x465: {  	s15 =	sadd.s32 $0x1, s15;
	s28 =	sadd.s32 $0x400, s12  }
0x466: {  	[hbm4b:s28+s21] =	stream.strided.scatter [tilespmem:s8], [sflag:$0x4], $0x100, s31, s21, $0x38;
	[tilespmem:$0x128C0] =	vst v63  }
0x467: {  	p0 =	sne.s32 s15, $0x8;
	s29 =	sadd.s32 $0x500, s12  }
0x468: {  	[hbm4b:s29+s21] =	stream.strided.scatter [tilespmem:s10], [sflag:$0x4], $0x100, s31, s21, $0x38;
	[tilespmem:$0x128C0] =	vst v63  }
.Ltmp6:
0x469: {  	_ = 	snop;
	(pc) =	sbr.rel @p0 .LBB2_4-.Ltmp6, $4  }
0x46a: {  	s16 =	sadd.s32 $0x80, s16;
	s17 =	sadd.s32 $0x80, s17;
	s30 =	sadd.s32 $0x600, s12  }
0x46b: {  	[hbm4b:s30+s21] =	stream.strided.scatter [tilespmem:s3], [sflag:$0x4], $0x100, s31, s21, $0x38;
	[tilespmem:$0x128C0] =	vst v63  }
0x46c: {  	s14 =	sadd.s32 $0x80, s14;
	s18 =	sadd.s32 $0x80, s18;
	s12 =	sadd.s32 $0x700, s12  }
0x46d: {  	[hbm4b:s12+s21] =	stream.strided.scatter [tilespmem:s11], [sflag:$0x4], $0x100, s31, s21, $0x38;
	[tilespmem:$0x128C0] =	vst v63  }
0x46e: {  	s12 =	simm.s32 $0x3  }
0x46f: {  	_ =	swait.ge [sflag:s12], $0x800  }
0x470: {  	[sflag:s12] =	ssyncset.done $0x0  }
0x471: {  	s13 =	simm.s32 $0x4;
	[sflag:s12] =	ssyncadd.s32 $0xFFFFF800  }
0x472: {  	_ =	swait.ge [sflag:s13], $0x800  }
0x473: {  	s14 =	rddreg [dreg:$0x7]  }
0x474: {  	s30 =	rddreg [dreg:$0x6];
	s14 =	sadd.s32 $0x1, s14  }
0x475: {  	p0 =	sne.s32 s14, s30  }
.Ltmp7:
0x476: {  	_ = 	snop;
	(pc) =	sbr.rel @p0 .LBB2_1-.Ltmp7, $3  }
0x477: {  	_ =	sdelay $0x1  }
0x478: {  	[sflag:s13] =	ssyncset.done $0x0  }
0x479: {  	[sflag:s13] =	ssyncadd.s32 $0xFFFFF800  }
0x47a: {  	_ =	sfence.sel $0x180000  }
0x47b: {  	[bflag:$0x0] =	sbarrier.arrive $0xFFFF  }
0x47c: {  	_ =	strace $0x90000047  }
0x47d: {  	s0 =	stileid.u32;
	[bflag:$0x2] =	sbarrier.arrive $0xFFFF  }
0x47e: {  	p0 =	sne.s32 s0, $0x0;
	s0 =	rddreg [dreg:$0x2]  }
0x47f: {  	s0 =	sadd.s32 @!p0 $0x100000, s0  }
0x480: {  	[sflag:s0] =	ssyncadd.tile.s32 @!p0 $0x1;
	_ =	shalt  }
.Lfunc_end2:
_tile_overlayer_lowered:
.L_overlay_start_2:
0x481: {  	(tag) =	ssettag $0x2  }
0x482: {  	s0 =	rddreg [dreg:$0x0];
	s2 =	stileid.u32  }
0x483: {  	s1 =	rddreg [dreg:$0x1];
	p0 =	sne.s32 s2, $0x0  }
0x484: {  	s3 =	rddreg [dreg:$0x2];
	[bflag:$0x3] =	sbarrier.arrive $0xFFFF;
	s2 =	simm.s32 @!p0 $0x1C05  }
0x485: {  	[timem:s3], [sflag:s2] =	dma.local @!p0 [hbm:s0], s1  }
0x486: {  	s0 =	simm.s32 @!p0 $0x5  }
0x487: {  	_ =	swait.ge @!p0 [sflag:s0], s1  }
0x488: {  	s1 =	ssub.s32 @!p0 $0x0, s1;
	[sflag:s0] =	ssyncset.done @!p0 $0x0  }
0x489: {  	[sflag:s0] =	ssyncadd.s32 @!p0 s1  }
0x48a: {  	[bflag:$0x3] =	sbarrier.arrive $0xFFFF  }
0x48b: {  	_ =	shalt  }

</sc_bundles>
